<compile_context>
chip_gen: v7x
topology: tpu7x:2x2x1
jax: 0.10.2.dev20260603
libtpu: 0.0.44.dev20260713+nightly
codegen_flags: <defaults>
</compile_context>

<pallas_src>
import functools

import jax
import jax.numpy as jnp
from jax import lax
from jax.experimental import pallas as pl
from jax.experimental.pallas import tpu as pltpu
from jax.experimental.pallas import tpu_sc as plsc

_N_ROW = 16384
_N_CLS = 4096
_N_FEAT = 4096
_NUM_POS = 4

_NW = 32
_CW = 128
_NQ = 8
_QC = _N_CLS // _NQ
_KG = 64
_NB = 3
_NPAD = _N_ROW + _KG


def _extract(vec16, lane):
    return jnp.squeeze(lax.slice(vec16, (lane,), (lane + 1,)))


def _segsum_body(feat, sidx, slab, bnds, sums, counts,
                 bnds_v, sidx_v, slab_v, bigbuf, acc_v, sems):
    c = lax.axis_index("c")
    s = lax.axis_index("s")
    w = s * 2 + c
    col0 = w * _CW
    io = lax.iota(jnp.int32, 16)
    zeros16 = jnp.zeros((16,), jnp.float32)
    ones16 = jnp.ones((16,), jnp.float32)
    pltpu.sync_copy(bnds, bnds_v)
    pltpu.sync_copy(sidx, sidx_v)
    pltpu.sync_copy(slab, slab_v)

    def _issue(kk, a0, b):
        src = feat.at[sidx_v.at[pl.ds(a0 + kk * _KG, _KG)],
                      pl.ds(col0, _CW)]
        pltpu.async_copy(src, bigbuf.at[pl.ds(b * _KG, _KG), :],
                         sems.at[b])

    def _drain(b):
        src = feat.at[sidx_v.at[pl.ds(0, _KG)], pl.ds(col0, _CW)]
        pltpu.make_async_copy(
            src, bigbuf.at[pl.ds(b * _KG, _KG), :], sems.at[b]).wait()

    def _q_chunk(q, carry):
        b0 = _extract(bnds_v[pl.ds(q, 16)], 0)
        b1 = _extract(bnds_v[pl.ds(q + 1, 16)], 0)
        a0 = (b0 // _KG) * _KG
        nk = (b1 - a0 + (_KG - 1)) // _KG
        qbase = q * _QC

        def _z(i, cc):
            for j in range(_CW // 16):
                acc_v[i, pl.ds(j * 16, 16)] = zeros16
            return cc
        lax.fori_loop(0, _QC, _z, 0)

        for b in range(_NB):
            @pl.when(b < nk)
            def _():
                _issue(b, a0, b)

        def _k_iter(k, cc):
            b = lax.rem(k, _NB)
            bofs = b * _KG
            pos = a0 + k * _KG
            _drain(b)

            def _l_blk(l, cc2):
                lpos = pos + l * 16
                sl16 = slab_v[pl.ds(lpos, 16)]
                cl16 = jnp.clip(sl16 - qbase, 0, _QC - 1)
                gpos = lpos + io
                mskv = (gpos >= b0) & (gpos < b1)
                mski = mskv.astype(jnp.int32)
                for r in range(16):
                    cl_r = _extract(cl16, r)
                    valid = _extract(mski, r)
                    mrow = jnp.full((16,), valid, jnp.int32) > 0
                    rowv = jnp.full((16,), cl_r, jnp.int32)
                    for j in range(_CW // 16):
                        vals = bigbuf[bofs + l * 16 + r, pl.ds(j * 16, 16)]
                        plsc.addupdate_scatter(
                            acc_v, [rowv, j * 16 + io], vals, mask=mrow)
                return cc2

            lax.fori_loop(0, _KG // 16, _l_blk, 0)

            @pl.when(k + _NB < nk)
            def _():
                _issue(k + _NB, a0, b)
            return cc

        lax.fori_loop(0, nk, _k_iter, 0)

        pltpu.sync_copy(
            acc_v, sums.at[pl.ds(qbase, _QC), pl.ds(col0, _CW)])

        @pl.when(w == q)
        def _():
            def _zq(i, cc):
                for j in range(_CW // 16):
                    acc_v[i, pl.ds(j * 16, 16)] = zeros16
                return cc
            lax.fori_loop(0, _QC, _zq, 0)

            def _kc(k, cc):
                def _lc(l, cc2):
                    lpos = a0 + k * _KG + l * 16
                    sl16 = slab_v[pl.ds(lpos, 16)]
                    cl16 = jnp.clip(sl16 - qbase, 0, _QC - 1)
                    gpos = lpos + io
                    mskv = (gpos >= b0) & (gpos < b1)
                    plsc.addupdate_scatter(
                        acc_v, [cl16, io], ones16, mask=mskv)
                    return cc2

                lax.fori_loop(0, _KG // 16, _lc, 0)
                return cc

            lax.fori_loop(0, nk, _kc, 0)
            pltpu.sync_copy(acc_v, counts.at[pl.ds(qbase, _QC)])
        return carry

    lax.fori_loop(0, _NQ, _q_chunk, 0)


@functools.lru_cache(maxsize=1)
def _make_segsum():
    return pl.kernel(
        _segsum_body,
        mesh=plsc.VectorSubcoreMesh(core_axis_name="c", subcore_axis_name="s"),
        compiler_params=pltpu.CompilerParams(needs_layout_passes=False),
        out_type=[
            jax.ShapeDtypeStruct((_N_CLS, _N_FEAT), jnp.float32),
            jax.ShapeDtypeStruct((_N_CLS, _CW), jnp.float32),
        ],
        scratch_types=[
            pltpu.VMEM((32,), jnp.int32),
            pltpu.VMEM((_NPAD,), jnp.int32),
            pltpu.VMEM((_NPAD,), jnp.int32),
            pltpu.VMEM((_NB * _KG, _CW), jnp.float32),
            pltpu.VMEM((_QC, _CW), jnp.float32),
            pltpu.SemaphoreType.DMA((_NB,)),
        ],
    )


_B = 512


def _loss_body(sums_ref, counts_ref, out_ref):
    pid = pl.program_id(0)
    cnt = jnp.sum(counts_ref[...], axis=1, keepdims=True)
    inv = 1.0 / jnp.maximum(cnt, 1.0)
    mean = sums_ref[...] * inv
    mx = jnp.max(mean, axis=1, keepdims=True)
    lse = jnp.log(jnp.sum(jnp.exp(mean - mx), axis=1, keepdims=True)) + mx
    rows = lax.broadcasted_iota(jnp.int32, mean.shape, 0) + pid * _B
    cols = lax.broadcasted_iota(jnp.int32, mean.shape, 1)
    diag = jnp.sum(jnp.where(rows == cols, mean, 0.0), axis=1, keepdims=True)
    contrib = jnp.sum(cnt * (lse - diag))
    scale = 1.0 / (_N_ROW * (_N_ROW / _NUM_POS))

    @pl.when(pid == 0)
    def _():
        out_ref[0, 0] = 0.0

    out_ref[0, 0] += contrib * scale


def _loss(sums, counts):
    return pl.pallas_call(
        _loss_body,
        grid=(_N_CLS // _B,),
        in_specs=[
            pl.BlockSpec((_B, _N_FEAT), lambda i: (i, 0)),
            pl.BlockSpec((_B, _CW), lambda i: (i, 0)),
        ],
        out_specs=pl.BlockSpec((1, 1), lambda i: (0, 0),
                               memory_space=pltpu.SMEM),
        out_shape=jax.ShapeDtypeStruct((1, 1), jnp.float32),
    )(sums, counts)


@jax.jit
def kernel(feat, label):
    label = label.astype(jnp.int32)
    slab, sidx = lax.sort_key_val(label, lax.iota(jnp.int32, _N_ROW))
    slab_p = jnp.pad(slab, (0, _KG), constant_values=_N_CLS - 1)
    sidx_p = jnp.pad(sidx, (0, _KG), constant_values=0)
    bnds = jnp.searchsorted(
        slab, jnp.arange(_NQ + 1, dtype=jnp.int32) * _QC, side="left"
    ).astype(jnp.int32)
    bnds = jnp.pad(bnds, (0, 32 - (_NQ + 1)))
    sums, counts = _make_segsum()(feat, sidx_p, slab_p, bnds)
    out = _loss(sums, counts)
    return out[0, 0]

# --- scband reference (transcript-rebuilt; emitter-appended) ---
"""Pipeline reference for scband-center-id-loss-77309412134 (READ-ONLY COPY).

The authoritative reference and input builder live on the scoring server;
editing this copy changes nothing except your own understanding.
"""

import jax, jax.numpy as jnp
import numpy as np

NUM_POS = 4
NUM_CLASSES = 4096


def setup_inputs(seed: int = 0) -> dict:
    key = jax.random.key(seed)
    k1, k2 = jax.random.split(key)
    feat = jax.random.normal(k1, (16384, 4096), dtype=jnp.float32)
    label = jax.random.randint(k2, (16384,), 0, NUM_CLASSES, dtype=jnp.int64)
    return {"feat": feat, "label": label}


def reference(feat, label):
    n = feat.shape[0]
    m = n / NUM_POS
    # center[i] = mean of feat rows whose label == label[i]
    # vectorized: per-class sum / count, then gather by label
    sums = jax.ops.segment_sum(feat, label, num_segments=NUM_CLASSES)
    counts = jax.ops.segment_sum(jnp.ones((n,), dtype=feat.dtype), label, num_segments=NUM_CLASSES)
    class_mean = sums / jnp.maximum(counts, 1.0)[:, None]
    center = jnp.take(class_mean, label, axis=0)
    # CrossEntropyLoss(center, label) with mean reduction
    logp = jax.nn.log_softmax(center, axis=-1)
    nll = -jnp.take_along_axis(logp, label[:, None], axis=1)[:, 0]
    loss = jnp.mean(nll) / m
    return loss

if __name__ == "__main__":
    import jax
    _d = setup_inputs()
    print(jax.jit(kernel)(*tuple(_d.values())))

</pallas_src>

<mosaic_0001>
#map = affine_map<(d0, d1) -> (0, 0)>
#map1 = affine_map<(d0, d1) -> (0)>
module attributes {stable_mosaic.version = 14 : i64} {
  func.func @_segsum_body(%arg0: i32, %arg1: i32, %arg2: memref<16384x4096xf32, #tpu.memory_space<hbm>>, %arg3: memref<16448xi32, #tpu.memory_space<hbm>>, %arg4: memref<16448xi32, #tpu.memory_space<hbm>>, %arg5: memref<32xi32, #tpu.memory_space<hbm>>, %arg6: memref<4096x4096xf32, #tpu.memory_space<hbm>>, %arg7: memref<4096x128xf32, #tpu.memory_space<hbm>>, %arg8: memref<32xi32, #tpu.memory_space<vmem>>, %arg9: memref<16448xi32, #tpu.memory_space<vmem>>, %arg10: memref<16448xi32, #tpu.memory_space<vmem>>, %arg11: memref<192x128xf32, #tpu.memory_space<vmem>>, %arg12: memref<512x128xf32, #tpu.memory_space<vmem>>, %arg13: memref<3x!tpu.dma_semaphore, #tpu.memory_space<semaphore_mem>>) attributes {dimension_semantics = [#tpu.dimension_semantics<core_parallel>, #tpu.dimension_semantics<subcore_parallel>], iteration_bounds = array<i64: 2, 16>, scalar_prefetch = 0 : i64, scratch_operands = 6 : i64, tpu.core_type = #tpu.core_type<sc_vector_subcore>, window_params = [{transform_indices = #map}, {transform_indices = #map1}, {transform_indices = #map1}, {transform_indices = #map1}, {transform_indices = #map}, {transform_indices = #map}]} {
    %mul3A = arith.constant 2 : i32
    %mul3A_0 = arith.muli %arg1, %mul3A : i32
    %add3A = arith.addi %mul3A_0, %arg0 : i32
    %mul3A_1 = arith.constant 128 : i32
    %mul3A_2 = arith.muli %add3A, %mul3A_1 : i32
    %iota3A = tpu.iota {dimensions = array<i32: 0>} : vector<16xi32>
    %broadcast_in_dim3A = arith.constant 0.000000e+00 : f32
    %broadcast_in_dim3A_3 = vector.broadcast %broadcast_in_dim3A : f32 to vector<16xf32>
    %broadcast_in_dim3A_4 = arith.constant 1.000000e+00 : f32
    %broadcast_in_dim3A_5 = vector.broadcast %broadcast_in_dim3A_4 : f32 to vector<16xf32>
    "tpu.region"() ({
      %run_scoped3A = tpu.sem_alloc : memref<!tpu.dma_semaphore, #tpu.memory_space<semaphore_mem>>
      tpu.enqueue_dma source(%arg5 : memref<32xi32, #tpu.memory_space<hbm>>) target(%arg8 : memref<32xi32, #tpu.memory_space<vmem>>) target_semaphore(%run_scoped3A : memref<!tpu.dma_semaphore, #tpu.memory_space<semaphore_mem>>)
      tpu.wait_dma2 semaphore(%run_scoped3A : memref<!tpu.dma_semaphore, #tpu.memory_space<semaphore_mem>>) src(%arg5 : memref<32xi32, #tpu.memory_space<hbm>>) dst(%arg8 : memref<32xi32, #tpu.memory_space<vmem>>)
      tpu.yield
    }) : () -> ()
    "tpu.region"() ({
      %run_scoped3A = tpu.sem_alloc : memref<!tpu.dma_semaphore, #tpu.memory_space<semaphore_mem>>
      tpu.enqueue_dma source(%arg3 : memref<16448xi32, #tpu.memory_space<hbm>>) target(%arg9 : memref<16448xi32, #tpu.memory_space<vmem>>) target_semaphore(%run_scoped3A : memref<!tpu.dma_semaphore, #tpu.memory_space<semaphore_mem>>)
      tpu.wait_dma2 semaphore(%run_scoped3A : memref<!tpu.dma_semaphore, #tpu.memory_space<semaphore_mem>>) src(%arg3 : memref<16448xi32, #tpu.memory_space<hbm>>) dst(%arg9 : memref<16448xi32, #tpu.memory_space<vmem>>)
      tpu.yield
    }) : () -> ()
    "tpu.region"() ({
      %run_scoped3A = tpu.sem_alloc : memref<!tpu.dma_semaphore, #tpu.memory_space<semaphore_mem>>
      tpu.enqueue_dma source(%arg4 : memref<16448xi32, #tpu.memory_space<hbm>>) target(%arg10 : memref<16448xi32, #tpu.memory_space<vmem>>) target_semaphore(%run_scoped3A : memref<!tpu.dma_semaphore, #tpu.memory_space<semaphore_mem>>)
      tpu.wait_dma2 semaphore(%run_scoped3A : memref<!tpu.dma_semaphore, #tpu.memory_space<semaphore_mem>>) src(%arg4 : memref<16448xi32, #tpu.memory_space<hbm>>) dst(%arg10 : memref<16448xi32, #tpu.memory_space<vmem>>)
      tpu.yield
    }) : () -> ()
    %scan3A = arith.constant 0 : i32
    %scan3A_6 = arith.constant 0 : i32
    %scan3A_7 = arith.constant 8 : i32
    %scan3A_8 = arith.addi %scan3A_6, %scan3A_7 : i32
    %scan3A_9 = arith.constant 1 : i32
    scf.for %scan3A_11 = %scan3A_6 to %scan3A_8 step %scan3A_9  : i32 {
      %get3A = arith.index_cast %scan3A_11 : i32 to index
      %get3A_12 = tpu.vector_load %arg8[%get3A] {strides = array<i32>} : memref<32xi32, #tpu.memory_space<vmem>>, vector<16xi32>,
      %slice3A = vector.extract_strided_slice %get3A_12 {offsets = [0], sizes = [1], strides = [1]} : vector<16xi32> to vector<1xi32>
      %squeeze3A = vector.extract %slice3A[0] : i32 from vector<1xi32>
      %add3A_13 = arith.constant 1 : i32
      %add3A_14 = arith.addi %scan3A_11, %add3A_13 : i32
      %get3A_15 = arith.index_cast %add3A_14 : i32 to index
      %get3A_16 = tpu.vector_load %arg8[%get3A_15] {strides = array<i32>} : memref<32xi32, #tpu.memory_space<vmem>>, vector<16xi32>,
      %slice3A_17 = vector.extract_strided_slice %get3A_16 {offsets = [0], sizes = [1], strides = [1]} : vector<16xi32> to vector<1xi32>
      %squeeze3A_18 = vector.extract %slice3A_17[0] : i32 from vector<1xi32>
      %jit3A = arith.constant 64 : i32
      %div3A = arith.divsi %squeeze3A, %jit3A : i32
      %sign3A = arith.constant 0 : i32
      %sign3A_19 = arith.cmpi sgt, %squeeze3A, %sign3A : i32
      %sign3A_20 = arith.extui %sign3A_19 : i1 to i32
      %sign3A_21 = arith.constant 0 : i32
      %sign3A_22 = arith.cmpi slt, %squeeze3A, %sign3A_21 : i32
      %sign3A_23 = arith.extui %sign3A_22 : i1 to i32
      %sign3A_24 = arith.subi %sign3A_20, %sign3A_23 : i32
      %sign3A_25 = arith.constant 0 : i32
      %sign3A_26 = arith.cmpi sgt, %jit3A, %sign3A_25 : i32
      %sign3A_27 = arith.extui %sign3A_26 : i1 to i32
      %sign3A_28 = arith.constant 0 : i32
      %sign3A_29 = arith.cmpi slt, %jit3A, %sign3A_28 : i32
      %sign3A_30 = arith.extui %sign3A_29 : i1 to i32
      %sign3A_31 = arith.subi %sign3A_27, %sign3A_30 : i32
      %ne3A = arith.cmpi ne, %sign3A_24, %sign3A_31 : i32
      %rem3A = arith.remsi %squeeze3A, %jit3A : i32
      %ne3A_32 = arith.constant 0 : i32
      %ne3A_33 = arith.cmpi ne, %rem3A, %ne3A_32 : i32
      %and3A = arith.andi %ne3A, %ne3A_33 : i1
      %sub3A = arith.constant 1 : i32
      %sub3A_34 = arith.subi %div3A, %sub3A : i32
      %select_n3A = arith.select %and3A, %sub3A_34, %div3A : i32
      %mul3A_35 = arith.constant 64 : i32
      %mul3A_36 = arith.muli %select_n3A, %mul3A_35 : i32
      %sub3A_37 = arith.subi %squeeze3A_18, %mul3A_36 : i32
      %add3A_38 = arith.constant 63 : i32
      %add3A_39 = arith.addi %sub3A_37, %add3A_38 : i32
      %jit3A_40 = arith.constant 64 : i32
      %div3A_41 = arith.divsi %add3A_39, %jit3A_40 : i32
      %sign3A_42 = arith.constant 0 : i32
      %sign3A_43 = arith.cmpi sgt, %add3A_39, %sign3A_42 : i32
      %sign3A_44 = arith.extui %sign3A_43 : i1 to i32
      %sign3A_45 = arith.constant 0 : i32
      %sign3A_46 = arith.cmpi slt, %add3A_39, %sign3A_45 : i32
      %sign3A_47 = arith.extui %sign3A_46 : i1 to i32
      %sign3A_48 = arith.subi %sign3A_44, %sign3A_47 : i32
      %sign3A_49 = arith.constant 0 : i32
      %sign3A_50 = arith.cmpi sgt, %jit3A_40, %sign3A_49 : i32
      %sign3A_51 = arith.extui %sign3A_50 : i1 to i32
      %sign3A_52 = arith.constant 0 : i32
      %sign3A_53 = arith.cmpi slt, %jit3A_40, %sign3A_52 : i32
      %sign3A_54 = arith.extui %sign3A_53 : i1 to i32
      %sign3A_55 = arith.subi %sign3A_51, %sign3A_54 : i32
      %ne3A_56 = arith.cmpi ne, %sign3A_48, %sign3A_55 : i32
      %rem3A_57 = arith.remsi %add3A_39, %jit3A_40 : i32
      %ne3A_58 = arith.constant 0 : i32
      %ne3A_59 = arith.cmpi ne, %rem3A_57, %ne3A_58 : i32
      %and3A_60 = arith.andi %ne3A_56, %ne3A_59 : i1
      %sub3A_61 = arith.constant 1 : i32
      %sub3A_62 = arith.subi %div3A_41, %sub3A_61 : i32
      %select_n3A_63 = arith.select %and3A_60, %sub3A_62, %div3A_41 : i32
      %mul3A_64 = arith.constant 512 : i32
      %mul3A_65 = arith.muli %scan3A_11, %mul3A_64 : i32
      %scan3A_66 = arith.constant 0 : i32
      %scan3A_67 = arith.constant 0 : i32
      %scan3A_68 = arith.constant 512 : i32
      %scan3A_69 = arith.addi %scan3A_67, %scan3A_68 : i32
      %scan3A_70 = arith.constant 1 : i32
      scf.for %scan3A_96 = %scan3A_67 to %scan3A_69 step %scan3A_70  : i32 {
        %swap3A = arith.index_cast %scan3A_96 : i32 to index
        %swap3A_97 = arith.constant 0 : index
        %swap3A_98 = tpu.vector_load %arg12[%swap3A, %swap3A_97] {strides = array<i32>} : memref<512x128xf32, #tpu.memory_space<vmem>>, vector<16xf32>,
        tpu.vector_store %arg12[%swap3A, %swap3A_97], %broadcast_in_dim3A_3 {strides = array<i32>} : memref<512x128xf32, #tpu.memory_space<vmem>>, vector<16xf32>,
        %swap3A_99 = arith.index_cast %scan3A_96 : i32 to index
        %swap3A_100 = arith.constant 16 : index
        %swap3A_101 = tpu.vector_load %arg12[%swap3A_99, %swap3A_100] {strides = array<i32>} : memref<512x128xf32, #tpu.memory_space<vmem>>, vector<16xf32>,
        tpu.vector_store %arg12[%swap3A_99, %swap3A_100], %broadcast_in_dim3A_3 {strides = array<i32>} : memref<512x128xf32, #tpu.memory_space<vmem>>, vector<16xf32>,
        %swap3A_102 = arith.index_cast %scan3A_96 : i32 to index
        %swap3A_103 = arith.constant 32 : index
        %swap3A_104 = tpu.vector_load %arg12[%swap3A_102, %swap3A_103] {strides = array<i32>} : memref<512x128xf32, #tpu.memory_space<vmem>>, vector<16xf32>,
        tpu.vector_store %arg12[%swap3A_102, %swap3A_103], %broadcast_in_dim3A_3 {strides = array<i32>} : memref<512x128xf32, #tpu.memory_space<vmem>>, vector<16xf32>,
        %swap3A_105 = arith.index_cast %scan3A_96 : i32 to index
        %swap3A_106 = arith.constant 48 : index
        %swap3A_107 = tpu.vector_load %arg12[%swap3A_105, %swap3A_106] {strides = array<i32>} : memref<512x128xf32, #tpu.memory_space<vmem>>, vector<16xf32>,
        tpu.vector_store %arg12[%swap3A_105, %swap3A_106], %broadcast_in_dim3A_3 {strides = array<i32>} : memref<512x128xf32, #tpu.memory_space<vmem>>, vector<16xf32>,
        %swap3A_108 = arith.index_cast %scan3A_96 : i32 to index
        %swap3A_109 = arith.constant 64 : index
        %swap3A_110 = tpu.vector_load %arg12[%swap3A_108, %swap3A_109] {strides = array<i32>} : memref<512x128xf32, #tpu.memory_space<vmem>>, vector<16xf32>,
        tpu.vector_store %arg12[%swap3A_108, %swap3A_109], %broadcast_in_dim3A_3 {strides = array<i32>} : memref<512x128xf32, #tpu.memory_space<vmem>>, vector<16xf32>,
        %swap3A_111 = arith.index_cast %scan3A_96 : i32 to index
        %swap3A_112 = arith.constant 80 : index
        %swap3A_113 = tpu.vector_load %arg12[%swap3A_111, %swap3A_112] {strides = array<i32>} : memref<512x128xf32, #tpu.memory_space<vmem>>, vector<16xf32>,
        tpu.vector_store %arg12[%swap3A_111, %swap3A_112], %broadcast_in_dim3A_3 {strides = array<i32>} : memref<512x128xf32, #tpu.memory_space<vmem>>, vector<16xf32>,
        %swap3A_114 = arith.index_cast %scan3A_96 : i32 to index
        %swap3A_115 = arith.constant 96 : index
        %swap3A_116 = tpu.vector_load %arg12[%swap3A_114, %swap3A_115] {strides = array<i32>} : memref<512x128xf32, #tpu.memory_space<vmem>>, vector<16xf32>,
        tpu.vector_store %arg12[%swap3A_114, %swap3A_115], %broadcast_in_dim3A_3 {strides = array<i32>} : memref<512x128xf32, #tpu.memory_space<vmem>>, vector<16xf32>,
        %swap3A_117 = arith.index_cast %scan3A_96 : i32 to index
        %swap3A_118 = arith.constant 112 : index
        %swap3A_119 = tpu.vector_load %arg12[%swap3A_117, %swap3A_118] {strides = array<i32>} : memref<512x128xf32, #tpu.memory_space<vmem>>, vector<16xf32>,
        tpu.vector_store %arg12[%swap3A_117, %swap3A_118], %broadcast_in_dim3A_3 {strides = array<i32>} : memref<512x128xf32, #tpu.memory_space<vmem>>, vector<16xf32>,
      }
      %scan3A_71 = arith.constant 512 : i32
      %gt3A = arith.constant 0 : i32
      %gt3A_72 = arith.cmpi sgt, %select_n3A_63, %gt3A : i32
      %convert_element_type3A = arith.extui %gt3A_72 : i1 to i32
      %cond3A = arith.constant 0 : i32
      %cond3A_73 = arith.cmpi ne, %convert_element_type3A, %cond3A : i32
      scf.if %cond3A_73 {
        %add3A_96 = arith.constant 0 : i32
        %add3A_97 = arith.addi %mul3A_36, %add3A_96 : i32
        %dma_start3A = arith.constant 0 : i32
        %dma_start3A_98 = arith.constant 0 : i32
        %dma_start3A_99 = arith.constant 0 : i32
        %dma_start3A_100 = tpu.memref_slice %arg11[%dma_start3A_98, %dma_start3A_99] : memref<192x128xf32, #tpu.memory_space<vmem>> -> memref<64x128xf32, #tpu.memory_space<vmem>>
        %dma_start3A_101 = tpu.memref_slice %arg9[%add3A_97] : memref<16448xi32, #tpu.memory_space<vmem>> -> memref<64xi32, #tpu.memory_space<vmem>>
        %dma_start3A_102 = arith.constant 0 : i32
        %dma_start3A_103 = tpu.memref_slice %arg2[%dma_start3A_102, %mul3A_2] : memref<16384x4096xf32, #tpu.memory_space<hbm>> -> memref<16384x128xf32, #tpu.memory_space<hbm>>
        %dma_start3A_104 = tpu.memref_slice %arg13[%dma_start3A] : memref<3x!tpu.dma_semaphore, #tpu.memory_space<semaphore_mem>> -> memref<1x!tpu.dma_semaphore, #tpu.memory_space<semaphore_mem>>
        %dma_start3A_105 = tpu.memref_squeeze %dma_start3A_104 : memref<1x!tpu.dma_semaphore, #tpu.memory_space<semaphore_mem>> -> memref<!tpu.dma_semaphore, #tpu.memory_space<semaphore_mem>>
        tpu.enqueue_indirect_dma source(%dma_start3A_103 : memref<16384x128xf32, #tpu.memory_space<hbm>>) target(%dma_start3A_100 : memref<64x128xf32, #tpu.memory_space<vmem>>) offsets(%dma_start3A_101 : memref<64xi32, #tpu.memory_space<vmem>>) semaphore(%dma_start3A_105 : memref<!tpu.dma_semaphore, #tpu.memory_space<semaphore_mem>>)
      } else {
      }
      %gt3A_74 = arith.constant 1 : i32
      %gt3A_75 = arith.cmpi sgt, %select_n3A_63, %gt3A_74 : i32
      %convert_element_type3A_76 = arith.extui %gt3A_75 : i1 to i32
      %cond3A_77 = arith.constant 0 : i32
      %cond3A_78 = arith.cmpi ne, %convert_element_type3A_76, %cond3A_77 : i32
      scf.if %cond3A_78 {
        %add3A_96 = arith.constant 64 : i32
        %add3A_97 = arith.addi %mul3A_36, %add3A_96 : i32
        %dma_start3A = arith.constant 1 : i32
        %dma_start3A_98 = arith.constant 64 : i32
        %dma_start3A_99 = arith.constant 0 : i32
        %dma_start3A_100 = tpu.memref_slice %arg11[%dma_start3A_98, %dma_start3A_99] : memref<192x128xf32, #tpu.memory_space<vmem>> -> memref<64x128xf32, #tpu.memory_space<vmem>>
        %dma_start3A_101 = tpu.memref_slice %arg9[%add3A_97] : memref<16448xi32, #tpu.memory_space<vmem>> -> memref<64xi32, #tpu.memory_space<vmem>>
        %dma_start3A_102 = arith.constant 0 : i32
        %dma_start3A_103 = tpu.memref_slice %arg2[%dma_start3A_102, %mul3A_2] : memref<16384x4096xf32, #tpu.memory_space<hbm>> -> memref<16384x128xf32, #tpu.memory_space<hbm>>
        %dma_start3A_104 = tpu.memref_slice %arg13[%dma_start3A] : memref<3x!tpu.dma_semaphore, #tpu.memory_space<semaphore_mem>> -> memref<1x!tpu.dma_semaphore, #tpu.memory_space<semaphore_mem>>
        %dma_start3A_105 = tpu.memref_squeeze %dma_start3A_104 : memref<1x!tpu.dma_semaphore, #tpu.memory_space<semaphore_mem>> -> memref<!tpu.dma_semaphore, #tpu.memory_space<semaphore_mem>>
        tpu.enqueue_indirect_dma source(%dma_start3A_103 : memref<16384x128xf32, #tpu.memory_space<hbm>>) target(%dma_start3A_100 : memref<64x128xf32, #tpu.memory_space<vmem>>) offsets(%dma_start3A_101 : memref<64xi32, #tpu.memory_space<vmem>>) semaphore(%dma_start3A_105 : memref<!tpu.dma_semaphore, #tpu.memory_space<semaphore_mem>>)
      } else {
      }
      %gt3A_79 = arith.constant 2 : i32
      %gt3A_80 = arith.cmpi sgt, %select_n3A_63, %gt3A_79 : i32
      %convert_element_type3A_81 = arith.extui %gt3A_80 : i1 to i32
      %cond3A_82 = arith.constant 0 : i32
      %cond3A_83 = arith.cmpi ne, %convert_element_type3A_81, %cond3A_82 : i32
      scf.if %cond3A_83 {
        %add3A_96 = arith.constant 128 : i32
        %add3A_97 = arith.addi %mul3A_36, %add3A_96 : i32
        %dma_start3A = arith.constant 2 : i32
        %dma_start3A_98 = arith.constant 128 : i32
        %dma_start3A_99 = arith.constant 0 : i32
        %dma_start3A_100 = tpu.memref_slice %arg11[%dma_start3A_98, %dma_start3A_99] : memref<192x128xf32, #tpu.memory_space<vmem>> -> memref<64x128xf32, #tpu.memory_space<vmem>>
        %dma_start3A_101 = tpu.memref_slice %arg9[%add3A_97] : memref<16448xi32, #tpu.memory_space<vmem>> -> memref<64xi32, #tpu.memory_space<vmem>>
        %dma_start3A_102 = arith.constant 0 : i32
        %dma_start3A_103 = tpu.memref_slice %arg2[%dma_start3A_102, %mul3A_2] : memref<16384x4096xf32, #tpu.memory_space<hbm>> -> memref<16384x128xf32, #tpu.memory_space<hbm>>
        %dma_start3A_104 = tpu.memref_slice %arg13[%dma_start3A] : memref<3x!tpu.dma_semaphore, #tpu.memory_space<semaphore_mem>> -> memref<1x!tpu.dma_semaphore, #tpu.memory_space<semaphore_mem>>
        %dma_start3A_105 = tpu.memref_squeeze %dma_start3A_104 : memref<1x!tpu.dma_semaphore, #tpu.memory_space<semaphore_mem>> -> memref<!tpu.dma_semaphore, #tpu.memory_space<semaphore_mem>>
        tpu.enqueue_indirect_dma source(%dma_start3A_103 : memref<16384x128xf32, #tpu.memory_space<hbm>>) target(%dma_start3A_100 : memref<64x128xf32, #tpu.memory_space<vmem>>) offsets(%dma_start3A_101 : memref<64xi32, #tpu.memory_space<vmem>>) semaphore(%dma_start3A_105 : memref<!tpu.dma_semaphore, #tpu.memory_space<semaphore_mem>>)
      } else {
      }
      %while3A = arith.constant 0 : i32
      %while3A_84 = arith.constant 0 : i32
      %while3A_85 = arith.subi %select_n3A_63, %while3A_84 : i32
      %while3A_86 = arith.addi %while3A_84, %while3A_85 : i32
      %while3A_87 = arith.constant 1 : i32
      %while3A_88 = arith.divsi %while3A_85, %while3A_87 : i32
      %while3A_89 = arith.muli %while3A_88, %while3A_87 : i32
      %while3A_90 = arith.addi %while3A_84, %while3A_89 : i32
      %while3A_91 = arith.constant 1 : i32
      scf.for %while3A_96 = %while3A_84 to %while3A_90 step %while3A_91  : i32 {
        %rem3A_97 = arith.constant 3 : i32
        %rem3A_98 = arith.remsi %while3A_96, %rem3A_97 : i32
        %mul3A_99 = arith.constant 64 : i32
        %mul3A_100 = arith.muli %rem3A_98, %mul3A_99 : i32
        %mul3A_101 = arith.constant 64 : i32
        %mul3A_102 = arith.muli %while3A_96, %mul3A_101 : i32
        %add3A_103 = arith.addi %mul3A_36, %mul3A_102 : i32
        %mul3A_104 = arith.constant 64 : i32
        %mul3A_105 = arith.muli %rem3A_98, %mul3A_104 : i32
        %dma_wait3A = arith.constant 0 : i32
        %dma_wait3A_106 = tpu.memref_slice %arg11[%mul3A_105, %dma_wait3A] : memref<192x128xf32, #tpu.memory_space<vmem>> -> memref<64x128xf32, #tpu.memory_space<vmem>>
        %dma_wait3A_107 = arith.constant 0 : i32
        %dma_wait3A_108 = tpu.memref_slice %arg9[%dma_wait3A_107] : memref<16448xi32, #tpu.memory_space<vmem>> -> memref<64xi32, #tpu.memory_space<vmem>>
        %dma_wait3A_109 = arith.constant 0 : i32
        %dma_wait3A_110 = tpu.memref_slice %arg2[%dma_wait3A_109, %mul3A_2] : memref<16384x4096xf32, #tpu.memory_space<hbm>> -> memref<16384x128xf32, #tpu.memory_space<hbm>>
        %dma_wait3A_111 = tpu.memref_slice %arg13[%rem3A_98] : memref<3x!tpu.dma_semaphore, #tpu.memory_space<semaphore_mem>> -> memref<1x!tpu.dma_semaphore, #tpu.memory_space<semaphore_mem>>
        %dma_wait3A_112 = tpu.memref_squeeze %dma_wait3A_111 : memref<1x!tpu.dma_semaphore, #tpu.memory_space<semaphore_mem>> -> memref<!tpu.dma_semaphore, #tpu.memory_space<semaphore_mem>>
        tpu.wait_indirect_dma semaphore(%dma_wait3A_112 : memref<!tpu.dma_semaphore, #tpu.memory_space<semaphore_mem>>) src(%dma_wait3A_110 : memref<16384x128xf32, #tpu.memory_space<hbm>>) dst(%dma_wait3A_106 : memref<64x128xf32, #tpu.memory_space<vmem>>)
        %scan3A_113 = arith.constant 0 : i32
        %scan3A_114 = arith.constant 0 : i32
        %scan3A_115 = arith.constant 4 : i32
        %scan3A_116 = arith.addi %scan3A_114, %scan3A_115 : i32
        %scan3A_117 = arith.constant 1 : i32
        scf.for %scan3A_124 = %scan3A_114 to %scan3A_116 step %scan3A_117  : i32 {
          %mul3A_125 = arith.constant 16 : i32
          %mul3A_126 = arith.muli %scan3A_124, %mul3A_125 : i32
          %add3A_127 = arith.addi %add3A_103, %mul3A_126 : i32
          %get3A_128 = arith.index_cast %add3A_127 : i32 to index
          %get3A_129 = tpu.vector_load %arg10[%get3A_128] {strides = array<i32>} : memref<16448xi32, #tpu.memory_space<vmem>>, vector<16xi32>,
          %sub3A_130 = vector.broadcast %mul3A_65 : i32 to vector<16xi32>
          %sub3A_131 = arith.subi %get3A_129, %sub3A_130 : vector<16xi32>
          %jit3A_132 = arith.constant 0 : i32
          %jit3A_133 = arith.constant 511 : i32
          %max3A = vector.broadcast %jit3A_132 : i32 to vector<16xi32>
          %max3A_134 = arith.maxsi %max3A, %sub3A_131 : vector<16xi32>
          %min3A = vector.broadcast %jit3A_133 : i32 to vector<16xi32>
          %min3A_135 = arith.minsi %min3A, %max3A_134 : vector<16xi32>
          %add3A_136 = vector.broadcast %add3A_127 : i32 to vector<16xi32>
          %add3A_137 = arith.addi %add3A_136, %iota3A : vector<16xi32>
          %ge3A = vector.broadcast %squeeze3A : i32 to vector<16xi32>
          %ge3A_138 = arith.cmpi sge, %add3A_137, %ge3A : vector<16xi32>
          %lt3A_139 = vector.broadcast %squeeze3A_18 : i32 to vector<16xi32>
          %lt3A_140 = arith.cmpi slt, %add3A_137, %lt3A_139 : vector<16xi32>
          %and3A_141 = arith.andi %ge3A_138, %lt3A_140 : vector<16xi1>
          %convert_element_type3A_142 = arith.extui %and3A_141 : vector<16xi1> to vector<16xi32>
          %slice3A_143 = vector.extract_strided_slice %min3A_135 {offsets = [0], sizes = [1], strides = [1]} : vector<16xi32> to vector<1xi32>
          %squeeze3A_144 = vector.extract %slice3A_143[0] : i32 from vector<1xi32>
          %slice3A_145 = vector.extract_strided_slice %convert_element_type3A_142 {offsets = [0], sizes = [1], strides = [1]} : vector<16xi32> to vector<1xi32>
          %squeeze3A_146 = vector.extract %slice3A_145[0] : i32 from vector<1xi32>
          %broadcast_in_dim3A_147 = vector.broadcast %squeeze3A_146 : i32 to vector<16xi32>
          %gt3A_148 = arith.constant 0 : i32
          %gt3A_149 = vector.broadcast %gt3A_148 : i32 to vector<16xi32>
          %gt3A_150 = arith.cmpi sgt, %broadcast_in_dim3A_147, %gt3A_149 : vector<16xi32>
          %broadcast_in_dim3A_151 = vector.broadcast %squeeze3A_144 : i32 to vector<16xi32>
          %mul3A_152 = arith.constant 16 : i32
          %mul3A_153 = arith.muli %scan3A_124, %mul3A_152 : i32
          %add3A_154 = arith.addi %mul3A_100, %mul3A_153 : i32
          %add3A_155 = arith.constant 0 : i32
          %add3A_156 = arith.addi %add3A_154, %add3A_155 : i32
          %get3A_157 = arith.index_cast %add3A_156 : i32 to index
          %get3A_158 = arith.constant 0 : index
          %get3A_159 = tpu.vector_load %arg11[%get3A_157, %get3A_158] {strides = array<i32>} : memref<192x128xf32, #tpu.memory_space<vmem>>, vector<16xf32>,
          %add3A_160 = arith.constant 0 : i32
          %add3A_161 = vector.broadcast %add3A_160 : i32 to vector<16xi32>
          %add3A_162 = arith.addi %add3A_161, %iota3A : vector<16xi32>
          tpu.vector_store_idx %arg12[%broadcast_in_dim3A_151, %add3A_162], %get3A_159 masked %gt3A_150 {add = true} : memref<512x128xf32, #tpu.memory_space<vmem>>[vector<16xi32>, vector<16xi32>], vector<16xf32>, vector<16xi1>
          %mul3A_163 = arith.constant 16 : i32
          %mul3A_164 = arith.muli %scan3A_124, %mul3A_163 : i32
          %add3A_165 = arith.addi %mul3A_100, %mul3A_164 : i32
          %add3A_166 = arith.constant 0 : i32
          %add3A_167 = arith.addi %add3A_165, %add3A_166 : i32
          %get3A_168 = arith.index_cast %add3A_167 : i32 to index
          %get3A_169 = arith.constant 16 : index
          %get3A_170 = tpu.vector_load %arg11[%get3A_168, %get3A_169] {strides = array<i32>} : memref<192x128xf32, #tpu.memory_space<vmem>>, vector<16xf32>,
          %add3A_171 = arith.constant 16 : i32
          %add3A_172 = vector.broadcast %add3A_171 : i32 to vector<16xi32>
          %add3A_173 = arith.addi %add3A_172, %iota3A : vector<16xi32>
          tpu.vector_store_idx %arg12[%broadcast_in_dim3A_151, %add3A_173], %get3A_170 masked %gt3A_150 {add = true} : memref<512x128xf32, #tpu.memory_space<vmem>>[vector<16xi32>, vector<16xi32>], vector<16xf32>, vector<16xi1>
          %mul3A_174 = arith.constant 16 : i32
          %mul3A_175 = arith.muli %scan3A_124, %mul3A_174 : i32
          %add3A_176 = arith.addi %mul3A_100, %mul3A_175 : i32
          %add3A_177 = arith.constant 0 : i32
          %add3A_178 = arith.addi %add3A_176, %add3A_177 : i32
          %get3A_179 = arith.index_cast %add3A_178 : i32 to index
          %get3A_180 = arith.constant 32 : index
          %get3A_181 = tpu.vector_load %arg11[%get3A_179, %get3A_180] {strides = array<i32>} : memref<192x128xf32, #tpu.memory_space<vmem>>, vector<16xf32>,
          %add3A_182 = arith.constant 32 : i32
          %add3A_183 = vector.broadcast %add3A_182 : i32 to vector<16xi32>
          %add3A_184 = arith.addi %add3A_183, %iota3A : vector<16xi32>
          tpu.vector_store_idx %arg12[%broadcast_in_dim3A_151, %add3A_184], %get3A_181 masked %gt3A_150 {add = true} : memref<512x128xf32, #tpu.memory_space<vmem>>[vector<16xi32>, vector<16xi32>], vector<16xf32>, vector<16xi1>
          %mul3A_185 = arith.constant 16 : i32
          %mul3A_186 = arith.muli %scan3A_124, %mul3A_185 : i32
          %add3A_187 = arith.addi %mul3A_100, %mul3A_186 : i32
          %add3A_188 = arith.constant 0 : i32
          %add3A_189 = arith.addi %add3A_187, %add3A_188 : i32
          %get3A_190 = arith.index_cast %add3A_189 : i32 to index
          %get3A_191 = arith.constant 48 : index
          %get3A_192 = tpu.vector_load %arg11[%get3A_190, %get3A_191] {strides = array<i32>} : memref<192x128xf32, #tpu.memory_space<vmem>>, vector<16xf32>,
          %add3A_193 = arith.constant 48 : i32
          %add3A_194 = vector.broadcast %add3A_193 : i32 to vector<16xi32>
          %add3A_195 = arith.addi %add3A_194, %iota3A : vector<16xi32>
          tpu.vector_store_idx %arg12[%broadcast_in_dim3A_151, %add3A_195], %get3A_192 masked %gt3A_150 {add = true} : memref<512x128xf32, #tpu.memory_space<vmem>>[vector<16xi32>, vector<16xi32>], vector<16xf32>, vector<16xi1>
          %mul3A_196 = arith.constant 16 : i32
          %mul3A_197 = arith.muli %scan3A_124, %mul3A_196 : i32
          %add3A_198 = arith.addi %mul3A_100, %mul3A_197 : i32
          %add3A_199 = arith.constant 0 : i32
          %add3A_200 = arith.addi %add3A_198, %add3A_199 : i32
          %get3A_201 = arith.index_cast %add3A_200 : i32 to index
          %get3A_202 = arith.constant 64 : index
          %get3A_203 = tpu.vector_load %arg11[%get3A_201, %get3A_202] {strides = array<i32>} : memref<192x128xf32, #tpu.memory_space<vmem>>, vector<16xf32>,
          %add3A_204 = arith.constant 64 : i32
          %add3A_205 = vector.broadcast %add3A_204 : i32 to vector<16xi32>
          %add3A_206 = arith.addi %add3A_205, %iota3A : vector<16xi32>
          tpu.vector_store_idx %arg12[%broadcast_in_dim3A_151, %add3A_206], %get3A_203 masked %gt3A_150 {add = true} : memref<512x128xf32, #tpu.memory_space<vmem>>[vector<16xi32>, vector<16xi32>], vector<16xf32>, vector<16xi1>
          %mul3A_207 = arith.constant 16 : i32
          %mul3A_208 = arith.muli %scan3A_124, %mul3A_207 : i32
          %add3A_209 = arith.addi %mul3A_100, %mul3A_208 : i32
          %add3A_210 = arith.constant 0 : i32
          %add3A_211 = arith.addi %add3A_209, %add3A_210 : i32
          %get3A_212 = arith.index_cast %add3A_211 : i32 to index
          %get3A_213 = arith.constant 80 : index
          %get3A_214 = tpu.vector_load %arg11[%get3A_212, %get3A_213] {strides = array<i32>} : memref<192x128xf32, #tpu.memory_space<vmem>>, vector<16xf32>,
          %add3A_215 = arith.constant 80 : i32
          %add3A_216 = vector.broadcast %add3A_215 : i32 to vector<16xi32>
          %add3A_217 = arith.addi %add3A_216, %iota3A : vector<16xi32>
          tpu.vector_store_idx %arg12[%broadcast_in_dim3A_151, %add3A_217], %get3A_214 masked %gt3A_150 {add = true} : memref<512x128xf32, #tpu.memory_space<vmem>>[vector<16xi32>, vector<16xi32>], vector<16xf32>, vector<16xi1>
          %mul3A_218 = arith.constant 16 : i32
          %mul3A_219 = arith.muli %scan3A_124, %mul3A_218 : i32
          %add3A_220 = arith.addi %mul3A_100, %mul3A_219 : i32
          %add3A_221 = arith.constant 0 : i32
          %add3A_222 = arith.addi %add3A_220, %add3A_221 : i32
          %get3A_223 = arith.index_cast %add3A_222 : i32 to index
          %get3A_224 = arith.constant 96 : index
          %get3A_225 = tpu.vector_load %arg11[%get3A_223, %get3A_224] {strides = array<i32>} : memref<192x128xf32, #tpu.memory_space<vmem>>, vector<16xf32>,
          %add3A_226 = arith.constant 96 : i32
          %add3A_227 = vector.broadcast %add3A_226 : i32 to vector<16xi32>
          %add3A_228 = arith.addi %add3A_227, %iota3A : vector<16xi32>
          tpu.vector_store_idx %arg12[%broadcast_in_dim3A_151, %add3A_228], %get3A_225 masked %gt3A_150 {add = true} : memref<512x128xf32, #tpu.memory_space<vmem>>[vector<16xi32>, vector<16xi32>], vector<16xf32>, vector<16xi1>
          %mul3A_229 = arith.constant 16 : i32
          %mul3A_230 = arith.muli %scan3A_124, %mul3A_229 : i32
          %add3A_231 = arith.addi %mul3A_100, %mul3A_230 : i32
          %add3A_232 = arith.constant 0 : i32
          %add3A_233 = arith.addi %add3A_231, %add3A_232 : i32
          %get3A_234 = arith.index_cast %add3A_233 : i32 to index
          %get3A_235 = arith.constant 112 : index
          %get3A_236 = tpu.vector_load %arg11[%get3A_234, %get3A_235] {strides = array<i32>} : memref<192x128xf32, #tpu.memory_space<vmem>>, vector<16xf32>,
          %add3A_237 = arith.constant 112 : i32
          %add3A_238 = vector.broadcast %add3A_237 : i32 to vector<16xi32>
          %add3A_239 = arith.addi %add3A_238, %iota3A : vector<16xi32>
          tpu.vector_store_idx %arg12[%broadcast_in_dim3A_151, %add3A_239], %get3A_236 masked %gt3A_150 {add = true} : memref<512x128xf32, #tpu.memory_space<vmem>>[vector<16xi32>, vector<16xi32>], vector<16xf32>, vector<16xi1>
          %slice3A_240 = vector.extract_strided_slice %min3A_135 {offsets = [1], sizes = [1], strides = [1]} : vector<16xi32> to vector<1xi32>
          %squeeze3A_241 = vector.extract %slice3A_240[0] : i32 from vector<1xi32>
          %slice3A_242 = vector.extract_strided_slice %convert_element_type3A_142 {offsets = [1], sizes = [1], strides = [1]} : vector<16xi32> to vector<1xi32>
          %squeeze3A_243 = vector.extract %slice3A_242[0] : i32 from vector<1xi32>
          %broadcast_in_dim3A_244 = vector.broadcast %squeeze3A_243 : i32 to vector<16xi32>
          %gt3A_245 = arith.constant 0 : i32
          %gt3A_246 = vector.broadcast %gt3A_245 : i32 to vector<16xi32>
          %gt3A_247 = arith.cmpi sgt, %broadcast_in_dim3A_244, %gt3A_246 : vector<16xi32>
          %broadcast_in_dim3A_248 = vector.broadcast %squeeze3A_241 : i32 to vector<16xi32>
          %mul3A_249 = arith.constant 16 : i32
          %mul3A_250 = arith.muli %scan3A_124, %mul3A_249 : i32
          %add3A_251 = arith.addi %mul3A_100, %mul3A_250 : i32
          %add3A_252 = arith.constant 1 : i32
          %add3A_253 = arith.addi %add3A_251, %add3A_252 : i32
          %get3A_254 = arith.index_cast %add3A_253 : i32 to index
          %get3A_255 = arith.constant 0 : index
          %get3A_256 = tpu.vector_load %arg11[%get3A_254, %get3A_255] {strides = array<i32>} : memref<192x128xf32, #tpu.memory_space<vmem>>, vector<16xf32>,
          %add3A_257 = arith.constant 0 : i32
          %add3A_258 = vector.broadcast %add3A_257 : i32 to vector<16xi32>
          %add3A_259 = arith.addi %add3A_258, %iota3A : vector<16xi32>
          tpu.vector_store_idx %arg12[%broadcast_in_dim3A_248, %add3A_259], %get3A_256 masked %gt3A_247 {add = true} : memref<512x128xf32, #tpu.memory_space<vmem>>[vector<16xi32>, vector<16xi32>], vector<16xf32>, vector<16xi1>
          %mul3A_260 = arith.constant 16 : i32
          %mul3A_261 = arith.muli %scan3A_124, %mul3A_260 : i32
          %add3A_262 = arith.addi %mul3A_100, %mul3A_261 : i32
          %add3A_263 = arith.constant 1 : i32
          %add3A_264 = arith.addi %add3A_262, %add3A_263 : i32
          %get3A_265 = arith.index_cast %add3A_264 : i32 to index
          %get3A_266 = arith.constant 16 : index
          %get3A_267 = tpu.vector_load %arg11[%get3A_265, %get3A_266] {strides = array<i32>} : memref<192x128xf32, #tpu.memory_space<vmem>>, vector<16xf32>,
          %add3A_268 = arith.constant 16 : i32
          %add3A_269 = vector.broadcast %add3A_268 : i32 to vector<16xi32>
          %add3A_270 = arith.addi %add3A_269, %iota3A : vector<16xi32>
          tpu.vector_store_idx %arg12[%broadcast_in_dim3A_248, %add3A_270], %get3A_267 masked %gt3A_247 {add = true} : memref<512x128xf32, #tpu.memory_space<vmem>>[vector<16xi32>, vector<16xi32>], vector<16xf32>, vector<16xi1>
          %mul3A_271 = arith.constant 16 : i32
          %mul3A_272 = arith.muli %scan3A_124, %mul3A_271 : i32
          %add3A_273 = arith.addi %mul3A_100, %mul3A_272 : i32
          %add3A_274 = arith.constant 1 : i32
          %add3A_275 = arith.addi %add3A_273, %add3A_274 : i32
          %get3A_276 = arith.index_cast %add3A_275 : i32 to index
          %get3A_277 = arith.constant 32 : index
          %get3A_278 = tpu.vector_load %arg11[%get3A_276, %get3A_277] {strides = array<i32>} : memref<192x128xf32, #tpu.memory_space<vmem>>, vector<16xf32>,
          %add3A_279 = arith.constant 32 : i32
          %add3A_280 = vector.broadcast %add3A_279 : i32 to vector<16xi32>
          %add3A_281 = arith.addi %add3A_280, %iota3A : vector<16xi32>
          tpu.vector_store_idx %arg12[%broadcast_in_dim3A_248, %add3A_281], %get3A_278 masked %gt3A_247 {add = true} : memref<512x128xf32, #tpu.memory_space<vmem>>[vector<16xi32>, vector<16xi32>], vector<16xf32>, vector<16xi1>
          %mul3A_282 = arith.constant 16 : i32
          %mul3A_283 = arith.muli %scan3A_124, %mul3A_282 : i32
          %add3A_284 = arith.addi %mul3A_100, %mul3A_283 : i32
          %add3A_285 = arith.constant 1 : i32
          %add3A_286 = arith.addi %add3A_284, %add3A_285 : i32
          %get3A_287 = arith.index_cast %add3A_286 : i32 to index
          %get3A_288 = arith.constant 48 : index
          %get3A_289 = tpu.vector_load %arg11[%get3A_287, %get3A_288] {strides = array<i32>} : memref<192x128xf32, #tpu.memory_space<vmem>>, vector<16xf32>,
          %add3A_290 = arith.constant 48 : i32
          %add3A_291 = vector.broadcast %add3A_290 : i32 to vector<16xi32>
          %add3A_292 = arith.addi %add3A_291, %iota3A : vector<16xi32>
          tpu.vector_store_idx %arg12[%broadcast_in_dim3A_248, %add3A_292], %get3A_289 masked %gt3A_247 {add = true} : memref<512x128xf32, #tpu.memory_space<vmem>>[vector<16xi32>, vector<16xi32>], vector<16xf32>, vector<16xi1>
          %mul3A_293 = arith.constant 16 : i32
          %mul3A_294 = arith.muli %scan3A_124, %mul3A_293 : i32
          %add3A_295 = arith.addi %mul3A_100, %mul3A_294 : i32
          %add3A_296 = arith.constant 1 : i32
          %add3A_297 = arith.addi %add3A_295, %add3A_296 : i32
          %get3A_298 = arith.index_cast %add3A_297 : i32 to index
          %get3A_299 = arith.constant 64 : index
          %get3A_300 = tpu.vector_load %arg11[%get3A_298, %get3A_299] {strides = array<i32>} : memref<192x128xf32, #tpu.memory_space<vmem>>, vector<16xf32>,
          %add3A_301 = arith.constant 64 : i32
          %add3A_302 = vector.broadcast %add3A_301 : i32 to vector<16xi32>
          %add3A_303 = arith.addi %add3A_302, %iota3A : vector<16xi32>
          tpu.vector_store_idx %arg12[%broadcast_in_dim3A_248, %add3A_303], %get3A_300 masked %gt3A_247 {add = true} : memref<512x128xf32, #tpu.memory_space<vmem>>[vector<16xi32>, vector<16xi32>], vector<16xf32>, vector<16xi1>
          %mul3A_304 = arith.constant 16 : i32
          %mul3A_305 = arith.muli %scan3A_124, %mul3A_304 : i32
          %add3A_306 = arith.addi %mul3A_100, %mul3A_305 : i32
          %add3A_307 = arith.constant 1 : i32
          %add3A_308 = arith.addi %add3A_306, %add3A_307 : i32
          %get3A_309 = arith.index_cast %add3A_308 : i32 to index
          %get3A_310 = arith.constant 80 : index
          %get3A_311 = tpu.vector_load %arg11[%get3A_309, %get3A_310] {strides = array<i32>} : memref<192x128xf32, #tpu.memory_space<vmem>>, vector<16xf32>,
          %add3A_312 = arith.constant 80 : i32
          %add3A_313 = vector.broadcast %add3A_312 : i32 to vector<16xi32>
          %add3A_314 = arith.addi %add3A_313, %iota3A : vector<16xi32>
          tpu.vector_store_idx %arg12[%broadcast_in_dim3A_248, %add3A_314], %get3A_311 masked %gt3A_247 {add = true} : memref<512x128xf32, #tpu.memory_space<vmem>>[vector<16xi32>, vector<16xi32>], vector<16xf32>, vector<16xi1>
          %mul3A_315 = arith.constant 16 : i32
          %mul3A_316 = arith.muli %scan3A_124, %mul3A_315 : i32
          %add3A_317 = arith.addi %mul3A_100, %mul3A_316 : i32
          %add3A_318 = arith.constant 1 : i32
          %add3A_319 = arith.addi %add3A_317, %add3A_318 : i32
          %get3A_320 = arith.index_cast %add3A_319 : i32 to index
          %get3A_321 = arith.constant 96 : index
          %get3A_322 = tpu.vector_load %arg11[%get3A_320, %get3A_321] {strides = array<i32>} : memref<192x128xf32, #tpu.memory_space<vmem>>, vector<16xf32>,
          %add3A_323 = arith.constant 96 : i32
          %add3A_324 = vector.broadcast %add3A_323 : i32 to vector<16xi32>
          %add3A_325 = arith.addi %add3A_324, %iota3A : vector<16xi32>
          tpu.vector_store_idx %arg12[%broadcast_in_dim3A_248, %add3A_325], %get3A_322 masked %gt3A_247 {add = true} : memref<512x128xf32, #tpu.memory_space<vmem>>[vector<16xi32>, vector<16xi32>], vector<16xf32>, vector<16xi1>
          %mul3A_326 = arith.constant 16 : i32
          %mul3A_327 = arith.muli %scan3A_124, %mul3A_326 : i32
          %add3A_328 = arith.addi %mul3A_100, %mul3A_327 : i32
          %add3A_329 = arith.constant 1 : i32
          %add3A_330 = arith.addi %add3A_328, %add3A_329 : i32
          %get3A_331 = arith.index_cast %add3A_330 : i32 to index
          %get3A_332 = arith.constant 112 : index
          %get3A_333 = tpu.vector_load %arg11[%get3A_331, %get3A_332] {strides = array<i32>} : memref<192x128xf32, #tpu.memory_space<vmem>>, vector<16xf32>,
          %add3A_334 = arith.constant 112 : i32
          %add3A_335 = vector.broadcast %add3A_334 : i32 to vector<16xi32>
          %add3A_336 = arith.addi %add3A_335, %iota3A : vector<16xi32>
          tpu.vector_store_idx %arg12[%broadcast_in_dim3A_248, %add3A_336], %get3A_333 masked %gt3A_247 {add = true} : memref<512x128xf32, #tpu.memory_space<vmem>>[vector<16xi32>, vector<16xi32>], vector<16xf32>, vector<16xi1>
          %slice3A_337 = vector.extract_strided_slice %min3A_135 {offsets = [2], sizes = [1], strides = [1]} : vector<16xi32> to vector<1xi32>
          %squeeze3A_338 = vector.extract %slice3A_337[0] : i32 from vector<1xi32>
          %slice3A_339 = vector.extract_strided_slice %convert_element_type3A_142 {offsets = [2], sizes = [1], strides = [1]} : vector<16xi32> to vector<1xi32>
          %squeeze3A_340 = vector.extract %slice3A_339[0] : i32 from vector<1xi32>
          %broadcast_in_dim3A_341 = vector.broadcast %squeeze3A_340 : i32 to vector<16xi32>
          %gt3A_342 = arith.constant 0 : i32
          %gt3A_343 = vector.broadcast %gt3A_342 : i32 to vector<16xi32>
          %gt3A_344 = arith.cmpi sgt, %broadcast_in_dim3A_341, %gt3A_343 : vector<16xi32>
          %broadcast_in_dim3A_345 = vector.broadcast %squeeze3A_338 : i32 to vector<16xi32>
          %mul3A_346 = arith.constant 16 : i32
          %mul3A_347 = arith.muli %scan3A_124, %mul3A_346 : i32
          %add3A_348 = arith.addi %mul3A_100, %mul3A_347 : i32
          %add3A_349 = arith.constant 2 : i32
          %add3A_350 = arith.addi %add3A_348, %add3A_349 : i32
          %get3A_351 = arith.index_cast %add3A_350 : i32 to index
          %get3A_352 = arith.constant 0 : index
          %get3A_353 = tpu.vector_load %arg11[%get3A_351, %get3A_352] {strides = array<i32>} : memref<192x128xf32, #tpu.memory_space<vmem>>, vector<16xf32>,
          %add3A_354 = arith.constant 0 : i32
          %add3A_355 = vector.broadcast %add3A_354 : i32 to vector<16xi32>
          %add3A_356 = arith.addi %add3A_355, %iota3A : vector<16xi32>
          tpu.vector_store_idx %arg12[%broadcast_in_dim3A_345, %add3A_356], %get3A_353 masked %gt3A_344 {add = true} : memref<512x128xf32, #tpu.memory_space<vmem>>[vector<16xi32>, vector<16xi32>], vector<16xf32>, vector<16xi1>
          %mul3A_357 = arith.constant 16 : i32
          %mul3A_358 = arith.muli %scan3A_124, %mul3A_357 : i32
          %add3A_359 = arith.addi %mul3A_100, %mul3A_358 : i32
          %add3A_360 = arith.constant 2 : i32
          %add3A_361 = arith.addi %add3A_359, %add3A_360 : i32
          %get3A_362 = arith.index_cast %add3A_361 : i32 to index
          %get3A_363 = arith.constant 16 : index
          %get3A_364 = tpu.vector_load %arg11[%get3A_362, %get3A_363] {strides = array<i32>} : memref<192x128xf32, #tpu.memory_space<vmem>>, vector<16xf32>,
          %add3A_365 = arith.constant 16 : i32
          %add3A_366 = vector.broadcast %add3A_365 : i32 to vector<16xi32>
          %add3A_367 = arith.addi %add3A_366, %iota3A : vector<16xi32>
          tpu.vector_store_idx %arg12[%broadcast_in_dim3A_345, %add3A_367], %get3A_364 masked %gt3A_344 {add = true} : memref<512x128xf32, #tpu.memory_space<vmem>>[vector<16xi32>, vector<16xi32>], vector<16xf32>, vector<16xi1>
          %mul3A_368 = arith.constant 16 : i32
          %mul3A_369 = arith.muli %scan3A_124, %mul3A_368 : i32
          %add3A_370 = arith.addi %mul3A_100, %mul3A_369 : i32
          %add3A_371 = arith.constant 2 : i32
          %add3A_372 = arith.addi %add3A_370, %add3A_371 : i32
          %get3A_373 = arith.index_cast %add3A_372 : i32 to index
          %get3A_374 = arith.constant 32 : index
          %get3A_375 = tpu.vector_load %arg11[%get3A_373, %get3A_374] {strides = array<i32>} : memref<192x128xf32, #tpu.memory_space<vmem>>, vector<16xf32>,
          %add3A_376 = arith.constant 32 : i32
          %add3A_377 = vector.broadcast %add3A_376 : i32 to vector<16xi32>
          %add3A_378 = arith.addi %add3A_377, %iota3A : vector<16xi32>
          tpu.vector_store_idx %arg12[%broadcast_in_dim3A_345, %add3A_378], %get3A_375 masked %gt3A_344 {add = true} : memref<512x128xf32, #tpu.memory_space<vmem>>[vector<16xi32>, vector<16xi32>], vector<16xf32>, vector<16xi1>
          %mul3A_379 = arith.constant 16 : i32
          %mul3A_380 = arith.muli %scan3A_124, %mul3A_379 : i32
          %add3A_381 = arith.addi %mul3A_100, %mul3A_380 : i32
          %add3A_382 = arith.constant 2 : i32
          %add3A_383 = arith.addi %add3A_381, %add3A_382 : i32
          %get3A_384 = arith.index_cast %add3A_383 : i32 to index
          %get3A_385 = arith.constant 48 : index
          %get3A_386 = tpu.vector_load %arg11[%get3A_384, %get3A_385] {strides = array<i32>} : memref<192x128xf32, #tpu.memory_space<vmem>>, vector<16xf32>,
          %add3A_387 = arith.constant 48 : i32
          %add3A_388 = vector.broadcast %add3A_387 : i32 to vector<16xi32>
          %add3A_389 = arith.addi %add3A_388, %iota3A : vector<16xi32>
          tpu.vector_store_idx %arg12[%broadcast_in_dim3A_345, %add3A_389], %get3A_386 masked %gt3A_344 {add = true} : memref<512x128xf32, #tpu.memory_space<vmem>>[vector<16xi32>, vector<16xi32>], vector<16xf32>, vector<16xi1>
          %mul3A_390 = arith.constant 16 : i32
          %mul3A_391 = arith.muli %scan3A_124, %mul3A_390 : i32
          %add3A_392 = arith.addi %mul3A_100, %mul3A_391 : i32
          %add3A_393 = arith.constant 2 : i32
          %add3A_394 = arith.addi %add3A_392, %add3A_393 : i32
          %get3A_395 = arith.index_cast %add3A_394 : i32 to index
          %get3A_396 = arith.constant 64 : index
          %get3A_397 = tpu.vector_load %arg11[%get3A_395, %get3A_396] {strides = array<i32>} : memref<192x128xf32, #tpu.memory_space<vmem>>, vector<16xf32>,
          %add3A_398 = arith.constant 64 : i32
          %add3A_399 = vector.broadcast %add3A_398 : i32 to vector<16xi32>
          %add3A_400 = arith.addi %add3A_399, %iota3A : vector<16xi32>
          tpu.vector_store_idx %arg12[%broadcast_in_dim3A_345, %add3A_400], %get3A_397 masked %gt3A_344 {add = true} : memref<512x128xf32, #tpu.memory_space<vmem>>[vector<16xi32>, vector<16xi32>], vector<16xf32>, vector<16xi1>
          %mul3A_401 = arith.constant 16 : i32
          %mul3A_402 = arith.muli %scan3A_124, %mul3A_401 : i32
          %add3A_403 = arith.addi %mul3A_100, %mul3A_402 : i32
          %add3A_404 = arith.constant 2 : i32
          %add3A_405 = arith.addi %add3A_403, %add3A_404 : i32
          %get3A_406 = arith.index_cast %add3A_405 : i32 to index
          %get3A_407 = arith.constant 80 : index
          %get3A_408 = tpu.vector_load %arg11[%get3A_406, %get3A_407] {strides = array<i32>} : memref<192x128xf32, #tpu.memory_space<vmem>>, vector<16xf32>,
          %add3A_409 = arith.constant 80 : i32
          %add3A_410 = vector.broadcast %add3A_409 : i32 to vector<16xi32>
          %add3A_411 = arith.addi %add3A_410, %iota3A : vector<16xi32>
          tpu.vector_store_idx %arg12[%broadcast_in_dim3A_345, %add3A_411], %get3A_408 masked %gt3A_344 {add = true} : memref<512x128xf32, #tpu.memory_space<vmem>>[vector<16xi32>, vector<16xi32>], vector<16xf32>, vector<16xi1>
          %mul3A_412 = arith.constant 16 : i32
          %mul3A_413 = arith.muli %scan3A_124, %mul3A_412 : i32
          %add3A_414 = arith.addi %mul3A_100, %mul3A_413 : i32
          %add3A_415 = arith.constant 2 : i32
          %add3A_416 = arith.addi %add3A_414, %add3A_415 : i32
          %get3A_417 = arith.index_cast %add3A_416 : i32 to index
          %get3A_418 = arith.constant 96 : index
          %get3A_419 = tpu.vector_load %arg11[%get3A_417, %get3A_418] {strides = array<i32>} : memref<192x128xf32, #tpu.memory_space<vmem>>, vector<16xf32>,
          %add3A_420 = arith.constant 96 : i32
          %add3A_421 = vector.broadcast %add3A_420 : i32 to vector<16xi32>
          %add3A_422 = arith.addi %add3A_421, %iota3A : vector<16xi32>
          tpu.vector_store_idx %arg12[%broadcast_in_dim3A_345, %add3A_422], %get3A_419 masked %gt3A_344 {add = true} : memref<512x128xf32, #tpu.memory_space<vmem>>[vector<16xi32>, vector<16xi32>], vector<16xf32>, vector<16xi1>
          %mul3A_423 = arith.constant 16 : i32
          %mul3A_424 = arith.muli %scan3A_124, %mul3A_423 : i32
          %add3A_425 = arith.addi %mul3A_100, %mul3A_424 : i32
          %add3A_426 = arith.constant 2 : i32
          %add3A_427 = arith.addi %add3A_425, %add3A_426 : i32
          %get3A_428 = arith.index_cast %add3A_427 : i32 to index
          %get3A_429 = arith.constant 112 : index
          %get3A_430 = tpu.vector_load %arg11[%get3A_428, %get3A_429] {strides = array<i32>} : memref<192x128xf32, #tpu.memory_space<vmem>>, vector<16xf32>,
          %add3A_431 = arith.constant 112 : i32
          %add3A_432 = vector.broadcast %add3A_431 : i32 to vector<16xi32>
          %add3A_433 = arith.addi %add3A_432, %iota3A : vector<16xi32>
          tpu.vector_store_idx %arg12[%broadcast_in_dim3A_345, %add3A_433], %get3A_430 masked %gt3A_344 {add = true} : memref<512x128xf32, #tpu.memory_space<vmem>>[vector<16xi32>, vector<16xi32>], vector<16xf32>, vector<16xi1>
          %slice3A_434 = vector.extract_strided_slice %min3A_135 {offsets = [3], sizes = [1], strides = [1]} : vector<16xi32> to vector<1xi32>
          %squeeze3A_435 = vector.extract %slice3A_434[0] : i32 from vector<1xi32>
          %slice3A_436 = vector.extract_strided_slice %convert_element_type3A_142 {offsets = [3], sizes = [1], strides = [1]} : vector<16xi32> to vector<1xi32>
          %squeeze3A_437 = vector.extract %slice3A_436[0] : i32 from vector<1xi32>
          %broadcast_in_dim3A_438 = vector.broadcast %squeeze3A_437 : i32 to vector<16xi32>
          %gt3A_439 = arith.constant 0 : i32
          %gt3A_440 = vector.broadcast %gt3A_439 : i32 to vector<16xi32>
          %gt3A_441 = arith.cmpi sgt, %broadcast_in_dim3A_438, %gt3A_440 : vector<16xi32>
          %broadcast_in_dim3A_442 = vector.broadcast %squeeze3A_435 : i32 to vector<16xi32>
          %mul3A_443 = arith.constant 16 : i32
          %mul3A_444 = arith.muli %scan3A_124, %mul3A_443 : i32
          %add3A_445 = arith.addi %mul3A_100, %mul3A_444 : i32
          %add3A_446 = arith.constant 3 : i32
          %add3A_447 = arith.addi %add3A_445, %add3A_446 : i32
          %get3A_448 = arith.index_cast %add3A_447 : i32 to index
          %get3A_449 = arith.constant 0 : index
          %get3A_450 = tpu.vector_load %arg11[%get3A_448, %get3A_449] {strides = array<i32>} : memref<192x128xf32, #tpu.memory_space<vmem>>, vector<16xf32>,
          %add3A_451 = arith.constant 0 : i32
          %add3A_452 = vector.broadcast %add3A_451 : i32 to vector<16xi32>
          %add3A_453 = arith.addi %add3A_452, %iota3A : vector<16xi32>
          tpu.vector_store_idx %arg12[%broadcast_in_dim3A_442, %add3A_453], %get3A_450 masked %gt3A_441 {add = true} : memref<512x128xf32, #tpu.memory_space<vmem>>[vector<16xi32>, vector<16xi32>], vector<16xf32>, vector<16xi1>
          %mul3A_454 = arith.constant 16 : i32
          %mul3A_455 = arith.muli %scan3A_124, %mul3A_454 : i32
          %add3A_456 = arith.addi %mul3A_100, %mul3A_455 : i32
          %add3A_457 = arith.constant 3 : i32
          %add3A_458 = arith.addi %add3A_456, %add3A_457 : i32
          %get3A_459 = arith.index_cast %add3A_458 : i32 to index
          %get3A_460 = arith.constant 16 : index
          %get3A_461 = tpu.vector_load %arg11[%get3A_459, %get3A_460] {strides = array<i32>} : memref<192x128xf32, #tpu.memory_space<vmem>>, vector<16xf32>,
          %add3A_462 = arith.constant 16 : i32
          %add3A_463 = vector.broadcast %add3A_462 : i32 to vector<16xi32>
          %add3A_464 = arith.addi %add3A_463, %iota3A : vector<16xi32>
          tpu.vector_store_idx %arg12[%broadcast_in_dim3A_442, %add3A_464], %get3A_461 masked %gt3A_441 {add = true} : memref<512x128xf32, #tpu.memory_space<vmem>>[vector<16xi32>, vector<16xi32>], vector<16xf32>, vector<16xi1>
          %mul3A_465 = arith.constant 16 : i32
          %mul3A_466 = arith.muli %scan3A_124, %mul3A_465 : i32
          %add3A_467 = arith.addi %mul3A_100, %mul3A_466 : i32
          %add3A_468 = arith.constant 3 : i32
          %add3A_469 = arith.addi %add3A_467, %add3A_468 : i32
          %get3A_470 = arith.index_cast %add3A_469 : i32 to index
          %get3A_471 = arith.constant 32 : index
          %get3A_472 = tpu.vector_load %arg11[%get3A_470, %get3A_471] {strides = array<i32>} : memref<192x128xf32, #tpu.memory_space<vmem>>, vector<16xf32>,
          %add3A_473 = arith.constant 32 : i32
          %add3A_474 = vector.broadcast %add3A_473 : i32 to vector<16xi32>
          %add3A_475 = arith.addi %add3A_474, %iota3A : vector<16xi32>
          tpu.vector_store_idx %arg12[%broadcast_in_dim3A_442, %add3A_475], %get3A_472 masked %gt3A_441 {add = true} : memref<512x128xf32, #tpu.memory_space<vmem>>[vector<16xi32>, vector<16xi32>], vector<16xf32>, vector<16xi1>
          %mul3A_476 = arith.constant 16 : i32
          %mul3A_477 = arith.muli %scan3A_124, %mul3A_476 : i32
          %add3A_478 = arith.addi %mul3A_100, %mul3A_477 : i32
          %add3A_479 = arith.constant 3 : i32
          %add3A_480 = arith.addi %add3A_478, %add3A_479 : i32
          %get3A_481 = arith.index_cast %add3A_480 : i32 to index
          %get3A_482 = arith.constant 48 : index
          %get3A_483 = tpu.vector_load %arg11[%get3A_481, %get3A_482] {strides = array<i32>} : memref<192x128xf32, #tpu.memory_space<vmem>>, vector<16xf32>,
          %add3A_484 = arith.constant 48 : i32
          %add3A_485 = vector.broadcast %add3A_484 : i32 to vector<16xi32>
          %add3A_486 = arith.addi %add3A_485, %iota3A : vector<16xi32>
          tpu.vector_store_idx %arg12[%broadcast_in_dim3A_442, %add3A_486], %get3A_483 masked %gt3A_441 {add = true} : memref<512x128xf32, #tpu.memory_space<vmem>>[vector<16xi32>, vector<16xi32>], vector<16xf32>, vector<16xi1>
          %mul3A_487 = arith.constant 16 : i32
          %mul3A_488 = arith.muli %scan3A_124, %mul3A_487 : i32
          %add3A_489 = arith.addi %mul3A_100, %mul3A_488 : i32
          %add3A_490 = arith.constant 3 : i32
          %add3A_491 = arith.addi %add3A_489, %add3A_490 : i32
          %get3A_492 = arith.index_cast %add3A_491 : i32 to index
          %get3A_493 = arith.constant 64 : index
          %get3A_494 = tpu.vector_load %arg11[%get3A_492, %get3A_493] {strides = array<i32>} : memref<192x128xf32, #tpu.memory_space<vmem>>, vector<16xf32>,
          %add3A_495 = arith.constant 64 : i32
          %add3A_496 = vector.broadcast %add3A_495 : i32 to vector<16xi32>
          %add3A_497 = arith.addi %add3A_496, %iota3A : vector<16xi32>
          tpu.vector_store_idx %arg12[%broadcast_in_dim3A_442, %add3A_497], %get3A_494 masked %gt3A_441 {add = true} : memref<512x128xf32, #tpu.memory_space<vmem>>[vector<16xi32>, vector<16xi32>], vector<16xf32>, vector<16xi1>
          %mul3A_498 = arith.constant 16 : i32
          %mul3A_499 = arith.muli %scan3A_124, %mul3A_498 : i32
          %add3A_500 = arith.addi %mul3A_100, %mul3A_499 : i32
          %add3A_501 = arith.constant 3 : i32
          %add3A_502 = arith.addi %add3A_500, %add3A_501 : i32
          %get3A_503 = arith.index_cast %add3A_502 : i32 to index
          %get3A_504 = arith.constant 80 : index
          %get3A_505 = tpu.vector_load %arg11[%get3A_503, %get3A_504] {strides = array<i32>} : memref<192x128xf32, #tpu.memory_space<vmem>>, vector<16xf32>,
          %add3A_506 = arith.constant 80 : i32
          %add3A_507 = vector.broadcast %add3A_506 : i32 to vector<16xi32>
          %add3A_508 = arith.addi %add3A_507, %iota3A : vector<16xi32>
          tpu.vector_store_idx %arg12[%broadcast_in_dim3A_442, %add3A_508], %get3A_505 masked %gt3A_441 {add = true} : memref<512x128xf32, #tpu.memory_space<vmem>>[vector<16xi32>, vector<16xi32>], vector<16xf32>, vector<16xi1>
          %mul3A_509 = arith.constant 16 : i32
          %mul3A_510 = arith.muli %scan3A_124, %mul3A_509 : i32
          %add3A_511 = arith.addi %mul3A_100, %mul3A_510 : i32
          %add3A_512 = arith.constant 3 : i32
          %add3A_513 = arith.addi %add3A_511, %add3A_512 : i32
          %get3A_514 = arith.index_cast %add3A_513 : i32 to index
          %get3A_515 = arith.constant 96 : index
          %get3A_516 = tpu.vector_load %arg11[%get3A_514, %get3A_515] {strides = array<i32>} : memref<192x128xf32, #tpu.memory_space<vmem>>, vector<16xf32>,
          %add3A_517 = arith.constant 96 : i32
          %add3A_518 = vector.broadcast %add3A_517 : i32 to vector<16xi32>
          %add3A_519 = arith.addi %add3A_518, %iota3A : vector<16xi32>
          tpu.vector_store_idx %arg12[%broadcast_in_dim3A_442, %add3A_519], %get3A_516 masked %gt3A_441 {add = true} : memref<512x128xf32, #tpu.memory_space<vmem>>[vector<16xi32>, vector<16xi32>], vector<16xf32>, vector<16xi1>
          %mul3A_520 = arith.constant 16 : i32
          %mul3A_521 = arith.muli %scan3A_124, %mul3A_520 : i32
          %add3A_522 = arith.addi %mul3A_100, %mul3A_521 : i32
          %add3A_523 = arith.constant 3 : i32
          %add3A_524 = arith.addi %add3A_522, %add3A_523 : i32
          %get3A_525 = arith.index_cast %add3A_524 : i32 to index
          %get3A_526 = arith.constant 112 : index
          %get3A_527 = tpu.vector_load %arg11[%get3A_525, %get3A_526] {strides = array<i32>} : memref<192x128xf32, #tpu.memory_space<vmem>>, vector<16xf32>,
          %add3A_528 = arith.constant 112 : i32
          %add3A_529 = vector.broadcast %add3A_528 : i32 to vector<16xi32>
          %add3A_530 = arith.addi %add3A_529, %iota3A : vector<16xi32>
          tpu.vector_store_idx %arg12[%broadcast_in_dim3A_442, %add3A_530], %get3A_527 masked %gt3A_441 {add = true} : memref<512x128xf32, #tpu.memory_space<vmem>>[vector<16xi32>, vector<16xi32>], vector<16xf32>, vector<16xi1>
          %slice3A_531 = vector.extract_strided_slice %min3A_135 {offsets = [4], sizes = [1], strides = [1]} : vector<16xi32> to vector<1xi32>
          %squeeze3A_532 = vector.extract %slice3A_531[0] : i32 from vector<1xi32>
          %slice3A_533 = vector.extract_strided_slice %convert_element_type3A_142 {offsets = [4], sizes = [1], strides = [1]} : vector<16xi32> to vector<1xi32>
          %squeeze3A_534 = vector.extract %slice3A_533[0] : i32 from vector<1xi32>
          %broadcast_in_dim3A_535 = vector.broadcast %squeeze3A_534 : i32 to vector<16xi32>
          %gt3A_536 = arith.constant 0 : i32
          %gt3A_537 = vector.broadcast %gt3A_536 : i32 to vector<16xi32>
          %gt3A_538 = arith.cmpi sgt, %broadcast_in_dim3A_535, %gt3A_537 : vector<16xi32>
          %broadcast_in_dim3A_539 = vector.broadcast %squeeze3A_532 : i32 to vector<16xi32>
          %mul3A_540 = arith.constant 16 : i32
          %mul3A_541 = arith.muli %scan3A_124, %mul3A_540 : i32
          %add3A_542 = arith.addi %mul3A_100, %mul3A_541 : i32
          %add3A_543 = arith.constant 4 : i32
          %add3A_544 = arith.addi %add3A_542, %add3A_543 : i32
          %get3A_545 = arith.index_cast %add3A_544 : i32 to index
          %get3A_546 = arith.constant 0 : index
          %get3A_547 = tpu.vector_load %arg11[%get3A_545, %get3A_546] {strides = array<i32>} : memref<192x128xf32, #tpu.memory_space<vmem>>, vector<16xf32>,
          %add3A_548 = arith.constant 0 : i32
          %add3A_549 = vector.broadcast %add3A_548 : i32 to vector<16xi32>
          %add3A_550 = arith.addi %add3A_549, %iota3A : vector<16xi32>
          tpu.vector_store_idx %arg12[%broadcast_in_dim3A_539, %add3A_550], %get3A_547 masked %gt3A_538 {add = true} : memref<512x128xf32, #tpu.memory_space<vmem>>[vector<16xi32>, vector<16xi32>], vector<16xf32>, vector<16xi1>
          %mul3A_551 = arith.constant 16 : i32
          %mul3A_552 = arith.muli %scan3A_124, %mul3A_551 : i32
          %add3A_553 = arith.addi %mul3A_100, %mul3A_552 : i32
          %add3A_554 = arith.constant 4 : i32
          %add3A_555 = arith.addi %add3A_553, %add3A_554 : i32
          %get3A_556 = arith.index_cast %add3A_555 : i32 to index
          %get3A_557 = arith.constant 16 : index
          %get3A_558 = tpu.vector_load %arg11[%get3A_556, %get3A_557] {strides = array<i32>} : memref<192x128xf32, #tpu.memory_space<vmem>>, vector<16xf32>,
          %add3A_559 = arith.constant 16 : i32
          %add3A_560 = vector.broadcast %add3A_559 : i32 to vector<16xi32>
          %add3A_561 = arith.addi %add3A_560, %iota3A : vector<16xi32>
          tpu.vector_store_idx %arg12[%broadcast_in_dim3A_539, %add3A_561], %get3A_558 masked %gt3A_538 {add = true} : memref<512x128xf32, #tpu.memory_space<vmem>>[vector<16xi32>, vector<16xi32>], vector<16xf32>, vector<16xi1>
          %mul3A_562 = arith.constant 16 : i32
          %mul3A_563 = arith.muli %scan3A_124, %mul3A_562 : i32
          %add3A_564 = arith.addi %mul3A_100, %mul3A_563 : i32
          %add3A_565 = arith.constant 4 : i32
          %add3A_566 = arith.addi %add3A_564, %add3A_565 : i32
          %get3A_567 = arith.index_cast %add3A_566 : i32 to index
          %get3A_568 = arith.constant 32 : index
          %get3A_569 = tpu.vector_load %arg11[%get3A_567, %get3A_568] {strides = array<i32>} : memref<192x128xf32, #tpu.memory_space<vmem>>, vector<16xf32>,
          %add3A_570 = arith.constant 32 : i32
          %add3A_571 = vector.broadcast %add3A_570 : i32 to vector<16xi32>
          %add3A_572 = arith.addi %add3A_571, %iota3A : vector<16xi32>
          tpu.vector_store_idx %arg12[%broadcast_in_dim3A_539, %add3A_572], %get3A_569 masked %gt3A_538 {add = true} : memref<512x128xf32, #tpu.memory_space<vmem>>[vector<16xi32>, vector<16xi32>], vector<16xf32>, vector<16xi1>
          %mul3A_573 = arith.constant 16 : i32
          %mul3A_574 = arith.muli %scan3A_124, %mul3A_573 : i32
          %add3A_575 = arith.addi %mul3A_100, %mul3A_574 : i32
          %add3A_576 = arith.constant 4 : i32
          %add3A_577 = arith.addi %add3A_575, %add3A_576 : i32
          %get3A_578 = arith.index_cast %add3A_577 : i32 to index
          %get3A_579 = arith.constant 48 : index
          %get3A_580 = tpu.vector_load %arg11[%get3A_578, %get3A_579] {strides = array<i32>} : memref<192x128xf32, #tpu.memory_space<vmem>>, vector<16xf32>,
          %add3A_581 = arith.constant 48 : i32
          %add3A_582 = vector.broadcast %add3A_581 : i32 to vector<16xi32>
          %add3A_583 = arith.addi %add3A_582, %iota3A : vector<16xi32>
          tpu.vector_store_idx %arg12[%broadcast_in_dim3A_539, %add3A_583], %get3A_580 masked %gt3A_538 {add = true} : memref<512x128xf32, #tpu.memory_space<vmem>>[vector<16xi32>, vector<16xi32>], vector<16xf32>, vector<16xi1>
          %mul3A_584 = arith.constant 16 : i32
          %mul3A_585 = arith.muli %scan3A_124, %mul3A_584 : i32
          %add3A_586 = arith.addi %mul3A_100, %mul3A_585 : i32
          %add3A_587 = arith.constant 4 : i32
          %add3A_588 = arith.addi %add3A_586, %add3A_587 : i32
          %get3A_589 = arith.index_cast %add3A_588 : i32 to index
          %get3A_590 = arith.constant 64 : index
          %get3A_591 = tpu.vector_load %arg11[%get3A_589, %get3A_590] {strides = array<i32>} : memref<192x128xf32, #tpu.memory_space<vmem>>, vector<16xf32>,
          %add3A_592 = arith.constant 64 : i32
          %add3A_593 = vector.broadcast %add3A_592 : i32 to vector<16xi32>
          %add3A_594 = arith.addi %add3A_593, %iota3A : vector<16xi32>
          tpu.vector_store_idx %arg12[%broadcast_in_dim3A_539, %add3A_594], %get3A_591 masked %gt3A_538 {add = true} : memref<512x128xf32, #tpu.memory_space<vmem>>[vector<16xi32>, vector<16xi32>], vector<16xf32>, vector<16xi1>
          %mul3A_595 = arith.constant 16 : i32
          %mul3A_596 = arith.muli %scan3A_124, %mul3A_595 : i32
          %add3A_597 = arith.addi %mul3A_100, %mul3A_596 : i32
          %add3A_598 = arith.constant 4 : i32
          %add3A_599 = arith.addi %add3A_597, %add3A_598 : i32
          %get3A_600 = arith.index_cast %add3A_599 : i32 to index
          %get3A_601 = arith.constant 80 : index
          %get3A_602 = tpu.vector_load %arg11[%get3A_600, %get3A_601] {strides = array<i32>} : memref<192x128xf32, #tpu.memory_space<vmem>>, vector<16xf32>,
          %add3A_603 = arith.constant 80 : i32
          %add3A_604 = vector.broadcast %add3A_603 : i32 to vector<16xi32>
          %add3A_605 = arith.addi %add3A_604, %iota3A : vector<16xi32>
          tpu.vector_store_idx %arg12[%broadcast_in_dim3A_539, %add3A_605], %get3A_602 masked %gt3A_538 {add = true} : memref<512x128xf32, #tpu.memory_space<vmem>>[vector<16xi32>, vector<16xi32>], vector<16xf32>, vector<16xi1>
          %mul3A_606 = arith.constant 16 : i32
          %mul3A_607 = arith.muli %scan3A_124, %mul3A_606 : i32
          %add3A_608 = arith.addi %mul3A_100, %mul3A_607 : i32
          %add3A_609 = arith.constant 4 : i32
          %add3A_610 = arith.addi %add3A_608, %add3A_609 : i32
          %get3A_611 = arith.index_cast %add3A_610 : i32 to index
          %get3A_612 = arith.constant 96 : index
          %get3A_613 = tpu.vector_load %arg11[%get3A_611, %get3A_612] {strides = array<i32>} : memref<192x128xf32, #tpu.memory_space<vmem>>, vector<16xf32>,
          %add3A_614 = arith.constant 96 : i32
          %add3A_615 = vector.broadcast %add3A_614 : i32 to vector<16xi32>
          %add3A_616 = arith.addi %add3A_615, %iota3A : vector<16xi32>
          tpu.vector_store_idx %arg12[%broadcast_in_dim3A_539, %add3A_616], %get3A_613 masked %gt3A_538 {add = true} : memref<512x128xf32, #tpu.memory_space<vmem>>[vector<16xi32>, vector<16xi32>], vector<16xf32>, vector<16xi1>
          %mul3A_617 = arith.constant 16 : i32
          %mul3A_618 = arith.muli %scan3A_124, %mul3A_617 : i32
          %add3A_619 = arith.addi %mul3A_100, %mul3A_618 : i32
          %add3A_620 = arith.constant 4 : i32
          %add3A_621 = arith.addi %add3A_619, %add3A_620 : i32
          %get3A_622 = arith.index_cast %add3A_621 : i32 to index
          %get3A_623 = arith.constant 112 : index
          %get3A_624 = tpu.vector_load %arg11[%get3A_622, %get3A_623] {strides = array<i32>} : memref<192x128xf32, #tpu.memory_space<vmem>>, vector<16xf32>,
          %add3A_625 = arith.constant 112 : i32
          %add3A_626 = vector.broadcast %add3A_625 : i32 to vector<16xi32>
          %add3A_627 = arith.addi %add3A_626, %iota3A : vector<16xi32>
          tpu.vector_store_idx %arg12[%broadcast_in_dim3A_539, %add3A_627], %get3A_624 masked %gt3A_538 {add = true} : memref<512x128xf32, #tpu.memory_space<vmem>>[vector<16xi32>, vector<16xi32>], vector<16xf32>, vector<16xi1>
          %slice3A_628 = vector.extract_strided_slice %min3A_135 {offsets = [5], sizes = [1], strides = [1]} : vector<16xi32> to vector<1xi32>
          %squeeze3A_629 = vector.extract %slice3A_628[0] : i32 from vector<1xi32>
          %slice3A_630 = vector.extract_strided_slice %convert_element_type3A_142 {offsets = [5], sizes = [1], strides = [1]} : vector<16xi32> to vector<1xi32>
          %squeeze3A_631 = vector.extract %slice3A_630[0] : i32 from vector<1xi32>
          %broadcast_in_dim3A_632 = vector.broadcast %squeeze3A_631 : i32 to vector<16xi32>
          %gt3A_633 = arith.constant 0 : i32
          %gt3A_634 = vector.broadcast %gt3A_633 : i32 to vector<16xi32>
          %gt3A_635 = arith.cmpi sgt, %broadcast_in_dim3A_632, %gt3A_634 : vector<16xi32>
          %broadcast_in_dim3A_636 = vector.broadcast %squeeze3A_629 : i32 to vector<16xi32>
          %mul3A_637 = arith.constant 16 : i32
          %mul3A_638 = arith.muli %scan3A_124, %mul3A_637 : i32
          %add3A_639 = arith.addi %mul3A_100, %mul3A_638 : i32
          %add3A_640 = arith.constant 5 : i32
          %add3A_641 = arith.addi %add3A_639, %add3A_640 : i32
          %get3A_642 = arith.index_cast %add3A_641 : i32 to index
          %get3A_643 = arith.constant 0 : index
          %get3A_644 = tpu.vector_load %arg11[%get3A_642, %get3A_643] {strides = array<i32>} : memref<192x128xf32, #tpu.memory_space<vmem>>, vector<16xf32>,
          %add3A_645 = arith.constant 0 : i32
          %add3A_646 = vector.broadcast %add3A_645 : i32 to vector<16xi32>
          %add3A_647 = arith.addi %add3A_646, %iota3A : vector<16xi32>
          tpu.vector_store_idx %arg12[%broadcast_in_dim3A_636, %add3A_647], %get3A_644 masked %gt3A_635 {add = true} : memref<512x128xf32, #tpu.memory_space<vmem>>[vector<16xi32>, vector<16xi32>], vector<16xf32>, vector<16xi1>
          %mul3A_648 = arith.constant 16 : i32
          %mul3A_649 = arith.muli %scan3A_124, %mul3A_648 : i32
          %add3A_650 = arith.addi %mul3A_100, %mul3A_649 : i32
          %add3A_651 = arith.constant 5 : i32
          %add3A_652 = arith.addi %add3A_650, %add3A_651 : i32
          %get3A_653 = arith.index_cast %add3A_652 : i32 to index
          %get3A_654 = arith.constant 16 : index
          %get3A_655 = tpu.vector_load %arg11[%get3A_653, %get3A_654] {strides = array<i32>} : memref<192x128xf32, #tpu.memory_space<vmem>>, vector<16xf32>,
          %add3A_656 = arith.constant 16 : i32
          %add3A_657 = vector.broadcast %add3A_656 : i32 to vector<16xi32>
          %add3A_658 = arith.addi %add3A_657, %iota3A : vector<16xi32>
          tpu.vector_store_idx %arg12[%broadcast_in_dim3A_636, %add3A_658], %get3A_655 masked %gt3A_635 {add = true} : memref<512x128xf32, #tpu.memory_space<vmem>>[vector<16xi32>, vector<16xi32>], vector<16xf32>, vector<16xi1>
          %mul3A_659 = arith.constant 16 : i32
          %mul3A_660 = arith.muli %scan3A_124, %mul3A_659 : i32
          %add3A_661 = arith.addi %mul3A_100, %mul3A_660 : i32
          %add3A_662 = arith.constant 5 : i32
          %add3A_663 = arith.addi %add3A_661, %add3A_662 : i32
          %get3A_664 = arith.index_cast %add3A_663 : i32 to index
          %get3A_665 = arith.constant 32 : index
          %get3A_666 = tpu.vector_load %arg11[%get3A_664, %get3A_665] {strides = array<i32>} : memref<192x128xf32, #tpu.memory_space<vmem>>, vector<16xf32>,
          %add3A_667 = arith.constant 32 : i32
          %add3A_668 = vector.broadcast %add3A_667 : i32 to vector<16xi32>
          %add3A_669 = arith.addi %add3A_668, %iota3A : vector<16xi32>
          tpu.vector_store_idx %arg12[%broadcast_in_dim3A_636, %add3A_669], %get3A_666 masked %gt3A_635 {add = true} : memref<512x128xf32, #tpu.memory_space<vmem>>[vector<16xi32>, vector<16xi32>], vector<16xf32>, vector<16xi1>
          %mul3A_670 = arith.constant 16 : i32
          %mul3A_671 = arith.muli %scan3A_124, %mul3A_670 : i32
          %add3A_672 = arith.addi %mul3A_100, %mul3A_671 : i32
          %add3A_673 = arith.constant 5 : i32
          %add3A_674 = arith.addi %add3A_672, %add3A_673 : i32
          %get3A_675 = arith.index_cast %add3A_674 : i32 to index
          %get3A_676 = arith.constant 48 : index
          %get3A_677 = tpu.vector_load %arg11[%get3A_675, %get3A_676] {strides = array<i32>} : memref<192x128xf32, #tpu.memory_space<vmem>>, vector<16xf32>,
          %add3A_678 = arith.constant 48 : i32
          %add3A_679 = vector.broadcast %add3A_678 : i32 to vector<16xi32>
          %add3A_680 = arith.addi %add3A_679, %iota3A : vector<16xi32>
          tpu.vector_store_idx %arg12[%broadcast_in_dim3A_636, %add3A_680], %get3A_677 masked %gt3A_635 {add = true} : memref<512x128xf32, #tpu.memory_space<vmem>>[vector<16xi32>, vector<16xi32>], vector<16xf32>, vector<16xi1>
          %mul3A_681 = arith.constant 16 : i32
          %mul3A_682 = arith.muli %scan3A_124, %mul3A_681 : i32
          %add3A_683 = arith.addi %mul3A_100, %mul3A_682 : i32
          %add3A_684 = arith.constant 5 : i32
          %add3A_685 = arith.addi %add3A_683, %add3A_684 : i32
          %get3A_686 = arith.index_cast %add3A_685 : i32 to index
          %get3A_687 = arith.constant 64 : index
          %get3A_688 = tpu.vector_load %arg11[%get3A_686, %get3A_687] {strides = array<i32>} : memref<192x128xf32, #tpu.memory_space<vmem>>, vector<16xf32>,
          %add3A_689 = arith.constant 64 : i32
          %add3A_690 = vector.broadcast %add3A_689 : i32 to vector<16xi32>
          %add3A_691 = arith.addi %add3A_690, %iota3A : vector<16xi32>
          tpu.vector_store_idx %arg12[%broadcast_in_dim3A_636, %add3A_691], %get3A_688 masked %gt3A_635 {add = true} : memref<512x128xf32, #tpu.memory_space<vmem>>[vector<16xi32>, vector<16xi32>], vector<16xf32>, vector<16xi1>
          %mul3A_692 = arith.constant 16 : i32
          %mul3A_693 = arith.muli %scan3A_124, %mul3A_692 : i32
          %add3A_694 = arith.addi %mul3A_100, %mul3A_693 : i32
          %add3A_695 = arith.constant 5 : i32
          %add3A_696 = arith.addi %add3A_694, %add3A_695 : i32
          %get3A_697 = arith.index_cast %add3A_696 : i32 to index
          %get3A_698 = arith.constant 80 : index
          %get3A_699 = tpu.vector_load %arg11[%get3A_697, %get3A_698] {strides = array<i32>} : memref<192x128xf32, #tpu.memory_space<vmem>>, vector<16xf32>,
          %add3A_700 = arith.constant 80 : i32
          %add3A_701 = vector.broadcast %add3A_700 : i32 to vector<16xi32>
          %add3A_702 = arith.addi %add3A_701, %iota3A : vector<16xi32>
          tpu.vector_store_idx %arg12[%broadcast_in_dim3A_636, %add3A_702], %get3A_699 masked %gt3A_635 {add = true} : memref<512x128xf32, #tpu.memory_space<vmem>>[vector<16xi32>, vector<16xi32>], vector<16xf32>, vector<16xi1>
          %mul3A_703 = arith.constant 16 : i32
          %mul3A_704 = arith.muli %scan3A_124, %mul3A_703 : i32
          %add3A_705 = arith.addi %mul3A_100, %mul3A_704 : i32
          %add3A_706 = arith.constant 5 : i32
          %add3A_707 = arith.addi %add3A_705, %add3A_706 : i32
          %get3A_708 = arith.index_cast %add3A_707 : i32 to index
          %get3A_709 = arith.constant 96 : index
          %get3A_710 = tpu.vector_load %arg11[%get3A_708, %get3A_709] {strides = array<i32>} : memref<192x128xf32, #tpu.memory_space<vmem>>, vector<16xf32>,
          %add3A_711 = arith.constant 96 : i32
          %add3A_712 = vector.broadcast %add3A_711 : i32 to vector<16xi32>
          %add3A_713 = arith.addi %add3A_712, %iota3A : vector<16xi32>
          tpu.vector_store_idx %arg12[%broadcast_in_dim3A_636, %add3A_713], %get3A_710 masked %gt3A_635 {add = true} : memref<512x128xf32, #tpu.memory_space<vmem>>[vector<16xi32>, vector<16xi32>], vector<16xf32>, vector<16xi1>
          %mul3A_714 = arith.constant 16 : i32
          %mul3A_715 = arith.muli %scan3A_124, %mul3A_714 : i32
          %add3A_716 = arith.addi %mul3A_100, %mul3A_715 : i32
          %add3A_717 = arith.constant 5 : i32
          %add3A_718 = arith.addi %add3A_716, %add3A_717 : i32
          %get3A_719 = arith.index_cast %add3A_718 : i32 to index
          %get3A_720 = arith.constant 112 : index
          %get3A_721 = tpu.vector_load %arg11[%get3A_719, %get3A_720] {strides = array<i32>} : memref<192x128xf32, #tpu.memory_space<vmem>>, vector<16xf32>,
          %add3A_722 = arith.constant 112 : i32
          %add3A_723 = vector.broadcast %add3A_722 : i32 to vector<16xi32>
          %add3A_724 = arith.addi %add3A_723, %iota3A : vector<16xi32>
          tpu.vector_store_idx %arg12[%broadcast_in_dim3A_636, %add3A_724], %get3A_721 masked %gt3A_635 {add = true} : memref<512x128xf32, #tpu.memory_space<vmem>>[vector<16xi32>, vector<16xi32>], vector<16xf32>, vector<16xi1>
          %slice3A_725 = vector.extract_strided_slice %min3A_135 {offsets = [6], sizes = [1], strides = [1]} : vector<16xi32> to vector<1xi32>
          %squeeze3A_726 = vector.extract %slice3A_725[0] : i32 from vector<1xi32>
          %slice3A_727 = vector.extract_strided_slice %convert_element_type3A_142 {offsets = [6], sizes = [1], strides = [1]} : vector<16xi32> to vector<1xi32>
          %squeeze3A_728 = vector.extract %slice3A_727[0] : i32 from vector<1xi32>
          %broadcast_in_dim3A_729 = vector.broadcast %squeeze3A_728 : i32 to vector<16xi32>
          %gt3A_730 = arith.constant 0 : i32
          %gt3A_731 = vector.broadcast %gt3A_730 : i32 to vector<16xi32>
          %gt3A_732 = arith.cmpi sgt, %broadcast_in_dim3A_729, %gt3A_731 : vector<16xi32>
          %broadcast_in_dim3A_733 = vector.broadcast %squeeze3A_726 : i32 to vector<16xi32>
          %mul3A_734 = arith.constant 16 : i32
          %mul3A_735 = arith.muli %scan3A_124, %mul3A_734 : i32
          %add3A_736 = arith.addi %mul3A_100, %mul3A_735 : i32
          %add3A_737 = arith.constant 6 : i32
          %add3A_738 = arith.addi %add3A_736, %add3A_737 : i32
          %get3A_739 = arith.index_cast %add3A_738 : i32 to index
          %get3A_740 = arith.constant 0 : index
          %get3A_741 = tpu.vector_load %arg11[%get3A_739, %get3A_740] {strides = array<i32>} : memref<192x128xf32, #tpu.memory_space<vmem>>, vector<16xf32>,
          %add3A_742 = arith.constant 0 : i32
          %add3A_743 = vector.broadcast %add3A_742 : i32 to vector<16xi32>
          %add3A_744 = arith.addi %add3A_743, %iota3A : vector<16xi32>
          tpu.vector_store_idx %arg12[%broadcast_in_dim3A_733, %add3A_744], %get3A_741 masked %gt3A_732 {add = true} : memref<512x128xf32, #tpu.memory_space<vmem>>[vector<16xi32>, vector<16xi32>], vector<16xf32>, vector<16xi1>
          %mul3A_745 = arith.constant 16 : i32
          %mul3A_746 = arith.muli %scan3A_124, %mul3A_745 : i32
          %add3A_747 = arith.addi %mul3A_100, %mul3A_746 : i32
          %add3A_748 = arith.constant 6 : i32
          %add3A_749 = arith.addi %add3A_747, %add3A_748 : i32
          %get3A_750 = arith.index_cast %add3A_749 : i32 to index
          %get3A_751 = arith.constant 16 : index
          %get3A_752 = tpu.vector_load %arg11[%get3A_750, %get3A_751] {strides = array<i32>} : memref<192x128xf32, #tpu.memory_space<vmem>>, vector<16xf32>,
          %add3A_753 = arith.constant 16 : i32
          %add3A_754 = vector.broadcast %add3A_753 : i32 to vector<16xi32>
          %add3A_755 = arith.addi %add3A_754, %iota3A : vector<16xi32>
          tpu.vector_store_idx %arg12[%broadcast_in_dim3A_733, %add3A_755], %get3A_752 masked %gt3A_732 {add = true} : memref<512x128xf32, #tpu.memory_space<vmem>>[vector<16xi32>, vector<16xi32>], vector<16xf32>, vector<16xi1>
          %mul3A_756 = arith.constant 16 : i32
          %mul3A_757 = arith.muli %scan3A_124, %mul3A_756 : i32
          %add3A_758 = arith.addi %mul3A_100, %mul3A_757 : i32
          %add3A_759 = arith.constant 6 : i32
          %add3A_760 = arith.addi %add3A_758, %add3A_759 : i32
          %get3A_761 = arith.index_cast %add3A_760 : i32 to index
          %get3A_762 = arith.constant 32 : index
          %get3A_763 = tpu.vector_load %arg11[%get3A_761, %get3A_762] {strides = array<i32>} : memref<192x128xf32, #tpu.memory_space<vmem>>, vector<16xf32>,
          %add3A_764 = arith.constant 32 : i32
          %add3A_765 = vector.broadcast %add3A_764 : i32 to vector<16xi32>
          %add3A_766 = arith.addi %add3A_765, %iota3A : vector<16xi32>
          tpu.vector_store_idx %arg12[%broadcast_in_dim3A_733, %add3A_766], %get3A_763 masked %gt3A_732 {add = true} : memref<512x128xf32, #tpu.memory_space<vmem>>[vector<16xi32>, vector<16xi32>], vector<16xf32>, vector<16xi1>
          %mul3A_767 = arith.constant 16 : i32
          %mul3A_768 = arith.muli %scan3A_124, %mul3A_767 : i32
          %add3A_769 = arith.addi %mul3A_100, %mul3A_768 : i32
          %add3A_770 = arith.constant 6 : i32
          %add3A_771 = arith.addi %add3A_769, %add3A_770 : i32
          %get3A_772 = arith.index_cast %add3A_771 : i32 to index
          %get3A_773 = arith.constant 48 : index
          %get3A_774 = tpu.vector_load %arg11[%get3A_772, %get3A_773] {strides = array<i32>} : memref<192x128xf32, #tpu.memory_space<vmem>>, vector<16xf32>,
          %add3A_775 = arith.constant 48 : i32
          %add3A_776 = vector.broadcast %add3A_775 : i32 to vector<16xi32>
          %add3A_777 = arith.addi %add3A_776, %iota3A : vector<16xi32>
          tpu.vector_store_idx %arg12[%broadcast_in_dim3A_733, %add3A_777], %get3A_774 masked %gt3A_732 {add = true} : memref<512x128xf32, #tpu.memory_space<vmem>>[vector<16xi32>, vector<16xi32>], vector<16xf32>, vector<16xi1>
          %mul3A_778 = arith.constant 16 : i32
          %mul3A_779 = arith.muli %scan3A_124, %mul3A_778 : i32
          %add3A_780 = arith.addi %mul3A_100, %mul3A_779 : i32
          %add3A_781 = arith.constant 6 : i32
          %add3A_782 = arith.addi %add3A_780, %add3A_781 : i32
          %get3A_783 = arith.index_cast %add3A_782 : i32 to index
          %get3A_784 = arith.constant 64 : index
          %get3A_785 = tpu.vector_load %arg11[%get3A_783, %get3A_784] {strides = array<i32>} : memref<192x128xf32, #tpu.memory_space<vmem>>, vector<16xf32>,
          %add3A_786 = arith.constant 64 : i32
          %add3A_787 = vector.broadcast %add3A_786 : i32 to vector<16xi32>
          %add3A_788 = arith.addi %add3A_787, %iota3A : vector<16xi32>
          tpu.vector_store_idx %arg12[%broadcast_in_dim3A_733, %add3A_788], %get3A_785 masked %gt3A_732 {add = true} : memref<512x128xf32, #tpu.memory_space<vmem>>[vector<16xi32>, vector<16xi32>], vector<16xf32>, vector<16xi1>
          %mul3A_789 = arith.constant 16 : i32
          %mul3A_790 = arith.muli %scan3A_124, %mul3A_789 : i32
          %add3A_791 = arith.addi %mul3A_100, %mul3A_790 : i32
          %add3A_792 = arith.constant 6 : i32
          %add3A_793 = arith.addi %add3A_791, %add3A_792 : i32
          %get3A_794 = arith.index_cast %add3A_793 : i32 to index
          %get3A_795 = arith.constant 80 : index
          %get3A_796 = tpu.vector_load %arg11[%get3A_794, %get3A_795] {strides = array<i32>} : memref<192x128xf32, #tpu.memory_space<vmem>>, vector<16xf32>,
          %add3A_797 = arith.constant 80 : i32
          %add3A_798 = vector.broadcast %add3A_797 : i32 to vector<16xi32>
          %add3A_799 = arith.addi %add3A_798, %iota3A : vector<16xi32>
          tpu.vector_store_idx %arg12[%broadcast_in_dim3A_733, %add3A_799], %get3A_796 masked %gt3A_732 {add = true} : memref<512x128xf32, #tpu.memory_space<vmem>>[vector<16xi32>, vector<16xi32>], vector<16xf32>, vector<16xi1>
          %mul3A_800 = arith.constant 16 : i32
          %mul3A_801 = arith.muli %scan3A_124, %mul3A_800 : i32
          %add3A_802 = arith.addi %mul3A_100, %mul3A_801 : i32
          %add3A_803 = arith.constant 6 : i32
          %add3A_804 = arith.addi %add3A_802, %add3A_803 : i32
          %get3A_805 = arith.index_cast %add3A_804 : i32 to index
          %get3A_806 = arith.constant 96 : index
          %get3A_807 = tpu.vector_load %arg11[%get3A_805, %get3A_806] {strides = array<i32>} : memref<192x128xf32, #tpu.memory_space<vmem>>, vector<16xf32>,
          %add3A_808 = arith.constant 96 : i32
          %add3A_809 = vector.broadcast %add3A_808 : i32 to vector<16xi32>
          %add3A_810 = arith.addi %add3A_809, %iota3A : vector<16xi32>
          tpu.vector_store_idx %arg12[%broadcast_in_dim3A_733, %add3A_810], %get3A_807 masked %gt3A_732 {add = true} : memref<512x128xf32, #tpu.memory_space<vmem>>[vector<16xi32>, vector<16xi32>], vector<16xf32>, vector<16xi1>
          %mul3A_811 = arith.constant 16 : i32
          %mul3A_812 = arith.muli %scan3A_124, %mul3A_811 : i32
          %add3A_813 = arith.addi %mul3A_100, %mul3A_812 : i32
          %add3A_814 = arith.constant 6 : i32
          %add3A_815 = arith.addi %add3A_813, %add3A_814 : i32
          %get3A_816 = arith.index_cast %add3A_815 : i32 to index
          %get3A_817 = arith.constant 112 : index
          %get3A_818 = tpu.vector_load %arg11[%get3A_816, %get3A_817] {strides = array<i32>} : memref<192x128xf32, #tpu.memory_space<vmem>>, vector<16xf32>,
          %add3A_819 = arith.constant 112 : i32
          %add3A_820 = vector.broadcast %add3A_819 : i32 to vector<16xi32>
          %add3A_821 = arith.addi %add3A_820, %iota3A : vector<16xi32>
          tpu.vector_store_idx %arg12[%broadcast_in_dim3A_733, %add3A_821], %get3A_818 masked %gt3A_732 {add = true} : memref<512x128xf32, #tpu.memory_space<vmem>>[vector<16xi32>, vector<16xi32>], vector<16xf32>, vector<16xi1>
          %slice3A_822 = vector.extract_strided_slice %min3A_135 {offsets = [7], sizes = [1], strides = [1]} : vector<16xi32> to vector<1xi32>
          %squeeze3A_823 = vector.extract %slice3A_822[0] : i32 from vector<1xi32>
          %slice3A_824 = vector.extract_strided_slice %convert_element_type3A_142 {offsets = [7], sizes = [1], strides = [1]} : vector<16xi32> to vector<1xi32>
          %squeeze3A_825 = vector.extract %slice3A_824[0] : i32 from vector<1xi32>
          %broadcast_in_dim3A_826 = vector.broadcast %squeeze3A_825 : i32 to vector<16xi32>
          %gt3A_827 = arith.constant 0 : i32
          %gt3A_828 = vector.broadcast %gt3A_827 : i32 to vector<16xi32>
          %gt3A_829 = arith.cmpi sgt, %broadcast_in_dim3A_826, %gt3A_828 : vector<16xi32>
          %broadcast_in_dim3A_830 = vector.broadcast %squeeze3A_823 : i32 to vector<16xi32>
          %mul3A_831 = arith.constant 16 : i32
          %mul3A_832 = arith.muli %scan3A_124, %mul3A_831 : i32
          %add3A_833 = arith.addi %mul3A_100, %mul3A_832 : i32
          %add3A_834 = arith.constant 7 : i32
          %add3A_835 = arith.addi %add3A_833, %add3A_834 : i32
          %get3A_836 = arith.index_cast %add3A_835 : i32 to index
          %get3A_837 = arith.constant 0 : index
          %get3A_838 = tpu.vector_load %arg11[%get3A_836, %get3A_837] {strides = array<i32>} : memref<192x128xf32, #tpu.memory_space<vmem>>, vector<16xf32>,
          %add3A_839 = arith.constant 0 : i32
          %add3A_840 = vector.broadcast %add3A_839 : i32 to vector<16xi32>
          %add3A_841 = arith.addi %add3A_840, %iota3A : vector<16xi32>
          tpu.vector_store_idx %arg12[%broadcast_in_dim3A_830, %add3A_841], %get3A_838 masked %gt3A_829 {add = true} : memref<512x128xf32, #tpu.memory_space<vmem>>[vector<16xi32>, vector<16xi32>], vector<16xf32>, vector<16xi1>
          %mul3A_842 = arith.constant 16 : i32
          %mul3A_843 = arith.muli %scan3A_124, %mul3A_842 : i32
          %add3A_844 = arith.addi %mul3A_100, %mul3A_843 : i32
          %add3A_845 = arith.constant 7 : i32
          %add3A_846 = arith.addi %add3A_844, %add3A_845 : i32
          %get3A_847 = arith.index_cast %add3A_846 : i32 to index
          %get3A_848 = arith.constant 16 : index
          %get3A_849 = tpu.vector_load %arg11[%get3A_847, %get3A_848] {strides = array<i32>} : memref<192x128xf32, #tpu.memory_space<vmem>>, vector<16xf32>,
          %add3A_850 = arith.constant 16 : i32
          %add3A_851 = vector.broadcast %add3A_850 : i32 to vector<16xi32>
          %add3A_852 = arith.addi %add3A_851, %iota3A : vector<16xi32>
          tpu.vector_store_idx %arg12[%broadcast_in_dim3A_830, %add3A_852], %get3A_849 masked %gt3A_829 {add = true} : memref<512x128xf32, #tpu.memory_space<vmem>>[vector<16xi32>, vector<16xi32>], vector<16xf32>, vector<16xi1>
          %mul3A_853 = arith.constant 16 : i32
          %mul3A_854 = arith.muli %scan3A_124, %mul3A_853 : i32
          %add3A_855 = arith.addi %mul3A_100, %mul3A_854 : i32
          %add3A_856 = arith.constant 7 : i32
          %add3A_857 = arith.addi %add3A_855, %add3A_856 : i32
          %get3A_858 = arith.index_cast %add3A_857 : i32 to index
          %get3A_859 = arith.constant 32 : index
          %get3A_860 = tpu.vector_load %arg11[%get3A_858, %get3A_859] {strides = array<i32>} : memref<192x128xf32, #tpu.memory_space<vmem>>, vector<16xf32>,
          %add3A_861 = arith.constant 32 : i32
          %add3A_862 = vector.broadcast %add3A_861 : i32 to vector<16xi32>
          %add3A_863 = arith.addi %add3A_862, %iota3A : vector<16xi32>
          tpu.vector_store_idx %arg12[%broadcast_in_dim3A_830, %add3A_863], %get3A_860 masked %gt3A_829 {add = true} : memref<512x128xf32, #tpu.memory_space<vmem>>[vector<16xi32>, vector<16xi32>], vector<16xf32>, vector<16xi1>
          %mul3A_864 = arith.constant 16 : i32
          %mul3A_865 = arith.muli %scan3A_124, %mul3A_864 : i32
          %add3A_866 = arith.addi %mul3A_100, %mul3A_865 : i32
          %add3A_867 = arith.constant 7 : i32
          %add3A_868 = arith.addi %add3A_866, %add3A_867 : i32
          %get3A_869 = arith.index_cast %add3A_868 : i32 to index
          %get3A_870 = arith.constant 48 : index
          %get3A_871 = tpu.vector_load %arg11[%get3A_869, %get3A_870] {strides = array<i32>} : memref<192x128xf32, #tpu.memory_space<vmem>>, vector<16xf32>,
          %add3A_872 = arith.constant 48 : i32
          %add3A_873 = vector.broadcast %add3A_872 : i32 to vector<16xi32>
          %add3A_874 = arith.addi %add3A_873, %iota3A : vector<16xi32>
          tpu.vector_store_idx %arg12[%broadcast_in_dim3A_830, %add3A_874], %get3A_871 masked %gt3A_829 {add = true} : memref<512x128xf32, #tpu.memory_space<vmem>>[vector<16xi32>, vector<16xi32>], vector<16xf32>, vector<16xi1>
          %mul3A_875 = arith.constant 16 : i32
          %mul3A_876 = arith.muli %scan3A_124, %mul3A_875 : i32
          %add3A_877 = arith.addi %mul3A_100, %mul3A_876 : i32
          %add3A_878 = arith.constant 7 : i32
          %add3A_879 = arith.addi %add3A_877, %add3A_878 : i32
          %get3A_880 = arith.index_cast %add3A_879 : i32 to index
          %get3A_881 = arith.constant 64 : index
          %get3A_882 = tpu.vector_load %arg11[%get3A_880, %get3A_881] {strides = array<i32>} : memref<192x128xf32, #tpu.memory_space<vmem>>, vector<16xf32>,
          %add3A_883 = arith.constant 64 : i32
          %add3A_884 = vector.broadcast %add3A_883 : i32 to vector<16xi32>
          %add3A_885 = arith.addi %add3A_884, %iota3A : vector<16xi32>
          tpu.vector_store_idx %arg12[%broadcast_in_dim3A_830, %add3A_885], %get3A_882 masked %gt3A_829 {add = true} : memref<512x128xf32, #tpu.memory_space<vmem>>[vector<16xi32>, vector<16xi32>], vector<16xf32>, vector<16xi1>
          %mul3A_886 = arith.constant 16 : i32
          %mul3A_887 = arith.muli %scan3A_124, %mul3A_886 : i32
          %add3A_888 = arith.addi %mul3A_100, %mul3A_887 : i32
          %add3A_889 = arith.constant 7 : i32
          %add3A_890 = arith.addi %add3A_888, %add3A_889 : i32
          %get3A_891 = arith.index_cast %add3A_890 : i32 to index
          %get3A_892 = arith.constant 80 : index
          %get3A_893 = tpu.vector_load %arg11[%get3A_891, %get3A_892] {strides = array<i32>} : memref<192x128xf32, #tpu.memory_space<vmem>>, vector<16xf32>,
          %add3A_894 = arith.constant 80 : i32
          %add3A_895 = vector.broadcast %add3A_894 : i32 to vector<16xi32>
          %add3A_896 = arith.addi %add3A_895, %iota3A : vector<16xi32>
          tpu.vector_store_idx %arg12[%broadcast_in_dim3A_830, %add3A_896], %get3A_893 masked %gt3A_829 {add = true} : memref<512x128xf32, #tpu.memory_space<vmem>>[vector<16xi32>, vector<16xi32>], vector<16xf32>, vector<16xi1>
          %mul3A_897 = arith.constant 16 : i32
          %mul3A_898 = arith.muli %scan3A_124, %mul3A_897 : i32
          %add3A_899 = arith.addi %mul3A_100, %mul3A_898 : i32
          %add3A_900 = arith.constant 7 : i32
          %add3A_901 = arith.addi %add3A_899, %add3A_900 : i32
          %get3A_902 = arith.index_cast %add3A_901 : i32 to index
          %get3A_903 = arith.constant 96 : index
          %get3A_904 = tpu.vector_load %arg11[%get3A_902, %get3A_903] {strides = array<i32>} : memref<192x128xf32, #tpu.memory_space<vmem>>, vector<16xf32>,
          %add3A_905 = arith.constant 96 : i32
          %add3A_906 = vector.broadcast %add3A_905 : i32 to vector<16xi32>
          %add3A_907 = arith.addi %add3A_906, %iota3A : vector<16xi32>
          tpu.vector_store_idx %arg12[%broadcast_in_dim3A_830, %add3A_907], %get3A_904 masked %gt3A_829 {add = true} : memref<512x128xf32, #tpu.memory_space<vmem>>[vector<16xi32>, vector<16xi32>], vector<16xf32>, vector<16xi1>
          %mul3A_908 = arith.constant 16 : i32
          %mul3A_909 = arith.muli %scan3A_124, %mul3A_908 : i32
          %add3A_910 = arith.addi %mul3A_100, %mul3A_909 : i32
          %add3A_911 = arith.constant 7 : i32
          %add3A_912 = arith.addi %add3A_910, %add3A_911 : i32
          %get3A_913 = arith.index_cast %add3A_912 : i32 to index
          %get3A_914 = arith.constant 112 : index
          %get3A_915 = tpu.vector_load %arg11[%get3A_913, %get3A_914] {strides = array<i32>} : memref<192x128xf32, #tpu.memory_space<vmem>>, vector<16xf32>,
          %add3A_916 = arith.constant 112 : i32
          %add3A_917 = vector.broadcast %add3A_916 : i32 to vector<16xi32>
          %add3A_918 = arith.addi %add3A_917, %iota3A : vector<16xi32>
          tpu.vector_store_idx %arg12[%broadcast_in_dim3A_830, %add3A_918], %get3A_915 masked %gt3A_829 {add = true} : memref<512x128xf32, #tpu.memory_space<vmem>>[vector<16xi32>, vector<16xi32>], vector<16xf32>, vector<16xi1>
          %slice3A_919 = vector.extract_strided_slice %min3A_135 {offsets = [8], sizes = [1], strides = [1]} : vector<16xi32> to vector<1xi32>
          %squeeze3A_920 = vector.extract %slice3A_919[0] : i32 from vector<1xi32>
          %slice3A_921 = vector.extract_strided_slice %convert_element_type3A_142 {offsets = [8], sizes = [1], strides = [1]} : vector<16xi32> to vector<1xi32>
          %squeeze3A_922 = vector.extract %slice3A_921[0] : i32 from vector<1xi32>
          %broadcast_in_dim3A_923 = vector.broadcast %squeeze3A_922 : i32 to vector<16xi32>
          %gt3A_924 = arith.constant 0 : i32
          %gt3A_925 = vector.broadcast %gt3A_924 : i32 to vector<16xi32>
          %gt3A_926 = arith.cmpi sgt, %broadcast_in_dim3A_923, %gt3A_925 : vector<16xi32>
          %broadcast_in_dim3A_927 = vector.broadcast %squeeze3A_920 : i32 to vector<16xi32>
          %mul3A_928 = arith.constant 16 : i32
          %mul3A_929 = arith.muli %scan3A_124, %mul3A_928 : i32
          %add3A_930 = arith.addi %mul3A_100, %mul3A_929 : i32
          %add3A_931 = arith.constant 8 : i32
          %add3A_932 = arith.addi %add3A_930, %add3A_931 : i32
          %get3A_933 = arith.index_cast %add3A_932 : i32 to index
          %get3A_934 = arith.constant 0 : index
          %get3A_935 = tpu.vector_load %arg11[%get3A_933, %get3A_934] {strides = array<i32>} : memref<192x128xf32, #tpu.memory_space<vmem>>, vector<16xf32>,
          %add3A_936 = arith.constant 0 : i32
          %add3A_937 = vector.broadcast %add3A_936 : i32 to vector<16xi32>
          %add3A_938 = arith.addi %add3A_937, %iota3A : vector<16xi32>
          tpu.vector_store_idx %arg12[%broadcast_in_dim3A_927, %add3A_938], %get3A_935 masked %gt3A_926 {add = true} : memref<512x128xf32, #tpu.memory_space<vmem>>[vector<16xi32>, vector<16xi32>], vector<16xf32>, vector<16xi1>
          %mul3A_939 = arith.constant 16 : i32
          %mul3A_940 = arith.muli %scan3A_124, %mul3A_939 : i32
          %add3A_941 = arith.addi %mul3A_100, %mul3A_940 : i32
          %add3A_942 = arith.constant 8 : i32
          %add3A_943 = arith.addi %add3A_941, %add3A_942 : i32
          %get3A_944 = arith.index_cast %add3A_943 : i32 to index
          %get3A_945 = arith.constant 16 : index
          %get3A_946 = tpu.vector_load %arg11[%get3A_944, %get3A_945] {strides = array<i32>} : memref<192x128xf32, #tpu.memory_space<vmem>>, vector<16xf32>,
          %add3A_947 = arith.constant 16 : i32
          %add3A_948 = vector.broadcast %add3A_947 : i32 to vector<16xi32>
          %add3A_949 = arith.addi %add3A_948, %iota3A : vector<16xi32>
          tpu.vector_store_idx %arg12[%broadcast_in_dim3A_927, %add3A_949], %get3A_946 masked %gt3A_926 {add = true} : memref<512x128xf32, #tpu.memory_space<vmem>>[vector<16xi32>, vector<16xi32>], vector<16xf32>, vector<16xi1>
          %mul3A_950 = arith.constant 16 : i32
          %mul3A_951 = arith.muli %scan3A_124, %mul3A_950 : i32
          %add3A_952 = arith.addi %mul3A_100, %mul3A_951 : i32
          %add3A_953 = arith.constant 8 : i32
          %add3A_954 = arith.addi %add3A_952, %add3A_953 : i32
          %get3A_955 = arith.index_cast %add3A_954 : i32 to index
          %get3A_956 = arith.constant 32 : index
          %get3A_957 = tpu.vector_load %arg11[%get3A_955, %get3A_956] {strides = array<i32>} : memref<192x128xf32, #tpu.memory_space<vmem>>, vector<16xf32>,
          %add3A_958 = arith.constant 32 : i32
          %add3A_959 = vector.broadcast %add3A_958 : i32 to vector<16xi32>
          %add3A_960 = arith.addi %add3A_959, %iota3A : vector<16xi32>
          tpu.vector_store_idx %arg12[%broadcast_in_dim3A_927, %add3A_960], %get3A_957 masked %gt3A_926 {add = true} : memref<512x128xf32, #tpu.memory_space<vmem>>[vector<16xi32>, vector<16xi32>], vector<16xf32>, vector<16xi1>
          %mul3A_961 = arith.constant 16 : i32
          %mul3A_962 = arith.muli %scan3A_124, %mul3A_961 : i32
          %add3A_963 = arith.addi %mul3A_100, %mul3A_962 : i32
          %add3A_964 = arith.constant 8 : i32
          %add3A_965 = arith.addi %add3A_963, %add3A_964 : i32
          %get3A_966 = arith.index_cast %add3A_965 : i32 to index
          %get3A_967 = arith.constant 48 : index
          %get3A_968 = tpu.vector_load %arg11[%get3A_966, %get3A_967] {strides = array<i32>} : memref<192x128xf32, #tpu.memory_space<vmem>>, vector<16xf32>,
          %add3A_969 = arith.constant 48 : i32
          %add3A_970 = vector.broadcast %add3A_969 : i32 to vector<16xi32>
          %add3A_971 = arith.addi %add3A_970, %iota3A : vector<16xi32>
          tpu.vector_store_idx %arg12[%broadcast_in_dim3A_927, %add3A_971], %get3A_968 masked %gt3A_926 {add = true} : memref<512x128xf32, #tpu.memory_space<vmem>>[vector<16xi32>, vector<16xi32>], vector<16xf32>, vector<16xi1>
          %mul3A_972 = arith.constant 16 : i32
          %mul3A_973 = arith.muli %scan3A_124, %mul3A_972 : i32
          %add3A_974 = arith.addi %mul3A_100, %mul3A_973 : i32
          %add3A_975 = arith.constant 8 : i32
          %add3A_976 = arith.addi %add3A_974, %add3A_975 : i32
          %get3A_977 = arith.index_cast %add3A_976 : i32 to index
          %get3A_978 = arith.constant 64 : index
          %get3A_979 = tpu.vector_load %arg11[%get3A_977, %get3A_978] {strides = array<i32>} : memref<192x128xf32, #tpu.memory_space<vmem>>, vector<16xf32>,
          %add3A_980 = arith.constant 64 : i32
          %add3A_981 = vector.broadcast %add3A_980 : i32 to vector<16xi32>
          %add3A_982 = arith.addi %add3A_981, %iota3A : vector<16xi32>
          tpu.vector_store_idx %arg12[%broadcast_in_dim3A_927, %add3A_982], %get3A_979 masked %gt3A_926 {add = true} : memref<512x128xf32, #tpu.memory_space<vmem>>[vector<16xi32>, vector<16xi32>], vector<16xf32>, vector<16xi1>
          %mul3A_983 = arith.constant 16 : i32
          %mul3A_984 = arith.muli %scan3A_124, %mul3A_983 : i32
          %add3A_985 = arith.addi %mul3A_100, %mul3A_984 : i32
          %add3A_986 = arith.constant 8 : i32
          %add3A_987 = arith.addi %add3A_985, %add3A_986 : i32
          %get3A_988 = arith.index_cast %add3A_987 : i32 to index
          %get3A_989 = arith.constant 80 : index
          %get3A_990 = tpu.vector_load %arg11[%get3A_988, %get3A_989] {strides = array<i32>} : memref<192x128xf32, #tpu.memory_space<vmem>>, vector<16xf32>,
          %add3A_991 = arith.constant 80 : i32
          %add3A_992 = vector.broadcast %add3A_991 : i32 to vector<16xi32>
          %add3A_993 = arith.addi %add3A_992, %iota3A : vector<16xi32>
          tpu.vector_store_idx %arg12[%broadcast_in_dim3A_927, %add3A_993], %get3A_990 masked %gt3A_926 {add = true} : memref<512x128xf32, #tpu.memory_space<vmem>>[vector<16xi32>, vector<16xi32>], vector<16xf32>, vector<16xi1>
          %mul3A_994 = arith.constant 16 : i32
          %mul3A_995 = arith.muli %scan3A_124, %mul3A_994 : i32
          %add3A_996 = arith.addi %mul3A_100, %mul3A_995 : i32
          %add3A_997 = arith.constant 8 : i32
          %add3A_998 = arith.addi %add3A_996, %add3A_997 : i32
          %get3A_999 = arith.index_cast %add3A_998 : i32 to index
          %get3A_1000 = arith.constant 96 : index
          %get3A_1001 = tpu.vector_load %arg11[%get3A_999, %get3A_1000] {strides = array<i32>} : memref<192x128xf32, #tpu.memory_space<vmem>>, vector<16xf32>,
          %add3A_1002 = arith.constant 96 : i32
          %add3A_1003 = vector.broadcast %add3A_1002 : i32 to vector<16xi32>
          %add3A_1004 = arith.addi %add3A_1003, %iota3A : vector<16xi32>
          tpu.vector_store_idx %arg12[%broadcast_in_dim3A_927, %add3A_1004], %get3A_1001 masked %gt3A_926 {add = true} : memref<512x128xf32, #tpu.memory_space<vmem>>[vector<16xi32>, vector<16xi32>], vector<16xf32>, vector<16xi1>
          %mul3A_1005 = arith.constant 16 : i32
          %mul3A_1006 = arith.muli %scan3A_124, %mul3A_1005 : i32
          %add3A_1007 = arith.addi %mul3A_100, %mul3A_1006 : i32
          %add3A_1008 = arith.constant 8 : i32
          %add3A_1009 = arith.addi %add3A_1007, %add3A_1008 : i32
          %get3A_1010 = arith.index_cast %add3A_1009 : i32 to index
          %get3A_1011 = arith.constant 112 : index
          %get3A_1012 = tpu.vector_load %arg11[%get3A_1010, %get3A_1011] {strides = array<i32>} : memref<192x128xf32, #tpu.memory_space<vmem>>, vector<16xf32>,
          %add3A_1013 = arith.constant 112 : i32
          %add3A_1014 = vector.broadcast %add3A_1013 : i32 to vector<16xi32>
          %add3A_1015 = arith.addi %add3A_1014, %iota3A : vector<16xi32>
          tpu.vector_store_idx %arg12[%broadcast_in_dim3A_927, %add3A_1015], %get3A_1012 masked %gt3A_926 {add = true} : memref<512x128xf32, #tpu.memory_space<vmem>>[vector<16xi32>, vector<16xi32>], vector<16xf32>, vector<16xi1>
          %slice3A_1016 = vector.extract_strided_slice %min3A_135 {offsets = [9], sizes = [1], strides = [1]} : vector<16xi32> to vector<1xi32>
          %squeeze3A_1017 = vector.extract %slice3A_1016[0] : i32 from vector<1xi32>
          %slice3A_1018 = vector.extract_strided_slice %convert_element_type3A_142 {offsets = [9], sizes = [1], strides = [1]} : vector<16xi32> to vector<1xi32>
          %squeeze3A_1019 = vector.extract %slice3A_1018[0] : i32 from vector<1xi32>
          %broadcast_in_dim3A_1020 = vector.broadcast %squeeze3A_1019 : i32 to vector<16xi32>
          %gt3A_1021 = arith.constant 0 : i32
          %gt3A_1022 = vector.broadcast %gt3A_1021 : i32 to vector<16xi32>
          %gt3A_1023 = arith.cmpi sgt, %broadcast_in_dim3A_1020, %gt3A_1022 : vector<16xi32>
          %broadcast_in_dim3A_1024 = vector.broadcast %squeeze3A_1017 : i32 to vector<16xi32>
          %mul3A_1025 = arith.constant 16 : i32
          %mul3A_1026 = arith.muli %scan3A_124, %mul3A_1025 : i32
          %add3A_1027 = arith.addi %mul3A_100, %mul3A_1026 : i32
          %add3A_1028 = arith.constant 9 : i32
          %add3A_1029 = arith.addi %add3A_1027, %add3A_1028 : i32
          %get3A_1030 = arith.index_cast %add3A_1029 : i32 to index
          %get3A_1031 = arith.constant 0 : index
          %get3A_1032 = tpu.vector_load %arg11[%get3A_1030, %get3A_1031] {strides = array<i32>} : memref<192x128xf32, #tpu.memory_space<vmem>>, vector<16xf32>,
          %add3A_1033 = arith.constant 0 : i32
          %add3A_1034 = vector.broadcast %add3A_1033 : i32 to vector<16xi32>
          %add3A_1035 = arith.addi %add3A_1034, %iota3A : vector<16xi32>
          tpu.vector_store_idx %arg12[%broadcast_in_dim3A_1024, %add3A_1035], %get3A_1032 masked %gt3A_1023 {add = true} : memref<512x128xf32, #tpu.memory_space<vmem>>[vector<16xi32>, vector<16xi32>], vector<16xf32>, vector<16xi1>
          %mul3A_1036 = arith.constant 16 : i32
          %mul3A_1037 = arith.muli %scan3A_124, %mul3A_1036 : i32
          %add3A_1038 = arith.addi %mul3A_100, %mul3A_1037 : i32
          %add3A_1039 = arith.constant 9 : i32
          %add3A_1040 = arith.addi %add3A_1038, %add3A_1039 : i32
          %get3A_1041 = arith.index_cast %add3A_1040 : i32 to index
          %get3A_1042 = arith.constant 16 : index
          %get3A_1043 = tpu.vector_load %arg11[%get3A_1041, %get3A_1042] {strides = array<i32>} : memref<192x128xf32, #tpu.memory_space<vmem>>, vector<16xf32>,
          %add3A_1044 = arith.constant 16 : i32
          %add3A_1045 = vector.broadcast %add3A_1044 : i32 to vector<16xi32>
          %add3A_1046 = arith.addi %add3A_1045, %iota3A : vector<16xi32>
          tpu.vector_store_idx %arg12[%broadcast_in_dim3A_1024, %add3A_1046], %get3A_1043 masked %gt3A_1023 {add = true} : memref<512x128xf32, #tpu.memory_space<vmem>>[vector<16xi32>, vector<16xi32>], vector<16xf32>, vector<16xi1>
          %mul3A_1047 = arith.constant 16 : i32
          %mul3A_1048 = arith.muli %scan3A_124, %mul3A_1047 : i32
          %add3A_1049 = arith.addi %mul3A_100, %mul3A_1048 : i32
          %add3A_1050 = arith.constant 9 : i32
          %add3A_1051 = arith.addi %add3A_1049, %add3A_1050 : i32
          %get3A_1052 = arith.index_cast %add3A_1051 : i32 to index
          %get3A_1053 = arith.constant 32 : index
          %get3A_1054 = tpu.vector_load %arg11[%get3A_1052, %get3A_1053] {strides = array<i32>} : memref<192x128xf32, #tpu.memory_space<vmem>>, vector<16xf32>,
          %add3A_1055 = arith.constant 32 : i32
          %add3A_1056 = vector.broadcast %add3A_1055 : i32 to vector<16xi32>
          %add3A_1057 = arith.addi %add3A_1056, %iota3A : vector<16xi32>
          tpu.vector_store_idx %arg12[%broadcast_in_dim3A_1024, %add3A_1057], %get3A_1054 masked %gt3A_1023 {add = true} : memref<512x128xf32, #tpu.memory_space<vmem>>[vector<16xi32>, vector<16xi32>], vector<16xf32>, vector<16xi1>
          %mul3A_1058 = arith.constant 16 : i32
          %mul3A_1059 = arith.muli %scan3A_124, %mul3A_1058 : i32
          %add3A_1060 = arith.addi %mul3A_100, %mul3A_1059 : i32
          %add3A_1061 = arith.constant 9 : i32
          %add3A_1062 = arith.addi %add3A_1060, %add3A_1061 : i32
          %get3A_1063 = arith.index_cast %add3A_1062 : i32 to index
          %get3A_1064 = arith.constant 48 : index
          %get3A_1065 = tpu.vector_load %arg11[%get3A_1063, %get3A_1064] {strides = array<i32>} : memref<192x128xf32, #tpu.memory_space<vmem>>, vector<16xf32>,
          %add3A_1066 = arith.constant 48 : i32
          %add3A_1067 = vector.broadcast %add3A_1066 : i32 to vector<16xi32>
          %add3A_1068 = arith.addi %add3A_1067, %iota3A : vector<16xi32>
          tpu.vector_store_idx %arg12[%broadcast_in_dim3A_1024, %add3A_1068], %get3A_1065 masked %gt3A_1023 {add = true} : memref<512x128xf32, #tpu.memory_space<vmem>>[vector<16xi32>, vector<16xi32>], vector<16xf32>, vector<16xi1>
          %mul3A_1069 = arith.constant 16 : i32
          %mul3A_1070 = arith.muli %scan3A_124, %mul3A_1069 : i32
          %add3A_1071 = arith.addi %mul3A_100, %mul3A_1070 : i32
          %add3A_1072 = arith.constant 9 : i32
          %add3A_1073 = arith.addi %add3A_1071, %add3A_1072 : i32
          %get3A_1074 = arith.index_cast %add3A_1073 : i32 to index
          %get3A_1075 = arith.constant 64 : index
          %get3A_1076 = tpu.vector_load %arg11[%get3A_1074, %get3A_1075] {strides = array<i32>} : memref<192x128xf32, #tpu.memory_space<vmem>>, vector<16xf32>,
          %add3A_1077 = arith.constant 64 : i32
          %add3A_1078 = vector.broadcast %add3A_1077 : i32 to vector<16xi32>
          %add3A_1079 = arith.addi %add3A_1078, %iota3A : vector<16xi32>
          tpu.vector_store_idx %arg12[%broadcast_in_dim3A_1024, %add3A_1079], %get3A_1076 masked %gt3A_1023 {add = true} : memref<512x128xf32, #tpu.memory_space<vmem>>[vector<16xi32>, vector<16xi32>], vector<16xf32>, vector<16xi1>
          %mul3A_1080 = arith.constant 16 : i32
          %mul3A_1081 = arith.muli %scan3A_124, %mul3A_1080 : i32
          %add3A_1082 = arith.addi %mul3A_100, %mul3A_1081 : i32
          %add3A_1083 = arith.constant 9 : i32
          %add3A_1084 = arith.addi %add3A_1082, %add3A_1083 : i32
          %get3A_1085 = arith.index_cast %add3A_1084 : i32 to index
          %get3A_1086 = arith.constant 80 : index
          %get3A_1087 = tpu.vector_load %arg11[%get3A_1085, %get3A_1086] {strides = array<i32>} : memref<192x128xf32, #tpu.memory_space<vmem>>, vector<16xf32>,
          %add3A_1088 = arith.constant 80 : i32
          %add3A_1089 = vector.broadcast %add3A_1088 : i32 to vector<16xi32>
          %add3A_1090 = arith.addi %add3A_1089, %iota3A : vector<16xi32>
          tpu.vector_store_idx %arg12[%broadcast_in_dim3A_1024, %add3A_1090], %get3A_1087 masked %gt3A_1023 {add = true} : memref<512x128xf32, #tpu.memory_space<vmem>>[vector<16xi32>, vector<16xi32>], vector<16xf32>, vector<16xi1>
          %mul3A_1091 = arith.constant 16 : i32
          %mul3A_1092 = arith.muli %scan3A_124, %mul3A_1091 : i32
          %add3A_1093 = arith.addi %mul3A_100, %mul3A_1092 : i32
          %add3A_1094 = arith.constant 9 : i32
          %add3A_1095 = arith.addi %add3A_1093, %add3A_1094 : i32
          %get3A_1096 = arith.index_cast %add3A_1095 : i32 to index
          %get3A_1097 = arith.constant 96 : index
          %get3A_1098 = tpu.vector_load %arg11[%get3A_1096, %get3A_1097] {strides = array<i32>} : memref<192x128xf32, #tpu.memory_space<vmem>>, vector<16xf32>,
          %add3A_1099 = arith.constant 96 : i32
          %add3A_1100 = vector.broadcast %add3A_1099 : i32 to vector<16xi32>
          %add3A_1101 = arith.addi %add3A_1100, %iota3A : vector<16xi32>
          tpu.vector_store_idx %arg12[%broadcast_in_dim3A_1024, %add3A_1101], %get3A_1098 masked %gt3A_1023 {add = true} : memref<512x128xf32, #tpu.memory_space<vmem>>[vector<16xi32>, vector<16xi32>], vector<16xf32>, vector<16xi1>
          %mul3A_1102 = arith.constant 16 : i32
          %mul3A_1103 = arith.muli %scan3A_124, %mul3A_1102 : i32
          %add3A_1104 = arith.addi %mul3A_100, %mul3A_1103 : i32
          %add3A_1105 = arith.constant 9 : i32
          %add3A_1106 = arith.addi %add3A_1104, %add3A_1105 : i32
          %get3A_1107 = arith.index_cast %add3A_1106 : i32 to index
          %get3A_1108 = arith.constant 112 : index
          %get3A_1109 = tpu.vector_load %arg11[%get3A_1107, %get3A_1108] {strides = array<i32>} : memref<192x128xf32, #tpu.memory_space<vmem>>, vector<16xf32>,
          %add3A_1110 = arith.constant 112 : i32
          %add3A_1111 = vector.broadcast %add3A_1110 : i32 to vector<16xi32>
          %add3A_1112 = arith.addi %add3A_1111, %iota3A : vector<16xi32>
          tpu.vector_store_idx %arg12[%broadcast_in_dim3A_1024, %add3A_1112], %get3A_1109 masked %gt3A_1023 {add = true} : memref<512x128xf32, #tpu.memory_space<vmem>>[vector<16xi32>, vector<16xi32>], vector<16xf32>, vector<16xi1>
          %slice3A_1113 = vector.extract_strided_slice %min3A_135 {offsets = [10], sizes = [1], strides = [1]} : vector<16xi32> to vector<1xi32>
          %squeeze3A_1114 = vector.extract %slice3A_1113[0] : i32 from vector<1xi32>
          %slice3A_1115 = vector.extract_strided_slice %convert_element_type3A_142 {offsets = [10], sizes = [1], strides = [1]} : vector<16xi32> to vector<1xi32>
          %squeeze3A_1116 = vector.extract %slice3A_1115[0] : i32 from vector<1xi32>
          %broadcast_in_dim3A_1117 = vector.broadcast %squeeze3A_1116 : i32 to vector<16xi32>
          %gt3A_1118 = arith.constant 0 : i32
          %gt3A_1119 = vector.broadcast %gt3A_1118 : i32 to vector<16xi32>
          %gt3A_1120 = arith.cmpi sgt, %broadcast_in_dim3A_1117, %gt3A_1119 : vector<16xi32>
          %broadcast_in_dim3A_1121 = vector.broadcast %squeeze3A_1114 : i32 to vector<16xi32>
          %mul3A_1122 = arith.constant 16 : i32
          %mul3A_1123 = arith.muli %scan3A_124, %mul3A_1122 : i32
          %add3A_1124 = arith.addi %mul3A_100, %mul3A_1123 : i32
          %add3A_1125 = arith.constant 10 : i32
          %add3A_1126 = arith.addi %add3A_1124, %add3A_1125 : i32
          %get3A_1127 = arith.index_cast %add3A_1126 : i32 to index
          %get3A_1128 = arith.constant 0 : index
          %get3A_1129 = tpu.vector_load %arg11[%get3A_1127, %get3A_1128] {strides = array<i32>} : memref<192x128xf32, #tpu.memory_space<vmem>>, vector<16xf32>,
          %add3A_1130 = arith.constant 0 : i32
          %add3A_1131 = vector.broadcast %add3A_1130 : i32 to vector<16xi32>
          %add3A_1132 = arith.addi %add3A_1131, %iota3A : vector<16xi32>
          tpu.vector_store_idx %arg12[%broadcast_in_dim3A_1121, %add3A_1132], %get3A_1129 masked %gt3A_1120 {add = true} : memref<512x128xf32, #tpu.memory_space<vmem>>[vector<16xi32>, vector<16xi32>], vector<16xf32>, vector<16xi1>
          %mul3A_1133 = arith.constant 16 : i32
          %mul3A_1134 = arith.muli %scan3A_124, %mul3A_1133 : i32
          %add3A_1135 = arith.addi %mul3A_100, %mul3A_1134 : i32
          %add3A_1136 = arith.constant 10 : i32
          %add3A_1137 = arith.addi %add3A_1135, %add3A_1136 : i32
          %get3A_1138 = arith.index_cast %add3A_1137 : i32 to index
          %get3A_1139 = arith.constant 16 : index
          %get3A_1140 = tpu.vector_load %arg11[%get3A_1138, %get3A_1139] {strides = array<i32>} : memref<192x128xf32, #tpu.memory_space<vmem>>, vector<16xf32>,
          %add3A_1141 = arith.constant 16 : i32
          %add3A_1142 = vector.broadcast %add3A_1141 : i32 to vector<16xi32>
          %add3A_1143 = arith.addi %add3A_1142, %iota3A : vector<16xi32>
          tpu.vector_store_idx %arg12[%broadcast_in_dim3A_1121, %add3A_1143], %get3A_1140 masked %gt3A_1120 {add = true} : memref<512x128xf32, #tpu.memory_space<vmem>>[vector<16xi32>, vector<16xi32>], vector<16xf32>, vector<16xi1>
          %mul3A_1144 = arith.constant 16 : i32
          %mul3A_1145 = arith.muli %scan3A_124, %mul3A_1144 : i32
          %add3A_1146 = arith.addi %mul3A_100, %mul3A_1145 : i32
          %add3A_1147 = arith.constant 10 : i32
          %add3A_1148 = arith.addi %add3A_1146, %add3A_1147 : i32
          %get3A_1149 = arith.index_cast %add3A_1148 : i32 to index
          %get3A_1150 = arith.constant 32 : index
          %get3A_1151 = tpu.vector_load %arg11[%get3A_1149, %get3A_1150] {strides = array<i32>} : memref<192x128xf32, #tpu.memory_space<vmem>>, vector<16xf32>,
          %add3A_1152 = arith.constant 32 : i32
          %add3A_1153 = vector.broadcast %add3A_1152 : i32 to vector<16xi32>
          %add3A_1154 = arith.addi %add3A_1153, %iota3A : vector<16xi32>
          tpu.vector_store_idx %arg12[%broadcast_in_dim3A_1121, %add3A_1154], %get3A_1151 masked %gt3A_1120 {add = true} : memref<512x128xf32, #tpu.memory_space<vmem>>[vector<16xi32>, vector<16xi32>], vector<16xf32>, vector<16xi1>
          %mul3A_1155 = arith.constant 16 : i32
          %mul3A_1156 = arith.muli %scan3A_124, %mul3A_1155 : i32
          %add3A_1157 = arith.addi %mul3A_100, %mul3A_1156 : i32
          %add3A_1158 = arith.constant 10 : i32
          %add3A_1159 = arith.addi %add3A_1157, %add3A_1158 : i32
          %get3A_1160 = arith.index_cast %add3A_1159 : i32 to index
          %get3A_1161 = arith.constant 48 : index
          %get3A_1162 = tpu.vector_load %arg11[%get3A_1160, %get3A_1161] {strides = array<i32>} : memref<192x128xf32, #tpu.memory_space<vmem>>, vector<16xf32>,
          %add3A_1163 = arith.constant 48 : i32
          %add3A_1164 = vector.broadcast %add3A_1163 : i32 to vector<16xi32>
          %add3A_1165 = arith.addi %add3A_1164, %iota3A : vector<16xi32>
          tpu.vector_store_idx %arg12[%broadcast_in_dim3A_1121, %add3A_1165], %get3A_1162 masked %gt3A_1120 {add = true} : memref<512x128xf32, #tpu.memory_space<vmem>>[vector<16xi32>, vector<16xi32>], vector<16xf32>, vector<16xi1>
          %mul3A_1166 = arith.constant 16 : i32
          %mul3A_1167 = arith.muli %scan3A_124, %mul3A_1166 : i32
          %add3A_1168 = arith.addi %mul3A_100, %mul3A_1167 : i32
          %add3A_1169 = arith.constant 10 : i32
          %add3A_1170 = arith.addi %add3A_1168, %add3A_1169 : i32
          %get3A_1171 = arith.index_cast %add3A_1170 : i32 to index
          %get3A_1172 = arith.constant 64 : index
          %get3A_1173 = tpu.vector_load %arg11[%get3A_1171, %get3A_1172] {strides = array<i32>} : memref<192x128xf32, #tpu.memory_space<vmem>>, vector<16xf32>,
          %add3A_1174 = arith.constant 64 : i32
          %add3A_1175 = vector.broadcast %add3A_1174 : i32 to vector<16xi32>
          %add3A_1176 = arith.addi %add3A_1175, %iota3A : vector<16xi32>
          tpu.vector_store_idx %arg12[%broadcast_in_dim3A_1121, %add3A_1176], %get3A_1173 masked %gt3A_1120 {add = true} : memref<512x128xf32, #tpu.memory_space<vmem>>[vector<16xi32>, vector<16xi32>], vector<16xf32>, vector<16xi1>
          %mul3A_1177 = arith.constant 16 : i32
          %mul3A_1178 = arith.muli %scan3A_124, %mul3A_1177 : i32
          %add3A_1179 = arith.addi %mul3A_100, %mul3A_1178 : i32
          %add3A_1180 = arith.constant 10 : i32
          %add3A_1181 = arith.addi %add3A_1179, %add3A_1180 : i32
          %get3A_1182 = arith.index_cast %add3A_1181 : i32 to index
          %get3A_1183 = arith.constant 80 : index
          %get3A_1184 = tpu.vector_load %arg11[%get3A_1182, %get3A_1183] {strides = array<i32>} : memref<192x128xf32, #tpu.memory_space<vmem>>, vector<16xf32>,
          %add3A_1185 = arith.constant 80 : i32
          %add3A_1186 = vector.broadcast %add3A_1185 : i32 to vector<16xi32>
          %add3A_1187 = arith.addi %add3A_1186, %iota3A : vector<16xi32>
          tpu.vector_store_idx %arg12[%broadcast_in_dim3A_1121, %add3A_1187], %get3A_1184 masked %gt3A_1120 {add = true} : memref<512x128xf32, #tpu.memory_space<vmem>>[vector<16xi32>, vector<16xi32>], vector<16xf32>, vector<16xi1>
          %mul3A_1188 = arith.constant 16 : i32
          %mul3A_1189 = arith.muli %scan3A_124, %mul3A_1188 : i32
          %add3A_1190 = arith.addi %mul3A_100, %mul3A_1189 : i32
          %add3A_1191 = arith.constant 10 : i32
          %add3A_1192 = arith.addi %add3A_1190, %add3A_1191 : i32
          %get3A_1193 = arith.index_cast %add3A_1192 : i32 to index
          %get3A_1194 = arith.constant 96 : index
          %get3A_1195 = tpu.vector_load %arg11[%get3A_1193, %get3A_1194] {strides = array<i32>} : memref<192x128xf32, #tpu.memory_space<vmem>>, vector<16xf32>,
          %add3A_1196 = arith.constant 96 : i32
          %add3A_1197 = vector.broadcast %add3A_1196 : i32 to vector<16xi32>
          %add3A_1198 = arith.addi %add3A_1197, %iota3A : vector<16xi32>
          tpu.vector_store_idx %arg12[%broadcast_in_dim3A_1121, %add3A_1198], %get3A_1195 masked %gt3A_1120 {add = true} : memref<512x128xf32, #tpu.memory_space<vmem>>[vector<16xi32>, vector<16xi32>], vector<16xf32>, vector<16xi1>
          %mul3A_1199 = arith.constant 16 : i32
          %mul3A_1200 = arith.muli %scan3A_124, %mul3A_1199 : i32
          %add3A_1201 = arith.addi %mul3A_100, %mul3A_1200 : i32
          %add3A_1202 = arith.constant 10 : i32
          %add3A_1203 = arith.addi %add3A_1201, %add3A_1202 : i32
          %get3A_1204 = arith.index_cast %add3A_1203 : i32 to index
          %get3A_1205 = arith.constant 112 : index
          %get3A_1206 = tpu.vector_load %arg11[%get3A_1204, %get3A_1205] {strides = array<i32>} : memref<192x128xf32, #tpu.memory_space<vmem>>, vector<16xf32>,
          %add3A_1207 = arith.constant 112 : i32
          %add3A_1208 = vector.broadcast %add3A_1207 : i32 to vector<16xi32>
          %add3A_1209 = arith.addi %add3A_1208, %iota3A : vector<16xi32>
          tpu.vector_store_idx %arg12[%broadcast_in_dim3A_1121, %add3A_1209], %get3A_1206 masked %gt3A_1120 {add = true} : memref<512x128xf32, #tpu.memory_space<vmem>>[vector<16xi32>, vector<16xi32>], vector<16xf32>, vector<16xi1>
          %slice3A_1210 = vector.extract_strided_slice %min3A_135 {offsets = [11], sizes = [1], strides = [1]} : vector<16xi32> to vector<1xi32>
          %squeeze3A_1211 = vector.extract %slice3A_1210[0] : i32 from vector<1xi32>
          %slice3A_1212 = vector.extract_strided_slice %convert_element_type3A_142 {offsets = [11], sizes = [1], strides = [1]} : vector<16xi32> to vector<1xi32>
          %squeeze3A_1213 = vector.extract %slice3A_1212[0] : i32 from vector<1xi32>
          %broadcast_in_dim3A_1214 = vector.broadcast %squeeze3A_1213 : i32 to vector<16xi32>
          %gt3A_1215 = arith.constant 0 : i32
          %gt3A_1216 = vector.broadcast %gt3A_1215 : i32 to vector<16xi32>
          %gt3A_1217 = arith.cmpi sgt, %broadcast_in_dim3A_1214, %gt3A_1216 : vector<16xi32>
          %broadcast_in_dim3A_1218 = vector.broadcast %squeeze3A_1211 : i32 to vector<16xi32>
          %mul3A_1219 = arith.constant 16 : i32
          %mul3A_1220 = arith.muli %scan3A_124, %mul3A_1219 : i32
          %add3A_1221 = arith.addi %mul3A_100, %mul3A_1220 : i32
          %add3A_1222 = arith.constant 11 : i32
          %add3A_1223 = arith.addi %add3A_1221, %add3A_1222 : i32
          %get3A_1224 = arith.index_cast %add3A_1223 : i32 to index
          %get3A_1225 = arith.constant 0 : index
          %get3A_1226 = tpu.vector_load %arg11[%get3A_1224, %get3A_1225] {strides = array<i32>} : memref<192x128xf32, #tpu.memory_space<vmem>>, vector<16xf32>,
          %add3A_1227 = arith.constant 0 : i32
          %add3A_1228 = vector.broadcast %add3A_1227 : i32 to vector<16xi32>
          %add3A_1229 = arith.addi %add3A_1228, %iota3A : vector<16xi32>
          tpu.vector_store_idx %arg12[%broadcast_in_dim3A_1218, %add3A_1229], %get3A_1226 masked %gt3A_1217 {add = true} : memref<512x128xf32, #tpu.memory_space<vmem>>[vector<16xi32>, vector<16xi32>], vector<16xf32>, vector<16xi1>
          %mul3A_1230 = arith.constant 16 : i32
          %mul3A_1231 = arith.muli %scan3A_124, %mul3A_1230 : i32
          %add3A_1232 = arith.addi %mul3A_100, %mul3A_1231 : i32
          %add3A_1233 = arith.constant 11 : i32
          %add3A_1234 = arith.addi %add3A_1232, %add3A_1233 : i32
          %get3A_1235 = arith.index_cast %add3A_1234 : i32 to index
          %get3A_1236 = arith.constant 16 : index
          %get3A_1237 = tpu.vector_load %arg11[%get3A_1235, %get3A_1236] {strides = array<i32>} : memref<192x128xf32, #tpu.memory_space<vmem>>, vector<16xf32>,
          %add3A_1238 = arith.constant 16 : i32
          %add3A_1239 = vector.broadcast %add3A_1238 : i32 to vector<16xi32>
          %add3A_1240 = arith.addi %add3A_1239, %iota3A : vector<16xi32>
          tpu.vector_store_idx %arg12[%broadcast_in_dim3A_1218, %add3A_1240], %get3A_1237 masked %gt3A_1217 {add = true} : memref<512x128xf32, #tpu.memory_space<vmem>>[vector<16xi32>, vector<16xi32>], vector<16xf32>, vector<16xi1>
          %mul3A_1241 = arith.constant 16 : i32
          %mul3A_1242 = arith.muli %scan3A_124, %mul3A_1241 : i32
          %add3A_1243 = arith.addi %mul3A_100, %mul3A_1242 : i32
          %add3A_1244 = arith.constant 11 : i32
          %add3A_1245 = arith.addi %add3A_1243, %add3A_1244 : i32
          %get3A_1246 = arith.index_cast %add3A_1245 : i32 to index
          %get3A_1247 = arith.constant 32 : index
          %get3A_1248 = tpu.vector_load %arg11[%get3A_1246, %get3A_1247] {strides = array<i32>} : memref<192x128xf32, #tpu.memory_space<vmem>>, vector<16xf32>,
          %add3A_1249 = arith.constant 32 : i32
          %add3A_1250 = vector.broadcast %add3A_1249 : i32 to vector<16xi32>
          %add3A_1251 = arith.addi %add3A_1250, %iota3A : vector<16xi32>
          tpu.vector_store_idx %arg12[%broadcast_in_dim3A_1218, %add3A_1251], %get3A_1248 masked %gt3A_1217 {add = true} : memref<512x128xf32, #tpu.memory_space<vmem>>[vector<16xi32>, vector<16xi32>], vector<16xf32>, vector<16xi1>
          %mul3A_1252 = arith.constant 16 : i32
          %mul3A_1253 = arith.muli %scan3A_124, %mul3A_1252 : i32
          %add3A_1254 = arith.addi %mul3A_100, %mul3A_1253 : i32
          %add3A_1255 = arith.constant 11 : i32
          %add3A_1256 = arith.addi %add3A_1254, %add3A_1255 : i32
          %get3A_1257 = arith.index_cast %add3A_1256 : i32 to index
          %get3A_1258 = arith.constant 48 : index
          %get3A_1259 = tpu.vector_load %arg11[%get3A_1257, %get3A_1258] {strides = array<i32>} : memref<192x128xf32, #tpu.memory_space<vmem>>, vector<16xf32>,
          %add3A_1260 = arith.constant 48 : i32
          %add3A_1261 = vector.broadcast %add3A_1260 : i32 to vector<16xi32>
          %add3A_1262 = arith.addi %add3A_1261, %iota3A : vector<16xi32>
          tpu.vector_store_idx %arg12[%broadcast_in_dim3A_1218, %add3A_1262], %get3A_1259 masked %gt3A_1217 {add = true} : memref<512x128xf32, #tpu.memory_space<vmem>>[vector<16xi32>, vector<16xi32>], vector<16xf32>, vector<16xi1>
          %mul3A_1263 = arith.constant 16 : i32
          %mul3A_1264 = arith.muli %scan3A_124, %mul3A_1263 : i32
          %add3A_1265 = arith.addi %mul3A_100, %mul3A_1264 : i32
          %add3A_1266 = arith.constant 11 : i32
          %add3A_1267 = arith.addi %add3A_1265, %add3A_1266 : i32
          %get3A_1268 = arith.index_cast %add3A_1267 : i32 to index
          %get3A_1269 = arith.constant 64 : index
          %get3A_1270 = tpu.vector_load %arg11[%get3A_1268, %get3A_1269] {strides = array<i32>} : memref<192x128xf32, #tpu.memory_space<vmem>>, vector<16xf32>,
          %add3A_1271 = arith.constant 64 : i32
          %add3A_1272 = vector.broadcast %add3A_1271 : i32 to vector<16xi32>
          %add3A_1273 = arith.addi %add3A_1272, %iota3A : vector<16xi32>
          tpu.vector_store_idx %arg12[%broadcast_in_dim3A_1218, %add3A_1273], %get3A_1270 masked %gt3A_1217 {add = true} : memref<512x128xf32, #tpu.memory_space<vmem>>[vector<16xi32>, vector<16xi32>], vector<16xf32>, vector<16xi1>
          %mul3A_1274 = arith.constant 16 : i32
          %mul3A_1275 = arith.muli %scan3A_124, %mul3A_1274 : i32
          %add3A_1276 = arith.addi %mul3A_100, %mul3A_1275 : i32
          %add3A_1277 = arith.constant 11 : i32
          %add3A_1278 = arith.addi %add3A_1276, %add3A_1277 : i32
          %get3A_1279 = arith.index_cast %add3A_1278 : i32 to index
          %get3A_1280 = arith.constant 80 : index
          %get3A_1281 = tpu.vector_load %arg11[%get3A_1279, %get3A_1280] {strides = array<i32>} : memref<192x128xf32, #tpu.memory_space<vmem>>, vector<16xf32>,
          %add3A_1282 = arith.constant 80 : i32
          %add3A_1283 = vector.broadcast %add3A_1282 : i32 to vector<16xi32>
          %add3A_1284 = arith.addi %add3A_1283, %iota3A : vector<16xi32>
          tpu.vector_store_idx %arg12[%broadcast_in_dim3A_1218, %add3A_1284], %get3A_1281 masked %gt3A_1217 {add = true} : memref<512x128xf32, #tpu.memory_space<vmem>>[vector<16xi32>, vector<16xi32>], vector<16xf32>, vector<16xi1>
          %mul3A_1285 = arith.constant 16 : i32
          %mul3A_1286 = arith.muli %scan3A_124, %mul3A_1285 : i32
          %add3A_1287 = arith.addi %mul3A_100, %mul3A_1286 : i32
          %add3A_1288 = arith.constant 11 : i32
          %add3A_1289 = arith.addi %add3A_1287, %add3A_1288 : i32
          %get3A_1290 = arith.index_cast %add3A_1289 : i32 to index
          %get3A_1291 = arith.constant 96 : index
          %get3A_1292 = tpu.vector_load %arg11[%get3A_1290, %get3A_1291] {strides = array<i32>} : memref<192x128xf32, #tpu.memory_space<vmem>>, vector<16xf32>,
          %add3A_1293 = arith.constant 96 : i32
          %add3A_1294 = vector.broadcast %add3A_1293 : i32 to vector<16xi32>
          %add3A_1295 = arith.addi %add3A_1294, %iota3A : vector<16xi32>
          tpu.vector_store_idx %arg12[%broadcast_in_dim3A_1218, %add3A_1295], %get3A_1292 masked %gt3A_1217 {add = true} : memref<512x128xf32, #tpu.memory_space<vmem>>[vector<16xi32>, vector<16xi32>], vector<16xf32>, vector<16xi1>
          %mul3A_1296 = arith.constant 16 : i32
          %mul3A_1297 = arith.muli %scan3A_124, %mul3A_1296 : i32
          %add3A_1298 = arith.addi %mul3A_100, %mul3A_1297 : i32
          %add3A_1299 = arith.constant 11 : i32
          %add3A_1300 = arith.addi %add3A_1298, %add3A_1299 : i32
          %get3A_1301 = arith.index_cast %add3A_1300 : i32 to index
          %get3A_1302 = arith.constant 112 : index
          %get3A_1303 = tpu.vector_load %arg11[%get3A_1301, %get3A_1302] {strides = array<i32>} : memref<192x128xf32, #tpu.memory_space<vmem>>, vector<16xf32>,
          %add3A_1304 = arith.constant 112 : i32
          %add3A_1305 = vector.broadcast %add3A_1304 : i32 to vector<16xi32>
          %add3A_1306 = arith.addi %add3A_1305, %iota3A : vector<16xi32>
          tpu.vector_store_idx %arg12[%broadcast_in_dim3A_1218, %add3A_1306], %get3A_1303 masked %gt3A_1217 {add = true} : memref<512x128xf32, #tpu.memory_space<vmem>>[vector<16xi32>, vector<16xi32>], vector<16xf32>, vector<16xi1>
          %slice3A_1307 = vector.extract_strided_slice %min3A_135 {offsets = [12], sizes = [1], strides = [1]} : vector<16xi32> to vector<1xi32>
          %squeeze3A_1308 = vector.extract %slice3A_1307[0] : i32 from vector<1xi32>
          %slice3A_1309 = vector.extract_strided_slice %convert_element_type3A_142 {offsets = [12], sizes = [1], strides = [1]} : vector<16xi32> to vector<1xi32>
          %squeeze3A_1310 = vector.extract %slice3A_1309[0] : i32 from vector<1xi32>
          %broadcast_in_dim3A_1311 = vector.broadcast %squeeze3A_1310 : i32 to vector<16xi32>
          %gt3A_1312 = arith.constant 0 : i32
          %gt3A_1313 = vector.broadcast %gt3A_1312 : i32 to vector<16xi32>
          %gt3A_1314 = arith.cmpi sgt, %broadcast_in_dim3A_1311, %gt3A_1313 : vector<16xi32>
          %broadcast_in_dim3A_1315 = vector.broadcast %squeeze3A_1308 : i32 to vector<16xi32>
          %mul3A_1316 = arith.constant 16 : i32
          %mul3A_1317 = arith.muli %scan3A_124, %mul3A_1316 : i32
          %add3A_1318 = arith.addi %mul3A_100, %mul3A_1317 : i32
          %add3A_1319 = arith.constant 12 : i32
          %add3A_1320 = arith.addi %add3A_1318, %add3A_1319 : i32
          %get3A_1321 = arith.index_cast %add3A_1320 : i32 to index
          %get3A_1322 = arith.constant 0 : index
          %get3A_1323 = tpu.vector_load %arg11[%get3A_1321, %get3A_1322] {strides = array<i32>} : memref<192x128xf32, #tpu.memory_space<vmem>>, vector<16xf32>,
          %add3A_1324 = arith.constant 0 : i32
          %add3A_1325 = vector.broadcast %add3A_1324 : i32 to vector<16xi32>
          %add3A_1326 = arith.addi %add3A_1325, %iota3A : vector<16xi32>
          tpu.vector_store_idx %arg12[%broadcast_in_dim3A_1315, %add3A_1326], %get3A_1323 masked %gt3A_1314 {add = true} : memref<512x128xf32, #tpu.memory_space<vmem>>[vector<16xi32>, vector<16xi32>], vector<16xf32>, vector<16xi1>
          %mul3A_1327 = arith.constant 16 : i32
          %mul3A_1328 = arith.muli %scan3A_124, %mul3A_1327 : i32
          %add3A_1329 = arith.addi %mul3A_100, %mul3A_1328 : i32
          %add3A_1330 = arith.constant 12 : i32
          %add3A_1331 = arith.addi %add3A_1329, %add3A_1330 : i32
          %get3A_1332 = arith.index_cast %add3A_1331 : i32 to index
          %get3A_1333 = arith.constant 16 : index
          %get3A_1334 = tpu.vector_load %arg11[%get3A_1332, %get3A_1333] {strides = array<i32>} : memref<192x128xf32, #tpu.memory_space<vmem>>, vector<16xf32>,
          %add3A_1335 = arith.constant 16 : i32
          %add3A_1336 = vector.broadcast %add3A_1335 : i32 to vector<16xi32>
          %add3A_1337 = arith.addi %add3A_1336, %iota3A : vector<16xi32>
          tpu.vector_store_idx %arg12[%broadcast_in_dim3A_1315, %add3A_1337], %get3A_1334 masked %gt3A_1314 {add = true} : memref<512x128xf32, #tpu.memory_space<vmem>>[vector<16xi32>, vector<16xi32>], vector<16xf32>, vector<16xi1>
          %mul3A_1338 = arith.constant 16 : i32
          %mul3A_1339 = arith.muli %scan3A_124, %mul3A_1338 : i32
          %add3A_1340 = arith.addi %mul3A_100, %mul3A_1339 : i32
          %add3A_1341 = arith.constant 12 : i32
          %add3A_1342 = arith.addi %add3A_1340, %add3A_1341 : i32
          %get3A_1343 = arith.index_cast %add3A_1342 : i32 to index
          %get3A_1344 = arith.constant 32 : index
          %get3A_1345 = tpu.vector_load %arg11[%get3A_1343, %get3A_1344] {strides = array<i32>} : memref<192x128xf32, #tpu.memory_space<vmem>>, vector<16xf32>,
          %add3A_1346 = arith.constant 32 : i32
          %add3A_1347 = vector.broadcast %add3A_1346 : i32 to vector<16xi32>
          %add3A_1348 = arith.addi %add3A_1347, %iota3A : vector<16xi32>
          tpu.vector_store_idx %arg12[%broadcast_in_dim3A_1315, %add3A_1348], %get3A_1345 masked %gt3A_1314 {add = true} : memref<512x128xf32, #tpu.memory_space<vmem>>[vector<16xi32>, vector<16xi32>], vector<16xf32>, vector<16xi1>
          %mul3A_1349 = arith.constant 16 : i32
          %mul3A_1350 = arith.muli %scan3A_124, %mul3A_1349 : i32
          %add3A_1351 = arith.addi %mul3A_100, %mul3A_1350 : i32
          %add3A_1352 = arith.constant 12 : i32
          %add3A_1353 = arith.addi %add3A_1351, %add3A_1352 : i32
          %get3A_1354 = arith.index_cast %add3A_1353 : i32 to index
          %get3A_1355 = arith.constant 48 : index
          %get3A_1356 = tpu.vector_load %arg11[%get3A_1354, %get3A_1355] {strides = array<i32>} : memref<192x128xf32, #tpu.memory_space<vmem>>, vector<16xf32>,
          %add3A_1357 = arith.constant 48 : i32
          %add3A_1358 = vector.broadcast %add3A_1357 : i32 to vector<16xi32>
          %add3A_1359 = arith.addi %add3A_1358, %iota3A : vector<16xi32>
          tpu.vector_store_idx %arg12[%broadcast_in_dim3A_1315, %add3A_1359], %get3A_1356 masked %gt3A_1314 {add = true} : memref<512x128xf32, #tpu.memory_space<vmem>>[vector<16xi32>, vector<16xi32>], vector<16xf32>, vector<16xi1>
          %mul3A_1360 = arith.constant 16 : i32
          %mul3A_1361 = arith.muli %scan3A_124, %mul3A_1360 : i32
          %add3A_1362 = arith.addi %mul3A_100, %mul3A_1361 : i32
          %add3A_1363 = arith.constant 12 : i32
          %add3A_1364 = arith.addi %add3A_1362, %add3A_1363 : i32
          %get3A_1365 = arith.index_cast %add3A_1364 : i32 to index
          %get3A_1366 = arith.constant 64 : index
          %get3A_1367 = tpu.vector_load %arg11[%get3A_1365, %get3A_1366] {strides = array<i32>} : memref<192x128xf32, #tpu.memory_space<vmem>>, vector<16xf32>,
          %add3A_1368 = arith.constant 64 : i32
          %add3A_1369 = vector.broadcast %add3A_1368 : i32 to vector<16xi32>
          %add3A_1370 = arith.addi %add3A_1369, %iota3A : vector<16xi32>
          tpu.vector_store_idx %arg12[%broadcast_in_dim3A_1315, %add3A_1370], %get3A_1367 masked %gt3A_1314 {add = true} : memref<512x128xf32, #tpu.memory_space<vmem>>[vector<16xi32>, vector<16xi32>], vector<16xf32>, vector<16xi1>
          %mul3A_1371 = arith.constant 16 : i32
          %mul3A_1372 = arith.muli %scan3A_124, %mul3A_1371 : i32
          %add3A_1373 = arith.addi %mul3A_100, %mul3A_1372 : i32
          %add3A_1374 = arith.constant 12 : i32
          %add3A_1375 = arith.addi %add3A_1373, %add3A_1374 : i32
          %get3A_1376 = arith.index_cast %add3A_1375 : i32 to index
          %get3A_1377 = arith.constant 80 : index
          %get3A_1378 = tpu.vector_load %arg11[%get3A_1376, %get3A_1377] {strides = array<i32>} : memref<192x128xf32, #tpu.memory_space<vmem>>, vector<16xf32>,
          %add3A_1379 = arith.constant 80 : i32
          %add3A_1380 = vector.broadcast %add3A_1379 : i32 to vector<16xi32>
          %add3A_1381 = arith.addi %add3A_1380, %iota3A : vector<16xi32>
          tpu.vector_store_idx %arg12[%broadcast_in_dim3A_1315, %add3A_1381], %get3A_1378 masked %gt3A_1314 {add = true} : memref<512x128xf32, #tpu.memory_space<vmem>>[vector<16xi32>, vector<16xi32>], vector<16xf32>, vector<16xi1>
          %mul3A_1382 = arith.constant 16 : i32
          %mul3A_1383 = arith.muli %scan3A_124, %mul3A_1382 : i32
          %add3A_1384 = arith.addi %mul3A_100, %mul3A_1383 : i32
          %add3A_1385 = arith.constant 12 : i32
          %add3A_1386 = arith.addi %add3A_1384, %add3A_1385 : i32
          %get3A_1387 = arith.index_cast %add3A_1386 : i32 to index
          %get3A_1388 = arith.constant 96 : index
          %get3A_1389 = tpu.vector_load %arg11[%get3A_1387, %get3A_1388] {strides = array<i32>} : memref<192x128xf32, #tpu.memory_space<vmem>>, vector<16xf32>,
          %add3A_1390 = arith.constant 96 : i32
          %add3A_1391 = vector.broadcast %add3A_1390 : i32 to vector<16xi32>
          %add3A_1392 = arith.addi %add3A_1391, %iota3A : vector<16xi32>
          tpu.vector_store_idx %arg12[%broadcast_in_dim3A_1315, %add3A_1392], %get3A_1389 masked %gt3A_1314 {add = true} : memref<512x128xf32, #tpu.memory_space<vmem>>[vector<16xi32>, vector<16xi32>], vector<16xf32>, vector<16xi1>
          %mul3A_1393 = arith.constant 16 : i32
          %mul3A_1394 = arith.muli %scan3A_124, %mul3A_1393 : i32
          %add3A_1395 = arith.addi %mul3A_100, %mul3A_1394 : i32
          %add3A_1396 = arith.constant 12 : i32
          %add3A_1397 = arith.addi %add3A_1395, %add3A_1396 : i32
          %get3A_1398 = arith.index_cast %add3A_1397 : i32 to index
          %get3A_1399 = arith.constant 112 : index
          %get3A_1400 = tpu.vector_load %arg11[%get3A_1398, %get3A_1399] {strides = array<i32>} : memref<192x128xf32, #tpu.memory_space<vmem>>, vector<16xf32>,
          %add3A_1401 = arith.constant 112 : i32
          %add3A_1402 = vector.broadcast %add3A_1401 : i32 to vector<16xi32>
          %add3A_1403 = arith.addi %add3A_1402, %iota3A : vector<16xi32>
          tpu.vector_store_idx %arg12[%broadcast_in_dim3A_1315, %add3A_1403], %get3A_1400 masked %gt3A_1314 {add = true} : memref<512x128xf32, #tpu.memory_space<vmem>>[vector<16xi32>, vector<16xi32>], vector<16xf32>, vector<16xi1>
          %slice3A_1404 = vector.extract_strided_slice %min3A_135 {offsets = [13], sizes = [1], strides = [1]} : vector<16xi32> to vector<1xi32>
          %squeeze3A_1405 = vector.extract %slice3A_1404[0] : i32 from vector<1xi32>
          %slice3A_1406 = vector.extract_strided_slice %convert_element_type3A_142 {offsets = [13], sizes = [1], strides = [1]} : vector<16xi32> to vector<1xi32>
          %squeeze3A_1407 = vector.extract %slice3A_1406[0] : i32 from vector<1xi32>
          %broadcast_in_dim3A_1408 = vector.broadcast %squeeze3A_1407 : i32 to vector<16xi32>
          %gt3A_1409 = arith.constant 0 : i32
          %gt3A_1410 = vector.broadcast %gt3A_1409 : i32 to vector<16xi32>
          %gt3A_1411 = arith.cmpi sgt, %broadcast_in_dim3A_1408, %gt3A_1410 : vector<16xi32>
          %broadcast_in_dim3A_1412 = vector.broadcast %squeeze3A_1405 : i32 to vector<16xi32>
          %mul3A_1413 = arith.constant 16 : i32
          %mul3A_1414 = arith.muli %scan3A_124, %mul3A_1413 : i32
          %add3A_1415 = arith.addi %mul3A_100, %mul3A_1414 : i32
          %add3A_1416 = arith.constant 13 : i32
          %add3A_1417 = arith.addi %add3A_1415, %add3A_1416 : i32
          %get3A_1418 = arith.index_cast %add3A_1417 : i32 to index
          %get3A_1419 = arith.constant 0 : index
          %get3A_1420 = tpu.vector_load %arg11[%get3A_1418, %get3A_1419] {strides = array<i32>} : memref<192x128xf32, #tpu.memory_space<vmem>>, vector<16xf32>,
          %add3A_1421 = arith.constant 0 : i32
          %add3A_1422 = vector.broadcast %add3A_1421 : i32 to vector<16xi32>
          %add3A_1423 = arith.addi %add3A_1422, %iota3A : vector<16xi32>
          tpu.vector_store_idx %arg12[%broadcast_in_dim3A_1412, %add3A_1423], %get3A_1420 masked %gt3A_1411 {add = true} : memref<512x128xf32, #tpu.memory_space<vmem>>[vector<16xi32>, vector<16xi32>], vector<16xf32>, vector<16xi1>
          %mul3A_1424 = arith.constant 16 : i32
          %mul3A_1425 = arith.muli %scan3A_124, %mul3A_1424 : i32
          %add3A_1426 = arith.addi %mul3A_100, %mul3A_1425 : i32
          %add3A_1427 = arith.constant 13 : i32
          %add3A_1428 = arith.addi %add3A_1426, %add3A_1427 : i32
          %get3A_1429 = arith.index_cast %add3A_1428 : i32 to index
          %get3A_1430 = arith.constant 16 : index
          %get3A_1431 = tpu.vector_load %arg11[%get3A_1429, %get3A_1430] {strides = array<i32>} : memref<192x128xf32, #tpu.memory_space<vmem>>, vector<16xf32>,
          %add3A_1432 = arith.constant 16 : i32
          %add3A_1433 = vector.broadcast %add3A_1432 : i32 to vector<16xi32>
          %add3A_1434 = arith.addi %add3A_1433, %iota3A : vector<16xi32>
          tpu.vector_store_idx %arg12[%broadcast_in_dim3A_1412, %add3A_1434], %get3A_1431 masked %gt3A_1411 {add = true} : memref<512x128xf32, #tpu.memory_space<vmem>>[vector<16xi32>, vector<16xi32>], vector<16xf32>, vector<16xi1>
          %mul3A_1435 = arith.constant 16 : i32
          %mul3A_1436 = arith.muli %scan3A_124, %mul3A_1435 : i32
          %add3A_1437 = arith.addi %mul3A_100, %mul3A_1436 : i32
          %add3A_1438 = arith.constant 13 : i32
          %add3A_1439 = arith.addi %add3A_1437, %add3A_1438 : i32
          %get3A_1440 = arith.index_cast %add3A_1439 : i32 to index
          %get3A_1441 = arith.constant 32 : index
          %get3A_1442 = tpu.vector_load %arg11[%get3A_1440, %get3A_1441] {strides = array<i32>} : memref<192x128xf32, #tpu.memory_space<vmem>>, vector<16xf32>,
          %add3A_1443 = arith.constant 32 : i32
          %add3A_1444 = vector.broadcast %add3A_1443 : i32 to vector<16xi32>
          %add3A_1445 = arith.addi %add3A_1444, %iota3A : vector<16xi32>
          tpu.vector_store_idx %arg12[%broadcast_in_dim3A_1412, %add3A_1445], %get3A_1442 masked %gt3A_1411 {add = true} : memref<512x128xf32, #tpu.memory_space<vmem>>[vector<16xi32>, vector<16xi32>], vector<16xf32>, vector<16xi1>
          %mul3A_1446 = arith.constant 16 : i32
          %mul3A_1447 = arith.muli %scan3A_124, %mul3A_1446 : i32
          %add3A_1448 = arith.addi %mul3A_100, %mul3A_1447 : i32
          %add3A_1449 = arith.constant 13 : i32
          %add3A_1450 = arith.addi %add3A_1448, %add3A_1449 : i32
          %get3A_1451 = arith.index_cast %add3A_1450 : i32 to index
          %get3A_1452 = arith.constant 48 : index
          %get3A_1453 = tpu.vector_load %arg11[%get3A_1451, %get3A_1452] {strides = array<i32>} : memref<192x128xf32, #tpu.memory_space<vmem>>, vector<16xf32>,
          %add3A_1454 = arith.constant 48 : i32
          %add3A_1455 = vector.broadcast %add3A_1454 : i32 to vector<16xi32>
          %add3A_1456 = arith.addi %add3A_1455, %iota3A : vector<16xi32>
          tpu.vector_store_idx %arg12[%broadcast_in_dim3A_1412, %add3A_1456], %get3A_1453 masked %gt3A_1411 {add = true} : memref<512x128xf32, #tpu.memory_space<vmem>>[vector<16xi32>, vector<16xi32>], vector<16xf32>, vector<16xi1>
          %mul3A_1457 = arith.constant 16 : i32
          %mul3A_1458 = arith.muli %scan3A_124, %mul3A_1457 : i32
          %add3A_1459 = arith.addi %mul3A_100, %mul3A_1458 : i32
          %add3A_1460 = arith.constant 13 : i32
          %add3A_1461 = arith.addi %add3A_1459, %add3A_1460 : i32
          %get3A_1462 = arith.index_cast %add3A_1461 : i32 to index
          %get3A_1463 = arith.constant 64 : index
          %get3A_1464 = tpu.vector_load %arg11[%get3A_1462, %get3A_1463] {strides = array<i32>} : memref<192x128xf32, #tpu.memory_space<vmem>>, vector<16xf32>,
          %add3A_1465 = arith.constant 64 : i32
          %add3A_1466 = vector.broadcast %add3A_1465 : i32 to vector<16xi32>
          %add3A_1467 = arith.addi %add3A_1466, %iota3A : vector<16xi32>
          tpu.vector_store_idx %arg12[%broadcast_in_dim3A_1412, %add3A_1467], %get3A_1464 masked %gt3A_1411 {add = true} : memref<512x128xf32, #tpu.memory_space<vmem>>[vector<16xi32>, vector<16xi32>], vector<16xf32>, vector<16xi1>
          %mul3A_1468 = arith.constant 16 : i32
          %mul3A_1469 = arith.muli %scan3A_124, %mul3A_1468 : i32
          %add3A_1470 = arith.addi %mul3A_100, %mul3A_1469 : i32
          %add3A_1471 = arith.constant 13 : i32
          %add3A_1472 = arith.addi %add3A_1470, %add3A_1471 : i32
          %get3A_1473 = arith.index_cast %add3A_1472 : i32 to index
          %get3A_1474 = arith.constant 80 : index
          %get3A_1475 = tpu.vector_load %arg11[%get3A_1473, %get3A_1474] {strides = array<i32>} : memref<192x128xf32, #tpu.memory_space<vmem>>, vector<16xf32>,
          %add3A_1476 = arith.constant 80 : i32
          %add3A_1477 = vector.broadcast %add3A_1476 : i32 to vector<16xi32>
          %add3A_1478 = arith.addi %add3A_1477, %iota3A : vector<16xi32>
          tpu.vector_store_idx %arg12[%broadcast_in_dim3A_1412, %add3A_1478], %get3A_1475 masked %gt3A_1411 {add = true} : memref<512x128xf32, #tpu.memory_space<vmem>>[vector<16xi32>, vector<16xi32>], vector<16xf32>, vector<16xi1>
          %mul3A_1479 = arith.constant 16 : i32
          %mul3A_1480 = arith.muli %scan3A_124, %mul3A_1479 : i32
          %add3A_1481 = arith.addi %mul3A_100, %mul3A_1480 : i32
          %add3A_1482 = arith.constant 13 : i32
          %add3A_1483 = arith.addi %add3A_1481, %add3A_1482 : i32
          %get3A_1484 = arith.index_cast %add3A_1483 : i32 to index
          %get3A_1485 = arith.constant 96 : index
          %get3A_1486 = tpu.vector_load %arg11[%get3A_1484, %get3A_1485] {strides = array<i32>} : memref<192x128xf32, #tpu.memory_space<vmem>>, vector<16xf32>,
          %add3A_1487 = arith.constant 96 : i32
          %add3A_1488 = vector.broadcast %add3A_1487 : i32 to vector<16xi32>
          %add3A_1489 = arith.addi %add3A_1488, %iota3A : vector<16xi32>
          tpu.vector_store_idx %arg12[%broadcast_in_dim3A_1412, %add3A_1489], %get3A_1486 masked %gt3A_1411 {add = true} : memref<512x128xf32, #tpu.memory_space<vmem>>[vector<16xi32>, vector<16xi32>], vector<16xf32>, vector<16xi1>
          %mul3A_1490 = arith.constant 16 : i32
          %mul3A_1491 = arith.muli %scan3A_124, %mul3A_1490 : i32
          %add3A_1492 = arith.addi %mul3A_100, %mul3A_1491 : i32
          %add3A_1493 = arith.constant 13 : i32
          %add3A_1494 = arith.addi %add3A_1492, %add3A_1493 : i32
          %get3A_1495 = arith.index_cast %add3A_1494 : i32 to index
          %get3A_1496 = arith.constant 112 : index
          %get3A_1497 = tpu.vector_load %arg11[%get3A_1495, %get3A_1496] {strides = array<i32>} : memref<192x128xf32, #tpu.memory_space<vmem>>, vector<16xf32>,
          %add3A_1498 = arith.constant 112 : i32
          %add3A_1499 = vector.broadcast %add3A_1498 : i32 to vector<16xi32>
          %add3A_1500 = arith.addi %add3A_1499, %iota3A : vector<16xi32>
          tpu.vector_store_idx %arg12[%broadcast_in_dim3A_1412, %add3A_1500], %get3A_1497 masked %gt3A_1411 {add = true} : memref<512x128xf32, #tpu.memory_space<vmem>>[vector<16xi32>, vector<16xi32>], vector<16xf32>, vector<16xi1>
          %slice3A_1501 = vector.extract_strided_slice %min3A_135 {offsets = [14], sizes = [1], strides = [1]} : vector<16xi32> to vector<1xi32>
          %squeeze3A_1502 = vector.extract %slice3A_1501[0] : i32 from vector<1xi32>
          %slice3A_1503 = vector.extract_strided_slice %convert_element_type3A_142 {offsets = [14], sizes = [1], strides = [1]} : vector<16xi32> to vector<1xi32>
          %squeeze3A_1504 = vector.extract %slice3A_1503[0] : i32 from vector<1xi32>
          %broadcast_in_dim3A_1505 = vector.broadcast %squeeze3A_1504 : i32 to vector<16xi32>
          %gt3A_1506 = arith.constant 0 : i32
          %gt3A_1507 = vector.broadcast %gt3A_1506 : i32 to vector<16xi32>
          %gt3A_1508 = arith.cmpi sgt, %broadcast_in_dim3A_1505, %gt3A_1507 : vector<16xi32>
          %broadcast_in_dim3A_1509 = vector.broadcast %squeeze3A_1502 : i32 to vector<16xi32>
          %mul3A_1510 = arith.constant 16 : i32
          %mul3A_1511 = arith.muli %scan3A_124, %mul3A_1510 : i32
          %add3A_1512 = arith.addi %mul3A_100, %mul3A_1511 : i32
          %add3A_1513 = arith.constant 14 : i32
          %add3A_1514 = arith.addi %add3A_1512, %add3A_1513 : i32
          %get3A_1515 = arith.index_cast %add3A_1514 : i32 to index
          %get3A_1516 = arith.constant 0 : index
          %get3A_1517 = tpu.vector_load %arg11[%get3A_1515, %get3A_1516] {strides = array<i32>} : memref<192x128xf32, #tpu.memory_space<vmem>>, vector<16xf32>,
          %add3A_1518 = arith.constant 0 : i32
          %add3A_1519 = vector.broadcast %add3A_1518 : i32 to vector<16xi32>
          %add3A_1520 = arith.addi %add3A_1519, %iota3A : vector<16xi32>
          tpu.vector_store_idx %arg12[%broadcast_in_dim3A_1509, %add3A_1520], %get3A_1517 masked %gt3A_1508 {add = true} : memref<512x128xf32, #tpu.memory_space<vmem>>[vector<16xi32>, vector<16xi32>], vector<16xf32>, vector<16xi1>
          %mul3A_1521 = arith.constant 16 : i32
          %mul3A_1522 = arith.muli %scan3A_124, %mul3A_1521 : i32
          %add3A_1523 = arith.addi %mul3A_100, %mul3A_1522 : i32
          %add3A_1524 = arith.constant 14 : i32
          %add3A_1525 = arith.addi %add3A_1523, %add3A_1524 : i32
          %get3A_1526 = arith.index_cast %add3A_1525 : i32 to index
          %get3A_1527 = arith.constant 16 : index
          %get3A_1528 = tpu.vector_load %arg11[%get3A_1526, %get3A_1527] {strides = array<i32>} : memref<192x128xf32, #tpu.memory_space<vmem>>, vector<16xf32>,
          %add3A_1529 = arith.constant 16 : i32
          %add3A_1530 = vector.broadcast %add3A_1529 : i32 to vector<16xi32>
          %add3A_1531 = arith.addi %add3A_1530, %iota3A : vector<16xi32>
          tpu.vector_store_idx %arg12[%broadcast_in_dim3A_1509, %add3A_1531], %get3A_1528 masked %gt3A_1508 {add = true} : memref<512x128xf32, #tpu.memory_space<vmem>>[vector<16xi32>, vector<16xi32>], vector<16xf32>, vector<16xi1>
          %mul3A_1532 = arith.constant 16 : i32
          %mul3A_1533 = arith.muli %scan3A_124, %mul3A_1532 : i32
          %add3A_1534 = arith.addi %mul3A_100, %mul3A_1533 : i32
          %add3A_1535 = arith.constant 14 : i32
          %add3A_1536 = arith.addi %add3A_1534, %add3A_1535 : i32
          %get3A_1537 = arith.index_cast %add3A_1536 : i32 to index
          %get3A_1538 = arith.constant 32 : index
          %get3A_1539 = tpu.vector_load %arg11[%get3A_1537, %get3A_1538] {strides = array<i32>} : memref<192x128xf32, #tpu.memory_space<vmem>>, vector<16xf32>,
          %add3A_1540 = arith.constant 32 : i32
          %add3A_1541 = vector.broadcast %add3A_1540 : i32 to vector<16xi32>
          %add3A_1542 = arith.addi %add3A_1541, %iota3A : vector<16xi32>
          tpu.vector_store_idx %arg12[%broadcast_in_dim3A_1509, %add3A_1542], %get3A_1539 masked %gt3A_1508 {add = true} : memref<512x128xf32, #tpu.memory_space<vmem>>[vector<16xi32>, vector<16xi32>], vector<16xf32>, vector<16xi1>
          %mul3A_1543 = arith.constant 16 : i32
          %mul3A_1544 = arith.muli %scan3A_124, %mul3A_1543 : i32
          %add3A_1545 = arith.addi %mul3A_100, %mul3A_1544 : i32
          %add3A_1546 = arith.constant 14 : i32
          %add3A_1547 = arith.addi %add3A_1545, %add3A_1546 : i32
          %get3A_1548 = arith.index_cast %add3A_1547 : i32 to index
          %get3A_1549 = arith.constant 48 : index
          %get3A_1550 = tpu.vector_load %arg11[%get3A_1548, %get3A_1549] {strides = array<i32>} : memref<192x128xf32, #tpu.memory_space<vmem>>, vector<16xf32>,
          %add3A_1551 = arith.constant 48 : i32
          %add3A_1552 = vector.broadcast %add3A_1551 : i32 to vector<16xi32>
          %add3A_1553 = arith.addi %add3A_1552, %iota3A : vector<16xi32>
          tpu.vector_store_idx %arg12[%broadcast_in_dim3A_1509, %add3A_1553], %get3A_1550 masked %gt3A_1508 {add = true} : memref<512x128xf32, #tpu.memory_space<vmem>>[vector<16xi32>, vector<16xi32>], vector<16xf32>, vector<16xi1>
          %mul3A_1554 = arith.constant 16 : i32
          %mul3A_1555 = arith.muli %scan3A_124, %mul3A_1554 : i32
          %add3A_1556 = arith.addi %mul3A_100, %mul3A_1555 : i32
          %add3A_1557 = arith.constant 14 : i32
          %add3A_1558 = arith.addi %add3A_1556, %add3A_1557 : i32
          %get3A_1559 = arith.index_cast %add3A_1558 : i32 to index
          %get3A_1560 = arith.constant 64 : index
          %get3A_1561 = tpu.vector_load %arg11[%get3A_1559, %get3A_1560] {strides = array<i32>} : memref<192x128xf32, #tpu.memory_space<vmem>>, vector<16xf32>,
          %add3A_1562 = arith.constant 64 : i32
          %add3A_1563 = vector.broadcast %add3A_1562 : i32 to vector<16xi32>
          %add3A_1564 = arith.addi %add3A_1563, %iota3A : vector<16xi32>
          tpu.vector_store_idx %arg12[%broadcast_in_dim3A_1509, %add3A_1564], %get3A_1561 masked %gt3A_1508 {add = true} : memref<512x128xf32, #tpu.memory_space<vmem>>[vector<16xi32>, vector<16xi32>], vector<16xf32>, vector<16xi1>
          %mul3A_1565 = arith.constant 16 : i32
          %mul3A_1566 = arith.muli %scan3A_124, %mul3A_1565 : i32
          %add3A_1567 = arith.addi %mul3A_100, %mul3A_1566 : i32
          %add3A_1568 = arith.constant 14 : i32
          %add3A_1569 = arith.addi %add3A_1567, %add3A_1568 : i32
          %get3A_1570 = arith.index_cast %add3A_1569 : i32 to index
          %get3A_1571 = arith.constant 80 : index
          %get3A_1572 = tpu.vector_load %arg11[%get3A_1570, %get3A_1571] {strides = array<i32>} : memref<192x128xf32, #tpu.memory_space<vmem>>, vector<16xf32>,
          %add3A_1573 = arith.constant 80 : i32
          %add3A_1574 = vector.broadcast %add3A_1573 : i32 to vector<16xi32>
          %add3A_1575 = arith.addi %add3A_1574, %iota3A : vector<16xi32>
          tpu.vector_store_idx %arg12[%broadcast_in_dim3A_1509, %add3A_1575], %get3A_1572 masked %gt3A_1508 {add = true} : memref<512x128xf32, #tpu.memory_space<vmem>>[vector<16xi32>, vector<16xi32>], vector<16xf32>, vector<16xi1>
          %mul3A_1576 = arith.constant 16 : i32
          %mul3A_1577 = arith.muli %scan3A_124, %mul3A_1576 : i32
          %add3A_1578 = arith.addi %mul3A_100, %mul3A_1577 : i32
          %add3A_1579 = arith.constant 14 : i32
          %add3A_1580 = arith.addi %add3A_1578, %add3A_1579 : i32
          %get3A_1581 = arith.index_cast %add3A_1580 : i32 to index
          %get3A_1582 = arith.constant 96 : index
          %get3A_1583 = tpu.vector_load %arg11[%get3A_1581, %get3A_1582] {strides = array<i32>} : memref<192x128xf32, #tpu.memory_space<vmem>>, vector<16xf32>,
          %add3A_1584 = arith.constant 96 : i32
          %add3A_1585 = vector.broadcast %add3A_1584 : i32 to vector<16xi32>
          %add3A_1586 = arith.addi %add3A_1585, %iota3A : vector<16xi32>
          tpu.vector_store_idx %arg12[%broadcast_in_dim3A_1509, %add3A_1586], %get3A_1583 masked %gt3A_1508 {add = true} : memref<512x128xf32, #tpu.memory_space<vmem>>[vector<16xi32>, vector<16xi32>], vector<16xf32>, vector<16xi1>
          %mul3A_1587 = arith.constant 16 : i32
          %mul3A_1588 = arith.muli %scan3A_124, %mul3A_1587 : i32
          %add3A_1589 = arith.addi %mul3A_100, %mul3A_1588 : i32
          %add3A_1590 = arith.constant 14 : i32
          %add3A_1591 = arith.addi %add3A_1589, %add3A_1590 : i32
          %get3A_1592 = arith.index_cast %add3A_1591 : i32 to index
          %get3A_1593 = arith.constant 112 : index
          %get3A_1594 = tpu.vector_load %arg11[%get3A_1592, %get3A_1593] {strides = array<i32>} : memref<192x128xf32, #tpu.memory_space<vmem>>, vector<16xf32>,
          %add3A_1595 = arith.constant 112 : i32
          %add3A_1596 = vector.broadcast %add3A_1595 : i32 to vector<16xi32>
          %add3A_1597 = arith.addi %add3A_1596, %iota3A : vector<16xi32>
          tpu.vector_store_idx %arg12[%broadcast_in_dim3A_1509, %add3A_1597], %get3A_1594 masked %gt3A_1508 {add = true} : memref<512x128xf32, #tpu.memory_space<vmem>>[vector<16xi32>, vector<16xi32>], vector<16xf32>, vector<16xi1>
          %slice3A_1598 = vector.extract_strided_slice %min3A_135 {offsets = [15], sizes = [1], strides = [1]} : vector<16xi32> to vector<1xi32>
          %squeeze3A_1599 = vector.extract %slice3A_1598[0] : i32 from vector<1xi32>
          %slice3A_1600 = vector.extract_strided_slice %convert_element_type3A_142 {offsets = [15], sizes = [1], strides = [1]} : vector<16xi32> to vector<1xi32>
          %squeeze3A_1601 = vector.extract %slice3A_1600[0] : i32 from vector<1xi32>
          %broadcast_in_dim3A_1602 = vector.broadcast %squeeze3A_1601 : i32 to vector<16xi32>
          %gt3A_1603 = arith.constant 0 : i32
          %gt3A_1604 = vector.broadcast %gt3A_1603 : i32 to vector<16xi32>
          %gt3A_1605 = arith.cmpi sgt, %broadcast_in_dim3A_1602, %gt3A_1604 : vector<16xi32>
          %broadcast_in_dim3A_1606 = vector.broadcast %squeeze3A_1599 : i32 to vector<16xi32>
          %mul3A_1607 = arith.constant 16 : i32
          %mul3A_1608 = arith.muli %scan3A_124, %mul3A_1607 : i32
          %add3A_1609 = arith.addi %mul3A_100, %mul3A_1608 : i32
          %add3A_1610 = arith.constant 15 : i32
          %add3A_1611 = arith.addi %add3A_1609, %add3A_1610 : i32
          %get3A_1612 = arith.index_cast %add3A_1611 : i32 to index
          %get3A_1613 = arith.constant 0 : index
          %get3A_1614 = tpu.vector_load %arg11[%get3A_1612, %get3A_1613] {strides = array<i32>} : memref<192x128xf32, #tpu.memory_space<vmem>>, vector<16xf32>,
          %add3A_1615 = arith.constant 0 : i32
          %add3A_1616 = vector.broadcast %add3A_1615 : i32 to vector<16xi32>
          %add3A_1617 = arith.addi %add3A_1616, %iota3A : vector<16xi32>
          tpu.vector_store_idx %arg12[%broadcast_in_dim3A_1606, %add3A_1617], %get3A_1614 masked %gt3A_1605 {add = true} : memref<512x128xf32, #tpu.memory_space<vmem>>[vector<16xi32>, vector<16xi32>], vector<16xf32>, vector<16xi1>
          %mul3A_1618 = arith.constant 16 : i32
          %mul3A_1619 = arith.muli %scan3A_124, %mul3A_1618 : i32
          %add3A_1620 = arith.addi %mul3A_100, %mul3A_1619 : i32
          %add3A_1621 = arith.constant 15 : i32
          %add3A_1622 = arith.addi %add3A_1620, %add3A_1621 : i32
          %get3A_1623 = arith.index_cast %add3A_1622 : i32 to index
          %get3A_1624 = arith.constant 16 : index
          %get3A_1625 = tpu.vector_load %arg11[%get3A_1623, %get3A_1624] {strides = array<i32>} : memref<192x128xf32, #tpu.memory_space<vmem>>, vector<16xf32>,
          %add3A_1626 = arith.constant 16 : i32
          %add3A_1627 = vector.broadcast %add3A_1626 : i32 to vector<16xi32>
          %add3A_1628 = arith.addi %add3A_1627, %iota3A : vector<16xi32>
          tpu.vector_store_idx %arg12[%broadcast_in_dim3A_1606, %add3A_1628], %get3A_1625 masked %gt3A_1605 {add = true} : memref<512x128xf32, #tpu.memory_space<vmem>>[vector<16xi32>, vector<16xi32>], vector<16xf32>, vector<16xi1>
          %mul3A_1629 = arith.constant 16 : i32
          %mul3A_1630 = arith.muli %scan3A_124, %mul3A_1629 : i32
          %add3A_1631 = arith.addi %mul3A_100, %mul3A_1630 : i32
          %add3A_1632 = arith.constant 15 : i32
          %add3A_1633 = arith.addi %add3A_1631, %add3A_1632 : i32
          %get3A_1634 = arith.index_cast %add3A_1633 : i32 to index
          %get3A_1635 = arith.constant 32 : index
          %get3A_1636 = tpu.vector_load %arg11[%get3A_1634, %get3A_1635] {strides = array<i32>} : memref<192x128xf32, #tpu.memory_space<vmem>>, vector<16xf32>,
          %add3A_1637 = arith.constant 32 : i32
          %add3A_1638 = vector.broadcast %add3A_1637 : i32 to vector<16xi32>
          %add3A_1639 = arith.addi %add3A_1638, %iota3A : vector<16xi32>
          tpu.vector_store_idx %arg12[%broadcast_in_dim3A_1606, %add3A_1639], %get3A_1636 masked %gt3A_1605 {add = true} : memref<512x128xf32, #tpu.memory_space<vmem>>[vector<16xi32>, vector<16xi32>], vector<16xf32>, vector<16xi1>
          %mul3A_1640 = arith.constant 16 : i32
          %mul3A_1641 = arith.muli %scan3A_124, %mul3A_1640 : i32
          %add3A_1642 = arith.addi %mul3A_100, %mul3A_1641 : i32
          %add3A_1643 = arith.constant 15 : i32
          %add3A_1644 = arith.addi %add3A_1642, %add3A_1643 : i32
          %get3A_1645 = arith.index_cast %add3A_1644 : i32 to index
          %get3A_1646 = arith.constant 48 : index
          %get3A_1647 = tpu.vector_load %arg11[%get3A_1645, %get3A_1646] {strides = array<i32>} : memref<192x128xf32, #tpu.memory_space<vmem>>, vector<16xf32>,
          %add3A_1648 = arith.constant 48 : i32
          %add3A_1649 = vector.broadcast %add3A_1648 : i32 to vector<16xi32>
          %add3A_1650 = arith.addi %add3A_1649, %iota3A : vector<16xi32>
          tpu.vector_store_idx %arg12[%broadcast_in_dim3A_1606, %add3A_1650], %get3A_1647 masked %gt3A_1605 {add = true} : memref<512x128xf32, #tpu.memory_space<vmem>>[vector<16xi32>, vector<16xi32>], vector<16xf32>, vector<16xi1>
          %mul3A_1651 = arith.constant 16 : i32
          %mul3A_1652 = arith.muli %scan3A_124, %mul3A_1651 : i32
          %add3A_1653 = arith.addi %mul3A_100, %mul3A_1652 : i32
          %add3A_1654 = arith.constant 15 : i32
          %add3A_1655 = arith.addi %add3A_1653, %add3A_1654 : i32
          %get3A_1656 = arith.index_cast %add3A_1655 : i32 to index
          %get3A_1657 = arith.constant 64 : index
          %get3A_1658 = tpu.vector_load %arg11[%get3A_1656, %get3A_1657] {strides = array<i32>} : memref<192x128xf32, #tpu.memory_space<vmem>>, vector<16xf32>,
          %add3A_1659 = arith.constant 64 : i32
          %add3A_1660 = vector.broadcast %add3A_1659 : i32 to vector<16xi32>
          %add3A_1661 = arith.addi %add3A_1660, %iota3A : vector<16xi32>
          tpu.vector_store_idx %arg12[%broadcast_in_dim3A_1606, %add3A_1661], %get3A_1658 masked %gt3A_1605 {add = true} : memref<512x128xf32, #tpu.memory_space<vmem>>[vector<16xi32>, vector<16xi32>], vector<16xf32>, vector<16xi1>
          %mul3A_1662 = arith.constant 16 : i32
          %mul3A_1663 = arith.muli %scan3A_124, %mul3A_1662 : i32
          %add3A_1664 = arith.addi %mul3A_100, %mul3A_1663 : i32
          %add3A_1665 = arith.constant 15 : i32
          %add3A_1666 = arith.addi %add3A_1664, %add3A_1665 : i32
          %get3A_1667 = arith.index_cast %add3A_1666 : i32 to index
          %get3A_1668 = arith.constant 80 : index
          %get3A_1669 = tpu.vector_load %arg11[%get3A_1667, %get3A_1668] {strides = array<i32>} : memref<192x128xf32, #tpu.memory_space<vmem>>, vector<16xf32>,
          %add3A_1670 = arith.constant 80 : i32
          %add3A_1671 = vector.broadcast %add3A_1670 : i32 to vector<16xi32>
          %add3A_1672 = arith.addi %add3A_1671, %iota3A : vector<16xi32>
          tpu.vector_store_idx %arg12[%broadcast_in_dim3A_1606, %add3A_1672], %get3A_1669 masked %gt3A_1605 {add = true} : memref<512x128xf32, #tpu.memory_space<vmem>>[vector<16xi32>, vector<16xi32>], vector<16xf32>, vector<16xi1>
          %mul3A_1673 = arith.constant 16 : i32
          %mul3A_1674 = arith.muli %scan3A_124, %mul3A_1673 : i32
          %add3A_1675 = arith.addi %mul3A_100, %mul3A_1674 : i32
          %add3A_1676 = arith.constant 15 : i32
          %add3A_1677 = arith.addi %add3A_1675, %add3A_1676 : i32
          %get3A_1678 = arith.index_cast %add3A_1677 : i32 to index
          %get3A_1679 = arith.constant 96 : index
          %get3A_1680 = tpu.vector_load %arg11[%get3A_1678, %get3A_1679] {strides = array<i32>} : memref<192x128xf32, #tpu.memory_space<vmem>>, vector<16xf32>,
          %add3A_1681 = arith.constant 96 : i32
          %add3A_1682 = vector.broadcast %add3A_1681 : i32 to vector<16xi32>
          %add3A_1683 = arith.addi %add3A_1682, %iota3A : vector<16xi32>
          tpu.vector_store_idx %arg12[%broadcast_in_dim3A_1606, %add3A_1683], %get3A_1680 masked %gt3A_1605 {add = true} : memref<512x128xf32, #tpu.memory_space<vmem>>[vector<16xi32>, vector<16xi32>], vector<16xf32>, vector<16xi1>
          %mul3A_1684 = arith.constant 16 : i32
          %mul3A_1685 = arith.muli %scan3A_124, %mul3A_1684 : i32
          %add3A_1686 = arith.addi %mul3A_100, %mul3A_1685 : i32
          %add3A_1687 = arith.constant 15 : i32
          %add3A_1688 = arith.addi %add3A_1686, %add3A_1687 : i32
          %get3A_1689 = arith.index_cast %add3A_1688 : i32 to index
          %get3A_1690 = arith.constant 112 : index
          %get3A_1691 = tpu.vector_load %arg11[%get3A_1689, %get3A_1690] {strides = array<i32>} : memref<192x128xf32, #tpu.memory_space<vmem>>, vector<16xf32>,
          %add3A_1692 = arith.constant 112 : i32
          %add3A_1693 = vector.broadcast %add3A_1692 : i32 to vector<16xi32>
          %add3A_1694 = arith.addi %add3A_1693, %iota3A : vector<16xi32>
          tpu.vector_store_idx %arg12[%broadcast_in_dim3A_1606, %add3A_1694], %get3A_1691 masked %gt3A_1605 {add = true} : memref<512x128xf32, #tpu.memory_space<vmem>>[vector<16xi32>, vector<16xi32>], vector<16xf32>, vector<16xi1>
        }
        %scan3A_118 = arith.constant 4 : i32
        %add3A_119 = arith.constant 3 : i32
        %add3A_120 = arith.addi %while3A_96, %add3A_119 : i32
        %lt3A = arith.cmpi slt, %add3A_120, %select_n3A_63 : i32
        %convert_element_type3A_121 = arith.extui %lt3A : i1 to i32
        %cond3A_122 = arith.constant 0 : i32
        %cond3A_123 = arith.cmpi ne, %convert_element_type3A_121, %cond3A_122 : i32
        scf.if %cond3A_123 {
          %add3A_124 = arith.constant 3 : i32
          %add3A_125 = arith.addi %while3A_96, %add3A_124 : i32
          %mul3A_126 = arith.constant 64 : i32
          %mul3A_127 = arith.muli %add3A_125, %mul3A_126 : i32
          %add3A_128 = arith.addi %mul3A_36, %mul3A_127 : i32
          %mul3A_129 = arith.constant 64 : i32
          %mul3A_130 = arith.muli %rem3A_98, %mul3A_129 : i32
          %dma_start3A = arith.constant 0 : i32
          %dma_start3A_131 = tpu.memref_slice %arg11[%mul3A_130, %dma_start3A] : memref<192x128xf32, #tpu.memory_space<vmem>> -> memref<64x128xf32, #tpu.memory_space<vmem>>
          %dma_start3A_132 = tpu.memref_slice %arg9[%add3A_128] : memref<16448xi32, #tpu.memory_space<vmem>> -> memref<64xi32, #tpu.memory_space<vmem>>
          %dma_start3A_133 = arith.constant 0 : i32
          %dma_start3A_134 = tpu.memref_slice %arg2[%dma_start3A_133, %mul3A_2] : memref<16384x4096xf32, #tpu.memory_space<hbm>> -> memref<16384x128xf32, #tpu.memory_space<hbm>>
          %dma_start3A_135 = tpu.memref_slice %arg13[%rem3A_98] : memref<3x!tpu.dma_semaphore, #tpu.memory_space<semaphore_mem>> -> memref<1x!tpu.dma_semaphore, #tpu.memory_space<semaphore_mem>>
          %dma_start3A_136 = tpu.memref_squeeze %dma_start3A_135 : memref<1x!tpu.dma_semaphore, #tpu.memory_space<semaphore_mem>> -> memref<!tpu.dma_semaphore, #tpu.memory_space<semaphore_mem>>
          tpu.enqueue_indirect_dma source(%dma_start3A_134 : memref<16384x128xf32, #tpu.memory_space<hbm>>) target(%dma_start3A_131 : memref<64x128xf32, #tpu.memory_space<vmem>>) offsets(%dma_start3A_132 : memref<64xi32, #tpu.memory_space<vmem>>) semaphore(%dma_start3A_136 : memref<!tpu.dma_semaphore, #tpu.memory_space<semaphore_mem>>)
        } else {
        }
      }
      %while3A_92 = arith.constant 1 : i32
      scf.for %while3A_96 = %while3A_90 to %while3A_86 step %while3A_92  : i32 {
        %rem3A_97 = arith.constant 3 : i32
        %rem3A_98 = arith.remsi %while3A_96, %rem3A_97 : i32
        %mul3A_99 = arith.constant 64 : i32
        %mul3A_100 = arith.muli %rem3A_98, %mul3A_99 : i32
        %mul3A_101 = arith.constant 64 : i32
        %mul3A_102 = arith.muli %while3A_96, %mul3A_101 : i32
        %add3A_103 = arith.addi %mul3A_36, %mul3A_102 : i32
        %mul3A_104 = arith.constant 64 : i32
        %mul3A_105 = arith.muli %rem3A_98, %mul3A_104 : i32
        %dma_wait3A = arith.constant 0 : i32
        %dma_wait3A_106 = tpu.memref_slice %arg11[%mul3A_105, %dma_wait3A] : memref<192x128xf32, #tpu.memory_space<vmem>> -> memref<64x128xf32, #tpu.memory_space<vmem>>
        %dma_wait3A_107 = arith.constant 0 : i32
        %dma_wait3A_108 = tpu.memref_slice %arg9[%dma_wait3A_107] : memref<16448xi32, #tpu.memory_space<vmem>> -> memref<64xi32, #tpu.memory_space<vmem>>
        %dma_wait3A_109 = arith.constant 0 : i32
        %dma_wait3A_110 = tpu.memref_slice %arg2[%dma_wait3A_109, %mul3A_2] : memref<16384x4096xf32, #tpu.memory_space<hbm>> -> memref<16384x128xf32, #tpu.memory_space<hbm>>
        %dma_wait3A_111 = tpu.memref_slice %arg13[%rem3A_98] : memref<3x!tpu.dma_semaphore, #tpu.memory_space<semaphore_mem>> -> memref<1x!tpu.dma_semaphore, #tpu.memory_space<semaphore_mem>>
        %dma_wait3A_112 = tpu.memref_squeeze %dma_wait3A_111 : memref<1x!tpu.dma_semaphore, #tpu.memory_space<semaphore_mem>> -> memref<!tpu.dma_semaphore, #tpu.memory_space<semaphore_mem>>
        tpu.wait_indirect_dma semaphore(%dma_wait3A_112 : memref<!tpu.dma_semaphore, #tpu.memory_space<semaphore_mem>>) src(%dma_wait3A_110 : memref<16384x128xf32, #tpu.memory_space<hbm>>) dst(%dma_wait3A_106 : memref<64x128xf32, #tpu.memory_space<vmem>>)
        %scan3A_113 = arith.constant 0 : i32
        %scan3A_114 = arith.constant 0 : i32
        %scan3A_115 = arith.constant 4 : i32
        %scan3A_116 = arith.addi %scan3A_114, %scan3A_115 : i32
        %scan3A_117 = arith.constant 1 : i32
        scf.for %scan3A_124 = %scan3A_114 to %scan3A_116 step %scan3A_117  : i32 {
          %mul3A_125 = arith.constant 16 : i32
          %mul3A_126 = arith.muli %scan3A_124, %mul3A_125 : i32
          %add3A_127 = arith.addi %add3A_103, %mul3A_126 : i32
          %get3A_128 = arith.index_cast %add3A_127 : i32 to index
          %get3A_129 = tpu.vector_load %arg10[%get3A_128] {strides = array<i32>} : memref<16448xi32, #tpu.memory_space<vmem>>, vector<16xi32>,
          %sub3A_130 = vector.broadcast %mul3A_65 : i32 to vector<16xi32>
          %sub3A_131 = arith.subi %get3A_129, %sub3A_130 : vector<16xi32>
          %jit3A_132 = arith.constant 0 : i32
          %jit3A_133 = arith.constant 511 : i32
          %max3A = vector.broadcast %jit3A_132 : i32 to vector<16xi32>
          %max3A_134 = arith.maxsi %max3A, %sub3A_131 : vector<16xi32>
          %min3A = vector.broadcast %jit3A_133 : i32 to vector<16xi32>
          %min3A_135 = arith.minsi %min3A, %max3A_134 : vector<16xi32>
          %add3A_136 = vector.broadcast %add3A_127 : i32 to vector<16xi32>
          %add3A_137 = arith.addi %add3A_136, %iota3A : vector<16xi32>
          %ge3A = vector.broadcast %squeeze3A : i32 to vector<16xi32>
          %ge3A_138 = arith.cmpi sge, %add3A_137, %ge3A : vector<16xi32>
          %lt3A_139 = vector.broadcast %squeeze3A_18 : i32 to vector<16xi32>
          %lt3A_140 = arith.cmpi slt, %add3A_137, %lt3A_139 : vector<16xi32>
          %and3A_141 = arith.andi %ge3A_138, %lt3A_140 : vector<16xi1>
          %convert_element_type3A_142 = arith.extui %and3A_141 : vector<16xi1> to vector<16xi32>
          %slice3A_143 = vector.extract_strided_slice %min3A_135 {offsets = [0], sizes = [1], strides = [1]} : vector<16xi32> to vector<1xi32>
          %squeeze3A_144 = vector.extract %slice3A_143[0] : i32 from vector<1xi32>
          %slice3A_145 = vector.extract_strided_slice %convert_element_type3A_142 {offsets = [0], sizes = [1], strides = [1]} : vector<16xi32> to vector<1xi32>
          %squeeze3A_146 = vector.extract %slice3A_145[0] : i32 from vector<1xi32>
          %broadcast_in_dim3A_147 = vector.broadcast %squeeze3A_146 : i32 to vector<16xi32>
          %gt3A_148 = arith.constant 0 : i32
          %gt3A_149 = vector.broadcast %gt3A_148 : i32 to vector<16xi32>
          %gt3A_150 = arith.cmpi sgt, %broadcast_in_dim3A_147, %gt3A_149 : vector<16xi32>
          %broadcast_in_dim3A_151 = vector.broadcast %squeeze3A_144 : i32 to vector<16xi32>
          %mul3A_152 = arith.constant 16 : i32
          %mul3A_153 = arith.muli %scan3A_124, %mul3A_152 : i32
          %add3A_154 = arith.addi %mul3A_100, %mul3A_153 : i32
          %add3A_155 = arith.constant 0 : i32
          %add3A_156 = arith.addi %add3A_154, %add3A_155 : i32
          %get3A_157 = arith.index_cast %add3A_156 : i32 to index
          %get3A_158 = arith.constant 0 : index
          %get3A_159 = tpu.vector_load %arg11[%get3A_157, %get3A_158] {strides = array<i32>} : memref<192x128xf32, #tpu.memory_space<vmem>>, vector<16xf32>,
          %add3A_160 = arith.constant 0 : i32
          %add3A_161 = vector.broadcast %add3A_160 : i32 to vector<16xi32>
          %add3A_162 = arith.addi %add3A_161, %iota3A : vector<16xi32>
          tpu.vector_store_idx %arg12[%broadcast_in_dim3A_151, %add3A_162], %get3A_159 masked %gt3A_150 {add = true} : memref<512x128xf32, #tpu.memory_space<vmem>>[vector<16xi32>, vector<16xi32>], vector<16xf32>, vector<16xi1>
          %mul3A_163 = arith.constant 16 : i32
          %mul3A_164 = arith.muli %scan3A_124, %mul3A_163 : i32
          %add3A_165 = arith.addi %mul3A_100, %mul3A_164 : i32
          %add3A_166 = arith.constant 0 : i32
          %add3A_167 = arith.addi %add3A_165, %add3A_166 : i32
          %get3A_168 = arith.index_cast %add3A_167 : i32 to index
          %get3A_169 = arith.constant 16 : index
          %get3A_170 = tpu.vector_load %arg11[%get3A_168, %get3A_169] {strides = array<i32>} : memref<192x128xf32, #tpu.memory_space<vmem>>, vector<16xf32>,
          %add3A_171 = arith.constant 16 : i32
          %add3A_172 = vector.broadcast %add3A_171 : i32 to vector<16xi32>
          %add3A_173 = arith.addi %add3A_172, %iota3A : vector<16xi32>
          tpu.vector_store_idx %arg12[%broadcast_in_dim3A_151, %add3A_173], %get3A_170 masked %gt3A_150 {add = true} : memref<512x128xf32, #tpu.memory_space<vmem>>[vector<16xi32>, vector<16xi32>], vector<16xf32>, vector<16xi1>
          %mul3A_174 = arith.constant 16 : i32
          %mul3A_175 = arith.muli %scan3A_124, %mul3A_174 : i32
          %add3A_176 = arith.addi %mul3A_100, %mul3A_175 : i32
          %add3A_177 = arith.constant 0 : i32
          %add3A_178 = arith.addi %add3A_176, %add3A_177 : i32
          %get3A_179 = arith.index_cast %add3A_178 : i32 to index
          %get3A_180 = arith.constant 32 : index
          %get3A_181 = tpu.vector_load %arg11[%get3A_179, %get3A_180] {strides = array<i32>} : memref<192x128xf32, #tpu.memory_space<vmem>>, vector<16xf32>,
          %add3A_182 = arith.constant 32 : i32
          %add3A_183 = vector.broadcast %add3A_182 : i32 to vector<16xi32>
          %add3A_184 = arith.addi %add3A_183, %iota3A : vector<16xi32>
          tpu.vector_store_idx %arg12[%broadcast_in_dim3A_151, %add3A_184], %get3A_181 masked %gt3A_150 {add = true} : memref<512x128xf32, #tpu.memory_space<vmem>>[vector<16xi32>, vector<16xi32>], vector<16xf32>, vector<16xi1>
          %mul3A_185 = arith.constant 16 : i32
          %mul3A_186 = arith.muli %scan3A_124, %mul3A_185 : i32
          %add3A_187 = arith.addi %mul3A_100, %mul3A_186 : i32
          %add3A_188 = arith.constant 0 : i32
          %add3A_189 = arith.addi %add3A_187, %add3A_188 : i32
          %get3A_190 = arith.index_cast %add3A_189 : i32 to index
          %get3A_191 = arith.constant 48 : index
          %get3A_192 = tpu.vector_load %arg11[%get3A_190, %get3A_191] {strides = array<i32>} : memref<192x128xf32, #tpu.memory_space<vmem>>, vector<16xf32>,
          %add3A_193 = arith.constant 48 : i32
          %add3A_194 = vector.broadcast %add3A_193 : i32 to vector<16xi32>
          %add3A_195 = arith.addi %add3A_194, %iota3A : vector<16xi32>
          tpu.vector_store_idx %arg12[%broadcast_in_dim3A_151, %add3A_195], %get3A_192 masked %gt3A_150 {add = true} : memref<512x128xf32, #tpu.memory_space<vmem>>[vector<16xi32>, vector<16xi32>], vector<16xf32>, vector<16xi1>
          %mul3A_196 = arith.constant 16 : i32
          %mul3A_197 = arith.muli %scan3A_124, %mul3A_196 : i32
          %add3A_198 = arith.addi %mul3A_100, %mul3A_197 : i32
          %add3A_199 = arith.constant 0 : i32
          %add3A_200 = arith.addi %add3A_198, %add3A_199 : i32
          %get3A_201 = arith.index_cast %add3A_200 : i32 to index
          %get3A_202 = arith.constant 64 : index
          %get3A_203 = tpu.vector_load %arg11[%get3A_201, %get3A_202] {strides = array<i32>} : memref<192x128xf32, #tpu.memory_space<vmem>>, vector<16xf32>,
          %add3A_204 = arith.constant 64 : i32
          %add3A_205 = vector.broadcast %add3A_204 : i32 to vector<16xi32>
          %add3A_206 = arith.addi %add3A_205, %iota3A : vector<16xi32>
          tpu.vector_store_idx %arg12[%broadcast_in_dim3A_151, %add3A_206], %get3A_203 masked %gt3A_150 {add = true} : memref<512x128xf32, #tpu.memory_space<vmem>>[vector<16xi32>, vector<16xi32>], vector<16xf32>, vector<16xi1>
          %mul3A_207 = arith.constant 16 : i32
          %mul3A_208 = arith.muli %scan3A_124, %mul3A_207 : i32
          %add3A_209 = arith.addi %mul3A_100, %mul3A_208 : i32
          %add3A_210 = arith.constant 0 : i32
          %add3A_211 = arith.addi %add3A_209, %add3A_210 : i32
          %get3A_212 = arith.index_cast %add3A_211 : i32 to index
          %get3A_213 = arith.constant 80 : index
          %get3A_214 = tpu.vector_load %arg11[%get3A_212, %get3A_213] {strides = array<i32>} : memref<192x128xf32, #tpu.memory_space<vmem>>, vector<16xf32>,
          %add3A_215 = arith.constant 80 : i32
          %add3A_216 = vector.broadcast %add3A_215 : i32 to vector<16xi32>
          %add3A_217 = arith.addi %add3A_216, %iota3A : vector<16xi32>
          tpu.vector_store_idx %arg12[%broadcast_in_dim3A_151, %add3A_217], %get3A_214 masked %gt3A_150 {add = true} : memref<512x128xf32, #tpu.memory_space<vmem>>[vector<16xi32>, vector<16xi32>], vector<16xf32>, vector<16xi1>
          %mul3A_218 = arith.constant 16 : i32
          %mul3A_219 = arith.muli %scan3A_124, %mul3A_218 : i32
          %add3A_220 = arith.addi %mul3A_100, %mul3A_219 : i32
          %add3A_221 = arith.constant 0 : i32
          %add3A_222 = arith.addi %add3A_220, %add3A_221 : i32
          %get3A_223 = arith.index_cast %add3A_222 : i32 to index
          %get3A_224 = arith.constant 96 : index
          %get3A_225 = tpu.vector_load %arg11[%get3A_223, %get3A_224] {strides = array<i32>} : memref<192x128xf32, #tpu.memory_space<vmem>>, vector<16xf32>,
          %add3A_226 = arith.constant 96 : i32
          %add3A_227 = vector.broadcast %add3A_226 : i32 to vector<16xi32>
          %add3A_228 = arith.addi %add3A_227, %iota3A : vector<16xi32>
          tpu.vector_store_idx %arg12[%broadcast_in_dim3A_151, %add3A_228], %get3A_225 masked %gt3A_150 {add = true} : memref<512x128xf32, #tpu.memory_space<vmem>>[vector<16xi32>, vector<16xi32>], vector<16xf32>, vector<16xi1>
          %mul3A_229 = arith.constant 16 : i32
          %mul3A_230 = arith.muli %scan3A_124, %mul3A_229 : i32
          %add3A_231 = arith.addi %mul3A_100, %mul3A_230 : i32
          %add3A_232 = arith.constant 0 : i32
          %add3A_233 = arith.addi %add3A_231, %add3A_232 : i32
          %get3A_234 = arith.index_cast %add3A_233 : i32 to index
          %get3A_235 = arith.constant 112 : index
          %get3A_236 = tpu.vector_load %arg11[%get3A_234, %get3A_235] {strides = array<i32>} : memref<192x128xf32, #tpu.memory_space<vmem>>, vector<16xf32>,
          %add3A_237 = arith.constant 112 : i32
          %add3A_238 = vector.broadcast %add3A_237 : i32 to vector<16xi32>
          %add3A_239 = arith.addi %add3A_238, %iota3A : vector<16xi32>
          tpu.vector_store_idx %arg12[%broadcast_in_dim3A_151, %add3A_239], %get3A_236 masked %gt3A_150 {add = true} : memref<512x128xf32, #tpu.memory_space<vmem>>[vector<16xi32>, vector<16xi32>], vector<16xf32>, vector<16xi1>
          %slice3A_240 = vector.extract_strided_slice %min3A_135 {offsets = [1], sizes = [1], strides = [1]} : vector<16xi32> to vector<1xi32>
          %squeeze3A_241 = vector.extract %slice3A_240[0] : i32 from vector<1xi32>
          %slice3A_242 = vector.extract_strided_slice %convert_element_type3A_142 {offsets = [1], sizes = [1], strides = [1]} : vector<16xi32> to vector<1xi32>
          %squeeze3A_243 = vector.extract %slice3A_242[0] : i32 from vector<1xi32>
          %broadcast_in_dim3A_244 = vector.broadcast %squeeze3A_243 : i32 to vector<16xi32>
          %gt3A_245 = arith.constant 0 : i32
          %gt3A_246 = vector.broadcast %gt3A_245 : i32 to vector<16xi32>
          %gt3A_247 = arith.cmpi sgt, %broadcast_in_dim3A_244, %gt3A_246 : vector<16xi32>
          %broadcast_in_dim3A_248 = vector.broadcast %squeeze3A_241 : i32 to vector<16xi32>
          %mul3A_249 = arith.constant 16 : i32
          %mul3A_250 = arith.muli %scan3A_124, %mul3A_249 : i32
          %add3A_251 = arith.addi %mul3A_100, %mul3A_250 : i32
          %add3A_252 = arith.constant 1 : i32
          %add3A_253 = arith.addi %add3A_251, %add3A_252 : i32
          %get3A_254 = arith.index_cast %add3A_253 : i32 to index
          %get3A_255 = arith.constant 0 : index
          %get3A_256 = tpu.vector_load %arg11[%get3A_254, %get3A_255] {strides = array<i32>} : memref<192x128xf32, #tpu.memory_space<vmem>>, vector<16xf32>,
          %add3A_257 = arith.constant 0 : i32
          %add3A_258 = vector.broadcast %add3A_257 : i32 to vector<16xi32>
          %add3A_259 = arith.addi %add3A_258, %iota3A : vector<16xi32>
          tpu.vector_store_idx %arg12[%broadcast_in_dim3A_248, %add3A_259], %get3A_256 masked %gt3A_247 {add = true} : memref<512x128xf32, #tpu.memory_space<vmem>>[vector<16xi32>, vector<16xi32>], vector<16xf32>, vector<16xi1>
          %mul3A_260 = arith.constant 16 : i32
          %mul3A_261 = arith.muli %scan3A_124, %mul3A_260 : i32
          %add3A_262 = arith.addi %mul3A_100, %mul3A_261 : i32
          %add3A_263 = arith.constant 1 : i32
          %add3A_264 = arith.addi %add3A_262, %add3A_263 : i32
          %get3A_265 = arith.index_cast %add3A_264 : i32 to index
          %get3A_266 = arith.constant 16 : index
          %get3A_267 = tpu.vector_load %arg11[%get3A_265, %get3A_266] {strides = array<i32>} : memref<192x128xf32, #tpu.memory_space<vmem>>, vector<16xf32>,
          %add3A_268 = arith.constant 16 : i32
          %add3A_269 = vector.broadcast %add3A_268 : i32 to vector<16xi32>
          %add3A_270 = arith.addi %add3A_269, %iota3A : vector<16xi32>
          tpu.vector_store_idx %arg12[%broadcast_in_dim3A_248, %add3A_270], %get3A_267 masked %gt3A_247 {add = true} : memref<512x128xf32, #tpu.memory_space<vmem>>[vector<16xi32>, vector<16xi32>], vector<16xf32>, vector<16xi1>
          %mul3A_271 = arith.constant 16 : i32
          %mul3A_272 = arith.muli %scan3A_124, %mul3A_271 : i32
          %add3A_273 = arith.addi %mul3A_100, %mul3A_272 : i32
          %add3A_274 = arith.constant 1 : i32
          %add3A_275 = arith.addi %add3A_273, %add3A_274 : i32
          %get3A_276 = arith.index_cast %add3A_275 : i32 to index
          %get3A_277 = arith.constant 32 : index
          %get3A_278 = tpu.vector_load %arg11[%get3A_276, %get3A_277] {strides = array<i32>} : memref<192x128xf32, #tpu.memory_space<vmem>>, vector<16xf32>,
          %add3A_279 = arith.constant 32 : i32
          %add3A_280 = vector.broadcast %add3A_279 : i32 to vector<16xi32>
          %add3A_281 = arith.addi %add3A_280, %iota3A : vector<16xi32>
          tpu.vector_store_idx %arg12[%broadcast_in_dim3A_248, %add3A_281], %get3A_278 masked %gt3A_247 {add = true} : memref<512x128xf32, #tpu.memory_space<vmem>>[vector<16xi32>, vector<16xi32>], vector<16xf32>, vector<16xi1>
          %mul3A_282 = arith.constant 16 : i32
          %mul3A_283 = arith.muli %scan3A_124, %mul3A_282 : i32
          %add3A_284 = arith.addi %mul3A_100, %mul3A_283 : i32
          %add3A_285 = arith.constant 1 : i32
          %add3A_286 = arith.addi %add3A_284, %add3A_285 : i32
          %get3A_287 = arith.index_cast %add3A_286 : i32 to index
          %get3A_288 = arith.constant 48 : index
          %get3A_289 = tpu.vector_load %arg11[%get3A_287, %get3A_288] {strides = array<i32>} : memref<192x128xf32, #tpu.memory_space<vmem>>, vector<16xf32>,
          %add3A_290 = arith.constant 48 : i32
          %add3A_291 = vector.broadcast %add3A_290 : i32 to vector<16xi32>
          %add3A_292 = arith.addi %add3A_291, %iota3A : vector<16xi32>
          tpu.vector_store_idx %arg12[%broadcast_in_dim3A_248, %add3A_292], %get3A_289 masked %gt3A_247 {add = true} : memref<512x128xf32, #tpu.memory_space<vmem>>[vector<16xi32>, vector<16xi32>], vector<16xf32>, vector<16xi1>
          %mul3A_293 = arith.constant 16 : i32
          %mul3A_294 = arith.muli %scan3A_124, %mul3A_293 : i32
          %add3A_295 = arith.addi %mul3A_100, %mul3A_294 : i32
          %add3A_296 = arith.constant 1 : i32
          %add3A_297 = arith.addi %add3A_295, %add3A_296 : i32
          %get3A_298 = arith.index_cast %add3A_297 : i32 to index
          %get3A_299 = arith.constant 64 : index
          %get3A_300 = tpu.vector_load %arg11[%get3A_298, %get3A_299] {strides = array<i32>} : memref<192x128xf32, #tpu.memory_space<vmem>>, vector<16xf32>,
          %add3A_301 = arith.constant 64 : i32
          %add3A_302 = vector.broadcast %add3A_301 : i32 to vector<16xi32>
          %add3A_303 = arith.addi %add3A_302, %iota3A : vector<16xi32>
          tpu.vector_store_idx %arg12[%broadcast_in_dim3A_248, %add3A_303], %get3A_300 masked %gt3A_247 {add = true} : memref<512x128xf32, #tpu.memory_space<vmem>>[vector<16xi32>, vector<16xi32>], vector<16xf32>, vector<16xi1>
          %mul3A_304 = arith.constant 16 : i32
          %mul3A_305 = arith.muli %scan3A_124, %mul3A_304 : i32
          %add3A_306 = arith.addi %mul3A_100, %mul3A_305 : i32
          %add3A_307 = arith.constant 1 : i32
          %add3A_308 = arith.addi %add3A_306, %add3A_307 : i32
          %get3A_309 = arith.index_cast %add3A_308 : i32 to index
          %get3A_310 = arith.constant 80 : index
          %get3A_311 = tpu.vector_load %arg11[%get3A_309, %get3A_310] {strides = array<i32>} : memref<192x128xf32, #tpu.memory_space<vmem>>, vector<16xf32>,
          %add3A_312 = arith.constant 80 : i32
          %add3A_313 = vector.broadcast %add3A_312 : i32 to vector<16xi32>
          %add3A_314 = arith.addi %add3A_313, %iota3A : vector<16xi32>
          tpu.vector_store_idx %arg12[%broadcast_in_dim3A_248, %add3A_314], %get3A_311 masked %gt3A_247 {add = true} : memref<512x128xf32, #tpu.memory_space<vmem>>[vector<16xi32>, vector<16xi32>], vector<16xf32>, vector<16xi1>
          %mul3A_315 = arith.constant 16 : i32
          %mul3A_316 = arith.muli %scan3A_124, %mul3A_315 : i32
          %add3A_317 = arith.addi %mul3A_100, %mul3A_316 : i32
          %add3A_318 = arith.constant 1 : i32
          %add3A_319 = arith.addi %add3A_317, %add3A_318 : i32
          %get3A_320 = arith.index_cast %add3A_319 : i32 to index
          %get3A_321 = arith.constant 96 : index
          %get3A_322 = tpu.vector_load %arg11[%get3A_320, %get3A_321] {strides = array<i32>} : memref<192x128xf32, #tpu.memory_space<vmem>>, vector<16xf32>,
          %add3A_323 = arith.constant 96 : i32
          %add3A_324 = vector.broadcast %add3A_323 : i32 to vector<16xi32>
          %add3A_325 = arith.addi %add3A_324, %iota3A : vector<16xi32>
          tpu.vector_store_idx %arg12[%broadcast_in_dim3A_248, %add3A_325], %get3A_322 masked %gt3A_247 {add = true} : memref<512x128xf32, #tpu.memory_space<vmem>>[vector<16xi32>, vector<16xi32>], vector<16xf32>, vector<16xi1>
          %mul3A_326 = arith.constant 16 : i32
          %mul3A_327 = arith.muli %scan3A_124, %mul3A_326 : i32
          %add3A_328 = arith.addi %mul3A_100, %mul3A_327 : i32
          %add3A_329 = arith.constant 1 : i32
          %add3A_330 = arith.addi %add3A_328, %add3A_329 : i32
          %get3A_331 = arith.index_cast %add3A_330 : i32 to index
          %get3A_332 = arith.constant 112 : index
          %get3A_333 = tpu.vector_load %arg11[%get3A_331, %get3A_332] {strides = array<i32>} : memref<192x128xf32, #tpu.memory_space<vmem>>, vector<16xf32>,
          %add3A_334 = arith.constant 112 : i32
          %add3A_335 = vector.broadcast %add3A_334 : i32 to vector<16xi32>
          %add3A_336 = arith.addi %add3A_335, %iota3A : vector<16xi32>
          tpu.vector_store_idx %arg12[%broadcast_in_dim3A_248, %add3A_336], %get3A_333 masked %gt3A_247 {add = true} : memref<512x128xf32, #tpu.memory_space<vmem>>[vector<16xi32>, vector<16xi32>], vector<16xf32>, vector<16xi1>
          %slice3A_337 = vector.extract_strided_slice %min3A_135 {offsets = [2], sizes = [1], strides = [1]} : vector<16xi32> to vector<1xi32>
          %squeeze3A_338 = vector.extract %slice3A_337[0] : i32 from vector<1xi32>
          %slice3A_339 = vector.extract_strided_slice %convert_element_type3A_142 {offsets = [2], sizes = [1], strides = [1]} : vector<16xi32> to vector<1xi32>
          %squeeze3A_340 = vector.extract %slice3A_339[0] : i32 from vector<1xi32>
          %broadcast_in_dim3A_341 = vector.broadcast %squeeze3A_340 : i32 to vector<16xi32>
          %gt3A_342 = arith.constant 0 : i32
          %gt3A_343 = vector.broadcast %gt3A_342 : i32 to vector<16xi32>
          %gt3A_344 = arith.cmpi sgt, %broadcast_in_dim3A_341, %gt3A_343 : vector<16xi32>
          %broadcast_in_dim3A_345 = vector.broadcast %squeeze3A_338 : i32 to vector<16xi32>
          %mul3A_346 = arith.constant 16 : i32
          %mul3A_347 = arith.muli %scan3A_124, %mul3A_346 : i32
          %add3A_348 = arith.addi %mul3A_100, %mul3A_347 : i32
          %add3A_349 = arith.constant 2 : i32
          %add3A_350 = arith.addi %add3A_348, %add3A_349 : i32
          %get3A_351 = arith.index_cast %add3A_350 : i32 to index
          %get3A_352 = arith.constant 0 : index
          %get3A_353 = tpu.vector_load %arg11[%get3A_351, %get3A_352] {strides = array<i32>} : memref<192x128xf32, #tpu.memory_space<vmem>>, vector<16xf32>,
          %add3A_354 = arith.constant 0 : i32
          %add3A_355 = vector.broadcast %add3A_354 : i32 to vector<16xi32>
          %add3A_356 = arith.addi %add3A_355, %iota3A : vector<16xi32>
          tpu.vector_store_idx %arg12[%broadcast_in_dim3A_345, %add3A_356], %get3A_353 masked %gt3A_344 {add = true} : memref<512x128xf32, #tpu.memory_space<vmem>>[vector<16xi32>, vector<16xi32>], vector<16xf32>, vector<16xi1>
          %mul3A_357 = arith.constant 16 : i32
          %mul3A_358 = arith.muli %scan3A_124, %mul3A_357 : i32
          %add3A_359 = arith.addi %mul3A_100, %mul3A_358 : i32
          %add3A_360 = arith.constant 2 : i32
          %add3A_361 = arith.addi %add3A_359, %add3A_360 : i32
          %get3A_362 = arith.index_cast %add3A_361 : i32 to index
          %get3A_363 = arith.constant 16 : index
          %get3A_364 = tpu.vector_load %arg11[%get3A_362, %get3A_363] {strides = array<i32>} : memref<192x128xf32, #tpu.memory_space<vmem>>, vector<16xf32>,
          %add3A_365 = arith.constant 16 : i32
          %add3A_366 = vector.broadcast %add3A_365 : i32 to vector<16xi32>
          %add3A_367 = arith.addi %add3A_366, %iota3A : vector<16xi32>
          tpu.vector_store_idx %arg12[%broadcast_in_dim3A_345, %add3A_367], %get3A_364 masked %gt3A_344 {add = true} : memref<512x128xf32, #tpu.memory_space<vmem>>[vector<16xi32>, vector<16xi32>], vector<16xf32>, vector<16xi1>
          %mul3A_368 = arith.constant 16 : i32
          %mul3A_369 = arith.muli %scan3A_124, %mul3A_368 : i32
          %add3A_370 = arith.addi %mul3A_100, %mul3A_369 : i32
          %add3A_371 = arith.constant 2 : i32
          %add3A_372 = arith.addi %add3A_370, %add3A_371 : i32
          %get3A_373 = arith.index_cast %add3A_372 : i32 to index
          %get3A_374 = arith.constant 32 : index
          %get3A_375 = tpu.vector_load %arg11[%get3A_373, %get3A_374] {strides = array<i32>} : memref<192x128xf32, #tpu.memory_space<vmem>>, vector<16xf32>,
          %add3A_376 = arith.constant 32 : i32
          %add3A_377 = vector.broadcast %add3A_376 : i32 to vector<16xi32>
          %add3A_378 = arith.addi %add3A_377, %iota3A : vector<16xi32>
          tpu.vector_store_idx %arg12[%broadcast_in_dim3A_345, %add3A_378], %get3A_375 masked %gt3A_344 {add = true} : memref<512x128xf32, #tpu.memory_space<vmem>>[vector<16xi32>, vector<16xi32>], vector<16xf32>, vector<16xi1>
          %mul3A_379 = arith.constant 16 : i32
          %mul3A_380 = arith.muli %scan3A_124, %mul3A_379 : i32
          %add3A_381 = arith.addi %mul3A_100, %mul3A_380 : i32
          %add3A_382 = arith.constant 2 : i32
          %add3A_383 = arith.addi %add3A_381, %add3A_382 : i32
          %get3A_384 = arith.index_cast %add3A_383 : i32 to index
          %get3A_385 = arith.constant 48 : index
          %get3A_386 = tpu.vector_load %arg11[%get3A_384, %get3A_385] {strides = array<i32>} : memref<192x128xf32, #tpu.memory_space<vmem>>, vector<16xf32>,
          %add3A_387 = arith.constant 48 : i32
          %add3A_388 = vector.broadcast %add3A_387 : i32 to vector<16xi32>
          %add3A_389 = arith.addi %add3A_388, %iota3A : vector<16xi32>
          tpu.vector_store_idx %arg12[%broadcast_in_dim3A_345, %add3A_389], %get3A_386 masked %gt3A_344 {add = true} : memref<512x128xf32, #tpu.memory_space<vmem>>[vector<16xi32>, vector<16xi32>], vector<16xf32>, vector<16xi1>
          %mul3A_390 = arith.constant 16 : i32
          %mul3A_391 = arith.muli %scan3A_124, %mul3A_390 : i32
          %add3A_392 = arith.addi %mul3A_100, %mul3A_391 : i32
          %add3A_393 = arith.constant 2 : i32
          %add3A_394 = arith.addi %add3A_392, %add3A_393 : i32
          %get3A_395 = arith.index_cast %add3A_394 : i32 to index
          %get3A_396 = arith.constant 64 : index
          %get3A_397 = tpu.vector_load %arg11[%get3A_395, %get3A_396] {strides = array<i32>} : memref<192x128xf32, #tpu.memory_space<vmem>>, vector<16xf32>,
          %add3A_398 = arith.constant 64 : i32
          %add3A_399 = vector.broadcast %add3A_398 : i32 to vector<16xi32>
          %add3A_400 = arith.addi %add3A_399, %iota3A : vector<16xi32>
          tpu.vector_store_idx %arg12[%broadcast_in_dim3A_345, %add3A_400], %get3A_397 masked %gt3A_344 {add = true} : memref<512x128xf32, #tpu.memory_space<vmem>>[vector<16xi32>, vector<16xi32>], vector<16xf32>, vector<16xi1>
          %mul3A_401 = arith.constant 16 : i32
          %mul3A_402 = arith.muli %scan3A_124, %mul3A_401 : i32
          %add3A_403 = arith.addi %mul3A_100, %mul3A_402 : i32
          %add3A_404 = arith.constant 2 : i32
          %add3A_405 = arith.addi %add3A_403, %add3A_404 : i32
          %get3A_406 = arith.index_cast %add3A_405 : i32 to index
          %get3A_407 = arith.constant 80 : index
          %get3A_408 = tpu.vector_load %arg11[%get3A_406, %get3A_407] {strides = array<i32>} : memref<192x128xf32, #tpu.memory_space<vmem>>, vector<16xf32>,
          %add3A_409 = arith.constant 80 : i32
          %add3A_410 = vector.broadcast %add3A_409 : i32 to vector<16xi32>
          %add3A_411 = arith.addi %add3A_410, %iota3A : vector<16xi32>
          tpu.vector_store_idx %arg12[%broadcast_in_dim3A_345, %add3A_411], %get3A_408 masked %gt3A_344 {add = true} : memref<512x128xf32, #tpu.memory_space<vmem>>[vector<16xi32>, vector<16xi32>], vector<16xf32>, vector<16xi1>
          %mul3A_412 = arith.constant 16 : i32
          %mul3A_413 = arith.muli %scan3A_124, %mul3A_412 : i32
          %add3A_414 = arith.addi %mul3A_100, %mul3A_413 : i32
          %add3A_415 = arith.constant 2 : i32
          %add3A_416 = arith.addi %add3A_414, %add3A_415 : i32
          %get3A_417 = arith.index_cast %add3A_416 : i32 to index
          %get3A_418 = arith.constant 96 : index
          %get3A_419 = tpu.vector_load %arg11[%get3A_417, %get3A_418] {strides = array<i32>} : memref<192x128xf32, #tpu.memory_space<vmem>>, vector<16xf32>,
          %add3A_420 = arith.constant 96 : i32
          %add3A_421 = vector.broadcast %add3A_420 : i32 to vector<16xi32>
          %add3A_422 = arith.addi %add3A_421, %iota3A : vector<16xi32>
          tpu.vector_store_idx %arg12[%broadcast_in_dim3A_345, %add3A_422], %get3A_419 masked %gt3A_344 {add = true} : memref<512x128xf32, #tpu.memory_space<vmem>>[vector<16xi32>, vector<16xi32>], vector<16xf32>, vector<16xi1>
          %mul3A_423 = arith.constant 16 : i32
          %mul3A_424 = arith.muli %scan3A_124, %mul3A_423 : i32
          %add3A_425 = arith.addi %mul3A_100, %mul3A_424 : i32
          %add3A_426 = arith.constant 2 : i32
          %add3A_427 = arith.addi %add3A_425, %add3A_426 : i32
          %get3A_428 = arith.index_cast %add3A_427 : i32 to index
          %get3A_429 = arith.constant 112 : index
          %get3A_430 = tpu.vector_load %arg11[%get3A_428, %get3A_429] {strides = array<i32>} : memref<192x128xf32, #tpu.memory_space<vmem>>, vector<16xf32>,
          %add3A_431 = arith.constant 112 : i32
          %add3A_432 = vector.broadcast %add3A_431 : i32 to vector<16xi32>
          %add3A_433 = arith.addi %add3A_432, %iota3A : vector<16xi32>
          tpu.vector_store_idx %arg12[%broadcast_in_dim3A_345, %add3A_433], %get3A_430 masked %gt3A_344 {add = true} : memref<512x128xf32, #tpu.memory_space<vmem>>[vector<16xi32>, vector<16xi32>], vector<16xf32>, vector<16xi1>
          %slice3A_434 = vector.extract_strided_slice %min3A_135 {offsets = [3], sizes = [1], strides = [1]} : vector<16xi32> to vector<1xi32>
          %squeeze3A_435 = vector.extract %slice3A_434[0] : i32 from vector<1xi32>
          %slice3A_436 = vector.extract_strided_slice %convert_element_type3A_142 {offsets = [3], sizes = [1], strides = [1]} : vector<16xi32> to vector<1xi32>
          %squeeze3A_437 = vector.extract %slice3A_436[0] : i32 from vector<1xi32>
          %broadcast_in_dim3A_438 = vector.broadcast %squeeze3A_437 : i32 to vector<16xi32>
          %gt3A_439 = arith.constant 0 : i32
          %gt3A_440 = vector.broadcast %gt3A_439 : i32 to vector<16xi32>
          %gt3A_441 = arith.cmpi sgt, %broadcast_in_dim3A_438, %gt3A_440 : vector<16xi32>
          %broadcast_in_dim3A_442 = vector.broadcast %squeeze3A_435 : i32 to vector<16xi32>
          %mul3A_443 = arith.constant 16 : i32
          %mul3A_444 = arith.muli %scan3A_124, %mul3A_443 : i32
          %add3A_445 = arith.addi %mul3A_100, %mul3A_444 : i32
          %add3A_446 = arith.constant 3 : i32
          %add3A_447 = arith.addi %add3A_445, %add3A_446 : i32
          %get3A_448 = arith.index_cast %add3A_447 : i32 to index
          %get3A_449 = arith.constant 0 : index
          %get3A_450 = tpu.vector_load %arg11[%get3A_448, %get3A_449] {strides = array<i32>} : memref<192x128xf32, #tpu.memory_space<vmem>>, vector<16xf32>,
          %add3A_451 = arith.constant 0 : i32
          %add3A_452 = vector.broadcast %add3A_451 : i32 to vector<16xi32>
          %add3A_453 = arith.addi %add3A_452, %iota3A : vector<16xi32>
          tpu.vector_store_idx %arg12[%broadcast_in_dim3A_442, %add3A_453], %get3A_450 masked %gt3A_441 {add = true} : memref<512x128xf32, #tpu.memory_space<vmem>>[vector<16xi32>, vector<16xi32>], vector<16xf32>, vector<16xi1>
          %mul3A_454 = arith.constant 16 : i32
          %mul3A_455 = arith.muli %scan3A_124, %mul3A_454 : i32
          %add3A_456 = arith.addi %mul3A_100, %mul3A_455 : i32
          %add3A_457 = arith.constant 3 : i32
          %add3A_458 = arith.addi %add3A_456, %add3A_457 : i32
          %get3A_459 = arith.index_cast %add3A_458 : i32 to index
          %get3A_460 = arith.constant 16 : index
          %get3A_461 = tpu.vector_load %arg11[%get3A_459, %get3A_460] {strides = array<i32>} : memref<192x128xf32, #tpu.memory_space<vmem>>, vector<16xf32>,
          %add3A_462 = arith.constant 16 : i32
          %add3A_463 = vector.broadcast %add3A_462 : i32 to vector<16xi32>
          %add3A_464 = arith.addi %add3A_463, %iota3A : vector<16xi32>
          tpu.vector_store_idx %arg12[%broadcast_in_dim3A_442, %add3A_464], %get3A_461 masked %gt3A_441 {add = true} : memref<512x128xf32, #tpu.memory_space<vmem>>[vector<16xi32>, vector<16xi32>], vector<16xf32>, vector<16xi1>
          %mul3A_465 = arith.constant 16 : i32
          %mul3A_466 = arith.muli %scan3A_124, %mul3A_465 : i32
          %add3A_467 = arith.addi %mul3A_100, %mul3A_466 : i32
          %add3A_468 = arith.constant 3 : i32
          %add3A_469 = arith.addi %add3A_467, %add3A_468 : i32
          %get3A_470 = arith.index_cast %add3A_469 : i32 to index
          %get3A_471 = arith.constant 32 : index
          %get3A_472 = tpu.vector_load %arg11[%get3A_470, %get3A_471] {strides = array<i32>} : memref<192x128xf32, #tpu.memory_space<vmem>>, vector<16xf32>,
          %add3A_473 = arith.constant 32 : i32
          %add3A_474 = vector.broadcast %add3A_473 : i32 to vector<16xi32>
          %add3A_475 = arith.addi %add3A_474, %iota3A : vector<16xi32>
          tpu.vector_store_idx %arg12[%broadcast_in_dim3A_442, %add3A_475], %get3A_472 masked %gt3A_441 {add = true} : memref<512x128xf32, #tpu.memory_space<vmem>>[vector<16xi32>, vector<16xi32>], vector<16xf32>, vector<16xi1>
          %mul3A_476 = arith.constant 16 : i32
          %mul3A_477 = arith.muli %scan3A_124, %mul3A_476 : i32
          %add3A_478 = arith.addi %mul3A_100, %mul3A_477 : i32
          %add3A_479 = arith.constant 3 : i32
          %add3A_480 = arith.addi %add3A_478, %add3A_479 : i32
          %get3A_481 = arith.index_cast %add3A_480 : i32 to index
          %get3A_482 = arith.constant 48 : index
          %get3A_483 = tpu.vector_load %arg11[%get3A_481, %get3A_482] {strides = array<i32>} : memref<192x128xf32, #tpu.memory_space<vmem>>, vector<16xf32>,
          %add3A_484 = arith.constant 48 : i32
          %add3A_485 = vector.broadcast %add3A_484 : i32 to vector<16xi32>
          %add3A_486 = arith.addi %add3A_485, %iota3A : vector<16xi32>
          tpu.vector_store_idx %arg12[%broadcast_in_dim3A_442, %add3A_486], %get3A_483 masked %gt3A_441 {add = true} : memref<512x128xf32, #tpu.memory_space<vmem>>[vector<16xi32>, vector<16xi32>], vector<16xf32>, vector<16xi1>
          %mul3A_487 = arith.constant 16 : i32
          %mul3A_488 = arith.muli %scan3A_124, %mul3A_487 : i32
          %add3A_489 = arith.addi %mul3A_100, %mul3A_488 : i32
          %add3A_490 = arith.constant 3 : i32
          %add3A_491 = arith.addi %add3A_489, %add3A_490 : i32
          %get3A_492 = arith.index_cast %add3A_491 : i32 to index
          %get3A_493 = arith.constant 64 : index
          %get3A_494 = tpu.vector_load %arg11[%get3A_492, %get3A_493] {strides = array<i32>} : memref<192x128xf32, #tpu.memory_space<vmem>>, vector<16xf32>,
          %add3A_495 = arith.constant 64 : i32
          %add3A_496 = vector.broadcast %add3A_495 : i32 to vector<16xi32>
          %add3A_497 = arith.addi %add3A_496, %iota3A : vector<16xi32>
          tpu.vector_store_idx %arg12[%broadcast_in_dim3A_442, %add3A_497], %get3A_494 masked %gt3A_441 {add = true} : memref<512x128xf32, #tpu.memory_space<vmem>>[vector<16xi32>, vector<16xi32>], vector<16xf32>, vector<16xi1>
          %mul3A_498 = arith.constant 16 : i32
          %mul3A_499 = arith.muli %scan3A_124, %mul3A_498 : i32
          %add3A_500 = arith.addi %mul3A_100, %mul3A_499 : i32
          %add3A_501 = arith.constant 3 : i32
          %add3A_502 = arith.addi %add3A_500, %add3A_501 : i32
          %get3A_503 = arith.index_cast %add3A_502 : i32 to index
          %get3A_504 = arith.constant 80 : index
          %get3A_505 = tpu.vector_load %arg11[%get3A_503, %get3A_504] {strides = array<i32>} : memref<192x128xf32, #tpu.memory_space<vmem>>, vector<16xf32>,
          %add3A_506 = arith.constant 80 : i32
          %add3A_507 = vector.broadcast %add3A_506 : i32 to vector<16xi32>
          %add3A_508 = arith.addi %add3A_507, %iota3A : vector<16xi32>
          tpu.vector_store_idx %arg12[%broadcast_in_dim3A_442, %add3A_508], %get3A_505 masked %gt3A_441 {add = true} : memref<512x128xf32, #tpu.memory_space<vmem>>[vector<16xi32>, vector<16xi32>], vector<16xf32>, vector<16xi1>
          %mul3A_509 = arith.constant 16 : i32
          %mul3A_510 = arith.muli %scan3A_124, %mul3A_509 : i32
          %add3A_511 = arith.addi %mul3A_100, %mul3A_510 : i32
          %add3A_512 = arith.constant 3 : i32
          %add3A_513 = arith.addi %add3A_511, %add3A_512 : i32
          %get3A_514 = arith.index_cast %add3A_513 : i32 to index
          %get3A_515 = arith.constant 96 : index
          %get3A_516 = tpu.vector_load %arg11[%get3A_514, %get3A_515] {strides = array<i32>} : memref<192x128xf32, #tpu.memory_space<vmem>>, vector<16xf32>,
          %add3A_517 = arith.constant 96 : i32
          %add3A_518 = vector.broadcast %add3A_517 : i32 to vector<16xi32>
          %add3A_519 = arith.addi %add3A_518, %iota3A : vector<16xi32>
          tpu.vector_store_idx %arg12[%broadcast_in_dim3A_442, %add3A_519], %get3A_516 masked %gt3A_441 {add = true} : memref<512x128xf32, #tpu.memory_space<vmem>>[vector<16xi32>, vector<16xi32>], vector<16xf32>, vector<16xi1>
          %mul3A_520 = arith.constant 16 : i32
          %mul3A_521 = arith.muli %scan3A_124, %mul3A_520 : i32
          %add3A_522 = arith.addi %mul3A_100, %mul3A_521 : i32
          %add3A_523 = arith.constant 3 : i32
          %add3A_524 = arith.addi %add3A_522, %add3A_523 : i32
          %get3A_525 = arith.index_cast %add3A_524 : i32 to index
          %get3A_526 = arith.constant 112 : index
          %get3A_527 = tpu.vector_load %arg11[%get3A_525, %get3A_526] {strides = array<i32>} : memref<192x128xf32, #tpu.memory_space<vmem>>, vector<16xf32>,
          %add3A_528 = arith.constant 112 : i32
          %add3A_529 = vector.broadcast %add3A_528 : i32 to vector<16xi32>
          %add3A_530 = arith.addi %add3A_529, %iota3A : vector<16xi32>
          tpu.vector_store_idx %arg12[%broadcast_in_dim3A_442, %add3A_530], %get3A_527 masked %gt3A_441 {add = true} : memref<512x128xf32, #tpu.memory_space<vmem>>[vector<16xi32>, vector<16xi32>], vector<16xf32>, vector<16xi1>
          %slice3A_531 = vector.extract_strided_slice %min3A_135 {offsets = [4], sizes = [1], strides = [1]} : vector<16xi32> to vector<1xi32>
          %squeeze3A_532 = vector.extract %slice3A_531[0] : i32 from vector<1xi32>
          %slice3A_533 = vector.extract_strided_slice %convert_element_type3A_142 {offsets = [4], sizes = [1], strides = [1]} : vector<16xi32> to vector<1xi32>
          %squeeze3A_534 = vector.extract %slice3A_533[0] : i32 from vector<1xi32>
          %broadcast_in_dim3A_535 = vector.broadcast %squeeze3A_534 : i32 to vector<16xi32>
          %gt3A_536 = arith.constant 0 : i32
          %gt3A_537 = vector.broadcast %gt3A_536 : i32 to vector<16xi32>
          %gt3A_538 = arith.cmpi sgt, %broadcast_in_dim3A_535, %gt3A_537 : vector<16xi32>
          %broadcast_in_dim3A_539 = vector.broadcast %squeeze3A_532 : i32 to vector<16xi32>
          %mul3A_540 = arith.constant 16 : i32
          %mul3A_541 = arith.muli %scan3A_124, %mul3A_540 : i32
          %add3A_542 = arith.addi %mul3A_100, %mul3A_541 : i32
          %add3A_543 = arith.constant 4 : i32
          %add3A_544 = arith.addi %add3A_542, %add3A_543 : i32
          %get3A_545 = arith.index_cast %add3A_544 : i32 to index
          %get3A_546 = arith.constant 0 : index
          %get3A_547 = tpu.vector_load %arg11[%get3A_545, %get3A_546] {strides = array<i32>} : memref<192x128xf32, #tpu.memory_space<vmem>>, vector<16xf32>,
          %add3A_548 = arith.constant 0 : i32
          %add3A_549 = vector.broadcast %add3A_548 : i32 to vector<16xi32>
          %add3A_550 = arith.addi %add3A_549, %iota3A : vector<16xi32>
          tpu.vector_store_idx %arg12[%broadcast_in_dim3A_539, %add3A_550], %get3A_547 masked %gt3A_538 {add = true} : memref<512x128xf32, #tpu.memory_space<vmem>>[vector<16xi32>, vector<16xi32>], vector<16xf32>, vector<16xi1>
          %mul3A_551 = arith.constant 16 : i32
          %mul3A_552 = arith.muli %scan3A_124, %mul3A_551 : i32
          %add3A_553 = arith.addi %mul3A_100, %mul3A_552 : i32
          %add3A_554 = arith.constant 4 : i32
          %add3A_555 = arith.addi %add3A_553, %add3A_554 : i32
          %get3A_556 = arith.index_cast %add3A_555 : i32 to index
          %get3A_557 = arith.constant 16 : index
          %get3A_558 = tpu.vector_load %arg11[%get3A_556, %get3A_557] {strides = array<i32>} : memref<192x128xf32, #tpu.memory_space<vmem>>, vector<16xf32>,
          %add3A_559 = arith.constant 16 : i32
          %add3A_560 = vector.broadcast %add3A_559 : i32 to vector<16xi32>
          %add3A_561 = arith.addi %add3A_560, %iota3A : vector<16xi32>
          tpu.vector_store_idx %arg12[%broadcast_in_dim3A_539, %add3A_561], %get3A_558 masked %gt3A_538 {add = true} : memref<512x128xf32, #tpu.memory_space<vmem>>[vector<16xi32>, vector<16xi32>], vector<16xf32>, vector<16xi1>
          %mul3A_562 = arith.constant 16 : i32
          %mul3A_563 = arith.muli %scan3A_124, %mul3A_562 : i32
          %add3A_564 = arith.addi %mul3A_100, %mul3A_563 : i32
          %add3A_565 = arith.constant 4 : i32
          %add3A_566 = arith.addi %add3A_564, %add3A_565 : i32
          %get3A_567 = arith.index_cast %add3A_566 : i32 to index
          %get3A_568 = arith.constant 32 : index
          %get3A_569 = tpu.vector_load %arg11[%get3A_567, %get3A_568] {strides = array<i32>} : memref<192x128xf32, #tpu.memory_space<vmem>>, vector<16xf32>,
          %add3A_570 = arith.constant 32 : i32
          %add3A_571 = vector.broadcast %add3A_570 : i32 to vector<16xi32>
          %add3A_572 = arith.addi %add3A_571, %iota3A : vector<16xi32>
          tpu.vector_store_idx %arg12[%broadcast_in_dim3A_539, %add3A_572], %get3A_569 masked %gt3A_538 {add = true} : memref<512x128xf32, #tpu.memory_space<vmem>>[vector<16xi32>, vector<16xi32>], vector<16xf32>, vector<16xi1>
          %mul3A_573 = arith.constant 16 : i32
          %mul3A_574 = arith.muli %scan3A_124, %mul3A_573 : i32
          %add3A_575 = arith.addi %mul3A_100, %mul3A_574 : i32
          %add3A_576 = arith.constant 4 : i32
          %add3A_577 = arith.addi %add3A_575, %add3A_576 : i32
          %get3A_578 = arith.index_cast %add3A_577 : i32 to index
          %get3A_579 = arith.constant 48 : index
          %get3A_580 = tpu.vector_load %arg11[%get3A_578, %get3A_579] {strides = array<i32>} : memref<192x128xf32, #tpu.memory_space<vmem>>, vector<16xf32>,
          %add3A_581 = arith.constant 48 : i32
          %add3A_582 = vector.broadcast %add3A_581 : i32 to vector<16xi32>
          %add3A_583 = arith.addi %add3A_582, %iota3A : vector<16xi32>
          tpu.vector_store_idx %arg12[%broadcast_in_dim3A_539, %add3A_583], %get3A_580 masked %gt3A_538 {add = true} : memref<512x128xf32, #tpu.memory_space<vmem>>[vector<16xi32>, vector<16xi32>], vector<16xf32>, vector<16xi1>
          %mul3A_584 = arith.constant 16 : i32
          %mul3A_585 = arith.muli %scan3A_124, %mul3A_584 : i32
          %add3A_586 = arith.addi %mul3A_100, %mul3A_585 : i32
          %add3A_587 = arith.constant 4 : i32
          %add3A_588 = arith.addi %add3A_586, %add3A_587 : i32
          %get3A_589 = arith.index_cast %add3A_588 : i32 to index
          %get3A_590 = arith.constant 64 : index
          %get3A_591 = tpu.vector_load %arg11[%get3A_589, %get3A_590] {strides = array<i32>} : memref<192x128xf32, #tpu.memory_space<vmem>>, vector<16xf32>,
          %add3A_592 = arith.constant 64 : i32
          %add3A_593 = vector.broadcast %add3A_592 : i32 to vector<16xi32>
          %add3A_594 = arith.addi %add3A_593, %iota3A : vector<16xi32>
          tpu.vector_store_idx %arg12[%broadcast_in_dim3A_539, %add3A_594], %get3A_591 masked %gt3A_538 {add = true} : memref<512x128xf32, #tpu.memory_space<vmem>>[vector<16xi32>, vector<16xi32>], vector<16xf32>, vector<16xi1>
          %mul3A_595 = arith.constant 16 : i32
          %mul3A_596 = arith.muli %scan3A_124, %mul3A_595 : i32
          %add3A_597 = arith.addi %mul3A_100, %mul3A_596 : i32
          %add3A_598 = arith.constant 4 : i32
          %add3A_599 = arith.addi %add3A_597, %add3A_598 : i32
          %get3A_600 = arith.index_cast %add3A_599 : i32 to index
          %get3A_601 = arith.constant 80 : index
          %get3A_602 = tpu.vector_load %arg11[%get3A_600, %get3A_601] {strides = array<i32>} : memref<192x128xf32, #tpu.memory_space<vmem>>, vector<16xf32>,
          %add3A_603 = arith.constant 80 : i32
          %add3A_604 = vector.broadcast %add3A_603 : i32 to vector<16xi32>
          %add3A_605 = arith.addi %add3A_604, %iota3A : vector<16xi32>
          tpu.vector_store_idx %arg12[%broadcast_in_dim3A_539, %add3A_605], %get3A_602 masked %gt3A_538 {add = true} : memref<512x128xf32, #tpu.memory_space<vmem>>[vector<16xi32>, vector<16xi32>], vector<16xf32>, vector<16xi1>
          %mul3A_606 = arith.constant 16 : i32
          %mul3A_607 = arith.muli %scan3A_124, %mul3A_606 : i32
          %add3A_608 = arith.addi %mul3A_100, %mul3A_607 : i32
          %add3A_609 = arith.constant 4 : i32
          %add3A_610 = arith.addi %add3A_608, %add3A_609 : i32
          %get3A_611 = arith.index_cast %add3A_610 : i32 to index
          %get3A_612 = arith.constant 96 : index
          %get3A_613 = tpu.vector_load %arg11[%get3A_611, %get3A_612] {strides = array<i32>} : memref<192x128xf32, #tpu.memory_space<vmem>>, vector<16xf32>,
          %add3A_614 = arith.constant 96 : i32
          %add3A_615 = vector.broadcast %add3A_614 : i32 to vector<16xi32>
          %add3A_616 = arith.addi %add3A_615, %iota3A : vector<16xi32>
          tpu.vector_store_idx %arg12[%broadcast_in_dim3A_539, %add3A_616], %get3A_613 masked %gt3A_538 {add = true} : memref<512x128xf32, #tpu.memory_space<vmem>>[vector<16xi32>, vector<16xi32>], vector<16xf32>, vector<16xi1>
          %mul3A_617 = arith.constant 16 : i32
          %mul3A_618 = arith.muli %scan3A_124, %mul3A_617 : i32
          %add3A_619 = arith.addi %mul3A_100, %mul3A_618 : i32
          %add3A_620 = arith.constant 4 : i32
          %add3A_621 = arith.addi %add3A_619, %add3A_620 : i32
          %get3A_622 = arith.index_cast %add3A_621 : i32 to index
          %get3A_623 = arith.constant 112 : index
          %get3A_624 = tpu.vector_load %arg11[%get3A_622, %get3A_623] {strides = array<i32>} : memref<192x128xf32, #tpu.memory_space<vmem>>, vector<16xf32>,
          %add3A_625 = arith.constant 112 : i32
          %add3A_626 = vector.broadcast %add3A_625 : i32 to vector<16xi32>
          %add3A_627 = arith.addi %add3A_626, %iota3A : vector<16xi32>
          tpu.vector_store_idx %arg12[%broadcast_in_dim3A_539, %add3A_627], %get3A_624 masked %gt3A_538 {add = true} : memref<512x128xf32, #tpu.memory_space<vmem>>[vector<16xi32>, vector<16xi32>], vector<16xf32>, vector<16xi1>
          %slice3A_628 = vector.extract_strided_slice %min3A_135 {offsets = [5], sizes = [1], strides = [1]} : vector<16xi32> to vector<1xi32>
          %squeeze3A_629 = vector.extract %slice3A_628[0] : i32 from vector<1xi32>
          %slice3A_630 = vector.extract_strided_slice %convert_element_type3A_142 {offsets = [5], sizes = [1], strides = [1]} : vector<16xi32> to vector<1xi32>
          %squeeze3A_631 = vector.extract %slice3A_630[0] : i32 from vector<1xi32>
          %broadcast_in_dim3A_632 = vector.broadcast %squeeze3A_631 : i32 to vector<16xi32>
          %gt3A_633 = arith.constant 0 : i32
          %gt3A_634 = vector.broadcast %gt3A_633 : i32 to vector<16xi32>
          %gt3A_635 = arith.cmpi sgt, %broadcast_in_dim3A_632, %gt3A_634 : vector<16xi32>
          %broadcast_in_dim3A_636 = vector.broadcast %squeeze3A_629 : i32 to vector<16xi32>
          %mul3A_637 = arith.constant 16 : i32
          %mul3A_638 = arith.muli %scan3A_124, %mul3A_637 : i32
          %add3A_639 = arith.addi %mul3A_100, %mul3A_638 : i32
          %add3A_640 = arith.constant 5 : i32
          %add3A_641 = arith.addi %add3A_639, %add3A_640 : i32
          %get3A_642 = arith.index_cast %add3A_641 : i32 to index
          %get3A_643 = arith.constant 0 : index
          %get3A_644 = tpu.vector_load %arg11[%get3A_642, %get3A_643] {strides = array<i32>} : memref<192x128xf32, #tpu.memory_space<vmem>>, vector<16xf32>,
          %add3A_645 = arith.constant 0 : i32
          %add3A_646 = vector.broadcast %add3A_645 : i32 to vector<16xi32>
          %add3A_647 = arith.addi %add3A_646, %iota3A : vector<16xi32>
          tpu.vector_store_idx %arg12[%broadcast_in_dim3A_636, %add3A_647], %get3A_644 masked %gt3A_635 {add = true} : memref<512x128xf32, #tpu.memory_space<vmem>>[vector<16xi32>, vector<16xi32>], vector<16xf32>, vector<16xi1>
          %mul3A_648 = arith.constant 16 : i32
          %mul3A_649 = arith.muli %scan3A_124, %mul3A_648 : i32
          %add3A_650 = arith.addi %mul3A_100, %mul3A_649 : i32
          %add3A_651 = arith.constant 5 : i32
          %add3A_652 = arith.addi %add3A_650, %add3A_651 : i32
          %get3A_653 = arith.index_cast %add3A_652 : i32 to index
          %get3A_654 = arith.constant 16 : index
          %get3A_655 = tpu.vector_load %arg11[%get3A_653, %get3A_654] {strides = array<i32>} : memref<192x128xf32, #tpu.memory_space<vmem>>, vector<16xf32>,
          %add3A_656 = arith.constant 16 : i32
          %add3A_657 = vector.broadcast %add3A_656 : i32 to vector<16xi32>
          %add3A_658 = arith.addi %add3A_657, %iota3A : vector<16xi32>
          tpu.vector_store_idx %arg12[%broadcast_in_dim3A_636, %add3A_658], %get3A_655 masked %gt3A_635 {add = true} : memref<512x128xf32, #tpu.memory_space<vmem>>[vector<16xi32>, vector<16xi32>], vector<16xf32>, vector<16xi1>
          %mul3A_659 = arith.constant 16 : i32
          %mul3A_660 = arith.muli %scan3A_124, %mul3A_659 : i32
          %add3A_661 = arith.addi %mul3A_100, %mul3A_660 : i32
          %add3A_662 = arith.constant 5 : i32
          %add3A_663 = arith.addi %add3A_661, %add3A_662 : i32
          %get3A_664 = arith.index_cast %add3A_663 : i32 to index
          %get3A_665 = arith.constant 32 : index
          %get3A_666 = tpu.vector_load %arg11[%get3A_664, %get3A_665] {strides = array<i32>} : memref<192x128xf32, #tpu.memory_space<vmem>>, vector<16xf32>,
          %add3A_667 = arith.constant 32 : i32
          %add3A_668 = vector.broadcast %add3A_667 : i32 to vector<16xi32>
          %add3A_669 = arith.addi %add3A_668, %iota3A : vector<16xi32>
          tpu.vector_store_idx %arg12[%broadcast_in_dim3A_636, %add3A_669], %get3A_666 masked %gt3A_635 {add = true} : memref<512x128xf32, #tpu.memory_space<vmem>>[vector<16xi32>, vector<16xi32>], vector<16xf32>, vector<16xi1>
          %mul3A_670 = arith.constant 16 : i32
          %mul3A_671 = arith.muli %scan3A_124, %mul3A_670 : i32
          %add3A_672 = arith.addi %mul3A_100, %mul3A_671 : i32
          %add3A_673 = arith.constant 5 : i32
          %add3A_674 = arith.addi %add3A_672, %add3A_673 : i32
          %get3A_675 = arith.index_cast %add3A_674 : i32 to index
          %get3A_676 = arith.constant 48 : index
          %get3A_677 = tpu.vector_load %arg11[%get3A_675, %get3A_676] {strides = array<i32>} : memref<192x128xf32, #tpu.memory_space<vmem>>, vector<16xf32>,
          %add3A_678 = arith.constant 48 : i32
          %add3A_679 = vector.broadcast %add3A_678 : i32 to vector<16xi32>
          %add3A_680 = arith.addi %add3A_679, %iota3A : vector<16xi32>
          tpu.vector_store_idx %arg12[%broadcast_in_dim3A_636, %add3A_680], %get3A_677 masked %gt3A_635 {add = true} : memref<512x128xf32, #tpu.memory_space<vmem>>[vector<16xi32>, vector<16xi32>], vector<16xf32>, vector<16xi1>
          %mul3A_681 = arith.constant 16 : i32
          %mul3A_682 = arith.muli %scan3A_124, %mul3A_681 : i32
          %add3A_683 = arith.addi %mul3A_100, %mul3A_682 : i32
          %add3A_684 = arith.constant 5 : i32
          %add3A_685 = arith.addi %add3A_683, %add3A_684 : i32
          %get3A_686 = arith.index_cast %add3A_685 : i32 to index
          %get3A_687 = arith.constant 64 : index
          %get3A_688 = tpu.vector_load %arg11[%get3A_686, %get3A_687] {strides = array<i32>} : memref<192x128xf32, #tpu.memory_space<vmem>>, vector<16xf32>,
          %add3A_689 = arith.constant 64 : i32
          %add3A_690 = vector.broadcast %add3A_689 : i32 to vector<16xi32>
          %add3A_691 = arith.addi %add3A_690, %iota3A : vector<16xi32>
          tpu.vector_store_idx %arg12[%broadcast_in_dim3A_636, %add3A_691], %get3A_688 masked %gt3A_635 {add = true} : memref<512x128xf32, #tpu.memory_space<vmem>>[vector<16xi32>, vector<16xi32>], vector<16xf32>, vector<16xi1>
          %mul3A_692 = arith.constant 16 : i32
          %mul3A_693 = arith.muli %scan3A_124, %mul3A_692 : i32
          %add3A_694 = arith.addi %mul3A_100, %mul3A_693 : i32
          %add3A_695 = arith.constant 5 : i32
          %add3A_696 = arith.addi %add3A_694, %add3A_695 : i32
          %get3A_697 = arith.index_cast %add3A_696 : i32 to index
          %get3A_698 = arith.constant 80 : index
          %get3A_699 = tpu.vector_load %arg11[%get3A_697, %get3A_698] {strides = array<i32>} : memref<192x128xf32, #tpu.memory_space<vmem>>, vector<16xf32>,
          %add3A_700 = arith.constant 80 : i32
          %add3A_701 = vector.broadcast %add3A_700 : i32 to vector<16xi32>
          %add3A_702 = arith.addi %add3A_701, %iota3A : vector<16xi32>
          tpu.vector_store_idx %arg12[%broadcast_in_dim3A_636, %add3A_702], %get3A_699 masked %gt3A_635 {add = true} : memref<512x128xf32, #tpu.memory_space<vmem>>[vector<16xi32>, vector<16xi32>], vector<16xf32>, vector<16xi1>
          %mul3A_703 = arith.constant 16 : i32
          %mul3A_704 = arith.muli %scan3A_124, %mul3A_703 : i32
          %add3A_705 = arith.addi %mul3A_100, %mul3A_704 : i32
          %add3A_706 = arith.constant 5 : i32
          %add3A_707 = arith.addi %add3A_705, %add3A_706 : i32
          %get3A_708 = arith.index_cast %add3A_707 : i32 to index
          %get3A_709 = arith.constant 96 : index
          %get3A_710 = tpu.vector_load %arg11[%get3A_708, %get3A_709] {strides = array<i32>} : memref<192x128xf32, #tpu.memory_space<vmem>>, vector<16xf32>,
          %add3A_711 = arith.constant 96 : i32
          %add3A_712 = vector.broadcast %add3A_711 : i32 to vector<16xi32>
          %add3A_713 = arith.addi %add3A_712, %iota3A : vector<16xi32>
          tpu.vector_store_idx %arg12[%broadcast_in_dim3A_636, %add3A_713], %get3A_710 masked %gt3A_635 {add = true} : memref<512x128xf32, #tpu.memory_space<vmem>>[vector<16xi32>, vector<16xi32>], vector<16xf32>, vector<16xi1>
          %mul3A_714 = arith.constant 16 : i32
          %mul3A_715 = arith.muli %scan3A_124, %mul3A_714 : i32
          %add3A_716 = arith.addi %mul3A_100, %mul3A_715 : i32
          %add3A_717 = arith.constant 5 : i32
          %add3A_718 = arith.addi %add3A_716, %add3A_717 : i32
          %get3A_719 = arith.index_cast %add3A_718 : i32 to index
          %get3A_720 = arith.constant 112 : index
          %get3A_721 = tpu.vector_load %arg11[%get3A_719, %get3A_720] {strides = array<i32>} : memref<192x128xf32, #tpu.memory_space<vmem>>, vector<16xf32>,
          %add3A_722 = arith.constant 112 : i32
          %add3A_723 = vector.broadcast %add3A_722 : i32 to vector<16xi32>
          %add3A_724 = arith.addi %add3A_723, %iota3A : vector<16xi32>
          tpu.vector_store_idx %arg12[%broadcast_in_dim3A_636, %add3A_724], %get3A_721 masked %gt3A_635 {add = true} : memref<512x128xf32, #tpu.memory_space<vmem>>[vector<16xi32>, vector<16xi32>], vector<16xf32>, vector<16xi1>
          %slice3A_725 = vector.extract_strided_slice %min3A_135 {offsets = [6], sizes = [1], strides = [1]} : vector<16xi32> to vector<1xi32>
          %squeeze3A_726 = vector.extract %slice3A_725[0] : i32 from vector<1xi32>
          %slice3A_727 = vector.extract_strided_slice %convert_element_type3A_142 {offsets = [6], sizes = [1], strides = [1]} : vector<16xi32> to vector<1xi32>
          %squeeze3A_728 = vector.extract %slice3A_727[0] : i32 from vector<1xi32>
          %broadcast_in_dim3A_729 = vector.broadcast %squeeze3A_728 : i32 to vector<16xi32>
          %gt3A_730 = arith.constant 0 : i32
          %gt3A_731 = vector.broadcast %gt3A_730 : i32 to vector<16xi32>
          %gt3A_732 = arith.cmpi sgt, %broadcast_in_dim3A_729, %gt3A_731 : vector<16xi32>
          %broadcast_in_dim3A_733 = vector.broadcast %squeeze3A_726 : i32 to vector<16xi32>
          %mul3A_734 = arith.constant 16 : i32
          %mul3A_735 = arith.muli %scan3A_124, %mul3A_734 : i32
          %add3A_736 = arith.addi %mul3A_100, %mul3A_735 : i32
          %add3A_737 = arith.constant 6 : i32
          %add3A_738 = arith.addi %add3A_736, %add3A_737 : i32
          %get3A_739 = arith.index_cast %add3A_738 : i32 to index
          %get3A_740 = arith.constant 0 : index
          %get3A_741 = tpu.vector_load %arg11[%get3A_739, %get3A_740] {strides = array<i32>} : memref<192x128xf32, #tpu.memory_space<vmem>>, vector<16xf32>,
          %add3A_742 = arith.constant 0 : i32
          %add3A_743 = vector.broadcast %add3A_742 : i32 to vector<16xi32>
          %add3A_744 = arith.addi %add3A_743, %iota3A : vector<16xi32>
          tpu.vector_store_idx %arg12[%broadcast_in_dim3A_733, %add3A_744], %get3A_741 masked %gt3A_732 {add = true} : memref<512x128xf32, #tpu.memory_space<vmem>>[vector<16xi32>, vector<16xi32>], vector<16xf32>, vector<16xi1>
          %mul3A_745 = arith.constant 16 : i32
          %mul3A_746 = arith.muli %scan3A_124, %mul3A_745 : i32
          %add3A_747 = arith.addi %mul3A_100, %mul3A_746 : i32
          %add3A_748 = arith.constant 6 : i32
          %add3A_749 = arith.addi %add3A_747, %add3A_748 : i32
          %get3A_750 = arith.index_cast %add3A_749 : i32 to index
          %get3A_751 = arith.constant 16 : index
          %get3A_752 = tpu.vector_load %arg11[%get3A_750, %get3A_751] {strides = array<i32>} : memref<192x128xf32, #tpu.memory_space<vmem>>, vector<16xf32>,
          %add3A_753 = arith.constant 16 : i32
          %add3A_754 = vector.broadcast %add3A_753 : i32 to vector<16xi32>
          %add3A_755 = arith.addi %add3A_754, %iota3A : vector<16xi32>
          tpu.vector_store_idx %arg12[%broadcast_in_dim3A_733, %add3A_755], %get3A_752 masked %gt3A_732 {add = true} : memref<512x128xf32, #tpu.memory_space<vmem>>[vector<16xi32>, vector<16xi32>], vector<16xf32>, vector<16xi1>
          %mul3A_756 = arith.constant 16 : i32
          %mul3A_757 = arith.muli %scan3A_124, %mul3A_756 : i32
          %add3A_758 = arith.addi %mul3A_100, %mul3A_757 : i32
          %add3A_759 = arith.constant 6 : i32
          %add3A_760 = arith.addi %add3A_758, %add3A_759 : i32
          %get3A_761 = arith.index_cast %add3A_760 : i32 to index
          %get3A_762 = arith.constant 32 : index
          %get3A_763 = tpu.vector_load %arg11[%get3A_761, %get3A_762] {strides = array<i32>} : memref<192x128xf32, #tpu.memory_space<vmem>>, vector<16xf32>,
          %add3A_764 = arith.constant 32 : i32
          %add3A_765 = vector.broadcast %add3A_764 : i32 to vector<16xi32>
          %add3A_766 = arith.addi %add3A_765, %iota3A : vector<16xi32>
          tpu.vector_store_idx %arg12[%broadcast_in_dim3A_733, %add3A_766], %get3A_763 masked %gt3A_732 {add = true} : memref<512x128xf32, #tpu.memory_space<vmem>>[vector<16xi32>, vector<16xi32>], vector<16xf32>, vector<16xi1>
          %mul3A_767 = arith.constant 16 : i32
          %mul3A_768 = arith.muli %scan3A_124, %mul3A_767 : i32
          %add3A_769 = arith.addi %mul3A_100, %mul3A_768 : i32
          %add3A_770 = arith.constant 6 : i32
          %add3A_771 = arith.addi %add3A_769, %add3A_770 : i32
          %get3A_772 = arith.index_cast %add3A_771 : i32 to index
          %get3A_773 = arith.constant 48 : index
          %get3A_774 = tpu.vector_load %arg11[%get3A_772, %get3A_773] {strides = array<i32>} : memref<192x128xf32, #tpu.memory_space<vmem>>, vector<16xf32>,
          %add3A_775 = arith.constant 48 : i32
          %add3A_776 = vector.broadcast %add3A_775 : i32 to vector<16xi32>
          %add3A_777 = arith.addi %add3A_776, %iota3A : vector<16xi32>
          tpu.vector_store_idx %arg12[%broadcast_in_dim3A_733, %add3A_777], %get3A_774 masked %gt3A_732 {add = true} : memref<512x128xf32, #tpu.memory_space<vmem>>[vector<16xi32>, vector<16xi32>], vector<16xf32>, vector<16xi1>
          %mul3A_778 = arith.constant 16 : i32
          %mul3A_779 = arith.muli %scan3A_124, %mul3A_778 : i32
          %add3A_780 = arith.addi %mul3A_100, %mul3A_779 : i32
          %add3A_781 = arith.constant 6 : i32
          %add3A_782 = arith.addi %add3A_780, %add3A_781 : i32
          %get3A_783 = arith.index_cast %add3A_782 : i32 to index
          %get3A_784 = arith.constant 64 : index
          %get3A_785 = tpu.vector_load %arg11[%get3A_783, %get3A_784] {strides = array<i32>} : memref<192x128xf32, #tpu.memory_space<vmem>>, vector<16xf32>,
          %add3A_786 = arith.constant 64 : i32
          %add3A_787 = vector.broadcast %add3A_786 : i32 to vector<16xi32>
          %add3A_788 = arith.addi %add3A_787, %iota3A : vector<16xi32>
          tpu.vector_store_idx %arg12[%broadcast_in_dim3A_733, %add3A_788], %get3A_785 masked %gt3A_732 {add = true} : memref<512x128xf32, #tpu.memory_space<vmem>>[vector<16xi32>, vector<16xi32>], vector<16xf32>, vector<16xi1>
          %mul3A_789 = arith.constant 16 : i32
          %mul3A_790 = arith.muli %scan3A_124, %mul3A_789 : i32
          %add3A_791 = arith.addi %mul3A_100, %mul3A_790 : i32
          %add3A_792 = arith.constant 6 : i32
          %add3A_793 = arith.addi %add3A_791, %add3A_792 : i32
          %get3A_794 = arith.index_cast %add3A_793 : i32 to index
          %get3A_795 = arith.constant 80 : index
          %get3A_796 = tpu.vector_load %arg11[%get3A_794, %get3A_795] {strides = array<i32>} : memref<192x128xf32, #tpu.memory_space<vmem>>, vector<16xf32>,
          %add3A_797 = arith.constant 80 : i32
          %add3A_798 = vector.broadcast %add3A_797 : i32 to vector<16xi32>
          %add3A_799 = arith.addi %add3A_798, %iota3A : vector<16xi32>
          tpu.vector_store_idx %arg12[%broadcast_in_dim3A_733, %add3A_799], %get3A_796 masked %gt3A_732 {add = true} : memref<512x128xf32, #tpu.memory_space<vmem>>[vector<16xi32>, vector<16xi32>], vector<16xf32>, vector<16xi1>
          %mul3A_800 = arith.constant 16 : i32
          %mul3A_801 = arith.muli %scan3A_124, %mul3A_800 : i32
          %add3A_802 = arith.addi %mul3A_100, %mul3A_801 : i32
          %add3A_803 = arith.constant 6 : i32
          %add3A_804 = arith.addi %add3A_802, %add3A_803 : i32
          %get3A_805 = arith.index_cast %add3A_804 : i32 to index
          %get3A_806 = arith.constant 96 : index
          %get3A_807 = tpu.vector_load %arg11[%get3A_805, %get3A_806] {strides = array<i32>} : memref<192x128xf32, #tpu.memory_space<vmem>>, vector<16xf32>,
          %add3A_808 = arith.constant 96 : i32
          %add3A_809 = vector.broadcast %add3A_808 : i32 to vector<16xi32>
          %add3A_810 = arith.addi %add3A_809, %iota3A : vector<16xi32>
          tpu.vector_store_idx %arg12[%broadcast_in_dim3A_733, %add3A_810], %get3A_807 masked %gt3A_732 {add = true} : memref<512x128xf32, #tpu.memory_space<vmem>>[vector<16xi32>, vector<16xi32>], vector<16xf32>, vector<16xi1>
          %mul3A_811 = arith.constant 16 : i32
          %mul3A_812 = arith.muli %scan3A_124, %mul3A_811 : i32
          %add3A_813 = arith.addi %mul3A_100, %mul3A_812 : i32
          %add3A_814 = arith.constant 6 : i32
          %add3A_815 = arith.addi %add3A_813, %add3A_814 : i32
          %get3A_816 = arith.index_cast %add3A_815 : i32 to index
          %get3A_817 = arith.constant 112 : index
          %get3A_818 = tpu.vector_load %arg11[%get3A_816, %get3A_817] {strides = array<i32>} : memref<192x128xf32, #tpu.memory_space<vmem>>, vector<16xf32>,
          %add3A_819 = arith.constant 112 : i32
          %add3A_820 = vector.broadcast %add3A_819 : i32 to vector<16xi32>
          %add3A_821 = arith.addi %add3A_820, %iota3A : vector<16xi32>
          tpu.vector_store_idx %arg12[%broadcast_in_dim3A_733, %add3A_821], %get3A_818 masked %gt3A_732 {add = true} : memref<512x128xf32, #tpu.memory_space<vmem>>[vector<16xi32>, vector<16xi32>], vector<16xf32>, vector<16xi1>
          %slice3A_822 = vector.extract_strided_slice %min3A_135 {offsets = [7], sizes = [1], strides = [1]} : vector<16xi32> to vector<1xi32>
          %squeeze3A_823 = vector.extract %slice3A_822[0] : i32 from vector<1xi32>
          %slice3A_824 = vector.extract_strided_slice %convert_element_type3A_142 {offsets = [7], sizes = [1], strides = [1]} : vector<16xi32> to vector<1xi32>
          %squeeze3A_825 = vector.extract %slice3A_824[0] : i32 from vector<1xi32>
          %broadcast_in_dim3A_826 = vector.broadcast %squeeze3A_825 : i32 to vector<16xi32>
          %gt3A_827 = arith.constant 0 : i32
          %gt3A_828 = vector.broadcast %gt3A_827 : i32 to vector<16xi32>
          %gt3A_829 = arith.cmpi sgt, %broadcast_in_dim3A_826, %gt3A_828 : vector<16xi32>
          %broadcast_in_dim3A_830 = vector.broadcast %squeeze3A_823 : i32 to vector<16xi32>
          %mul3A_831 = arith.constant 16 : i32
          %mul3A_832 = arith.muli %scan3A_124, %mul3A_831 : i32
          %add3A_833 = arith.addi %mul3A_100, %mul3A_832 : i32
          %add3A_834 = arith.constant 7 : i32
          %add3A_835 = arith.addi %add3A_833, %add3A_834 : i32
          %get3A_836 = arith.index_cast %add3A_835 : i32 to index
          %get3A_837 = arith.constant 0 : index
          %get3A_838 = tpu.vector_load %arg11[%get3A_836, %get3A_837] {strides = array<i32>} : memref<192x128xf32, #tpu.memory_space<vmem>>, vector<16xf32>,
          %add3A_839 = arith.constant 0 : i32
          %add3A_840 = vector.broadcast %add3A_839 : i32 to vector<16xi32>
          %add3A_841 = arith.addi %add3A_840, %iota3A : vector<16xi32>
          tpu.vector_store_idx %arg12[%broadcast_in_dim3A_830, %add3A_841], %get3A_838 masked %gt3A_829 {add = true} : memref<512x128xf32, #tpu.memory_space<vmem>>[vector<16xi32>, vector<16xi32>], vector<16xf32>, vector<16xi1>
          %mul3A_842 = arith.constant 16 : i32
          %mul3A_843 = arith.muli %scan3A_124, %mul3A_842 : i32
          %add3A_844 = arith.addi %mul3A_100, %mul3A_843 : i32
          %add3A_845 = arith.constant 7 : i32
          %add3A_846 = arith.addi %add3A_844, %add3A_845 : i32
          %get3A_847 = arith.index_cast %add3A_846 : i32 to index
          %get3A_848 = arith.constant 16 : index
          %get3A_849 = tpu.vector_load %arg11[%get3A_847, %get3A_848] {strides = array<i32>} : memref<192x128xf32, #tpu.memory_space<vmem>>, vector<16xf32>,
          %add3A_850 = arith.constant 16 : i32
          %add3A_851 = vector.broadcast %add3A_850 : i32 to vector<16xi32>
          %add3A_852 = arith.addi %add3A_851, %iota3A : vector<16xi32>
          tpu.vector_store_idx %arg12[%broadcast_in_dim3A_830, %add3A_852], %get3A_849 masked %gt3A_829 {add = true} : memref<512x128xf32, #tpu.memory_space<vmem>>[vector<16xi32>, vector<16xi32>], vector<16xf32>, vector<16xi1>
          %mul3A_853 = arith.constant 16 : i32
          %mul3A_854 = arith.muli %scan3A_124, %mul3A_853 : i32
          %add3A_855 = arith.addi %mul3A_100, %mul3A_854 : i32
          %add3A_856 = arith.constant 7 : i32
          %add3A_857 = arith.addi %add3A_855, %add3A_856 : i32
          %get3A_858 = arith.index_cast %add3A_857 : i32 to index
          %get3A_859 = arith.constant 32 : index
          %get3A_860 = tpu.vector_load %arg11[%get3A_858, %get3A_859] {strides = array<i32>} : memref<192x128xf32, #tpu.memory_space<vmem>>, vector<16xf32>,
          %add3A_861 = arith.constant 32 : i32
          %add3A_862 = vector.broadcast %add3A_861 : i32 to vector<16xi32>
          %add3A_863 = arith.addi %add3A_862, %iota3A : vector<16xi32>
          tpu.vector_store_idx %arg12[%broadcast_in_dim3A_830, %add3A_863], %get3A_860 masked %gt3A_829 {add = true} : memref<512x128xf32, #tpu.memory_space<vmem>>[vector<16xi32>, vector<16xi32>], vector<16xf32>, vector<16xi1>
          %mul3A_864 = arith.constant 16 : i32
          %mul3A_865 = arith.muli %scan3A_124, %mul3A_864 : i32
          %add3A_866 = arith.addi %mul3A_100, %mul3A_865 : i32
          %add3A_867 = arith.constant 7 : i32
          %add3A_868 = arith.addi %add3A_866, %add3A_867 : i32
          %get3A_869 = arith.index_cast %add3A_868 : i32 to index
          %get3A_870 = arith.constant 48 : index
          %get3A_871 = tpu.vector_load %arg11[%get3A_869, %get3A_870] {strides = array<i32>} : memref<192x128xf32, #tpu.memory_space<vmem>>, vector<16xf32>,
          %add3A_872 = arith.constant 48 : i32
          %add3A_873 = vector.broadcast %add3A_872 : i32 to vector<16xi32>
          %add3A_874 = arith.addi %add3A_873, %iota3A : vector<16xi32>
          tpu.vector_store_idx %arg12[%broadcast_in_dim3A_830, %add3A_874], %get3A_871 masked %gt3A_829 {add = true} : memref<512x128xf32, #tpu.memory_space<vmem>>[vector<16xi32>, vector<16xi32>], vector<16xf32>, vector<16xi1>
          %mul3A_875 = arith.constant 16 : i32
          %mul3A_876 = arith.muli %scan3A_124, %mul3A_875 : i32
          %add3A_877 = arith.addi %mul3A_100, %mul3A_876 : i32
          %add3A_878 = arith.constant 7 : i32
          %add3A_879 = arith.addi %add3A_877, %add3A_878 : i32
          %get3A_880 = arith.index_cast %add3A_879 : i32 to index
          %get3A_881 = arith.constant 64 : index
          %get3A_882 = tpu.vector_load %arg11[%get3A_880, %get3A_881] {strides = array<i32>} : memref<192x128xf32, #tpu.memory_space<vmem>>, vector<16xf32>,
          %add3A_883 = arith.constant 64 : i32
          %add3A_884 = vector.broadcast %add3A_883 : i32 to vector<16xi32>
          %add3A_885 = arith.addi %add3A_884, %iota3A : vector<16xi32>
          tpu.vector_store_idx %arg12[%broadcast_in_dim3A_830, %add3A_885], %get3A_882 masked %gt3A_829 {add = true} : memref<512x128xf32, #tpu.memory_space<vmem>>[vector<16xi32>, vector<16xi32>], vector<16xf32>, vector<16xi1>
          %mul3A_886 = arith.constant 16 : i32
          %mul3A_887 = arith.muli %scan3A_124, %mul3A_886 : i32
          %add3A_888 = arith.addi %mul3A_100, %mul3A_887 : i32
          %add3A_889 = arith.constant 7 : i32
          %add3A_890 = arith.addi %add3A_888, %add3A_889 : i32
          %get3A_891 = arith.index_cast %add3A_890 : i32 to index
          %get3A_892 = arith.constant 80 : index
          %get3A_893 = tpu.vector_load %arg11[%get3A_891, %get3A_892] {strides = array<i32>} : memref<192x128xf32, #tpu.memory_space<vmem>>, vector<16xf32>,
          %add3A_894 = arith.constant 80 : i32
          %add3A_895 = vector.broadcast %add3A_894 : i32 to vector<16xi32>
          %add3A_896 = arith.addi %add3A_895, %iota3A : vector<16xi32>
          tpu.vector_store_idx %arg12[%broadcast_in_dim3A_830, %add3A_896], %get3A_893 masked %gt3A_829 {add = true} : memref<512x128xf32, #tpu.memory_space<vmem>>[vector<16xi32>, vector<16xi32>], vector<16xf32>, vector<16xi1>
          %mul3A_897 = arith.constant 16 : i32
          %mul3A_898 = arith.muli %scan3A_124, %mul3A_897 : i32
          %add3A_899 = arith.addi %mul3A_100, %mul3A_898 : i32
          %add3A_900 = arith.constant 7 : i32
          %add3A_901 = arith.addi %add3A_899, %add3A_900 : i32
          %get3A_902 = arith.index_cast %add3A_901 : i32 to index
          %get3A_903 = arith.constant 96 : index
          %get3A_904 = tpu.vector_load %arg11[%get3A_902, %get3A_903] {strides = array<i32>} : memref<192x128xf32, #tpu.memory_space<vmem>>, vector<16xf32>,
          %add3A_905 = arith.constant 96 : i32
          %add3A_906 = vector.broadcast %add3A_905 : i32 to vector<16xi32>
          %add3A_907 = arith.addi %add3A_906, %iota3A : vector<16xi32>
          tpu.vector_store_idx %arg12[%broadcast_in_dim3A_830, %add3A_907], %get3A_904 masked %gt3A_829 {add = true} : memref<512x128xf32, #tpu.memory_space<vmem>>[vector<16xi32>, vector<16xi32>], vector<16xf32>, vector<16xi1>
          %mul3A_908 = arith.constant 16 : i32
          %mul3A_909 = arith.muli %scan3A_124, %mul3A_908 : i32
          %add3A_910 = arith.addi %mul3A_100, %mul3A_909 : i32
          %add3A_911 = arith.constant 7 : i32
          %add3A_912 = arith.addi %add3A_910, %add3A_911 : i32
          %get3A_913 = arith.index_cast %add3A_912 : i32 to index
          %get3A_914 = arith.constant 112 : index
          %get3A_915 = tpu.vector_load %arg11[%get3A_913, %get3A_914] {strides = array<i32>} : memref<192x128xf32, #tpu.memory_space<vmem>>, vector<16xf32>,
          %add3A_916 = arith.constant 112 : i32
          %add3A_917 = vector.broadcast %add3A_916 : i32 to vector<16xi32>
          %add3A_918 = arith.addi %add3A_917, %iota3A : vector<16xi32>
          tpu.vector_store_idx %arg12[%broadcast_in_dim3A_830, %add3A_918], %get3A_915 masked %gt3A_829 {add = true} : memref<512x128xf32, #tpu.memory_space<vmem>>[vector<16xi32>, vector<16xi32>], vector<16xf32>, vector<16xi1>
          %slice3A_919 = vector.extract_strided_slice %min3A_135 {offsets = [8], sizes = [1], strides = [1]} : vector<16xi32> to vector<1xi32>
          %squeeze3A_920 = vector.extract %slice3A_919[0] : i32 from vector<1xi32>
          %slice3A_921 = vector.extract_strided_slice %convert_element_type3A_142 {offsets = [8], sizes = [1], strides = [1]} : vector<16xi32> to vector<1xi32>
          %squeeze3A_922 = vector.extract %slice3A_921[0] : i32 from vector<1xi32>
          %broadcast_in_dim3A_923 = vector.broadcast %squeeze3A_922 : i32 to vector<16xi32>
          %gt3A_924 = arith.constant 0 : i32
          %gt3A_925 = vector.broadcast %gt3A_924 : i32 to vector<16xi32>
          %gt3A_926 = arith.cmpi sgt, %broadcast_in_dim3A_923, %gt3A_925 : vector<16xi32>
          %broadcast_in_dim3A_927 = vector.broadcast %squeeze3A_920 : i32 to vector<16xi32>
          %mul3A_928 = arith.constant 16 : i32
          %mul3A_929 = arith.muli %scan3A_124, %mul3A_928 : i32
          %add3A_930 = arith.addi %mul3A_100, %mul3A_929 : i32
          %add3A_931 = arith.constant 8 : i32
          %add3A_932 = arith.addi %add3A_930, %add3A_931 : i32
          %get3A_933 = arith.index_cast %add3A_932 : i32 to index
          %get3A_934 = arith.constant 0 : index
          %get3A_935 = tpu.vector_load %arg11[%get3A_933, %get3A_934] {strides = array<i32>} : memref<192x128xf32, #tpu.memory_space<vmem>>, vector<16xf32>,
          %add3A_936 = arith.constant 0 : i32
          %add3A_937 = vector.broadcast %add3A_936 : i32 to vector<16xi32>
          %add3A_938 = arith.addi %add3A_937, %iota3A : vector<16xi32>
          tpu.vector_store_idx %arg12[%broadcast_in_dim3A_927, %add3A_938], %get3A_935 masked %gt3A_926 {add = true} : memref<512x128xf32, #tpu.memory_space<vmem>>[vector<16xi32>, vector<16xi32>], vector<16xf32>, vector<16xi1>
          %mul3A_939 = arith.constant 16 : i32
          %mul3A_940 = arith.muli %scan3A_124, %mul3A_939 : i32
          %add3A_941 = arith.addi %mul3A_100, %mul3A_940 : i32
          %add3A_942 = arith.constant 8 : i32
          %add3A_943 = arith.addi %add3A_941, %add3A_942 : i32
          %get3A_944 = arith.index_cast %add3A_943 : i32 to index
          %get3A_945 = arith.constant 16 : index
          %get3A_946 = tpu.vector_load %arg11[%get3A_944, %get3A_945] {strides = array<i32>} : memref<192x128xf32, #tpu.memory_space<vmem>>, vector<16xf32>,
          %add3A_947 = arith.constant 16 : i32
          %add3A_948 = vector.broadcast %add3A_947 : i32 to vector<16xi32>
          %add3A_949 = arith.addi %add3A_948, %iota3A : vector<16xi32>
          tpu.vector_store_idx %arg12[%broadcast_in_dim3A_927, %add3A_949], %get3A_946 masked %gt3A_926 {add = true} : memref<512x128xf32, #tpu.memory_space<vmem>>[vector<16xi32>, vector<16xi32>], vector<16xf32>, vector<16xi1>
          %mul3A_950 = arith.constant 16 : i32
          %mul3A_951 = arith.muli %scan3A_124, %mul3A_950 : i32
          %add3A_952 = arith.addi %mul3A_100, %mul3A_951 : i32
          %add3A_953 = arith.constant 8 : i32
          %add3A_954 = arith.addi %add3A_952, %add3A_953 : i32
          %get3A_955 = arith.index_cast %add3A_954 : i32 to index
          %get3A_956 = arith.constant 32 : index
          %get3A_957 = tpu.vector_load %arg11[%get3A_955, %get3A_956] {strides = array<i32>} : memref<192x128xf32, #tpu.memory_space<vmem>>, vector<16xf32>,
          %add3A_958 = arith.constant 32 : i32
          %add3A_959 = vector.broadcast %add3A_958 : i32 to vector<16xi32>
          %add3A_960 = arith.addi %add3A_959, %iota3A : vector<16xi32>
          tpu.vector_store_idx %arg12[%broadcast_in_dim3A_927, %add3A_960], %get3A_957 masked %gt3A_926 {add = true} : memref<512x128xf32, #tpu.memory_space<vmem>>[vector<16xi32>, vector<16xi32>], vector<16xf32>, vector<16xi1>
          %mul3A_961 = arith.constant 16 : i32
          %mul3A_962 = arith.muli %scan3A_124, %mul3A_961 : i32
          %add3A_963 = arith.addi %mul3A_100, %mul3A_962 : i32
          %add3A_964 = arith.constant 8 : i32
          %add3A_965 = arith.addi %add3A_963, %add3A_964 : i32
          %get3A_966 = arith.index_cast %add3A_965 : i32 to index
          %get3A_967 = arith.constant 48 : index
          %get3A_968 = tpu.vector_load %arg11[%get3A_966, %get3A_967] {strides = array<i32>} : memref<192x128xf32, #tpu.memory_space<vmem>>, vector<16xf32>,
          %add3A_969 = arith.constant 48 : i32
          %add3A_970 = vector.broadcast %add3A_969 : i32 to vector<16xi32>
          %add3A_971 = arith.addi %add3A_970, %iota3A : vector<16xi32>
          tpu.vector_store_idx %arg12[%broadcast_in_dim3A_927, %add3A_971], %get3A_968 masked %gt3A_926 {add = true} : memref<512x128xf32, #tpu.memory_space<vmem>>[vector<16xi32>, vector<16xi32>], vector<16xf32>, vector<16xi1>
          %mul3A_972 = arith.constant 16 : i32
          %mul3A_973 = arith.muli %scan3A_124, %mul3A_972 : i32
          %add3A_974 = arith.addi %mul3A_100, %mul3A_973 : i32
          %add3A_975 = arith.constant 8 : i32
          %add3A_976 = arith.addi %add3A_974, %add3A_975 : i32
          %get3A_977 = arith.index_cast %add3A_976 : i32 to index
          %get3A_978 = arith.constant 64 : index
          %get3A_979 = tpu.vector_load %arg11[%get3A_977, %get3A_978] {strides = array<i32>} : memref<192x128xf32, #tpu.memory_space<vmem>>, vector<16xf32>,
          %add3A_980 = arith.constant 64 : i32
          %add3A_981 = vector.broadcast %add3A_980 : i32 to vector<16xi32>
          %add3A_982 = arith.addi %add3A_981, %iota3A : vector<16xi32>
          tpu.vector_store_idx %arg12[%broadcast_in_dim3A_927, %add3A_982], %get3A_979 masked %gt3A_926 {add = true} : memref<512x128xf32, #tpu.memory_space<vmem>>[vector<16xi32>, vector<16xi32>], vector<16xf32>, vector<16xi1>
          %mul3A_983 = arith.constant 16 : i32
          %mul3A_984 = arith.muli %scan3A_124, %mul3A_983 : i32
          %add3A_985 = arith.addi %mul3A_100, %mul3A_984 : i32
          %add3A_986 = arith.constant 8 : i32
          %add3A_987 = arith.addi %add3A_985, %add3A_986 : i32
          %get3A_988 = arith.index_cast %add3A_987 : i32 to index
          %get3A_989 = arith.constant 80 : index
          %get3A_990 = tpu.vector_load %arg11[%get3A_988, %get3A_989] {strides = array<i32>} : memref<192x128xf32, #tpu.memory_space<vmem>>, vector<16xf32>,
          %add3A_991 = arith.constant 80 : i32
          %add3A_992 = vector.broadcast %add3A_991 : i32 to vector<16xi32>
          %add3A_993 = arith.addi %add3A_992, %iota3A : vector<16xi32>
          tpu.vector_store_idx %arg12[%broadcast_in_dim3A_927, %add3A_993], %get3A_990 masked %gt3A_926 {add = true} : memref<512x128xf32, #tpu.memory_space<vmem>>[vector<16xi32>, vector<16xi32>], vector<16xf32>, vector<16xi1>
          %mul3A_994 = arith.constant 16 : i32
          %mul3A_995 = arith.muli %scan3A_124, %mul3A_994 : i32
          %add3A_996 = arith.addi %mul3A_100, %mul3A_995 : i32
          %add3A_997 = arith.constant 8 : i32
          %add3A_998 = arith.addi %add3A_996, %add3A_997 : i32
          %get3A_999 = arith.index_cast %add3A_998 : i32 to index
          %get3A_1000 = arith.constant 96 : index
          %get3A_1001 = tpu.vector_load %arg11[%get3A_999, %get3A_1000] {strides = array<i32>} : memref<192x128xf32, #tpu.memory_space<vmem>>, vector<16xf32>,
          %add3A_1002 = arith.constant 96 : i32
          %add3A_1003 = vector.broadcast %add3A_1002 : i32 to vector<16xi32>
          %add3A_1004 = arith.addi %add3A_1003, %iota3A : vector<16xi32>
          tpu.vector_store_idx %arg12[%broadcast_in_dim3A_927, %add3A_1004], %get3A_1001 masked %gt3A_926 {add = true} : memref<512x128xf32, #tpu.memory_space<vmem>>[vector<16xi32>, vector<16xi32>], vector<16xf32>, vector<16xi1>
          %mul3A_1005 = arith.constant 16 : i32
          %mul3A_1006 = arith.muli %scan3A_124, %mul3A_1005 : i32
          %add3A_1007 = arith.addi %mul3A_100, %mul3A_1006 : i32
          %add3A_1008 = arith.constant 8 : i32
          %add3A_1009 = arith.addi %add3A_1007, %add3A_1008 : i32
          %get3A_1010 = arith.index_cast %add3A_1009 : i32 to index
          %get3A_1011 = arith.constant 112 : index
          %get3A_1012 = tpu.vector_load %arg11[%get3A_1010, %get3A_1011] {strides = array<i32>} : memref<192x128xf32, #tpu.memory_space<vmem>>, vector<16xf32>,
          %add3A_1013 = arith.constant 112 : i32
          %add3A_1014 = vector.broadcast %add3A_1013 : i32 to vector<16xi32>
          %add3A_1015 = arith.addi %add3A_1014, %iota3A : vector<16xi32>
          tpu.vector_store_idx %arg12[%broadcast_in_dim3A_927, %add3A_1015], %get3A_1012 masked %gt3A_926 {add = true} : memref<512x128xf32, #tpu.memory_space<vmem>>[vector<16xi32>, vector<16xi32>], vector<16xf32>, vector<16xi1>
          %slice3A_1016 = vector.extract_strided_slice %min3A_135 {offsets = [9], sizes = [1], strides = [1]} : vector<16xi32> to vector<1xi32>
          %squeeze3A_1017 = vector.extract %slice3A_1016[0] : i32 from vector<1xi32>
          %slice3A_1018 = vector.extract_strided_slice %convert_element_type3A_142 {offsets = [9], sizes = [1], strides = [1]} : vector<16xi32> to vector<1xi32>
          %squeeze3A_1019 = vector.extract %slice3A_1018[0] : i32 from vector<1xi32>
          %broadcast_in_dim3A_1020 = vector.broadcast %squeeze3A_1019 : i32 to vector<16xi32>
          %gt3A_1021 = arith.constant 0 : i32
          %gt3A_1022 = vector.broadcast %gt3A_1021 : i32 to vector<16xi32>
          %gt3A_1023 = arith.cmpi sgt, %broadcast_in_dim3A_1020, %gt3A_1022 : vector<16xi32>
          %broadcast_in_dim3A_1024 = vector.broadcast %squeeze3A_1017 : i32 to vector<16xi32>
          %mul3A_1025 = arith.constant 16 : i32
          %mul3A_1026 = arith.muli %scan3A_124, %mul3A_1025 : i32
          %add3A_1027 = arith.addi %mul3A_100, %mul3A_1026 : i32
          %add3A_1028 = arith.constant 9 : i32
          %add3A_1029 = arith.addi %add3A_1027, %add3A_1028 : i32
          %get3A_1030 = arith.index_cast %add3A_1029 : i32 to index
          %get3A_1031 = arith.constant 0 : index
          %get3A_1032 = tpu.vector_load %arg11[%get3A_1030, %get3A_1031] {strides = array<i32>} : memref<192x128xf32, #tpu.memory_space<vmem>>, vector<16xf32>,
          %add3A_1033 = arith.constant 0 : i32
          %add3A_1034 = vector.broadcast %add3A_1033 : i32 to vector<16xi32>
          %add3A_1035 = arith.addi %add3A_1034, %iota3A : vector<16xi32>
          tpu.vector_store_idx %arg12[%broadcast_in_dim3A_1024, %add3A_1035], %get3A_1032 masked %gt3A_1023 {add = true} : memref<512x128xf32, #tpu.memory_space<vmem>>[vector<16xi32>, vector<16xi32>], vector<16xf32>, vector<16xi1>
          %mul3A_1036 = arith.constant 16 : i32
          %mul3A_1037 = arith.muli %scan3A_124, %mul3A_1036 : i32
          %add3A_1038 = arith.addi %mul3A_100, %mul3A_1037 : i32
          %add3A_1039 = arith.constant 9 : i32
          %add3A_1040 = arith.addi %add3A_1038, %add3A_1039 : i32
          %get3A_1041 = arith.index_cast %add3A_1040 : i32 to index
          %get3A_1042 = arith.constant 16 : index
          %get3A_1043 = tpu.vector_load %arg11[%get3A_1041, %get3A_1042] {strides = array<i32>} : memref<192x128xf32, #tpu.memory_space<vmem>>, vector<16xf32>,
          %add3A_1044 = arith.constant 16 : i32
          %add3A_1045 = vector.broadcast %add3A_1044 : i32 to vector<16xi32>
          %add3A_1046 = arith.addi %add3A_1045, %iota3A : vector<16xi32>
          tpu.vector_store_idx %arg12[%broadcast_in_dim3A_1024, %add3A_1046], %get3A_1043 masked %gt3A_1023 {add = true} : memref<512x128xf32, #tpu.memory_space<vmem>>[vector<16xi32>, vector<16xi32>], vector<16xf32>, vector<16xi1>
          %mul3A_1047 = arith.constant 16 : i32
          %mul3A_1048 = arith.muli %scan3A_124, %mul3A_1047 : i32
          %add3A_1049 = arith.addi %mul3A_100, %mul3A_1048 : i32
          %add3A_1050 = arith.constant 9 : i32
          %add3A_1051 = arith.addi %add3A_1049, %add3A_1050 : i32
          %get3A_1052 = arith.index_cast %add3A_1051 : i32 to index
          %get3A_1053 = arith.constant 32 : index
          %get3A_1054 = tpu.vector_load %arg11[%get3A_1052, %get3A_1053] {strides = array<i32>} : memref<192x128xf32, #tpu.memory_space<vmem>>, vector<16xf32>,
          %add3A_1055 = arith.constant 32 : i32
          %add3A_1056 = vector.broadcast %add3A_1055 : i32 to vector<16xi32>
          %add3A_1057 = arith.addi %add3A_1056, %iota3A : vector<16xi32>
          tpu.vector_store_idx %arg12[%broadcast_in_dim3A_1024, %add3A_1057], %get3A_1054 masked %gt3A_1023 {add = true} : memref<512x128xf32, #tpu.memory_space<vmem>>[vector<16xi32>, vector<16xi32>], vector<16xf32>, vector<16xi1>
          %mul3A_1058 = arith.constant 16 : i32
          %mul3A_1059 = arith.muli %scan3A_124, %mul3A_1058 : i32
          %add3A_1060 = arith.addi %mul3A_100, %mul3A_1059 : i32
          %add3A_1061 = arith.constant 9 : i32
          %add3A_1062 = arith.addi %add3A_1060, %add3A_1061 : i32
          %get3A_1063 = arith.index_cast %add3A_1062 : i32 to index
          %get3A_1064 = arith.constant 48 : index
          %get3A_1065 = tpu.vector_load %arg11[%get3A_1063, %get3A_1064] {strides = array<i32>} : memref<192x128xf32, #tpu.memory_space<vmem>>, vector<16xf32>,
          %add3A_1066 = arith.constant 48 : i32
          %add3A_1067 = vector.broadcast %add3A_1066 : i32 to vector<16xi32>
          %add3A_1068 = arith.addi %add3A_1067, %iota3A : vector<16xi32>
          tpu.vector_store_idx %arg12[%broadcast_in_dim3A_1024, %add3A_1068], %get3A_1065 masked %gt3A_1023 {add = true} : memref<512x128xf32, #tpu.memory_space<vmem>>[vector<16xi32>, vector<16xi32>], vector<16xf32>, vector<16xi1>
          %mul3A_1069 = arith.constant 16 : i32
          %mul3A_1070 = arith.muli %scan3A_124, %mul3A_1069 : i32
          %add3A_1071 = arith.addi %mul3A_100, %mul3A_1070 : i32
          %add3A_1072 = arith.constant 9 : i32
          %add3A_1073 = arith.addi %add3A_1071, %add3A_1072 : i32
          %get3A_1074 = arith.index_cast %add3A_1073 : i32 to index
          %get3A_1075 = arith.constant 64 : index
          %get3A_1076 = tpu.vector_load %arg11[%get3A_1074, %get3A_1075] {strides = array<i32>} : memref<192x128xf32, #tpu.memory_space<vmem>>, vector<16xf32>,
          %add3A_1077 = arith.constant 64 : i32
          %add3A_1078 = vector.broadcast %add3A_1077 : i32 to vector<16xi32>
          %add3A_1079 = arith.addi %add3A_1078, %iota3A : vector<16xi32>
          tpu.vector_store_idx %arg12[%broadcast_in_dim3A_1024, %add3A_1079], %get3A_1076 masked %gt3A_1023 {add = true} : memref<512x128xf32, #tpu.memory_space<vmem>>[vector<16xi32>, vector<16xi32>], vector<16xf32>, vector<16xi1>
          %mul3A_1080 = arith.constant 16 : i32
          %mul3A_1081 = arith.muli %scan3A_124, %mul3A_1080 : i32
          %add3A_1082 = arith.addi %mul3A_100, %mul3A_1081 : i32
          %add3A_1083 = arith.constant 9 : i32
          %add3A_1084 = arith.addi %add3A_1082, %add3A_1083 : i32
          %get3A_1085 = arith.index_cast %add3A_1084 : i32 to index
          %get3A_1086 = arith.constant 80 : index
          %get3A_1087 = tpu.vector_load %arg11[%get3A_1085, %get3A_1086] {strides = array<i32>} : memref<192x128xf32, #tpu.memory_space<vmem>>, vector<16xf32>,
          %add3A_1088 = arith.constant 80 : i32
          %add3A_1089 = vector.broadcast %add3A_1088 : i32 to vector<16xi32>
          %add3A_1090 = arith.addi %add3A_1089, %iota3A : vector<16xi32>
          tpu.vector_store_idx %arg12[%broadcast_in_dim3A_1024, %add3A_1090], %get3A_1087 masked %gt3A_1023 {add = true} : memref<512x128xf32, #tpu.memory_space<vmem>>[vector<16xi32>, vector<16xi32>], vector<16xf32>, vector<16xi1>
          %mul3A_1091 = arith.constant 16 : i32
          %mul3A_1092 = arith.muli %scan3A_124, %mul3A_1091 : i32
          %add3A_1093 = arith.addi %mul3A_100, %mul3A_1092 : i32
          %add3A_1094 = arith.constant 9 : i32
          %add3A_1095 = arith.addi %add3A_1093, %add3A_1094 : i32
          %get3A_1096 = arith.index_cast %add3A_1095 : i32 to index
          %get3A_1097 = arith.constant 96 : index
          %get3A_1098 = tpu.vector_load %arg11[%get3A_1096, %get3A_1097] {strides = array<i32>} : memref<192x128xf32, #tpu.memory_space<vmem>>, vector<16xf32>,
          %add3A_1099 = arith.constant 96 : i32
          %add3A_1100 = vector.broadcast %add3A_1099 : i32 to vector<16xi32>
          %add3A_1101 = arith.addi %add3A_1100, %iota3A : vector<16xi32>
          tpu.vector_store_idx %arg12[%broadcast_in_dim3A_1024, %add3A_1101], %get3A_1098 masked %gt3A_1023 {add = true} : memref<512x128xf32, #tpu.memory_space<vmem>>[vector<16xi32>, vector<16xi32>], vector<16xf32>, vector<16xi1>
          %mul3A_1102 = arith.constant 16 : i32
          %mul3A_1103 = arith.muli %scan3A_124, %mul3A_1102 : i32
          %add3A_1104 = arith.addi %mul3A_100, %mul3A_1103 : i32
          %add3A_1105 = arith.constant 9 : i32
          %add3A_1106 = arith.addi %add3A_1104, %add3A_1105 : i32
          %get3A_1107 = arith.index_cast %add3A_1106 : i32 to index
          %get3A_1108 = arith.constant 112 : index
          %get3A_1109 = tpu.vector_load %arg11[%get3A_1107, %get3A_1108] {strides = array<i32>} : memref<192x128xf32, #tpu.memory_space<vmem>>, vector<16xf32>,
          %add3A_1110 = arith.constant 112 : i32
          %add3A_1111 = vector.broadcast %add3A_1110 : i32 to vector<16xi32>
          %add3A_1112 = arith.addi %add3A_1111, %iota3A : vector<16xi32>
          tpu.vector_store_idx %arg12[%broadcast_in_dim3A_1024, %add3A_1112], %get3A_1109 masked %gt3A_1023 {add = true} : memref<512x128xf32, #tpu.memory_space<vmem>>[vector<16xi32>, vector<16xi32>], vector<16xf32>, vector<16xi1>
          %slice3A_1113 = vector.extract_strided_slice %min3A_135 {offsets = [10], sizes = [1], strides = [1]} : vector<16xi32> to vector<1xi32>
          %squeeze3A_1114 = vector.extract %slice3A_1113[0] : i32 from vector<1xi32>
          %slice3A_1115 = vector.extract_strided_slice %convert_element_type3A_142 {offsets = [10], sizes = [1], strides = [1]} : vector<16xi32> to vector<1xi32>
          %squeeze3A_1116 = vector.extract %slice3A_1115[0] : i32 from vector<1xi32>
          %broadcast_in_dim3A_1117 = vector.broadcast %squeeze3A_1116 : i32 to vector<16xi32>
          %gt3A_1118 = arith.constant 0 : i32
          %gt3A_1119 = vector.broadcast %gt3A_1118 : i32 to vector<16xi32>
          %gt3A_1120 = arith.cmpi sgt, %broadcast_in_dim3A_1117, %gt3A_1119 : vector<16xi32>
          %broadcast_in_dim3A_1121 = vector.broadcast %squeeze3A_1114 : i32 to vector<16xi32>
          %mul3A_1122 = arith.constant 16 : i32
          %mul3A_1123 = arith.muli %scan3A_124, %mul3A_1122 : i32
          %add3A_1124 = arith.addi %mul3A_100, %mul3A_1123 : i32
          %add3A_1125 = arith.constant 10 : i32
          %add3A_1126 = arith.addi %add3A_1124, %add3A_1125 : i32
          %get3A_1127 = arith.index_cast %add3A_1126 : i32 to index
          %get3A_1128 = arith.constant 0 : index
          %get3A_1129 = tpu.vector_load %arg11[%get3A_1127, %get3A_1128] {strides = array<i32>} : memref<192x128xf32, #tpu.memory_space<vmem>>, vector<16xf32>,
          %add3A_1130 = arith.constant 0 : i32
          %add3A_1131 = vector.broadcast %add3A_1130 : i32 to vector<16xi32>
          %add3A_1132 = arith.addi %add3A_1131, %iota3A : vector<16xi32>
          tpu.vector_store_idx %arg12[%broadcast_in_dim3A_1121, %add3A_1132], %get3A_1129 masked %gt3A_1120 {add = true} : memref<512x128xf32, #tpu.memory_space<vmem>>[vector<16xi32>, vector<16xi32>], vector<16xf32>, vector<16xi1>
          %mul3A_1133 = arith.constant 16 : i32
          %mul3A_1134 = arith.muli %scan3A_124, %mul3A_1133 : i32
          %add3A_1135 = arith.addi %mul3A_100, %mul3A_1134 : i32
          %add3A_1136 = arith.constant 10 : i32
          %add3A_1137 = arith.addi %add3A_1135, %add3A_1136 : i32
          %get3A_1138 = arith.index_cast %add3A_1137 : i32 to index
          %get3A_1139 = arith.constant 16 : index
          %get3A_1140 = tpu.vector_load %arg11[%get3A_1138, %get3A_1139] {strides = array<i32>} : memref<192x128xf32, #tpu.memory_space<vmem>>, vector<16xf32>,
          %add3A_1141 = arith.constant 16 : i32
          %add3A_1142 = vector.broadcast %add3A_1141 : i32 to vector<16xi32>
          %add3A_1143 = arith.addi %add3A_1142, %iota3A : vector<16xi32>
          tpu.vector_store_idx %arg12[%broadcast_in_dim3A_1121, %add3A_1143], %get3A_1140 masked %gt3A_1120 {add = true} : memref<512x128xf32, #tpu.memory_space<vmem>>[vector<16xi32>, vector<16xi32>], vector<16xf32>, vector<16xi1>
          %mul3A_1144 = arith.constant 16 : i32
          %mul3A_1145 = arith.muli %scan3A_124, %mul3A_1144 : i32
          %add3A_1146 = arith.addi %mul3A_100, %mul3A_1145 : i32
          %add3A_1147 = arith.constant 10 : i32
          %add3A_1148 = arith.addi %add3A_1146, %add3A_1147 : i32
          %get3A_1149 = arith.index_cast %add3A_1148 : i32 to index
          %get3A_1150 = arith.constant 32 : index
          %get3A_1151 = tpu.vector_load %arg11[%get3A_1149, %get3A_1150] {strides = array<i32>} : memref<192x128xf32, #tpu.memory_space<vmem>>, vector<16xf32>,
          %add3A_1152 = arith.constant 32 : i32
          %add3A_1153 = vector.broadcast %add3A_1152 : i32 to vector<16xi32>
          %add3A_1154 = arith.addi %add3A_1153, %iota3A : vector<16xi32>
          tpu.vector_store_idx %arg12[%broadcast_in_dim3A_1121, %add3A_1154], %get3A_1151 masked %gt3A_1120 {add = true} : memref<512x128xf32, #tpu.memory_space<vmem>>[vector<16xi32>, vector<16xi32>], vector<16xf32>, vector<16xi1>
          %mul3A_1155 = arith.constant 16 : i32
          %mul3A_1156 = arith.muli %scan3A_124, %mul3A_1155 : i32
          %add3A_1157 = arith.addi %mul3A_100, %mul3A_1156 : i32
          %add3A_1158 = arith.constant 10 : i32
          %add3A_1159 = arith.addi %add3A_1157, %add3A_1158 : i32
          %get3A_1160 = arith.index_cast %add3A_1159 : i32 to index
          %get3A_1161 = arith.constant 48 : index
          %get3A_1162 = tpu.vector_load %arg11[%get3A_1160, %get3A_1161] {strides = array<i32>} : memref<192x128xf32, #tpu.memory_space<vmem>>, vector<16xf32>,
          %add3A_1163 = arith.constant 48 : i32
          %add3A_1164 = vector.broadcast %add3A_1163 : i32 to vector<16xi32>
          %add3A_1165 = arith.addi %add3A_1164, %iota3A : vector<16xi32>
          tpu.vector_store_idx %arg12[%broadcast_in_dim3A_1121, %add3A_1165], %get3A_1162 masked %gt3A_1120 {add = true} : memref<512x128xf32, #tpu.memory_space<vmem>>[vector<16xi32>, vector<16xi32>], vector<16xf32>, vector<16xi1>
          %mul3A_1166 = arith.constant 16 : i32
          %mul3A_1167 = arith.muli %scan3A_124, %mul3A_1166 : i32
          %add3A_1168 = arith.addi %mul3A_100, %mul3A_1167 : i32
          %add3A_1169 = arith.constant 10 : i32
          %add3A_1170 = arith.addi %add3A_1168, %add3A_1169 : i32
          %get3A_1171 = arith.index_cast %add3A_1170 : i32 to index
          %get3A_1172 = arith.constant 64 : index
          %get3A_1173 = tpu.vector_load %arg11[%get3A_1171, %get3A_1172] {strides = array<i32>} : memref<192x128xf32, #tpu.memory_space<vmem>>, vector<16xf32>,
          %add3A_1174 = arith.constant 64 : i32
          %add3A_1175 = vector.broadcast %add3A_1174 : i32 to vector<16xi32>
          %add3A_1176 = arith.addi %add3A_1175, %iota3A : vector<16xi32>
          tpu.vector_store_idx %arg12[%broadcast_in_dim3A_1121, %add3A_1176], %get3A_1173 masked %gt3A_1120 {add = true} : memref<512x128xf32, #tpu.memory_space<vmem>>[vector<16xi32>, vector<16xi32>], vector<16xf32>, vector<16xi1>
          %mul3A_1177 = arith.constant 16 : i32
          %mul3A_1178 = arith.muli %scan3A_124, %mul3A_1177 : i32
          %add3A_1179 = arith.addi %mul3A_100, %mul3A_1178 : i32
          %add3A_1180 = arith.constant 10 : i32
          %add3A_1181 = arith.addi %add3A_1179, %add3A_1180 : i32
          %get3A_1182 = arith.index_cast %add3A_1181 : i32 to index
          %get3A_1183 = arith.constant 80 : index
          %get3A_1184 = tpu.vector_load %arg11[%get3A_1182, %get3A_1183] {strides = array<i32>} : memref<192x128xf32, #tpu.memory_space<vmem>>, vector<16xf32>,
          %add3A_1185 = arith.constant 80 : i32
          %add3A_1186 = vector.broadcast %add3A_1185 : i32 to vector<16xi32>
          %add3A_1187 = arith.addi %add3A_1186, %iota3A : vector<16xi32>
          tpu.vector_store_idx %arg12[%broadcast_in_dim3A_1121, %add3A_1187], %get3A_1184 masked %gt3A_1120 {add = true} : memref<512x128xf32, #tpu.memory_space<vmem>>[vector<16xi32>, vector<16xi32>], vector<16xf32>, vector<16xi1>
          %mul3A_1188 = arith.constant 16 : i32
          %mul3A_1189 = arith.muli %scan3A_124, %mul3A_1188 : i32
          %add3A_1190 = arith.addi %mul3A_100, %mul3A_1189 : i32
          %add3A_1191 = arith.constant 10 : i32
          %add3A_1192 = arith.addi %add3A_1190, %add3A_1191 : i32
          %get3A_1193 = arith.index_cast %add3A_1192 : i32 to index
          %get3A_1194 = arith.constant 96 : index
          %get3A_1195 = tpu.vector_load %arg11[%get3A_1193, %get3A_1194] {strides = array<i32>} : memref<192x128xf32, #tpu.memory_space<vmem>>, vector<16xf32>,
          %add3A_1196 = arith.constant 96 : i32
          %add3A_1197 = vector.broadcast %add3A_1196 : i32 to vector<16xi32>
          %add3A_1198 = arith.addi %add3A_1197, %iota3A : vector<16xi32>
          tpu.vector_store_idx %arg12[%broadcast_in_dim3A_1121, %add3A_1198], %get3A_1195 masked %gt3A_1120 {add = true} : memref<512x128xf32, #tpu.memory_space<vmem>>[vector<16xi32>, vector<16xi32>], vector<16xf32>, vector<16xi1>
          %mul3A_1199 = arith.constant 16 : i32
          %mul3A_1200 = arith.muli %scan3A_124, %mul3A_1199 : i32
          %add3A_1201 = arith.addi %mul3A_100, %mul3A_1200 : i32
          %add3A_1202 = arith.constant 10 : i32
          %add3A_1203 = arith.addi %add3A_1201, %add3A_1202 : i32
          %get3A_1204 = arith.index_cast %add3A_1203 : i32 to index
          %get3A_1205 = arith.constant 112 : index
          %get3A_1206 = tpu.vector_load %arg11[%get3A_1204, %get3A_1205] {strides = array<i32>} : memref<192x128xf32, #tpu.memory_space<vmem>>, vector<16xf32>,
          %add3A_1207 = arith.constant 112 : i32
          %add3A_1208 = vector.broadcast %add3A_1207 : i32 to vector<16xi32>
          %add3A_1209 = arith.addi %add3A_1208, %iota3A : vector<16xi32>
          tpu.vector_store_idx %arg12[%broadcast_in_dim3A_1121, %add3A_1209], %get3A_1206 masked %gt3A_1120 {add = true} : memref<512x128xf32, #tpu.memory_space<vmem>>[vector<16xi32>, vector<16xi32>], vector<16xf32>, vector<16xi1>
          %slice3A_1210 = vector.extract_strided_slice %min3A_135 {offsets = [11], sizes = [1], strides = [1]} : vector<16xi32> to vector<1xi32>
          %squeeze3A_1211 = vector.extract %slice3A_1210[0] : i32 from vector<1xi32>
          %slice3A_1212 = vector.extract_strided_slice %convert_element_type3A_142 {offsets = [11], sizes = [1], strides = [1]} : vector<16xi32> to vector<1xi32>
          %squeeze3A_1213 = vector.extract %slice3A_1212[0] : i32 from vector<1xi32>
          %broadcast_in_dim3A_1214 = vector.broadcast %squeeze3A_1213 : i32 to vector<16xi32>
          %gt3A_1215 = arith.constant 0 : i32
          %gt3A_1216 = vector.broadcast %gt3A_1215 : i32 to vector<16xi32>
          %gt3A_1217 = arith.cmpi sgt, %broadcast_in_dim3A_1214, %gt3A_1216 : vector<16xi32>
          %broadcast_in_dim3A_1218 = vector.broadcast %squeeze3A_1211 : i32 to vector<16xi32>
          %mul3A_1219 = arith.constant 16 : i32
          %mul3A_1220 = arith.muli %scan3A_124, %mul3A_1219 : i32
          %add3A_1221 = arith.addi %mul3A_100, %mul3A_1220 : i32
          %add3A_1222 = arith.constant 11 : i32
          %add3A_1223 = arith.addi %add3A_1221, %add3A_1222 : i32
          %get3A_1224 = arith.index_cast %add3A_1223 : i32 to index
          %get3A_1225 = arith.constant 0 : index
          %get3A_1226 = tpu.vector_load %arg11[%get3A_1224, %get3A_1225] {strides = array<i32>} : memref<192x128xf32, #tpu.memory_space<vmem>>, vector<16xf32>,
          %add3A_1227 = arith.constant 0 : i32
          %add3A_1228 = vector.broadcast %add3A_1227 : i32 to vector<16xi32>
          %add3A_1229 = arith.addi %add3A_1228, %iota3A : vector<16xi32>
          tpu.vector_store_idx %arg12[%broadcast_in_dim3A_1218, %add3A_1229], %get3A_1226 masked %gt3A_1217 {add = true} : memref<512x128xf32, #tpu.memory_space<vmem>>[vector<16xi32>, vector<16xi32>], vector<16xf32>, vector<16xi1>
          %mul3A_1230 = arith.constant 16 : i32
          %mul3A_1231 = arith.muli %scan3A_124, %mul3A_1230 : i32
          %add3A_1232 = arith.addi %mul3A_100, %mul3A_1231 : i32
          %add3A_1233 = arith.constant 11 : i32
          %add3A_1234 = arith.addi %add3A_1232, %add3A_1233 : i32
          %get3A_1235 = arith.index_cast %add3A_1234 : i32 to index
          %get3A_1236 = arith.constant 16 : index
          %get3A_1237 = tpu.vector_load %arg11[%get3A_1235, %get3A_1236] {strides = array<i32>} : memref<192x128xf32, #tpu.memory_space<vmem>>, vector<16xf32>,
          %add3A_1238 = arith.constant 16 : i32
          %add3A_1239 = vector.broadcast %add3A_1238 : i32 to vector<16xi32>
          %add3A_1240 = arith.addi %add3A_1239, %iota3A : vector<16xi32>
          tpu.vector_store_idx %arg12[%broadcast_in_dim3A_1218, %add3A_1240], %get3A_1237 masked %gt3A_1217 {add = true} : memref<512x128xf32, #tpu.memory_space<vmem>>[vector<16xi32>, vector<16xi32>], vector<16xf32>, vector<16xi1>
          %mul3A_1241 = arith.constant 16 : i32
          %mul3A_1242 = arith.muli %scan3A_124, %mul3A_1241 : i32
          %add3A_1243 = arith.addi %mul3A_100, %mul3A_1242 : i32
          %add3A_1244 = arith.constant 11 : i32
          %add3A_1245 = arith.addi %add3A_1243, %add3A_1244 : i32
          %get3A_1246 = arith.index_cast %add3A_1245 : i32 to index
          %get3A_1247 = arith.constant 32 : index
          %get3A_1248 = tpu.vector_load %arg11[%get3A_1246, %get3A_1247] {strides = array<i32>} : memref<192x128xf32, #tpu.memory_space<vmem>>, vector<16xf32>,
          %add3A_1249 = arith.constant 32 : i32
          %add3A_1250 = vector.broadcast %add3A_1249 : i32 to vector<16xi32>
          %add3A_1251 = arith.addi %add3A_1250, %iota3A : vector<16xi32>
          tpu.vector_store_idx %arg12[%broadcast_in_dim3A_1218, %add3A_1251], %get3A_1248 masked %gt3A_1217 {add = true} : memref<512x128xf32, #tpu.memory_space<vmem>>[vector<16xi32>, vector<16xi32>], vector<16xf32>, vector<16xi1>
          %mul3A_1252 = arith.constant 16 : i32
          %mul3A_1253 = arith.muli %scan3A_124, %mul3A_1252 : i32
          %add3A_1254 = arith.addi %mul3A_100, %mul3A_1253 : i32
          %add3A_1255 = arith.constant 11 : i32
          %add3A_1256 = arith.addi %add3A_1254, %add3A_1255 : i32
          %get3A_1257 = arith.index_cast %add3A_1256 : i32 to index
          %get3A_1258 = arith.constant 48 : index
          %get3A_1259 = tpu.vector_load %arg11[%get3A_1257, %get3A_1258] {strides = array<i32>} : memref<192x128xf32, #tpu.memory_space<vmem>>, vector<16xf32>,
          %add3A_1260 = arith.constant 48 : i32
          %add3A_1261 = vector.broadcast %add3A_1260 : i32 to vector<16xi32>
          %add3A_1262 = arith.addi %add3A_1261, %iota3A : vector<16xi32>
          tpu.vector_store_idx %arg12[%broadcast_in_dim3A_1218, %add3A_1262], %get3A_1259 masked %gt3A_1217 {add = true} : memref<512x128xf32, #tpu.memory_space<vmem>>[vector<16xi32>, vector<16xi32>], vector<16xf32>, vector<16xi1>
          %mul3A_1263 = arith.constant 16 : i32
          %mul3A_1264 = arith.muli %scan3A_124, %mul3A_1263 : i32
          %add3A_1265 = arith.addi %mul3A_100, %mul3A_1264 : i32
          %add3A_1266 = arith.constant 11 : i32
          %add3A_1267 = arith.addi %add3A_1265, %add3A_1266 : i32
          %get3A_1268 = arith.index_cast %add3A_1267 : i32 to index
          %get3A_1269 = arith.constant 64 : index
          %get3A_1270 = tpu.vector_load %arg11[%get3A_1268, %get3A_1269] {strides = array<i32>} : memref<192x128xf32, #tpu.memory_space<vmem>>, vector<16xf32>,
          %add3A_1271 = arith.constant 64 : i32
          %add3A_1272 = vector.broadcast %add3A_1271 : i32 to vector<16xi32>
          %add3A_1273 = arith.addi %add3A_1272, %iota3A : vector<16xi32>
          tpu.vector_store_idx %arg12[%broadcast_in_dim3A_1218, %add3A_1273], %get3A_1270 masked %gt3A_1217 {add = true} : memref<512x128xf32, #tpu.memory_space<vmem>>[vector<16xi32>, vector<16xi32>], vector<16xf32>, vector<16xi1>
          %mul3A_1274 = arith.constant 16 : i32
          %mul3A_1275 = arith.muli %scan3A_124, %mul3A_1274 : i32
          %add3A_1276 = arith.addi %mul3A_100, %mul3A_1275 : i32
          %add3A_1277 = arith.constant 11 : i32
          %add3A_1278 = arith.addi %add3A_1276, %add3A_1277 : i32
          %get3A_1279 = arith.index_cast %add3A_1278 : i32 to index
          %get3A_1280 = arith.constant 80 : index
          %get3A_1281 = tpu.vector_load %arg11[%get3A_1279, %get3A_1280] {strides = array<i32>} : memref<192x128xf32, #tpu.memory_space<vmem>>, vector<16xf32>,
          %add3A_1282 = arith.constant 80 : i32
          %add3A_1283 = vector.broadcast %add3A_1282 : i32 to vector<16xi32>
          %add3A_1284 = arith.addi %add3A_1283, %iota3A : vector<16xi32>
          tpu.vector_store_idx %arg12[%broadcast_in_dim3A_1218, %add3A_1284], %get3A_1281 masked %gt3A_1217 {add = true} : memref<512x128xf32, #tpu.memory_space<vmem>>[vector<16xi32>, vector<16xi32>], vector<16xf32>, vector<16xi1>
          %mul3A_1285 = arith.constant 16 : i32
          %mul3A_1286 = arith.muli %scan3A_124, %mul3A_1285 : i32
          %add3A_1287 = arith.addi %mul3A_100, %mul3A_1286 : i32
          %add3A_1288 = arith.constant 11 : i32
          %add3A_1289 = arith.addi %add3A_1287, %add3A_1288 : i32
          %get3A_1290 = arith.index_cast %add3A_1289 : i32 to index
          %get3A_1291 = arith.constant 96 : index
          %get3A_1292 = tpu.vector_load %arg11[%get3A_1290, %get3A_1291] {strides = array<i32>} : memref<192x128xf32, #tpu.memory_space<vmem>>, vector<16xf32>,
          %add3A_1293 = arith.constant 96 : i32
          %add3A_1294 = vector.broadcast %add3A_1293 : i32 to vector<16xi32>
          %add3A_1295 = arith.addi %add3A_1294, %iota3A : vector<16xi32>
          tpu.vector_store_idx %arg12[%broadcast_in_dim3A_1218, %add3A_1295], %get3A_1292 masked %gt3A_1217 {add = true} : memref<512x128xf32, #tpu.memory_space<vmem>>[vector<16xi32>, vector<16xi32>], vector<16xf32>, vector<16xi1>
          %mul3A_1296 = arith.constant 16 : i32
          %mul3A_1297 = arith.muli %scan3A_124, %mul3A_1296 : i32
          %add3A_1298 = arith.addi %mul3A_100, %mul3A_1297 : i32
          %add3A_1299 = arith.constant 11 : i32
          %add3A_1300 = arith.addi %add3A_1298, %add3A_1299 : i32
          %get3A_1301 = arith.index_cast %add3A_1300 : i32 to index
          %get3A_1302 = arith.constant 112 : index
          %get3A_1303 = tpu.vector_load %arg11[%get3A_1301, %get3A_1302] {strides = array<i32>} : memref<192x128xf32, #tpu.memory_space<vmem>>, vector<16xf32>,
          %add3A_1304 = arith.constant 112 : i32
          %add3A_1305 = vector.broadcast %add3A_1304 : i32 to vector<16xi32>
          %add3A_1306 = arith.addi %add3A_1305, %iota3A : vector<16xi32>
          tpu.vector_store_idx %arg12[%broadcast_in_dim3A_1218, %add3A_1306], %get3A_1303 masked %gt3A_1217 {add = true} : memref<512x128xf32, #tpu.memory_space<vmem>>[vector<16xi32>, vector<16xi32>], vector<16xf32>, vector<16xi1>
          %slice3A_1307 = vector.extract_strided_slice %min3A_135 {offsets = [12], sizes = [1], strides = [1]} : vector<16xi32> to vector<1xi32>
          %squeeze3A_1308 = vector.extract %slice3A_1307[0] : i32 from vector<1xi32>
          %slice3A_1309 = vector.extract_strided_slice %convert_element_type3A_142 {offsets = [12], sizes = [1], strides = [1]} : vector<16xi32> to vector<1xi32>
          %squeeze3A_1310 = vector.extract %slice3A_1309[0] : i32 from vector<1xi32>
          %broadcast_in_dim3A_1311 = vector.broadcast %squeeze3A_1310 : i32 to vector<16xi32>
          %gt3A_1312 = arith.constant 0 : i32
          %gt3A_1313 = vector.broadcast %gt3A_1312 : i32 to vector<16xi32>
          %gt3A_1314 = arith.cmpi sgt, %broadcast_in_dim3A_1311, %gt3A_1313 : vector<16xi32>
          %broadcast_in_dim3A_1315 = vector.broadcast %squeeze3A_1308 : i32 to vector<16xi32>
          %mul3A_1316 = arith.constant 16 : i32
          %mul3A_1317 = arith.muli %scan3A_124, %mul3A_1316 : i32
          %add3A_1318 = arith.addi %mul3A_100, %mul3A_1317 : i32
          %add3A_1319 = arith.constant 12 : i32
          %add3A_1320 = arith.addi %add3A_1318, %add3A_1319 : i32
          %get3A_1321 = arith.index_cast %add3A_1320 : i32 to index
          %get3A_1322 = arith.constant 0 : index
          %get3A_1323 = tpu.vector_load %arg11[%get3A_1321, %get3A_1322] {strides = array<i32>} : memref<192x128xf32, #tpu.memory_space<vmem>>, vector<16xf32>,
          %add3A_1324 = arith.constant 0 : i32
          %add3A_1325 = vector.broadcast %add3A_1324 : i32 to vector<16xi32>
          %add3A_1326 = arith.addi %add3A_1325, %iota3A : vector<16xi32>
          tpu.vector_store_idx %arg12[%broadcast_in_dim3A_1315, %add3A_1326], %get3A_1323 masked %gt3A_1314 {add = true} : memref<512x128xf32, #tpu.memory_space<vmem>>[vector<16xi32>, vector<16xi32>], vector<16xf32>, vector<16xi1>
          %mul3A_1327 = arith.constant 16 : i32
          %mul3A_1328 = arith.muli %scan3A_124, %mul3A_1327 : i32
          %add3A_1329 = arith.addi %mul3A_100, %mul3A_1328 : i32
          %add3A_1330 = arith.constant 12 : i32
          %add3A_1331 = arith.addi %add3A_1329, %add3A_1330 : i32
          %get3A_1332 = arith.index_cast %add3A_1331 : i32 to index
          %get3A_1333 = arith.constant 16 : index
          %get3A_1334 = tpu.vector_load %arg11[%get3A_1332, %get3A_1333] {strides = array<i32>} : memref<192x128xf32, #tpu.memory_space<vmem>>, vector<16xf32>,
          %add3A_1335 = arith.constant 16 : i32
          %add3A_1336 = vector.broadcast %add3A_1335 : i32 to vector<16xi32>
          %add3A_1337 = arith.addi %add3A_1336, %iota3A : vector<16xi32>
          tpu.vector_store_idx %arg12[%broadcast_in_dim3A_1315, %add3A_1337], %get3A_1334 masked %gt3A_1314 {add = true} : memref<512x128xf32, #tpu.memory_space<vmem>>[vector<16xi32>, vector<16xi32>], vector<16xf32>, vector<16xi1>
          %mul3A_1338 = arith.constant 16 : i32
          %mul3A_1339 = arith.muli %scan3A_124, %mul3A_1338 : i32
          %add3A_1340 = arith.addi %mul3A_100, %mul3A_1339 : i32
          %add3A_1341 = arith.constant 12 : i32
          %add3A_1342 = arith.addi %add3A_1340, %add3A_1341 : i32
          %get3A_1343 = arith.index_cast %add3A_1342 : i32 to index
          %get3A_1344 = arith.constant 32 : index
          %get3A_1345 = tpu.vector_load %arg11[%get3A_1343, %get3A_1344] {strides = array<i32>} : memref<192x128xf32, #tpu.memory_space<vmem>>, vector<16xf32>,
          %add3A_1346 = arith.constant 32 : i32
          %add3A_1347 = vector.broadcast %add3A_1346 : i32 to vector<16xi32>
          %add3A_1348 = arith.addi %add3A_1347, %iota3A : vector<16xi32>
          tpu.vector_store_idx %arg12[%broadcast_in_dim3A_1315, %add3A_1348], %get3A_1345 masked %gt3A_1314 {add = true} : memref<512x128xf32, #tpu.memory_space<vmem>>[vector<16xi32>, vector<16xi32>], vector<16xf32>, vector<16xi1>
          %mul3A_1349 = arith.constant 16 : i32
          %mul3A_1350 = arith.muli %scan3A_124, %mul3A_1349 : i32
          %add3A_1351 = arith.addi %mul3A_100, %mul3A_1350 : i32
          %add3A_1352 = arith.constant 12 : i32
          %add3A_1353 = arith.addi %add3A_1351, %add3A_1352 : i32
          %get3A_1354 = arith.index_cast %add3A_1353 : i32 to index
          %get3A_1355 = arith.constant 48 : index
          %get3A_1356 = tpu.vector_load %arg11[%get3A_1354, %get3A_1355] {strides = array<i32>} : memref<192x128xf32, #tpu.memory_space<vmem>>, vector<16xf32>,
          %add3A_1357 = arith.constant 48 : i32
          %add3A_1358 = vector.broadcast %add3A_1357 : i32 to vector<16xi32>
          %add3A_1359 = arith.addi %add3A_1358, %iota3A : vector<16xi32>
          tpu.vector_store_idx %arg12[%broadcast_in_dim3A_1315, %add3A_1359], %get3A_1356 masked %gt3A_1314 {add = true} : memref<512x128xf32, #tpu.memory_space<vmem>>[vector<16xi32>, vector<16xi32>], vector<16xf32>, vector<16xi1>
          %mul3A_1360 = arith.constant 16 : i32
          %mul3A_1361 = arith.muli %scan3A_124, %mul3A_1360 : i32
          %add3A_1362 = arith.addi %mul3A_100, %mul3A_1361 : i32
          %add3A_1363 = arith.constant 12 : i32
          %add3A_1364 = arith.addi %add3A_1362, %add3A_1363 : i32
          %get3A_1365 = arith.index_cast %add3A_1364 : i32 to index
          %get3A_1366 = arith.constant 64 : index
          %get3A_1367 = tpu.vector_load %arg11[%get3A_1365, %get3A_1366] {strides = array<i32>} : memref<192x128xf32, #tpu.memory_space<vmem>>, vector<16xf32>,
          %add3A_1368 = arith.constant 64 : i32
          %add3A_1369 = vector.broadcast %add3A_1368 : i32 to vector<16xi32>
          %add3A_1370 = arith.addi %add3A_1369, %iota3A : vector<16xi32>
          tpu.vector_store_idx %arg12[%broadcast_in_dim3A_1315, %add3A_1370], %get3A_1367 masked %gt3A_1314 {add = true} : memref<512x128xf32, #tpu.memory_space<vmem>>[vector<16xi32>, vector<16xi32>], vector<16xf32>, vector<16xi1>
          %mul3A_1371 = arith.constant 16 : i32
          %mul3A_1372 = arith.muli %scan3A_124, %mul3A_1371 : i32
          %add3A_1373 = arith.addi %mul3A_100, %mul3A_1372 : i32
          %add3A_1374 = arith.constant 12 : i32
          %add3A_1375 = arith.addi %add3A_1373, %add3A_1374 : i32
          %get3A_1376 = arith.index_cast %add3A_1375 : i32 to index
          %get3A_1377 = arith.constant 80 : index
          %get3A_1378 = tpu.vector_load %arg11[%get3A_1376, %get3A_1377] {strides = array<i32>} : memref<192x128xf32, #tpu.memory_space<vmem>>, vector<16xf32>,
          %add3A_1379 = arith.constant 80 : i32
          %add3A_1380 = vector.broadcast %add3A_1379 : i32 to vector<16xi32>
          %add3A_1381 = arith.addi %add3A_1380, %iota3A : vector<16xi32>
          tpu.vector_store_idx %arg12[%broadcast_in_dim3A_1315, %add3A_1381], %get3A_1378 masked %gt3A_1314 {add = true} : memref<512x128xf32, #tpu.memory_space<vmem>>[vector<16xi32>, vector<16xi32>], vector<16xf32>, vector<16xi1>
          %mul3A_1382 = arith.constant 16 : i32
          %mul3A_1383 = arith.muli %scan3A_124, %mul3A_1382 : i32
          %add3A_1384 = arith.addi %mul3A_100, %mul3A_1383 : i32
          %add3A_1385 = arith.constant 12 : i32
          %add3A_1386 = arith.addi %add3A_1384, %add3A_1385 : i32
          %get3A_1387 = arith.index_cast %add3A_1386 : i32 to index
          %get3A_1388 = arith.constant 96 : index
          %get3A_1389 = tpu.vector_load %arg11[%get3A_1387, %get3A_1388] {strides = array<i32>} : memref<192x128xf32, #tpu.memory_space<vmem>>, vector<16xf32>,
          %add3A_1390 = arith.constant 96 : i32
          %add3A_1391 = vector.broadcast %add3A_1390 : i32 to vector<16xi32>
          %add3A_1392 = arith.addi %add3A_1391, %iota3A : vector<16xi32>
          tpu.vector_store_idx %arg12[%broadcast_in_dim3A_1315, %add3A_1392], %get3A_1389 masked %gt3A_1314 {add = true} : memref<512x128xf32, #tpu.memory_space<vmem>>[vector<16xi32>, vector<16xi32>], vector<16xf32>, vector<16xi1>
          %mul3A_1393 = arith.constant 16 : i32
          %mul3A_1394 = arith.muli %scan3A_124, %mul3A_1393 : i32
          %add3A_1395 = arith.addi %mul3A_100, %mul3A_1394 : i32
          %add3A_1396 = arith.constant 12 : i32
          %add3A_1397 = arith.addi %add3A_1395, %add3A_1396 : i32
          %get3A_1398 = arith.index_cast %add3A_1397 : i32 to index
          %get3A_1399 = arith.constant 112 : index
          %get3A_1400 = tpu.vector_load %arg11[%get3A_1398, %get3A_1399] {strides = array<i32>} : memref<192x128xf32, #tpu.memory_space<vmem>>, vector<16xf32>,
          %add3A_1401 = arith.constant 112 : i32
          %add3A_1402 = vector.broadcast %add3A_1401 : i32 to vector<16xi32>
          %add3A_1403 = arith.addi %add3A_1402, %iota3A : vector<16xi32>
          tpu.vector_store_idx %arg12[%broadcast_in_dim3A_1315, %add3A_1403], %get3A_1400 masked %gt3A_1314 {add = true} : memref<512x128xf32, #tpu.memory_space<vmem>>[vector<16xi32>, vector<16xi32>], vector<16xf32>, vector<16xi1>
          %slice3A_1404 = vector.extract_strided_slice %min3A_135 {offsets = [13], sizes = [1], strides = [1]} : vector<16xi32> to vector<1xi32>
          %squeeze3A_1405 = vector.extract %slice3A_1404[0] : i32 from vector<1xi32>
          %slice3A_1406 = vector.extract_strided_slice %convert_element_type3A_142 {offsets = [13], sizes = [1], strides = [1]} : vector<16xi32> to vector<1xi32>
          %squeeze3A_1407 = vector.extract %slice3A_1406[0] : i32 from vector<1xi32>
          %broadcast_in_dim3A_1408 = vector.broadcast %squeeze3A_1407 : i32 to vector<16xi32>
          %gt3A_1409 = arith.constant 0 : i32
          %gt3A_1410 = vector.broadcast %gt3A_1409 : i32 to vector<16xi32>
          %gt3A_1411 = arith.cmpi sgt, %broadcast_in_dim3A_1408, %gt3A_1410 : vector<16xi32>
          %broadcast_in_dim3A_1412 = vector.broadcast %squeeze3A_1405 : i32 to vector<16xi32>
          %mul3A_1413 = arith.constant 16 : i32
          %mul3A_1414 = arith.muli %scan3A_124, %mul3A_1413 : i32
          %add3A_1415 = arith.addi %mul3A_100, %mul3A_1414 : i32
          %add3A_1416 = arith.constant 13 : i32
          %add3A_1417 = arith.addi %add3A_1415, %add3A_1416 : i32
          %get3A_1418 = arith.index_cast %add3A_1417 : i32 to index
          %get3A_1419 = arith.constant 0 : index
          %get3A_1420 = tpu.vector_load %arg11[%get3A_1418, %get3A_1419] {strides = array<i32>} : memref<192x128xf32, #tpu.memory_space<vmem>>, vector<16xf32>,
          %add3A_1421 = arith.constant 0 : i32
          %add3A_1422 = vector.broadcast %add3A_1421 : i32 to vector<16xi32>
          %add3A_1423 = arith.addi %add3A_1422, %iota3A : vector<16xi32>
          tpu.vector_store_idx %arg12[%broadcast_in_dim3A_1412, %add3A_1423], %get3A_1420 masked %gt3A_1411 {add = true} : memref<512x128xf32, #tpu.memory_space<vmem>>[vector<16xi32>, vector<16xi32>], vector<16xf32>, vector<16xi1>
          %mul3A_1424 = arith.constant 16 : i32
          %mul3A_1425 = arith.muli %scan3A_124, %mul3A_1424 : i32
          %add3A_1426 = arith.addi %mul3A_100, %mul3A_1425 : i32
          %add3A_1427 = arith.constant 13 : i32
          %add3A_1428 = arith.addi %add3A_1426, %add3A_1427 : i32
          %get3A_1429 = arith.index_cast %add3A_1428 : i32 to index
          %get3A_1430 = arith.constant 16 : index
          %get3A_1431 = tpu.vector_load %arg11[%get3A_1429, %get3A_1430] {strides = array<i32>} : memref<192x128xf32, #tpu.memory_space<vmem>>, vector<16xf32>,
          %add3A_1432 = arith.constant 16 : i32
          %add3A_1433 = vector.broadcast %add3A_1432 : i32 to vector<16xi32>
          %add3A_1434 = arith.addi %add3A_1433, %iota3A : vector<16xi32>
          tpu.vector_store_idx %arg12[%broadcast_in_dim3A_1412, %add3A_1434], %get3A_1431 masked %gt3A_1411 {add = true} : memref<512x128xf32, #tpu.memory_space<vmem>>[vector<16xi32>, vector<16xi32>], vector<16xf32>, vector<16xi1>
          %mul3A_1435 = arith.constant 16 : i32
          %mul3A_1436 = arith.muli %scan3A_124, %mul3A_1435 : i32
          %add3A_1437 = arith.addi %mul3A_100, %mul3A_1436 : i32
          %add3A_1438 = arith.constant 13 : i32
          %add3A_1439 = arith.addi %add3A_1437, %add3A_1438 : i32
          %get3A_1440 = arith.index_cast %add3A_1439 : i32 to index
          %get3A_1441 = arith.constant 32 : index
          %get3A_1442 = tpu.vector_load %arg11[%get3A_1440, %get3A_1441] {strides = array<i32>} : memref<192x128xf32, #tpu.memory_space<vmem>>, vector<16xf32>,
          %add3A_1443 = arith.constant 32 : i32
          %add3A_1444 = vector.broadcast %add3A_1443 : i32 to vector<16xi32>
          %add3A_1445 = arith.addi %add3A_1444, %iota3A : vector<16xi32>
          tpu.vector_store_idx %arg12[%broadcast_in_dim3A_1412, %add3A_1445], %get3A_1442 masked %gt3A_1411 {add = true} : memref<512x128xf32, #tpu.memory_space<vmem>>[vector<16xi32>, vector<16xi32>], vector<16xf32>, vector<16xi1>
          %mul3A_1446 = arith.constant 16 : i32
          %mul3A_1447 = arith.muli %scan3A_124, %mul3A_1446 : i32
          %add3A_1448 = arith.addi %mul3A_100, %mul3A_1447 : i32
          %add3A_1449 = arith.constant 13 : i32
          %add3A_1450 = arith.addi %add3A_1448, %add3A_1449 : i32
          %get3A_1451 = arith.index_cast %add3A_1450 : i32 to index
          %get3A_1452 = arith.constant 48 : index
          %get3A_1453 = tpu.vector_load %arg11[%get3A_1451, %get3A_1452] {strides = array<i32>} : memref<192x128xf32, #tpu.memory_space<vmem>>, vector<16xf32>,
          %add3A_1454 = arith.constant 48 : i32
          %add3A_1455 = vector.broadcast %add3A_1454 : i32 to vector<16xi32>
          %add3A_1456 = arith.addi %add3A_1455, %iota3A : vector<16xi32>
          tpu.vector_store_idx %arg12[%broadcast_in_dim3A_1412, %add3A_1456], %get3A_1453 masked %gt3A_1411 {add = true} : memref<512x128xf32, #tpu.memory_space<vmem>>[vector<16xi32>, vector<16xi32>], vector<16xf32>, vector<16xi1>
          %mul3A_1457 = arith.constant 16 : i32
          %mul3A_1458 = arith.muli %scan3A_124, %mul3A_1457 : i32
          %add3A_1459 = arith.addi %mul3A_100, %mul3A_1458 : i32
          %add3A_1460 = arith.constant 13 : i32
          %add3A_1461 = arith.addi %add3A_1459, %add3A_1460 : i32
          %get3A_1462 = arith.index_cast %add3A_1461 : i32 to index
          %get3A_1463 = arith.constant 64 : index
          %get3A_1464 = tpu.vector_load %arg11[%get3A_1462, %get3A_1463] {strides = array<i32>} : memref<192x128xf32, #tpu.memory_space<vmem>>, vector<16xf32>,
          %add3A_1465 = arith.constant 64 : i32
          %add3A_1466 = vector.broadcast %add3A_1465 : i32 to vector<16xi32>
          %add3A_1467 = arith.addi %add3A_1466, %iota3A : vector<16xi32>
          tpu.vector_store_idx %arg12[%broadcast_in_dim3A_1412, %add3A_1467], %get3A_1464 masked %gt3A_1411 {add = true} : memref<512x128xf32, #tpu.memory_space<vmem>>[vector<16xi32>, vector<16xi32>], vector<16xf32>, vector<16xi1>
          %mul3A_1468 = arith.constant 16 : i32
          %mul3A_1469 = arith.muli %scan3A_124, %mul3A_1468 : i32
          %add3A_1470 = arith.addi %mul3A_100, %mul3A_1469 : i32
          %add3A_1471 = arith.constant 13 : i32
          %add3A_1472 = arith.addi %add3A_1470, %add3A_1471 : i32
          %get3A_1473 = arith.index_cast %add3A_1472 : i32 to index
          %get3A_1474 = arith.constant 80 : index
          %get3A_1475 = tpu.vector_load %arg11[%get3A_1473, %get3A_1474] {strides = array<i32>} : memref<192x128xf32, #tpu.memory_space<vmem>>, vector<16xf32>,
          %add3A_1476 = arith.constant 80 : i32
          %add3A_1477 = vector.broadcast %add3A_1476 : i32 to vector<16xi32>
          %add3A_1478 = arith.addi %add3A_1477, %iota3A : vector<16xi32>
          tpu.vector_store_idx %arg12[%broadcast_in_dim3A_1412, %add3A_1478], %get3A_1475 masked %gt3A_1411 {add = true} : memref<512x128xf32, #tpu.memory_space<vmem>>[vector<16xi32>, vector<16xi32>], vector<16xf32>, vector<16xi1>
          %mul3A_1479 = arith.constant 16 : i32
          %mul3A_1480 = arith.muli %scan3A_124, %mul3A_1479 : i32
          %add3A_1481 = arith.addi %mul3A_100, %mul3A_1480 : i32
          %add3A_1482 = arith.constant 13 : i32
          %add3A_1483 = arith.addi %add3A_1481, %add3A_1482 : i32
          %get3A_1484 = arith.index_cast %add3A_1483 : i32 to index
          %get3A_1485 = arith.constant 96 : index
          %get3A_1486 = tpu.vector_load %arg11[%get3A_1484, %get3A_1485] {strides = array<i32>} : memref<192x128xf32, #tpu.memory_space<vmem>>, vector<16xf32>,
          %add3A_1487 = arith.constant 96 : i32
          %add3A_1488 = vector.broadcast %add3A_1487 : i32 to vector<16xi32>
          %add3A_1489 = arith.addi %add3A_1488, %iota3A : vector<16xi32>
          tpu.vector_store_idx %arg12[%broadcast_in_dim3A_1412, %add3A_1489], %get3A_1486 masked %gt3A_1411 {add = true} : memref<512x128xf32, #tpu.memory_space<vmem>>[vector<16xi32>, vector<16xi32>], vector<16xf32>, vector<16xi1>
          %mul3A_1490 = arith.constant 16 : i32
          %mul3A_1491 = arith.muli %scan3A_124, %mul3A_1490 : i32
          %add3A_1492 = arith.addi %mul3A_100, %mul3A_1491 : i32
          %add3A_1493 = arith.constant 13 : i32
          %add3A_1494 = arith.addi %add3A_1492, %add3A_1493 : i32
          %get3A_1495 = arith.index_cast %add3A_1494 : i32 to index
          %get3A_1496 = arith.constant 112 : index
          %get3A_1497 = tpu.vector_load %arg11[%get3A_1495, %get3A_1496] {strides = array<i32>} : memref<192x128xf32, #tpu.memory_space<vmem>>, vector<16xf32>,
          %add3A_1498 = arith.constant 112 : i32
          %add3A_1499 = vector.broadcast %add3A_1498 : i32 to vector<16xi32>
          %add3A_1500 = arith.addi %add3A_1499, %iota3A : vector<16xi32>
          tpu.vector_store_idx %arg12[%broadcast_in_dim3A_1412, %add3A_1500], %get3A_1497 masked %gt3A_1411 {add = true} : memref<512x128xf32, #tpu.memory_space<vmem>>[vector<16xi32>, vector<16xi32>], vector<16xf32>, vector<16xi1>
          %slice3A_1501 = vector.extract_strided_slice %min3A_135 {offsets = [14], sizes = [1], strides = [1]} : vector<16xi32> to vector<1xi32>
          %squeeze3A_1502 = vector.extract %slice3A_1501[0] : i32 from vector<1xi32>
          %slice3A_1503 = vector.extract_strided_slice %convert_element_type3A_142 {offsets = [14], sizes = [1], strides = [1]} : vector<16xi32> to vector<1xi32>
          %squeeze3A_1504 = vector.extract %slice3A_1503[0] : i32 from vector<1xi32>
          %broadcast_in_dim3A_1505 = vector.broadcast %squeeze3A_1504 : i32 to vector<16xi32>
          %gt3A_1506 = arith.constant 0 : i32
          %gt3A_1507 = vector.broadcast %gt3A_1506 : i32 to vector<16xi32>
          %gt3A_1508 = arith.cmpi sgt, %broadcast_in_dim3A_1505, %gt3A_1507 : vector<16xi32>
          %broadcast_in_dim3A_1509 = vector.broadcast %squeeze3A_1502 : i32 to vector<16xi32>
          %mul3A_1510 = arith.constant 16 : i32
          %mul3A_1511 = arith.muli %scan3A_124, %mul3A_1510 : i32
          %add3A_1512 = arith.addi %mul3A_100, %mul3A_1511 : i32
          %add3A_1513 = arith.constant 14 : i32
          %add3A_1514 = arith.addi %add3A_1512, %add3A_1513 : i32
          %get3A_1515 = arith.index_cast %add3A_1514 : i32 to index
          %get3A_1516 = arith.constant 0 : index
          %get3A_1517 = tpu.vector_load %arg11[%get3A_1515, %get3A_1516] {strides = array<i32>} : memref<192x128xf32, #tpu.memory_space<vmem>>, vector<16xf32>,
          %add3A_1518 = arith.constant 0 : i32
          %add3A_1519 = vector.broadcast %add3A_1518 : i32 to vector<16xi32>
          %add3A_1520 = arith.addi %add3A_1519, %iota3A : vector<16xi32>
          tpu.vector_store_idx %arg12[%broadcast_in_dim3A_1509, %add3A_1520], %get3A_1517 masked %gt3A_1508 {add = true} : memref<512x128xf32, #tpu.memory_space<vmem>>[vector<16xi32>, vector<16xi32>], vector<16xf32>, vector<16xi1>
          %mul3A_1521 = arith.constant 16 : i32
          %mul3A_1522 = arith.muli %scan3A_124, %mul3A_1521 : i32
          %add3A_1523 = arith.addi %mul3A_100, %mul3A_1522 : i32
          %add3A_1524 = arith.constant 14 : i32
          %add3A_1525 = arith.addi %add3A_1523, %add3A_1524 : i32
          %get3A_1526 = arith.index_cast %add3A_1525 : i32 to index
          %get3A_1527 = arith.constant 16 : index
          %get3A_1528 = tpu.vector_load %arg11[%get3A_1526, %get3A_1527] {strides = array<i32>} : memref<192x128xf32, #tpu.memory_space<vmem>>, vector<16xf32>,
          %add3A_1529 = arith.constant 16 : i32
          %add3A_1530 = vector.broadcast %add3A_1529 : i32 to vector<16xi32>
          %add3A_1531 = arith.addi %add3A_1530, %iota3A : vector<16xi32>
          tpu.vector_store_idx %arg12[%broadcast_in_dim3A_1509, %add3A_1531], %get3A_1528 masked %gt3A_1508 {add = true} : memref<512x128xf32, #tpu.memory_space<vmem>>[vector<16xi32>, vector<16xi32>], vector<16xf32>, vector<16xi1>
          %mul3A_1532 = arith.constant 16 : i32
          %mul3A_1533 = arith.muli %scan3A_124, %mul3A_1532 : i32
          %add3A_1534 = arith.addi %mul3A_100, %mul3A_1533 : i32
          %add3A_1535 = arith.constant 14 : i32
          %add3A_1536 = arith.addi %add3A_1534, %add3A_1535 : i32
          %get3A_1537 = arith.index_cast %add3A_1536 : i32 to index
          %get3A_1538 = arith.constant 32 : index
          %get3A_1539 = tpu.vector_load %arg11[%get3A_1537, %get3A_1538] {strides = array<i32>} : memref<192x128xf32, #tpu.memory_space<vmem>>, vector<16xf32>,
          %add3A_1540 = arith.constant 32 : i32
          %add3A_1541 = vector.broadcast %add3A_1540 : i32 to vector<16xi32>
          %add3A_1542 = arith.addi %add3A_1541, %iota3A : vector<16xi32>
          tpu.vector_store_idx %arg12[%broadcast_in_dim3A_1509, %add3A_1542], %get3A_1539 masked %gt3A_1508 {add = true} : memref<512x128xf32, #tpu.memory_space<vmem>>[vector<16xi32>, vector<16xi32>], vector<16xf32>, vector<16xi1>
          %mul3A_1543 = arith.constant 16 : i32
          %mul3A_1544 = arith.muli %scan3A_124, %mul3A_1543 : i32
          %add3A_1545 = arith.addi %mul3A_100, %mul3A_1544 : i32
          %add3A_1546 = arith.constant 14 : i32
          %add3A_1547 = arith.addi %add3A_1545, %add3A_1546 : i32
          %get3A_1548 = arith.index_cast %add3A_1547 : i32 to index
          %get3A_1549 = arith.constant 48 : index
          %get3A_1550 = tpu.vector_load %arg11[%get3A_1548, %get3A_1549] {strides = array<i32>} : memref<192x128xf32, #tpu.memory_space<vmem>>, vector<16xf32>,
          %add3A_1551 = arith.constant 48 : i32
          %add3A_1552 = vector.broadcast %add3A_1551 : i32 to vector<16xi32>
          %add3A_1553 = arith.addi %add3A_1552, %iota3A : vector<16xi32>
          tpu.vector_store_idx %arg12[%broadcast_in_dim3A_1509, %add3A_1553], %get3A_1550 masked %gt3A_1508 {add = true} : memref<512x128xf32, #tpu.memory_space<vmem>>[vector<16xi32>, vector<16xi32>], vector<16xf32>, vector<16xi1>
          %mul3A_1554 = arith.constant 16 : i32
          %mul3A_1555 = arith.muli %scan3A_124, %mul3A_1554 : i32
          %add3A_1556 = arith.addi %mul3A_100, %mul3A_1555 : i32
          %add3A_1557 = arith.constant 14 : i32
          %add3A_1558 = arith.addi %add3A_1556, %add3A_1557 : i32
          %get3A_1559 = arith.index_cast %add3A_1558 : i32 to index
          %get3A_1560 = arith.constant 64 : index
          %get3A_1561 = tpu.vector_load %arg11[%get3A_1559, %get3A_1560] {strides = array<i32>} : memref<192x128xf32, #tpu.memory_space<vmem>>, vector<16xf32>,
          %add3A_1562 = arith.constant 64 : i32
          %add3A_1563 = vector.broadcast %add3A_1562 : i32 to vector<16xi32>
          %add3A_1564 = arith.addi %add3A_1563, %iota3A : vector<16xi32>
          tpu.vector_store_idx %arg12[%broadcast_in_dim3A_1509, %add3A_1564], %get3A_1561 masked %gt3A_1508 {add = true} : memref<512x128xf32, #tpu.memory_space<vmem>>[vector<16xi32>, vector<16xi32>], vector<16xf32>, vector<16xi1>
          %mul3A_1565 = arith.constant 16 : i32
          %mul3A_1566 = arith.muli %scan3A_124, %mul3A_1565 : i32
          %add3A_1567 = arith.addi %mul3A_100, %mul3A_1566 : i32
          %add3A_1568 = arith.constant 14 : i32
          %add3A_1569 = arith.addi %add3A_1567, %add3A_1568 : i32
          %get3A_1570 = arith.index_cast %add3A_1569 : i32 to index
          %get3A_1571 = arith.constant 80 : index
          %get3A_1572 = tpu.vector_load %arg11[%get3A_1570, %get3A_1571] {strides = array<i32>} : memref<192x128xf32, #tpu.memory_space<vmem>>, vector<16xf32>,
          %add3A_1573 = arith.constant 80 : i32
          %add3A_1574 = vector.broadcast %add3A_1573 : i32 to vector<16xi32>
          %add3A_1575 = arith.addi %add3A_1574, %iota3A : vector<16xi32>
          tpu.vector_store_idx %arg12[%broadcast_in_dim3A_1509, %add3A_1575], %get3A_1572 masked %gt3A_1508 {add = true} : memref<512x128xf32, #tpu.memory_space<vmem>>[vector<16xi32>, vector<16xi32>], vector<16xf32>, vector<16xi1>
          %mul3A_1576 = arith.constant 16 : i32
          %mul3A_1577 = arith.muli %scan3A_124, %mul3A_1576 : i32
          %add3A_1578 = arith.addi %mul3A_100, %mul3A_1577 : i32
          %add3A_1579 = arith.constant 14 : i32
          %add3A_1580 = arith.addi %add3A_1578, %add3A_1579 : i32
          %get3A_1581 = arith.index_cast %add3A_1580 : i32 to index
          %get3A_1582 = arith.constant 96 : index
          %get3A_1583 = tpu.vector_load %arg11[%get3A_1581, %get3A_1582] {strides = array<i32>} : memref<192x128xf32, #tpu.memory_space<vmem>>, vector<16xf32>,
          %add3A_1584 = arith.constant 96 : i32
          %add3A_1585 = vector.broadcast %add3A_1584 : i32 to vector<16xi32>
          %add3A_1586 = arith.addi %add3A_1585, %iota3A : vector<16xi32>
          tpu.vector_store_idx %arg12[%broadcast_in_dim3A_1509, %add3A_1586], %get3A_1583 masked %gt3A_1508 {add = true} : memref<512x128xf32, #tpu.memory_space<vmem>>[vector<16xi32>, vector<16xi32>], vector<16xf32>, vector<16xi1>
          %mul3A_1587 = arith.constant 16 : i32
          %mul3A_1588 = arith.muli %scan3A_124, %mul3A_1587 : i32
          %add3A_1589 = arith.addi %mul3A_100, %mul3A_1588 : i32
          %add3A_1590 = arith.constant 14 : i32
          %add3A_1591 = arith.addi %add3A_1589, %add3A_1590 : i32
          %get3A_1592 = arith.index_cast %add3A_1591 : i32 to index
          %get3A_1593 = arith.constant 112 : index
          %get3A_1594 = tpu.vector_load %arg11[%get3A_1592, %get3A_1593] {strides = array<i32>} : memref<192x128xf32, #tpu.memory_space<vmem>>, vector<16xf32>,
          %add3A_1595 = arith.constant 112 : i32
          %add3A_1596 = vector.broadcast %add3A_1595 : i32 to vector<16xi32>
          %add3A_1597 = arith.addi %add3A_1596, %iota3A : vector<16xi32>
          tpu.vector_store_idx %arg12[%broadcast_in_dim3A_1509, %add3A_1597], %get3A_1594 masked %gt3A_1508 {add = true} : memref<512x128xf32, #tpu.memory_space<vmem>>[vector<16xi32>, vector<16xi32>], vector<16xf32>, vector<16xi1>
          %slice3A_1598 = vector.extract_strided_slice %min3A_135 {offsets = [15], sizes = [1], strides = [1]} : vector<16xi32> to vector<1xi32>
          %squeeze3A_1599 = vector.extract %slice3A_1598[0] : i32 from vector<1xi32>
          %slice3A_1600 = vector.extract_strided_slice %convert_element_type3A_142 {offsets = [15], sizes = [1], strides = [1]} : vector<16xi32> to vector<1xi32>
          %squeeze3A_1601 = vector.extract %slice3A_1600[0] : i32 from vector<1xi32>
          %broadcast_in_dim3A_1602 = vector.broadcast %squeeze3A_1601 : i32 to vector<16xi32>
          %gt3A_1603 = arith.constant 0 : i32
          %gt3A_1604 = vector.broadcast %gt3A_1603 : i32 to vector<16xi32>
          %gt3A_1605 = arith.cmpi sgt, %broadcast_in_dim3A_1602, %gt3A_1604 : vector<16xi32>
          %broadcast_in_dim3A_1606 = vector.broadcast %squeeze3A_1599 : i32 to vector<16xi32>
          %mul3A_1607 = arith.constant 16 : i32
          %mul3A_1608 = arith.muli %scan3A_124, %mul3A_1607 : i32
          %add3A_1609 = arith.addi %mul3A_100, %mul3A_1608 : i32
          %add3A_1610 = arith.constant 15 : i32
          %add3A_1611 = arith.addi %add3A_1609, %add3A_1610 : i32
          %get3A_1612 = arith.index_cast %add3A_1611 : i32 to index
          %get3A_1613 = arith.constant 0 : index
          %get3A_1614 = tpu.vector_load %arg11[%get3A_1612, %get3A_1613] {strides = array<i32>} : memref<192x128xf32, #tpu.memory_space<vmem>>, vector<16xf32>,
          %add3A_1615 = arith.constant 0 : i32
          %add3A_1616 = vector.broadcast %add3A_1615 : i32 to vector<16xi32>
          %add3A_1617 = arith.addi %add3A_1616, %iota3A : vector<16xi32>
          tpu.vector_store_idx %arg12[%broadcast_in_dim3A_1606, %add3A_1617], %get3A_1614 masked %gt3A_1605 {add = true} : memref<512x128xf32, #tpu.memory_space<vmem>>[vector<16xi32>, vector<16xi32>], vector<16xf32>, vector<16xi1>
          %mul3A_1618 = arith.constant 16 : i32
          %mul3A_1619 = arith.muli %scan3A_124, %mul3A_1618 : i32
          %add3A_1620 = arith.addi %mul3A_100, %mul3A_1619 : i32
          %add3A_1621 = arith.constant 15 : i32
          %add3A_1622 = arith.addi %add3A_1620, %add3A_1621 : i32
          %get3A_1623 = arith.index_cast %add3A_1622 : i32 to index
          %get3A_1624 = arith.constant 16 : index
          %get3A_1625 = tpu.vector_load %arg11[%get3A_1623, %get3A_1624] {strides = array<i32>} : memref<192x128xf32, #tpu.memory_space<vmem>>, vector<16xf32>,
          %add3A_1626 = arith.constant 16 : i32
          %add3A_1627 = vector.broadcast %add3A_1626 : i32 to vector<16xi32>
          %add3A_1628 = arith.addi %add3A_1627, %iota3A : vector<16xi32>
          tpu.vector_store_idx %arg12[%broadcast_in_dim3A_1606, %add3A_1628], %get3A_1625 masked %gt3A_1605 {add = true} : memref<512x128xf32, #tpu.memory_space<vmem>>[vector<16xi32>, vector<16xi32>], vector<16xf32>, vector<16xi1>
          %mul3A_1629 = arith.constant 16 : i32
          %mul3A_1630 = arith.muli %scan3A_124, %mul3A_1629 : i32
          %add3A_1631 = arith.addi %mul3A_100, %mul3A_1630 : i32
          %add3A_1632 = arith.constant 15 : i32
          %add3A_1633 = arith.addi %add3A_1631, %add3A_1632 : i32
          %get3A_1634 = arith.index_cast %add3A_1633 : i32 to index
          %get3A_1635 = arith.constant 32 : index
          %get3A_1636 = tpu.vector_load %arg11[%get3A_1634, %get3A_1635] {strides = array<i32>} : memref<192x128xf32, #tpu.memory_space<vmem>>, vector<16xf32>,
          %add3A_1637 = arith.constant 32 : i32
          %add3A_1638 = vector.broadcast %add3A_1637 : i32 to vector<16xi32>
          %add3A_1639 = arith.addi %add3A_1638, %iota3A : vector<16xi32>
          tpu.vector_store_idx %arg12[%broadcast_in_dim3A_1606, %add3A_1639], %get3A_1636 masked %gt3A_1605 {add = true} : memref<512x128xf32, #tpu.memory_space<vmem>>[vector<16xi32>, vector<16xi32>], vector<16xf32>, vector<16xi1>
          %mul3A_1640 = arith.constant 16 : i32
          %mul3A_1641 = arith.muli %scan3A_124, %mul3A_1640 : i32
          %add3A_1642 = arith.addi %mul3A_100, %mul3A_1641 : i32
          %add3A_1643 = arith.constant 15 : i32
          %add3A_1644 = arith.addi %add3A_1642, %add3A_1643 : i32
          %get3A_1645 = arith.index_cast %add3A_1644 : i32 to index
          %get3A_1646 = arith.constant 48 : index
          %get3A_1647 = tpu.vector_load %arg11[%get3A_1645, %get3A_1646] {strides = array<i32>} : memref<192x128xf32, #tpu.memory_space<vmem>>, vector<16xf32>,
          %add3A_1648 = arith.constant 48 : i32
          %add3A_1649 = vector.broadcast %add3A_1648 : i32 to vector<16xi32>
          %add3A_1650 = arith.addi %add3A_1649, %iota3A : vector<16xi32>
          tpu.vector_store_idx %arg12[%broadcast_in_dim3A_1606, %add3A_1650], %get3A_1647 masked %gt3A_1605 {add = true} : memref<512x128xf32, #tpu.memory_space<vmem>>[vector<16xi32>, vector<16xi32>], vector<16xf32>, vector<16xi1>
          %mul3A_1651 = arith.constant 16 : i32
          %mul3A_1652 = arith.muli %scan3A_124, %mul3A_1651 : i32
          %add3A_1653 = arith.addi %mul3A_100, %mul3A_1652 : i32
          %add3A_1654 = arith.constant 15 : i32
          %add3A_1655 = arith.addi %add3A_1653, %add3A_1654 : i32
          %get3A_1656 = arith.index_cast %add3A_1655 : i32 to index
          %get3A_1657 = arith.constant 64 : index
          %get3A_1658 = tpu.vector_load %arg11[%get3A_1656, %get3A_1657] {strides = array<i32>} : memref<192x128xf32, #tpu.memory_space<vmem>>, vector<16xf32>,
          %add3A_1659 = arith.constant 64 : i32
          %add3A_1660 = vector.broadcast %add3A_1659 : i32 to vector<16xi32>
          %add3A_1661 = arith.addi %add3A_1660, %iota3A : vector<16xi32>
          tpu.vector_store_idx %arg12[%broadcast_in_dim3A_1606, %add3A_1661], %get3A_1658 masked %gt3A_1605 {add = true} : memref<512x128xf32, #tpu.memory_space<vmem>>[vector<16xi32>, vector<16xi32>], vector<16xf32>, vector<16xi1>
          %mul3A_1662 = arith.constant 16 : i32
          %mul3A_1663 = arith.muli %scan3A_124, %mul3A_1662 : i32
          %add3A_1664 = arith.addi %mul3A_100, %mul3A_1663 : i32
          %add3A_1665 = arith.constant 15 : i32
          %add3A_1666 = arith.addi %add3A_1664, %add3A_1665 : i32
          %get3A_1667 = arith.index_cast %add3A_1666 : i32 to index
          %get3A_1668 = arith.constant 80 : index
          %get3A_1669 = tpu.vector_load %arg11[%get3A_1667, %get3A_1668] {strides = array<i32>} : memref<192x128xf32, #tpu.memory_space<vmem>>, vector<16xf32>,
          %add3A_1670 = arith.constant 80 : i32
          %add3A_1671 = vector.broadcast %add3A_1670 : i32 to vector<16xi32>
          %add3A_1672 = arith.addi %add3A_1671, %iota3A : vector<16xi32>
          tpu.vector_store_idx %arg12[%broadcast_in_dim3A_1606, %add3A_1672], %get3A_1669 masked %gt3A_1605 {add = true} : memref<512x128xf32, #tpu.memory_space<vmem>>[vector<16xi32>, vector<16xi32>], vector<16xf32>, vector<16xi1>
          %mul3A_1673 = arith.constant 16 : i32
          %mul3A_1674 = arith.muli %scan3A_124, %mul3A_1673 : i32
          %add3A_1675 = arith.addi %mul3A_100, %mul3A_1674 : i32
          %add3A_1676 = arith.constant 15 : i32
          %add3A_1677 = arith.addi %add3A_1675, %add3A_1676 : i32
          %get3A_1678 = arith.index_cast %add3A_1677 : i32 to index
          %get3A_1679 = arith.constant 96 : index
          %get3A_1680 = tpu.vector_load %arg11[%get3A_1678, %get3A_1679] {strides = array<i32>} : memref<192x128xf32, #tpu.memory_space<vmem>>, vector<16xf32>,
          %add3A_1681 = arith.constant 96 : i32
          %add3A_1682 = vector.broadcast %add3A_1681 : i32 to vector<16xi32>
          %add3A_1683 = arith.addi %add3A_1682, %iota3A : vector<16xi32>
          tpu.vector_store_idx %arg12[%broadcast_in_dim3A_1606, %add3A_1683], %get3A_1680 masked %gt3A_1605 {add = true} : memref<512x128xf32, #tpu.memory_space<vmem>>[vector<16xi32>, vector<16xi32>], vector<16xf32>, vector<16xi1>
          %mul3A_1684 = arith.constant 16 : i32
          %mul3A_1685 = arith.muli %scan3A_124, %mul3A_1684 : i32
          %add3A_1686 = arith.addi %mul3A_100, %mul3A_1685 : i32
          %add3A_1687 = arith.constant 15 : i32
          %add3A_1688 = arith.addi %add3A_1686, %add3A_1687 : i32
          %get3A_1689 = arith.index_cast %add3A_1688 : i32 to index
          %get3A_1690 = arith.constant 112 : index
          %get3A_1691 = tpu.vector_load %arg11[%get3A_1689, %get3A_1690] {strides = array<i32>} : memref<192x128xf32, #tpu.memory_space<vmem>>, vector<16xf32>,
          %add3A_1692 = arith.constant 112 : i32
          %add3A_1693 = vector.broadcast %add3A_1692 : i32 to vector<16xi32>
          %add3A_1694 = arith.addi %add3A_1693, %iota3A : vector<16xi32>
          tpu.vector_store_idx %arg12[%broadcast_in_dim3A_1606, %add3A_1694], %get3A_1691 masked %gt3A_1605 {add = true} : memref<512x128xf32, #tpu.memory_space<vmem>>[vector<16xi32>, vector<16xi32>], vector<16xf32>, vector<16xi1>
        }
        %scan3A_118 = arith.constant 4 : i32
        %add3A_119 = arith.constant 3 : i32
        %add3A_120 = arith.addi %while3A_96, %add3A_119 : i32
        %lt3A = arith.cmpi slt, %add3A_120, %select_n3A_63 : i32
        %convert_element_type3A_121 = arith.extui %lt3A : i1 to i32
        %cond3A_122 = arith.constant 0 : i32
        %cond3A_123 = arith.cmpi ne, %convert_element_type3A_121, %cond3A_122 : i32
        scf.if %cond3A_123 {
          %add3A_124 = arith.constant 3 : i32
          %add3A_125 = arith.addi %while3A_96, %add3A_124 : i32
          %mul3A_126 = arith.constant 64 : i32
          %mul3A_127 = arith.muli %add3A_125, %mul3A_126 : i32
          %add3A_128 = arith.addi %mul3A_36, %mul3A_127 : i32
          %mul3A_129 = arith.constant 64 : i32
          %mul3A_130 = arith.muli %rem3A_98, %mul3A_129 : i32
          %dma_start3A = arith.constant 0 : i32
          %dma_start3A_131 = tpu.memref_slice %arg11[%mul3A_130, %dma_start3A] : memref<192x128xf32, #tpu.memory_space<vmem>> -> memref<64x128xf32, #tpu.memory_space<vmem>>
          %dma_start3A_132 = tpu.memref_slice %arg9[%add3A_128] : memref<16448xi32, #tpu.memory_space<vmem>> -> memref<64xi32, #tpu.memory_space<vmem>>
          %dma_start3A_133 = arith.constant 0 : i32
          %dma_start3A_134 = tpu.memref_slice %arg2[%dma_start3A_133, %mul3A_2] : memref<16384x4096xf32, #tpu.memory_space<hbm>> -> memref<16384x128xf32, #tpu.memory_space<hbm>>
          %dma_start3A_135 = tpu.memref_slice %arg13[%rem3A_98] : memref<3x!tpu.dma_semaphore, #tpu.memory_space<semaphore_mem>> -> memref<1x!tpu.dma_semaphore, #tpu.memory_space<semaphore_mem>>
          %dma_start3A_136 = tpu.memref_squeeze %dma_start3A_135 : memref<1x!tpu.dma_semaphore, #tpu.memory_space<semaphore_mem>> -> memref<!tpu.dma_semaphore, #tpu.memory_space<semaphore_mem>>
          tpu.enqueue_indirect_dma source(%dma_start3A_134 : memref<16384x128xf32, #tpu.memory_space<hbm>>) target(%dma_start3A_131 : memref<64x128xf32, #tpu.memory_space<vmem>>) offsets(%dma_start3A_132 : memref<64xi32, #tpu.memory_space<vmem>>) semaphore(%dma_start3A_136 : memref<!tpu.dma_semaphore, #tpu.memory_space<semaphore_mem>>)
        } else {
        }
      }
      "tpu.region"() ({
        %run_scoped3A = tpu.sem_alloc : memref<!tpu.dma_semaphore, #tpu.memory_space<semaphore_mem>>
        %dma_start3A = tpu.memref_slice %arg6[%mul3A_65, %mul3A_2] : memref<4096x4096xf32, #tpu.memory_space<hbm>> -> memref<512x128xf32, #tpu.memory_space<hbm>>
        %dma_start3A_96 = tpu.memref_slice %arg6[%mul3A_65, %mul3A_2] : memref<4096x4096xf32, #tpu.memory_space<hbm>> -> memref<512x128xf32, #tpu.memory_space<hbm>>
        tpu.enqueue_dma source(%arg12 : memref<512x128xf32, #tpu.memory_space<vmem>>) target(%dma_start3A_96 : memref<512x128xf32, #tpu.memory_space<hbm>>) target_semaphore(%run_scoped3A : memref<!tpu.dma_semaphore, #tpu.memory_space<semaphore_mem>>)
        %dma_wait3A = tpu.memref_slice %arg6[%mul3A_65, %mul3A_2] : memref<4096x4096xf32, #tpu.memory_space<hbm>> -> memref<512x128xf32, #tpu.memory_space<hbm>>
        %dma_wait3A_97 = tpu.memref_slice %arg6[%mul3A_65, %mul3A_2] : memref<4096x4096xf32, #tpu.memory_space<hbm>> -> memref<512x128xf32, #tpu.memory_space<hbm>>
        tpu.wait_dma2 semaphore(%run_scoped3A : memref<!tpu.dma_semaphore, #tpu.memory_space<semaphore_mem>>) src(%arg12 : memref<512x128xf32, #tpu.memory_space<vmem>>) dst(%dma_wait3A_97 : memref<512x128xf32, #tpu.memory_space<hbm>>)
        tpu.yield
      }) : () -> ()
      %eq3A = arith.cmpi eq, %add3A, %scan3A_11 : i32
      %convert_element_type3A_93 = arith.extui %eq3A : i1 to i32
      %cond3A_94 = arith.constant 0 : i32
      %cond3A_95 = arith.cmpi ne, %convert_element_type3A_93, %cond3A_94 : i32
      scf.if %cond3A_95 {
        %scan3A_96 = arith.constant 0 : i32
        %scan3A_97 = arith.constant 0 : i32
        %scan3A_98 = arith.constant 512 : i32
        %scan3A_99 = arith.addi %scan3A_97, %scan3A_98 : i32
        %scan3A_100 = arith.constant 1 : i32
        scf.for %scan3A_112 = %scan3A_97 to %scan3A_99 step %scan3A_100  : i32 {
          %swap3A = arith.index_cast %scan3A_112 : i32 to index
          %swap3A_113 = arith.constant 0 : index
          %swap3A_114 = tpu.vector_load %arg12[%swap3A, %swap3A_113] {strides = array<i32>} : memref<512x128xf32, #tpu.memory_space<vmem>>, vector<16xf32>,
          tpu.vector_store %arg12[%swap3A, %swap3A_113], %broadcast_in_dim3A_3 {strides = array<i32>} : memref<512x128xf32, #tpu.memory_space<vmem>>, vector<16xf32>,
          %swap3A_115 = arith.index_cast %scan3A_112 : i32 to index
          %swap3A_116 = arith.constant 16 : index
          %swap3A_117 = tpu.vector_load %arg12[%swap3A_115, %swap3A_116] {strides = array<i32>} : memref<512x128xf32, #tpu.memory_space<vmem>>, vector<16xf32>,
          tpu.vector_store %arg12[%swap3A_115, %swap3A_116], %broadcast_in_dim3A_3 {strides = array<i32>} : memref<512x128xf32, #tpu.memory_space<vmem>>, vector<16xf32>,
          %swap3A_118 = arith.index_cast %scan3A_112 : i32 to index
          %swap3A_119 = arith.constant 32 : index
          %swap3A_120 = tpu.vector_load %arg12[%swap3A_118, %swap3A_119] {strides = array<i32>} : memref<512x128xf32, #tpu.memory_space<vmem>>, vector<16xf32>,
          tpu.vector_store %arg12[%swap3A_118, %swap3A_119], %broadcast_in_dim3A_3 {strides = array<i32>} : memref<512x128xf32, #tpu.memory_space<vmem>>, vector<16xf32>,
          %swap3A_121 = arith.index_cast %scan3A_112 : i32 to index
          %swap3A_122 = arith.constant 48 : index
          %swap3A_123 = tpu.vector_load %arg12[%swap3A_121, %swap3A_122] {strides = array<i32>} : memref<512x128xf32, #tpu.memory_space<vmem>>, vector<16xf32>,
          tpu.vector_store %arg12[%swap3A_121, %swap3A_122], %broadcast_in_dim3A_3 {strides = array<i32>} : memref<512x128xf32, #tpu.memory_space<vmem>>, vector<16xf32>,
          %swap3A_124 = arith.index_cast %scan3A_112 : i32 to index
          %swap3A_125 = arith.constant 64 : index
          %swap3A_126 = tpu.vector_load %arg12[%swap3A_124, %swap3A_125] {strides = array<i32>} : memref<512x128xf32, #tpu.memory_space<vmem>>, vector<16xf32>,
          tpu.vector_store %arg12[%swap3A_124, %swap3A_125], %broadcast_in_dim3A_3 {strides = array<i32>} : memref<512x128xf32, #tpu.memory_space<vmem>>, vector<16xf32>,
          %swap3A_127 = arith.index_cast %scan3A_112 : i32 to index
          %swap3A_128 = arith.constant 80 : index
          %swap3A_129 = tpu.vector_load %arg12[%swap3A_127, %swap3A_128] {strides = array<i32>} : memref<512x128xf32, #tpu.memory_space<vmem>>, vector<16xf32>,
          tpu.vector_store %arg12[%swap3A_127, %swap3A_128], %broadcast_in_dim3A_3 {strides = array<i32>} : memref<512x128xf32, #tpu.memory_space<vmem>>, vector<16xf32>,
          %swap3A_130 = arith.index_cast %scan3A_112 : i32 to index
          %swap3A_131 = arith.constant 96 : index
          %swap3A_132 = tpu.vector_load %arg12[%swap3A_130, %swap3A_131] {strides = array<i32>} : memref<512x128xf32, #tpu.memory_space<vmem>>, vector<16xf32>,
          tpu.vector_store %arg12[%swap3A_130, %swap3A_131], %broadcast_in_dim3A_3 {strides = array<i32>} : memref<512x128xf32, #tpu.memory_space<vmem>>, vector<16xf32>,
          %swap3A_133 = arith.index_cast %scan3A_112 : i32 to index
          %swap3A_134 = arith.constant 112 : index
          %swap3A_135 = tpu.vector_load %arg12[%swap3A_133, %swap3A_134] {strides = array<i32>} : memref<512x128xf32, #tpu.memory_space<vmem>>, vector<16xf32>,
          tpu.vector_store %arg12[%swap3A_133, %swap3A_134], %broadcast_in_dim3A_3 {strides = array<i32>} : memref<512x128xf32, #tpu.memory_space<vmem>>, vector<16xf32>,
        }
        %scan3A_101 = arith.constant 512 : i32
        %while3A_102 = arith.constant 0 : i32
        %while3A_103 = arith.constant 0 : i32
        %while3A_104 = arith.subi %select_n3A_63, %while3A_103 : i32
        %while3A_105 = arith.addi %while3A_103, %while3A_104 : i32
        %while3A_106 = arith.constant 1 : i32
        %while3A_107 = arith.divsi %while3A_104, %while3A_106 : i32
        %while3A_108 = arith.muli %while3A_107, %while3A_106 : i32
        %while3A_109 = arith.addi %while3A_103, %while3A_108 : i32
        %while3A_110 = arith.constant 1 : i32
        scf.for %while3A_112 = %while3A_103 to %while3A_109 step %while3A_110  : i32 {
          %scan3A_113 = arith.constant 0 : i32
          %scan3A_114 = arith.constant 0 : i32
          %scan3A_115 = arith.constant 4 : i32
          %scan3A_116 = arith.addi %scan3A_114, %scan3A_115 : i32
          %scan3A_117 = arith.constant 1 : i32
          scf.for %scan3A_119 = %scan3A_114 to %scan3A_116 step %scan3A_117  : i32 {
            %mul3A_120 = arith.constant 64 : i32
            %mul3A_121 = arith.muli %while3A_112, %mul3A_120 : i32
            %add3A_122 = arith.addi %mul3A_36, %mul3A_121 : i32
            %mul3A_123 = arith.constant 16 : i32
            %mul3A_124 = arith.muli %scan3A_119, %mul3A_123 : i32
            %add3A_125 = arith.addi %add3A_122, %mul3A_124 : i32
            %get3A_126 = arith.index_cast %add3A_125 : i32 to index
            %get3A_127 = tpu.vector_load %arg10[%get3A_126] {strides = array<i32>} : memref<16448xi32, #tpu.memory_space<vmem>>, vector<16xi32>,
            %sub3A_128 = vector.broadcast %mul3A_65 : i32 to vector<16xi32>
            %sub3A_129 = arith.subi %get3A_127, %sub3A_128 : vector<16xi32>
            %jit3A_130 = arith.constant 0 : i32
            %jit3A_131 = arith.constant 511 : i32
            %max3A = vector.broadcast %jit3A_130 : i32 to vector<16xi32>
            %max3A_132 = arith.maxsi %max3A, %sub3A_129 : vector<16xi32>
            %min3A = vector.broadcast %jit3A_131 : i32 to vector<16xi32>
            %min3A_133 = arith.minsi %min3A, %max3A_132 : vector<16xi32>
            %add3A_134 = vector.broadcast %add3A_125 : i32 to vector<16xi32>
            %add3A_135 = arith.addi %add3A_134, %iota3A : vector<16xi32>
            %ge3A = vector.broadcast %squeeze3A : i32 to vector<16xi32>
            %ge3A_136 = arith.cmpi sge, %add3A_135, %ge3A : vector<16xi32>
            %lt3A = vector.broadcast %squeeze3A_18 : i32 to vector<16xi32>
            %lt3A_137 = arith.cmpi slt, %add3A_135, %lt3A : vector<16xi32>
            %and3A_138 = arith.andi %ge3A_136, %lt3A_137 : vector<16xi1>
            tpu.vector_store_idx %arg12[%min3A_133, %iota3A], %broadcast_in_dim3A_5 masked %and3A_138 {add = true} : memref<512x128xf32, #tpu.memory_space<vmem>>[vector<16xi32>, vector<16xi32>], vector<16xf32>, vector<16xi1>
          }
          %scan3A_118 = arith.constant 4 : i32
        }
        %while3A_111 = arith.constant 1 : i32
        scf.for %while3A_112 = %while3A_109 to %while3A_105 step %while3A_111  : i32 {
          %scan3A_113 = arith.constant 0 : i32
          %scan3A_114 = arith.constant 0 : i32
          %scan3A_115 = arith.constant 4 : i32
          %scan3A_116 = arith.addi %scan3A_114, %scan3A_115 : i32
          %scan3A_117 = arith.constant 1 : i32
          scf.for %scan3A_119 = %scan3A_114 to %scan3A_116 step %scan3A_117  : i32 {
            %mul3A_120 = arith.constant 64 : i32
            %mul3A_121 = arith.muli %while3A_112, %mul3A_120 : i32
            %add3A_122 = arith.addi %mul3A_36, %mul3A_121 : i32
            %mul3A_123 = arith.constant 16 : i32
            %mul3A_124 = arith.muli %scan3A_119, %mul3A_123 : i32
            %add3A_125 = arith.addi %add3A_122, %mul3A_124 : i32
            %get3A_126 = arith.index_cast %add3A_125 : i32 to index
            %get3A_127 = tpu.vector_load %arg10[%get3A_126] {strides = array<i32>} : memref<16448xi32, #tpu.memory_space<vmem>>, vector<16xi32>,
            %sub3A_128 = vector.broadcast %mul3A_65 : i32 to vector<16xi32>
            %sub3A_129 = arith.subi %get3A_127, %sub3A_128 : vector<16xi32>
            %jit3A_130 = arith.constant 0 : i32
            %jit3A_131 = arith.constant 511 : i32
            %max3A = vector.broadcast %jit3A_130 : i32 to vector<16xi32>
            %max3A_132 = arith.maxsi %max3A, %sub3A_129 : vector<16xi32>
            %min3A = vector.broadcast %jit3A_131 : i32 to vector<16xi32>
            %min3A_133 = arith.minsi %min3A, %max3A_132 : vector<16xi32>
            %add3A_134 = vector.broadcast %add3A_125 : i32 to vector<16xi32>
            %add3A_135 = arith.addi %add3A_134, %iota3A : vector<16xi32>
            %ge3A = vector.broadcast %squeeze3A : i32 to vector<16xi32>
            %ge3A_136 = arith.cmpi sge, %add3A_135, %ge3A : vector<16xi32>
            %lt3A = vector.broadcast %squeeze3A_18 : i32 to vector<16xi32>
            %lt3A_137 = arith.cmpi slt, %add3A_135, %lt3A : vector<16xi32>
            %and3A_138 = arith.andi %ge3A_136, %lt3A_137 : vector<16xi1>
            tpu.vector_store_idx %arg12[%min3A_133, %iota3A], %broadcast_in_dim3A_5 masked %and3A_138 {add = true} : memref<512x128xf32, #tpu.memory_space<vmem>>[vector<16xi32>, vector<16xi32>], vector<16xf32>, vector<16xi1>
          }
          %scan3A_118 = arith.constant 4 : i32
        }
        "tpu.region"() ({
          %run_scoped3A = tpu.sem_alloc : memref<!tpu.dma_semaphore, #tpu.memory_space<semaphore_mem>>
          %dma_start3A = arith.constant 0 : i32
          %dma_start3A_112 = tpu.memref_slice %arg7[%mul3A_65, %dma_start3A] : memref<4096x128xf32, #tpu.memory_space<hbm>> -> memref<512x128xf32, #tpu.memory_space<hbm>>
          %dma_start3A_113 = arith.constant 0 : i32
          %dma_start3A_114 = tpu.memref_slice %arg7[%mul3A_65, %dma_start3A_113] : memref<4096x128xf32, #tpu.memory_space<hbm>> -> memref<512x128xf32, #tpu.memory_space<hbm>>
          tpu.enqueue_dma source(%arg12 : memref<512x128xf32, #tpu.memory_space<vmem>>) target(%dma_start3A_114 : memref<512x128xf32, #tpu.memory_space<hbm>>) target_semaphore(%run_scoped3A : memref<!tpu.dma_semaphore, #tpu.memory_space<semaphore_mem>>)
          %dma_wait3A = arith.constant 0 : i32
          %dma_wait3A_115 = tpu.memref_slice %arg7[%mul3A_65, %dma_wait3A] : memref<4096x128xf32, #tpu.memory_space<hbm>> -> memref<512x128xf32, #tpu.memory_space<hbm>>
          %dma_wait3A_116 = arith.constant 0 : i32
          %dma_wait3A_117 = tpu.memref_slice %arg7[%mul3A_65, %dma_wait3A_116] : memref<4096x128xf32, #tpu.memory_space<hbm>> -> memref<512x128xf32, #tpu.memory_space<hbm>>
          tpu.wait_dma2 semaphore(%run_scoped3A : memref<!tpu.dma_semaphore, #tpu.memory_space<semaphore_mem>>) src(%arg12 : memref<512x128xf32, #tpu.memory_space<vmem>>) dst(%dma_wait3A_117 : memref<512x128xf32, #tpu.memory_space<hbm>>)
          tpu.yield
        }) : () -> ()
      } else {
      }
    }
    %scan3A_10 = arith.constant 8 : i32
    return
  }
}

module attributes {stable_mosaic.version = 14 : i64} {
  func.func @_loss_body(%arg0: i32, %arg1: memref<512x4096xf32, #tpu.memory_space<vmem>>, %arg2: memref<512x128xf32, #tpu.memory_space<vmem>>, %arg3: memref<1x1xf32, #tpu.memory_space<smem>>) attributes {dimension_semantics = [#tpu.dimension_semantics<arbitrary>], iteration_bounds = array<i64: 8>, scalar_prefetch = 0 : i64, scratch_operands = 0 : i64, tpu.core_type = #tpu.core_type<tc>, window_params = [{transform_indices = @transform_0, window_bounds = array<i64: 512, 4096>}, {transform_indices = @transform_1, window_bounds = array<i64: 512, 128>}, {transform_indices = @transform_2, window_bounds = array<i64: 1, 1>}]} {
    %get3A = arith.constant 0 : index
    %get3A_0 = arith.constant 0 : index
    %get3A_1 = vector.load %arg2[%get3A, %get3A_0] : memref<512x128xf32, #tpu.memory_space<vmem>>, vector<512x128xf32>
    %reduce_sum3A = arith.constant dense<0.000000e+00> : vector<512xf32>
    %reduce_sum3A_2 = vector.multi_reduction <add>, %get3A_1, %reduce_sum3A [1] : vector<512x128xf32> to vector<512xf32>
    %broadcast_in_dim3A = vector.shape_cast %reduce_sum3A_2 : vector<512xf32> to vector<512x1xf32>
    %max3A = arith.constant 1.000000e+00 : f32
    %max3A_3 = vector.broadcast %max3A : f32 to vector<512x1xf32>
    %max3A_4 = arith.maximumf %broadcast_in_dim3A, %max3A_3 : vector<512x1xf32>
    %div3A = arith.constant 1.000000e+00 : f32
    %div3A_5 = vector.broadcast %div3A : f32 to vector<512x1xf32>
    %div3A_6 = arith.divf %div3A_5, %max3A_4 : vector<512x1xf32>
    %get3A_7 = arith.constant 0 : index
    %get3A_8 = arith.constant 0 : index
    %get3A_9 = vector.load %arg1[%get3A_7, %get3A_8] : memref<512x4096xf32, #tpu.memory_space<vmem>>, vector<512x4096xf32>
    %mul3A = vector.broadcast %div3A_6 : vector<512x1xf32> to vector<512x4096xf32>
    %mul3A_10 = arith.mulf %get3A_9, %mul3A : vector<512x4096xf32>
    %reduce_max3A = arith.constant dense<0xFF800000> : vector<512xf32>
    %reduce_max3A_11 = vector.multi_reduction <maximumf>, %mul3A_10, %reduce_max3A [1] : vector<512x4096xf32> to vector<512xf32>
    %broadcast_in_dim3A_12 = vector.shape_cast %reduce_max3A_11 : vector<512xf32> to vector<512x1xf32>
    %sub3A = vector.broadcast %broadcast_in_dim3A_12 : vector<512x1xf32> to vector<512x4096xf32>
    %sub3A_13 = arith.subf %mul3A_10, %sub3A : vector<512x4096xf32>
    %exp3A = math.exp %sub3A_13 : vector<512x4096xf32>
    %reduce_sum3A_14 = arith.constant dense<0.000000e+00> : vector<512xf32>
    %reduce_sum3A_15 = vector.multi_reduction <add>, %exp3A, %reduce_sum3A_14 [1] : vector<512x4096xf32> to vector<512xf32>
    %broadcast_in_dim3A_16 = vector.shape_cast %reduce_sum3A_15 : vector<512xf32> to vector<512x1xf32>
    %log3A = math.log %broadcast_in_dim3A_16 : vector<512x1xf32>
    %add3A = arith.addf %log3A, %broadcast_in_dim3A_12 : vector<512x1xf32>
    %iota3A = tpu.iota {dimensions = array<i32: 0>} : vector<512x4096xi32>
    %mul3A_17 = arith.constant 512 : i32
    %mul3A_18 = arith.muli %arg0, %mul3A_17 : i32
    %add3A_19 = vector.broadcast %mul3A_18 : i32 to vector<512x4096xi32>
    %add3A_20 = arith.addi %iota3A, %add3A_19 : vector<512x4096xi32>
    %iota3A_21 = tpu.iota {dimensions = array<i32: 1>} : vector<512x4096xi32>
    %eq3A = arith.cmpi eq, %add3A_20, %iota3A_21 : vector<512x4096xi32>
    %jit3A = arith.constant 0.000000e+00 : f32
    %broadcast_in_dim3A_22 = vector.broadcast %jit3A : f32 to vector<512x4096xf32>
    %select_n3A = arith.select %eq3A, %mul3A_10, %broadcast_in_dim3A_22 : vector<512x4096xi1>, vector<512x4096xf32>
    %reduce_sum3A_23 = arith.constant dense<0.000000e+00> : vector<512xf32>
    %reduce_sum3A_24 = vector.multi_reduction <add>, %select_n3A, %reduce_sum3A_23 [1] : vector<512x4096xf32> to vector<512xf32>
    %broadcast_in_dim3A_25 = vector.shape_cast %reduce_sum3A_24 : vector<512xf32> to vector<512x1xf32>
    %sub3A_26 = arith.subf %add3A, %broadcast_in_dim3A_25 : vector<512x1xf32>
    %mul3A_27 = arith.mulf %broadcast_in_dim3A, %sub3A_26 : vector<512x1xf32>
    %reduce_sum3A_28 = vector.shape_cast %mul3A_27 : vector<512x1xf32> to vector<1x512x1xf32>
    %reduce_sum3A_29 = arith.constant dense<0.000000e+00> : vector<1xf32>
    %reduce_sum3A_30 = vector.multi_reduction <add>, %reduce_sum3A_28, %reduce_sum3A_29 [1, 2] : vector<1x512x1xf32> to vector<1xf32>
    %reduce_sum3A_31 = vector.shape_cast %reduce_sum3A_30 : vector<1xf32> to vector<1x1x1xf32>
    %reduce_sum3A_32 = vector.extract %reduce_sum3A_31[0, 0, 0] : f32 from vector<1x1x1xf32>
    %eq3A_33 = arith.constant 0 : i32
    %eq3A_34 = arith.cmpi eq, %arg0, %eq3A_33 : i32
    %convert_element_type3A = arith.extui %eq3A_34 : i1 to i32
    %cond3A = arith.constant 0 : i32
    %cond3A_35 = arith.cmpi ne, %convert_element_type3A, %cond3A : i32
    scf.if %cond3A_35 {
      %swap3A_44 = arith.constant 0.000000e+00 : f32
      %swap3A_45 = arith.constant 0 : index
      %swap3A_46 = arith.constant 0 : index
      %swap3A_47 = memref.load %arg3[%swap3A_45, %swap3A_46] : memref<1x1xf32, #tpu.memory_space<smem>>
      memref.store %swap3A_44, %arg3[%swap3A_45, %swap3A_46] : memref<1x1xf32, #tpu.memory_space<smem>>
    } else {
    }
    %get3A_36 = arith.constant 0 : index
    %get3A_37 = arith.constant 0 : index
    %get3A_38 = memref.load %arg3[%get3A_36, %get3A_37] : memref<1x1xf32, #tpu.memory_space<smem>>
    %mul3A_39 = arith.constant 1.49011612E-8 : f32
    %mul3A_40 = arith.mulf %reduce_sum3A_32, %mul3A_39 : f32
    %add3A_41 = arith.addf %get3A_38, %mul3A_40 : f32
    %swap3A = arith.constant 0 : index
    %swap3A_42 = arith.constant 0 : index
    %swap3A_43 = memref.load %arg3[%swap3A, %swap3A_42] : memref<1x1xf32, #tpu.memory_space<smem>>
    memref.store %add3A_41, %arg3[%swap3A, %swap3A_42] : memref<1x1xf32, #tpu.memory_space<smem>>
    return
  }
  func.func @transform_0(%arg0: i32) -> (i32, i32) {
    %c0_i32 = arith.constant 0 : i32
    %c0_i32_0 = arith.constant 0 : i32
    return %arg0, %c0_i32 : i32, i32
  }
  func.func @transform_1(%arg0: i32) -> (i32, i32) {
    %c0_i32 = arith.constant 0 : i32
    %c0_i32_0 = arith.constant 0 : i32
    return %arg0, %c0_i32 : i32, i32
  }
  func.func @transform_2(%arg0: i32) -> (i32, i32) {
    %c0_i32 = arith.constant 0 : i32
    %c0_i32_0 = arith.constant 0 : i32
    %c0_i32_1 = arith.constant 0 : i32
    return %c0_i32, %c0_i32_0 : i32, i32
  }
}

</mosaic_0001>

<sc_bundles>
// kernel: kernel.4.cloned.1.call-start
scs
__scs_entry_jumppad:
0x0: {  	(pc) =	sbr.rel $0x88, $3  }
0x1: {  	(tag) =	ssettag $0x0;
	lr =	simm.s32 $0x1  }
0x2: {  	[smem:$0x3F9F] =	sst lr;
	_ =	strace $0xD0000000  }
0x3: {  	_ = 	snop  }
0x4: {  	_ = 	snop  }
0x5: {  	_ = 	snop  }
0x6: {  	_ = 	snop  }
0x7: {  	_ = 	snop  }
__scs_overlays_trampoline_lowered:
0x8: {  	[smem:$0x3FAE] =	sst s0  }
0x9: {  	[smem:$0x3FAF] =	sst s1  }
0xa: {  	[smem:$0x3FB0] =	sst s2  }
0xb: {  	[smem:$0x3FB1] =	sst s3  }
0xc: {  	[smem:$0x3FB2] =	sst s4  }
0xd: {  	[smem:$0x3FB3] =	sst s5  }
0xe: {  	[smem:$0x3FB4] =	sst s6  }
0xf: {  	[smem:$0x3FB5] =	sst s7  }
0x10: {  	[smem:$0x3FB6] =	sst s8  }
0x11: {  	[smem:$0x3FB7] =	sst s9;
	s0 =	simm.s32 @!p0 $0x0  }
0x12: {  	s1 =	sld [smem:$0x3F9D];
	s0 =	simm.s32 @p0 $0x1  }
0x13: {  	[smem:$0x3FB8] =	sst s0;
	s0 =	simm.s32 @!p1 $0x0  }
0x14: {  	s2 =	sld [smem:$0x3F9C];
	s0 =	simm.s32 @p1 $0x1  }
0x15: {  	[smem:$0x3FB9] =	sst s0;
	s0 =	simm.s32 @!p2 $0x0  }
0x16: {  	s3 =	sld [smem:$0x3FDB];
	s0 =	simm.s32 @p2 $0x1  }
0x17: {  	s4 =	simm.s32 $0x1BF5;
	[smem:$0x3FBB] =	sst s0  }
0x18: {  	s0 =	sld [smem:$0x3F9E];
	_ =	swait.ge [sflag:s4], $0x0  }
0x19: {  	s7 =	sld [smem:$0x3F9F]  }
0x1a: {  	s8 =	sadd.s32 $0xFFFFE003, lr  }
0x1b: {  	s9 =	sadd.s32 $0xFFFFFEF7, lr;
	s5 =	simm.s32 $0xFFFFFFFF;
	p2 =	slt.u32 s8, $0xFFFFF086  }
0x1c: {  	p1 =	slt.u32 s9, $0xF7A;
	s5 =	simm.s32 @!p2 $0x0  }
0x1d: {  	s5 =	simm.s32 @p1 $0x1;
	p0 =	seq.s32 s7, s2  }
0x1e: {  	s7 =	smul.u32 @!p0 $0xF7A, s2;
	p2 =	seq.s32 @!p0 s5, $0x0  }
0x1f: {  	s9 =	smul.u32 $0xF7A, s1;
	s8 =	simm.s32 @!p0 $0x1BF5;
	p2 =	por !p2, p0  }
0x20: {  	[sflag:s8] =	ssyncset.s32 @!p0 $0xFFFFF086;
	s6 =	sadd.s32 @!p0 s3, s7;
	s7 =	simm.s32 @!p0 $0x108  }
0x21: {  	s3 =	sadd.s32 s3, s9;
	s6 =	sadd.s32 @!p0 $0x88, s6;
	s7 =	simm.s32 @p2 $0x1082  }
0x22: {  	[simem:s7], [sflag:s8] =	dma.local @!p0 [hbm:s6], $0xF7A  }
0x23: {  	s9 =	sor.u32 $0xD0000000, s2;
	s6 =	simm.s32 $0x108;
	_ =	swait.ge @!p0 [sflag:s8], $0x0  }
0x24: {  	s3 =	sadd.s32 $0x88, s3;
	s6 =	simm.s32 @!p1 $0x1082;
	[sflag:s4] =	ssyncset.s32 $0xFFFFF086  }
0x25: {  	[simem:s6], [sflag:s4] =	dma.local [hbm:s3], $0xF7A  }
0x26: {  	[smem:$0x3F9F] =	sst s1;
	(tag) =	ssettag s2;
	_ =	strace s9  }
0x27: {  	s1 =	sld [smem:$0x3FAF]  }
0x28: {  	s2 =	sld [smem:$0x3FB0]  }
0x29: {  	s4 =	sld [smem:$0x3FB2]  }
0x2a: {  	p0 =	seq.s32 s5, $0x0;
	s5 =	sld [smem:$0x3FB3]  }
0x2b: {  	s6 =	sld [smem:$0x3FB4]  }
0x2c: {  	s7 =	sld [smem:$0x3FB5]  }
0x2d: {  	s3 =	simm.s32 $0x108;
	s8 =	sld [smem:$0x3FB6]  }
0x2e: {  	s3 =	simm.s32 @!p0 $0x1082;
	s9 =	sld [smem:$0x3FB7]  }
0x2f: {  	lr =	sadd.s32 s0, s3;
	s0 =	sld [smem:$0x3FAE]  }
0x30: {  	s3 =	sld [smem:$0x3FB1]  }
0x31: {  	[smem:$0x3FBA] =	sst s10  }
0x32: {  	s10 =	sld [smem:$0x3FB8];
	_ =	sdelay $0x3  }
0x33: {  	p0 =	seq.s32 s10, $0x1;
	s10 =	sld [smem:$0x3FBA];
	_ =	sdelay $0x3  }
0x34: {  	[smem:$0x3FBA] =	sst s10  }
0x35: {  	s10 =	sld [smem:$0x3FB9];
	_ =	sdelay $0x3  }
0x36: {  	p1 =	seq.s32 s10, $0x1;
	s10 =	sld [smem:$0x3FBA];
	_ =	sdelay $0x3  }
0x37: {  	[smem:$0x3FBA] =	sst s10  }
0x38: {  	s10 =	sld [smem:$0x3FBB]  }
0x39: {  	_ = 	snop;
	(pc) =	sbr.ind lr, $3  }
0x3a: {  	_ = 	snop  }
0x3b: {  	_ = 	snop  }
0x3c: {  	p2 =	seq.s32 s10, $0x1;
	s10 =	sld [smem:$0x3FBA]  }
0x3d: {  	_ =	shalt  }
0x3e: {  	_ =	shalt  }
0x3f: {  	_ =	shalt  }
0x40: {  	_ =	shalt  }
0x41: {  	_ =	shalt  }
0x42: {  	_ =	shalt  }
0x43: {  	_ =	shalt  }
0x44: {  	_ =	shalt  }
0x45: {  	_ =	shalt  }
0x46: {  	_ =	shalt  }
0x47: {  	_ =	shalt  }
0x48: {  	_ =	shalt  }
0x49: {  	_ =	shalt  }
0x4a: {  	_ =	shalt  }
0x4b: {  	_ =	shalt  }
0x4c: {  	_ =	shalt  }
0x4d: {  	_ =	shalt  }
0x4e: {  	_ =	shalt  }
0x4f: {  	_ =	shalt  }
0x50: {  	_ =	shalt  }
0x51: {  	_ =	shalt  }
0x52: {  	_ =	shalt  }
0x53: {  	_ =	shalt  }
0x54: {  	_ =	shalt  }
0x55: {  	_ =	shalt  }
0x56: {  	_ =	shalt  }
0x57: {  	_ =	shalt  }
0x58: {  	_ =	shalt  }
0x59: {  	_ =	shalt  }
0x5a: {  	_ =	shalt  }
0x5b: {  	_ =	shalt  }
0x5c: {  	_ =	shalt  }
0x5d: {  	_ =	shalt  }
0x5e: {  	_ =	shalt  }
0x5f: {  	_ =	shalt  }
0x60: {  	_ =	shalt  }
0x61: {  	_ =	shalt  }
0x62: {  	_ =	shalt  }
0x63: {  	_ =	shalt  }
0x64: {  	_ =	shalt  }
0x65: {  	_ =	shalt  }
0x66: {  	_ =	shalt  }
0x67: {  	_ =	shalt  }
0x68: {  	_ =	shalt  }
0x69: {  	_ =	shalt  }
0x6a: {  	_ =	shalt  }
0x6b: {  	_ =	shalt  }
0x6c: {  	_ =	shalt  }
0x6d: {  	_ =	shalt  }
0x6e: {  	_ =	shalt  }
0x6f: {  	_ =	shalt  }
0x70: {  	_ =	shalt  }
0x71: {  	_ =	shalt  }
0x72: {  	_ =	shalt  }
0x73: {  	_ =	shalt  }
0x74: {  	_ =	shalt  }
0x75: {  	_ =	shalt  }
0x76: {  	_ =	shalt  }
0x77: {  	_ =	shalt  }
0x78: {  	_ =	shalt  }
0x79: {  	_ =	shalt  }
0x7a: {  	_ =	shalt  }
0x7b: {  	_ =	shalt  }
0x7c: {  	_ =	shalt  }
0x7d: {  	_ =	shalt  }
0x7e: {  	_ =	shalt  }
0x7f: {  	_ =	shalt  }
0x80: {  	_ =	shalt  }
0x81: {  	_ =	shalt  }
0x82: {  	_ =	shalt  }
0x83: {  	_ =	shalt  }
0x84: {  	_ =	shalt  }
0x85: {  	_ =	shalt  }
0x86: {  	_ =	shalt  }
0x87: {  	_ =	shalt  }
.Lfunc_end0:
.L_simem_size_0:
called_computation_lowered:
.L_overlay_start_0:
0x88: {  	s2 =	sld [smem:$0x3FD9]  }
0x89: {  	s3 =	sld [smem:$0x3FFE];
	_ =	sdelay $0x1  }
0x8a: {  	s1 =	srdreg.scid  }
0x8b: {  	s0 =	sand.u32 $0x1, s1  }
0x8c: {  	s17 =	sshll.u32 s0, $0xA;
	s2 =	sadd.s32 s3, s2  }
0x8d: {  	s2 =	sadd.s32 s2, s17  }
0x8e: {  	[smem:$0x3FC6] =	sst s2  }
0x8f: {  	_ = 	snop  }
0x90: {  	s2 =	sld [smem:$0x3FC9]  }
0x91: {  	s18 =	sld [smem:$0x3FD0];
	(tm) =	ssettm $0x1  }
0x92: {  	s4 =	sld [smem:$0x3FFB];
	_ =	sdelay $0x3  }
0x93: {  	_ =	strace s4  }
0x94: {  	s4 =	sld [smem:$0x3FFC];
	_ =	sdelay $0x3  }
0x95: {  	_ =	strace s4  }
0x96: {  	s4 =	sld [smem:$0x3FFD];
	_ =	sdelay $0x3  }
0x97: {  	_ =	strace s4  }
0x98: {  	_ =	strace $0x8FFFFFFF  }
0x99: {  	s19 =	sld [smem:$0x3FDB];
	_ =	sdelay $0x1  }
0x9a: {  	s5 =	simm.s32 $_scs_section_size  }
0x9b: {  	s6 =	simm.s32 $_size__tile_overlayer_lowered;
	s7 =	simm.s32 $_tile_overlayer_lowered  }
0x9c: {  	s22 =	simm.s32 $0x1BFF;
	s21 =	sshll.u32 s7, $0x1;
	s4 =	sadd.s32 s5, s19  }
0x9d: {  	s8 =	simm.s32 $0x0;
	s20 =	sshll.u32 s6, $0x1;
	s6 =	sadd.s32 s21, s4  }
0x9e: {  	[timem:s8], [sflag:s22] =	dma.local [hbm:s6], s20  }
0x9f: {  	_ =	swait.ge [sflag:s22], s20  }
0xa0: {  	s5 =	ssub.s32 $0x0, s20;
	[sflag:s22] =	ssyncset.done $0x0  }
0xa1: {  	[sflag:s22] =	ssyncadd.s32 s5;
	_ =	sdelay $0x1  }
0xa2: {  	s23 =	simm.s32 $0x1B8B  }
0xa3: {  	_ =	swait.ge [sflag:s23], $0x1  }
0xa4: {  	[sflag:s23] =	ssyncset.done $0x0  }
0xa5: {  	s25 =	simm.s32 $0x1B8E;
	s24 =	sld [smem:$0x3FFE];
	[sflag:s23] =	ssyncadd.s32 $0xFFFFFFFF  }
0xa6: {  	s26 =	simm.s32 $execute0_lowered;
	[smem:$0x3FD2] =	sst s25  }
0xa7: {  	s6 =	sshll.u32 s26, $0x1;
	_ =	strace $0x80000046;
	[dreg:$0x1] =	wrdreg $0xFFFFFFFF  }
0xa8: {  	s28 =	simm.s32 $_size_execute0_lowered;
	s4 =	sadd.s32 s4, s6;
	[dreg:$0x0] =	wrdreg $0x0  }
0xa9: {  	s6 =	sshll.u32 s28, $0x1;
	[dreg:$0x2] =	wrdreg s4  }
0xaa: {  	[dreg:$0x3] =	wrdreg s6  }
0xab: {  	[dreg:$0x4] =	wrdreg $0xC0  }
0xac: {  	_ =	task [dreg:s8], $0x5FFFF  }
0xad: {  	[dreg:$0x1] =	wrdreg $0xFFFFFFFF  }
0xae: {  	[dreg:$0x0] =	wrdreg $0x60  }
0xaf: {  	[dreg:$0x2] =	wrdreg s2  }
0xb0: {  	[dreg:$0x3] =	wrdreg s24  }
0xb1: {  	[dreg:$0x4] =	wrdreg s18  }
0xb2: {  	[dreg:$0x5] =	wrdreg $0x9  }
0xb3: {  	_ =	task.clear_ibuf [dreg:s8], $0x6FFFF;
	_ =	strace $0x90000046  }
0xb4: {  	s29 =	simm.s32 $0x9;
	_ =	strace $0x80000048  }
0xb5: {  	_ =	swait.ge [sflag:s29], $0x1  }
0xb6: {  	[sflag:s29] =	ssyncadd.s32 $0xFFFFFFFF  }
0xb7: {  	_ =	strace $0x90000048  }
0xb8: {  	_ =	sfence  }
0xb9: {  	s30 =	sld [smem:$0x0];
	_ =	sdelay $0x2  }
0xba: {  	s31 =	sshll.u32 s1, $0xD;
	s1 =	sshrl.u32 s1, $0x2  }
0xbb: {  	s3 =	sand.u32 $0x4000, s31;
	s1 =	sadd.s32 s1, s30  }
0xbc: {  	s0 =	sor.u32 s3, s0;
	s1 =	sshll.u32 s1, $0x11  }
0xbd: {  	s0 =	sor.u32 s1, s0  }
0xbe: {  	s0 =	sadd.s32 $0x8F2B, s0  }
0xbf: {  	[sflag:s0] =	ssyncadd.remote.s32 $0x1  }
0xc0: {  	_ =	sfence.sel $0xFFFF  }
0xc1: {  	[dreg:$0x0] =	wrdreg $0xFFFFFFFF;
	(pc) =	sbr.abs _section_cstart, $3  }
0xc2: {  	[dreg:$0x1] =	wrdreg $0xFFFFFFFF  }
0xc3: {  	_ =	task.clear_ibuf [dreg:s8], $0x2FFFF;
	_ =	strace $0x9FFFFFFF  }
0xc4: {  	(tm) =	ssettm $0x7FFFFFFF  }
0xc5: {  	_ =	shalt  }
tec
execute0_lowered:
.L_overlay_start_1:
0x0: {  	(tag) =	ssettag $0x1  }
0x1: {  	s0 =	rddreg [dreg:$0x0]  }
0x2: {  	s7 =	rddreg [dreg:$0x1];
	s4 =	simm.s32 $0x0;
	s1 =	srdreg.scid  }
0x3: {  	s2 =	stileid.u32;
	s11 =	simm.s32 $0x4;
	s28 =	simm.s32 $0xA100;
	v0 =	vimm.f32 $0.0e+00;
	v1 =	vimm.s32 $0x7  }
0x4: {  	s29 =	simm.s32 $0xE180;
	v2 =	vimm.s32 $0x5;
	v3 =	vimm.s32 $0x0;
	v4 =	vlaneseq.u32;
	s30 =	simm.s32 $0x400;
	s31 =	simm.s32 $0x8000  }
0x5: {  	vm0 =	vmmov $0x1;
	v6 =	vimm.s32 $0x1;
	v7 =	vimm.s32 $0x2;
	[smem:$0x7FF] =	sst s4;
	s1 =	sand.u32 $0x1, s1;
	s2 =	sshll.u32 s2, $0x1  }
0x6: {  	v8 =	vimm.s32 $0x3;
	v9 =	vimm.s32 $0x4;
	v10 =	vimm.s32 $0x6;
	s3 =	sadd.s32 $0xA00, s7;
	_ =	strace $0x80000047;
	s6 =	sor.u32 s1, s2  }
0x7: {  	v11 =	vimm.s32 $0x8;
	v12 =	vimm.s32 $0x9;
	v13 =	vimm.s32 $0xA;
	[dreg:$0x4] =	wrdreg s3;
	s1 =	ssub.s32 $0x2, s1;
	s2 =	sshll.u32 s6, $0x7  }
.Ltmp0:
0x8: {  	v14 =	vimm.s32 $0xB;
	v15 =	vimm.s32 $0xC;
	v16 =	vimm.s32 $0xD;
	s25 =	sshll.u32 s6, $0xD;
	s5 =	sshrl.u32 s1, $0x1;
	(pc) =	sbr.rel .LBB2_1-.Ltmp0, $4  }
0x9: {  	v17 =	vimm.s32 $0xE;
	v18 =	vimm.s32 $0xF;
	vm1 =	vmxor vm1, vm1;
	s8 =	sadd.s32 s2, s7;
	s3 =	sadd.s32 s25, s7;
	s1 =	ssub.s32 s1, s5  }
0xa: {  	v26 =	vimm.f32 $1.000000000e+00;
	v5 =	vmul.u32 $0x8, v4;
	v19 =	vor.u32 $0x10, v4;
	s7 =	sadd.s32 s0, s2;
	s25 =	simm.s32 $0xA000;
	s0 =	simm.s32 $0x5  }
0xb: {  	v20 =	vor.u32 $0x20, v4;
	v21 =	vor.u32 $0x30, v4;
	v22 =	vor.u32 $0x40, v4;
	s2 =	simm.s32 $0x0;
	s8 =	sadd.s32 $0x11400, s8;
	s26 =	smax.u32 s1, $0x1  }
0xc: {  	v23 =	vor.u32 $0x50, v4;
	v24 =	vor.u32 $0x60, v4;
	v25 =	vor.u32 $0x70, v4;
	s10 =	sadd.s32 $0x1400, s3;
	[dreg:$0x5] =	wrdreg s26;
	s26 =	simm.s32 $0xA080  }
.LBB2_22:
0xd: {  	s2 =	rddreg [dreg:$0x6]  }
0xe: {  	s1 =	rddreg [dreg:$0x5];
	s2 =	sadd.s32 $0x1, s2  }
0xf: {  	p0 =	sne.s32 s2, s1  }
.Ltmp1:
0x10: {  	_ = 	snop;
	(pc) =	sbr.rel @!p0 .LBB2_23-.Ltmp1, $1  }
0x11: {  	_ =	sdelay $0x3  }
.LBB2_1:
0x12: {  	[dreg:$0x6] =	wrdreg s2  }
0x13: {  	s1 =	rddreg [dreg:$0x2]  }
0x14: {  	[tilespmem:s4], [sflag:$0x4] =	stream.linear.gather [hbm4b:s1+s4], $0x80, $0x38;
	[tilespmem:$0x1E180] =	vst v63  }
0x15: {  	_ =	swait.ge [sflag:s11], $0x80  }
0x16: {  	[sflag:s11] =	ssyncset.done $0x0  }
0x17: {  	[sflag:s11] =	ssyncadd.s32 $0xFFFFFF80  }
0x18: {  	s22 =	simm.s32 $0x80;
	s21 =	rddreg [dreg:$0x1]  }
0x19: {  	[tilespmem:s22], [sflag:$0x4] =	stream.linear.gather [hbm4b:s21+s4], $0x4080, $0x38;
	[tilespmem:$0x1E180] =	vst v63  }
0x1a: {  	_ =	swait.ge [sflag:s11], $0x4080  }
0x1b: {  	s24 =	simm.s32 $0x4100;
	[sflag:s11] =	ssyncset.done $0x0  }
.Ltmp2:
0x1c: {  	s23 =	rddreg [dreg:$0x4];
	[sflag:s11] =	ssyncadd.s32 $0xFFFFBF80;
	(pc) =	sbr.rel .LBB2_2-.Ltmp2, $4  }
0x1d: {  	[tilespmem:s24], [sflag:$0x4] =	stream.linear.gather [hbm4b:s23+s4], $0x4080, $0x38;
	[tilespmem:$0x1E180] =	vst v63  }
0x1e: {  	_ =	swait.ge [sflag:s11], $0x4080  }
0x1f: {  	[sflag:s11] =	ssyncset.done $0x0  }
0x20: {  	s1 =	simm.s32 $0x0;
	[sflag:s11] =	ssyncadd.s32 $0xFFFFBF80  }
.LBB2_20:
0x21: {  	[hbm4b:s10+s4] =	stream.linear.scatter [tilespmem:s29], [sflag:$0x4], $0x10000, $0x38;
	[tilespmem:$0x1E180] =	vst v63  }
0x22: {  	_ =	swait.ge [sflag:s11], $0x10000  }
0x23: {  	[sflag:s11] =	ssyncset.done $0x0  }
0x24: {  	[sflag:s11] =	ssyncadd.s32 $0xFFFF0000  }
.LBB2_21:
0x25: {  	p0 =	sne.s32 s1, $0x8  }
.Ltmp3:
0x26: {  	_ = 	snop;
	(pc) =	sbr.rel @!p0 .LBB2_22-.Ltmp3, $1  }
0x27: {  	_ =	sdelay $0x3  }
.LBB2_2:
0x28: {  	s3 =	smov.u32 s1;
	v27 =	vld [tilespmem:s1+$0x0]  }
0x29: {  	s1 =	sadd.s32 $0x1, s1;
	s2 =	simm.s32 $0x0;
	s5 =	simm.s32 $0x200;
	v28 =	vld [tilespmem:s3+$0x1]  }
.LBB2_3:
0x2a: {  	p0 =	sne.s32 s5, $0x3FE00;
	[tilespmem:s2+$0xE1F0] =	vst v0  }
0x2b: {  	[tilespmem:s2+$0xE180] =	vst v0  }
0x2c: {  	[tilespmem:s2+$0xE190] =	vst v0  }
.Ltmp4:
0x2d: {  	[tilespmem:s2+$0xE1A0] =	vst v0;
	(pc) =	sbr.rel @p0 .LBB2_3-.Ltmp4, $4  }
0x2e: {  	[tilespmem:s2+$0xE1B0] =	vst v0  }
0x2f: {  	[tilespmem:s2+$0xE1C0] =	vst v0  }
0x30: {  	[tilespmem:s2+$0xE1D0] =	vst v0  }
0x31: {  	[tilespmem:s2+$0xE1E0] =	vst v0;
	s2 =	sshra.s32 s5, $0x2;
	s5 =	sadd.s32 $0x200, s5  }
0x32: {  	(v2sf) =	vpush v27, $0x0;
	_ =	sdelay $0x6  }
0x33: {  	(v2sf) =	vpush v28, $0x0;
	_ =	sdelay $0x7  }
0x34: {  	s5 =	spop (v2sf)  }
0x35: {  	s9 =	sand.u32 $0x3F, s5  }
0x36: {  	s12 =	sshra.s32 s5, $0x1F;
	p0 =	slt.s32 s5, $0x1;
	p1 =	sne.s32 s9, $0x0  }
0x37: {  	s21 =	sshrl.u32 s12, $0x1A;
	p0 =	por !p0, !p1  }
0x38: {  	s9 =	simm.s32 $0x1;
	s5 =	sadd.s32 s21, s5;
	p0 =	por !p0, !p0  }
0x39: {  	s5 =	sshra.s32 s5, $0x6;
	s9 =	simm.s32 @!p0 $0x0  }
0x3a: {  	s13 =	ssub.s32 s5, s9  }
0x3b: {  	s22 =	spop (v2sf);
	s20 =	sshll.u32 s13, $0x6  }
0x3c: {  	s5 =	ssub.s32 s22, s20  }
0x3d: {  	s5 =	sadd.s32 $0x3F, s5  }
0x3e: {  	s23 =	sand.u32 $0x3F, s5  }
0x3f: {  	s24 =	sshra.s32 s5, $0x1F;
	p6 =	slt.s32 s5, $0x1;
	p5 =	sne.s32 s23, $0x0  }
0x40: {  	s9 =	sshrl.u32 s24, $0x1A;
	p0 =	por !p6, !p5  }
0x41: {  	s5 =	sadd.s32 s9, s5;
	s9 =	simm.s32 $0x1;
	p0 =	por !p0, !p0  }
0x42: {  	[tilespmem:s2+$0xE1F0] =	vst v0;
	s5 =	sshra.s32 s5, $0x6;
	s9 =	simm.s32 @!p0 $0x0  }
0x43: {  	[tilespmem:s2+$0xE180] =	vst v0;
	s12 =	ssub.s32 s5, s9  }
0x44: {  	[tilespmem:s2+$0xE190] =	vst v0;
	p0 =	slt.s32 s12, $0x1  }
.Ltmp5:
0x45: {  	[tilespmem:s2+$0xE1A0] =	vst v0;
	(pc) =	sbr.rel @p0 .LBB2_14-.Ltmp5, $4  }
0x46: {  	[tilespmem:s2+$0xE1B0] =	vst v0  }
0x47: {  	[tilespmem:s2+$0xE1C0] =	vst v0  }
0x48: {  	[tilespmem:s2+$0xE1D0] =	vst v0  }
0x49: {  	[tilespmem:s2+$0xE1E0] =	vst v0;
	s5 =	sshll.u32 s3, $0x9  }
0x4a: {  	v29 =	vld [tilespmem:s20+$0x80];
	_ =	sdelay $0x4  }
0x4b: {  	v30 =	vshll.u32 v29, $0x5  }
0x4c: {  	v29 =	vand.u32 $0x7, v29;
	v30 =	vand.u32 $0xFFFFFF00, v30  }
0x4d: {  	v29 =	vor.u32 v29, v30  }
0x4e: {  	v30 =	vperm.xlane v29, v3;
	_ =	sdelay $0x1  }
0x4f: {  	v31 =	vperm.xlane v29, v6;
	v30 =	vadd.s32 v5, v30;
	_ =	sdelay $0x1  }
0x50: {  	v32 =	vperm.xlane v29, v7;
	v31 =	vadd.s32 v5, v31;
	_ =	sdelay $0x1  }
0x51: {  	s2 =	simm.s32 $0x8180;
	v33 =	vperm.xlane v29, v8;
	v32 =	vadd.s32 v5, v32  }
0x52: {  	[tilespmem:s2], [sflag:$0x1] =	stream.indirect_vreg.gather [hbm4b:s7+s4], $0x80, v30, vm0, $0xb8;
	[tilespmem:$0x1E180] =	vst v63  }
0x53: {  	s19 =	simm.s32 $0x8200;
	v54 =	vperm.xlane v29, v9;
	v30 =	vadd.s32 v5, v33  }
0x54: {  	[tilespmem:s19], [sflag:$0x1] =	stream.indirect_vreg.gather [hbm4b:s7+s4], $0x80, v31, vm0, $0xb8;
	[tilespmem:$0x1E180] =	vst v63  }
0x55: {  	s21 =	simm.s32 $0x8280;
	v55 =	vperm.xlane v29, v2;
	v31 =	vadd.s32 v5, v54  }
0x56: {  	[tilespmem:s21], [sflag:$0x1] =	stream.indirect_vreg.gather [hbm4b:s7+s4], $0x80, v32, vm0, $0xb8;
	[tilespmem:$0x1E180] =	vst v63  }
0x57: {  	s22 =	simm.s32 $0x8300;
	v57 =	vperm.xlane v29, v10;
	v56 =	vadd.s32 v5, v55  }
0x58: {  	[tilespmem:s22], [sflag:$0x1] =	stream.indirect_vreg.gather [hbm4b:s7+s4], $0x80, v30, vm0, $0xb8;
	[tilespmem:$0x1E180] =	vst v63  }
0x59: {  	s23 =	simm.s32 $0x8380;
	v58 =	vperm.xlane v29, v1;
	v30 =	vadd.s32 v5, v57  }
0x5a: {  	[tilespmem:s23], [sflag:$0x1] =	stream.indirect_vreg.gather [hbm4b:s7+s4], $0x80, v31, vm0, $0xb8;
	[tilespmem:$0x1E180] =	vst v63  }
0x5b: {  	s24 =	simm.s32 $0x8400;
	v59 =	vperm.xlane v29, v11;
	v31 =	vadd.s32 v5, v58  }
0x5c: {  	[tilespmem:s24], [sflag:$0x1] =	stream.indirect_vreg.gather [hbm4b:s7+s4], $0x80, v56, vm0, $0xb8;
	[tilespmem:$0x1E180] =	vst v63  }
0x5d: {  	s9 =	simm.s32 $0x8480;
	v61 =	vperm.xlane v29, v12;
	v60 =	vadd.s32 v5, v59  }
0x5e: {  	[tilespmem:s9], [sflag:$0x1] =	stream.indirect_vreg.gather [hbm4b:s7+s4], $0x80, v30, vm0, $0xb8;
	[tilespmem:$0x1E180] =	vst v63  }
0x5f: {  	s14 =	simm.s32 $0x8500;
	v62 =	vperm.xlane v29, v13;
	v30 =	vadd.s32 v5, v61  }
0x60: {  	[tilespmem:s14], [sflag:$0x1] =	stream.indirect_vreg.gather [hbm4b:s7+s4], $0x80, v31, vm0, $0xb8;
	[tilespmem:$0x1E180] =	vst v63  }
0x61: {  	s15 =	simm.s32 $0x8580;
	v63 =	vperm.xlane v29, v14;
	v31 =	vadd.s32 v5, v62  }
0x62: {  	[tilespmem:s15], [sflag:$0x1] =	stream.indirect_vreg.gather [hbm4b:s7+s4], $0x80, v60, vm0, $0xb8;
	[tilespmem:$0x1E180] =	vst v63  }
0x63: {  	s16 =	simm.s32 $0x8600;
	v37 =	vperm.xlane v29, v15;
	v36 =	vadd.s32 v5, v63  }
0x64: {  	[tilespmem:s16], [sflag:$0x1] =	stream.indirect_vreg.gather [hbm4b:s7+s4], $0x80, v30, vm0, $0xb8;
	[tilespmem:$0x1E180] =	vst v63  }
0x65: {  	s17 =	simm.s32 $0x8680;
	v38 =	vperm.xlane v29, v16;
	v30 =	vadd.s32 v5, v37  }
0x66: {  	[tilespmem:s17], [sflag:$0x1] =	stream.indirect_vreg.gather [hbm4b:s7+s4], $0x80, v31, vm0, $0xb8;
	[tilespmem:$0x1E180] =	vst v63  }
0x67: {  	s18 =	simm.s32 $0x8700;
	v39 =	vperm.xlane v29, v17;
	v31 =	vadd.s32 v5, v38  }
0x68: {  	[tilespmem:s18], [sflag:$0x1] =	stream.indirect_vreg.gather [hbm4b:s7+s4], $0x80, v36, vm0, $0xb8;
	[tilespmem:$0x1E180] =	vst v63  }
0x69: {  	v29 =	vperm.xlane v29, v18;
	v40 =	vadd.s32 v5, v39;
	s19 =	simm.s32 $0x8780  }
0x6a: {  	[tilespmem:s19], [sflag:$0x1] =	stream.indirect_vreg.gather [hbm4b:s7+s4], $0x80, v30, vm0, $0xb8;
	[tilespmem:$0x1E180] =	vst v63  }
0x6b: {  	v29 =	vadd.s32 v5, v29;
	s21 =	simm.s32 $0x8800  }
0x6c: {  	[tilespmem:s21], [sflag:$0x1] =	stream.indirect_vreg.gather [hbm4b:s7+s4], $0x80, v31, vm0, $0xb8;
	[tilespmem:$0x1E180] =	vst v63  }
0x6d: {  	s22 =	simm.s32 $0x8880  }
0x6e: {  	[tilespmem:s22], [sflag:$0x1] =	stream.indirect_vreg.gather [hbm4b:s7+s4], $0x80, v40, vm0, $0xb8;
	[tilespmem:$0x1E180] =	vst v63  }
0x6f: {  	s23 =	simm.s32 $0x8900  }
0x70: {  	[tilespmem:s23], [sflag:$0x1] =	stream.indirect_vreg.gather [hbm4b:s7+s4], $0x80, v29, vm0, $0xb8;
	[tilespmem:$0x1E180] =	vst v63  }
0x71: {  	v29 =	vld [tilespmem:s20+$0x90];
	_ =	sdelay $0x4  }
0x72: {  	v30 =	vshll.u32 v29, $0x5  }
0x73: {  	v29 =	vand.u32 $0x7, v29;
	v30 =	vand.u32 $0xFFFFFF00, v30  }
0x74: {  	v29 =	vor.u32 v29, v30  }
0x75: {  	v30 =	vperm.xlane v29, v3;
	_ =	sdelay $0x1  }
0x76: {  	v31 =	vperm.xlane v29, v6;
	v30 =	vadd.s32 v5, v30;
	_ =	sdelay $0x1  }
0x77: {  	v41 =	vperm.xlane v29, v7;
	v31 =	vadd.s32 v5, v31;
	_ =	sdelay $0x1  }
0x78: {  	s24 =	simm.s32 $0x8980;
	v42 =	vperm.xlane v29, v8;
	v32 =	vadd.s32 v5, v41  }
0x79: {  	[tilespmem:s24], [sflag:$0x1] =	stream.indirect_vreg.gather [hbm4b:s7+s4], $0x80, v30, vm0, $0xb8;
	[tilespmem:$0x1E180] =	vst v63  }
0x7a: {  	s9 =	simm.s32 $0x8A00;
	v43 =	vperm.xlane v29, v9;
	v30 =	vadd.s32 v5, v42  }
0x7b: {  	[tilespmem:s9], [sflag:$0x1] =	stream.indirect_vreg.gather [hbm4b:s7+s4], $0x80, v31, vm0, $0xb8;
	[tilespmem:$0x1E180] =	vst v63  }
0x7c: {  	s14 =	simm.s32 $0x8A80;
	v44 =	vperm.xlane v29, v2;
	v31 =	vadd.s32 v5, v43  }
0x7d: {  	[tilespmem:s14], [sflag:$0x1] =	stream.indirect_vreg.gather [hbm4b:s7+s4], $0x80, v32, vm0, $0xb8;
	[tilespmem:$0x1E180] =	vst v63  }
0x7e: {  	s15 =	simm.s32 $0x8B00;
	v46 =	vperm.xlane v29, v10;
	v45 =	vadd.s32 v5, v44  }
0x7f: {  	[tilespmem:s15], [sflag:$0x1] =	stream.indirect_vreg.gather [hbm4b:s7+s4], $0x80, v30, vm0, $0xb8;
	[tilespmem:$0x1E180] =	vst v63  }
0x80: {  	s16 =	simm.s32 $0x8B80;
	v47 =	vperm.xlane v29, v1;
	v30 =	vadd.s32 v5, v46  }
0x81: {  	[tilespmem:s16], [sflag:$0x1] =	stream.indirect_vreg.gather [hbm4b:s7+s4], $0x80, v31, vm0, $0xb8;
	[tilespmem:$0x1E180] =	vst v63  }
0x82: {  	s17 =	simm.s32 $0x8C00;
	v48 =	vperm.xlane v29, v11;
	v31 =	vadd.s32 v5, v47  }
0x83: {  	[tilespmem:s17], [sflag:$0x1] =	stream.indirect_vreg.gather [hbm4b:s7+s4], $0x80, v45, vm0, $0xb8;
	[tilespmem:$0x1E180] =	vst v63  }
0x84: {  	s18 =	simm.s32 $0x8C80;
	v50 =	vperm.xlane v29, v12;
	v49 =	vadd.s32 v5, v48  }
0x85: {  	[tilespmem:s18], [sflag:$0x1] =	stream.indirect_vreg.gather [hbm4b:s7+s4], $0x80, v30, vm0, $0xb8;
	[tilespmem:$0x1E180] =	vst v63  }
0x86: {  	s19 =	simm.s32 $0x8D00;
	v51 =	vperm.xlane v29, v13;
	v30 =	vadd.s32 v5, v50  }
0x87: {  	[tilespmem:s19], [sflag:$0x1] =	stream.indirect_vreg.gather [hbm4b:s7+s4], $0x80, v31, vm0, $0xb8;
	[tilespmem:$0x1E180] =	vst v63  }
0x88: {  	s21 =	simm.s32 $0x8D80;
	v52 =	vperm.xlane v29, v14;
	v31 =	vadd.s32 v5, v51  }
0x89: {  	[tilespmem:s21], [sflag:$0x1] =	stream.indirect_vreg.gather [hbm4b:s7+s4], $0x80, v49, vm0, $0xb8;
	[tilespmem:$0x1E180] =	vst v63  }
0x8a: {  	s22 =	simm.s32 $0x8E00;
	v54 =	vperm.xlane v29, v15;
	v53 =	vadd.s32 v5, v52  }
0x8b: {  	[tilespmem:s22], [sflag:$0x1] =	stream.indirect_vreg.gather [hbm4b:s7+s4], $0x80, v30, vm0, $0xb8;
	[tilespmem:$0x1E180] =	vst v63  }
0x8c: {  	s23 =	simm.s32 $0x8E80;
	v55 =	vperm.xlane v29, v16;
	v30 =	vadd.s32 v5, v54  }
0x8d: {  	[tilespmem:s23], [sflag:$0x1] =	stream.indirect_vreg.gather [hbm4b:s7+s4], $0x80, v31, vm0, $0xb8;
	[tilespmem:$0x1E180] =	vst v63  }
0x8e: {  	v56 =	vperm.xlane v29, v17;
	s24 =	simm.s32 $0x8F00;
	v31 =	vadd.s32 v5, v55  }
0x8f: {  	[tilespmem:s24], [sflag:$0x1] =	stream.indirect_vreg.gather [hbm4b:s7+s4], $0x80, v53, vm0, $0xb8;
	[tilespmem:$0x1E180] =	vst v63  }
0x90: {  	v29 =	vperm.xlane v29, v18;
	v57 =	vadd.s32 v5, v56;
	s9 =	simm.s32 $0x8F80  }
0x91: {  	[tilespmem:s9], [sflag:$0x1] =	stream.indirect_vreg.gather [hbm4b:s7+s4], $0x80, v30, vm0, $0xb8;
	[tilespmem:$0x1E180] =	vst v63  }
0x92: {  	v29 =	vadd.s32 v5, v29;
	s14 =	simm.s32 $0x9000  }
0x93: {  	[tilespmem:s14], [sflag:$0x1] =	stream.indirect_vreg.gather [hbm4b:s7+s4], $0x80, v31, vm0, $0xb8;
	[tilespmem:$0x1E180] =	vst v63  }
0x94: {  	s15 =	simm.s32 $0x9080  }
0x95: {  	[tilespmem:s15], [sflag:$0x1] =	stream.indirect_vreg.gather [hbm4b:s7+s4], $0x80, v57, vm0, $0xb8;
	[tilespmem:$0x1E180] =	vst v63  }
0x96: {  	s16 =	simm.s32 $0x9100  }
0x97: {  	[tilespmem:s16], [sflag:$0x1] =	stream.indirect_vreg.gather [hbm4b:s7+s4], $0x80, v29, vm0, $0xb8;
	[tilespmem:$0x1E180] =	vst v63  }
0x98: {  	v29 =	vld [tilespmem:s20+$0xA0];
	_ =	sdelay $0x4  }
0x99: {  	v30 =	vshll.u32 v29, $0x5  }
0x9a: {  	v29 =	vand.u32 $0x7, v29;
	v30 =	vand.u32 $0xFFFFFF00, v30  }
0x9b: {  	v29 =	vor.u32 v29, v30  }
0x9c: {  	v30 =	vperm.xlane v29, v3;
	_ =	sdelay $0x1  }
0x9d: {  	v31 =	vperm.xlane v29, v6;
	v30 =	vadd.s32 v5, v30;
	_ =	sdelay $0x1  }
0x9e: {  	v58 =	vperm.xlane v29, v7;
	v31 =	vadd.s32 v5, v31;
	_ =	sdelay $0x1  }
0x9f: {  	s17 =	simm.s32 $0x9180;
	v59 =	vperm.xlane v29, v8;
	v32 =	vadd.s32 v5, v58  }
0xa0: {  	[tilespmem:s17], [sflag:$0x1] =	stream.indirect_vreg.gather [hbm4b:s7+s4], $0x80, v30, vm0, $0xb8;
	[tilespmem:$0x1E180] =	vst v63  }
0xa1: {  	s18 =	simm.s32 $0x9200;
	v60 =	vperm.xlane v29, v9;
	v30 =	vadd.s32 v5, v59  }
0xa2: {  	[tilespmem:s18], [sflag:$0x1] =	stream.indirect_vreg.gather [hbm4b:s7+s4], $0x80, v31, vm0, $0xb8;
	[tilespmem:$0x1E180] =	vst v63  }
0xa3: {  	s19 =	simm.s32 $0x9280;
	v61 =	vperm.xlane v29, v2;
	v31 =	vadd.s32 v5, v60  }
0xa4: {  	[tilespmem:s19], [sflag:$0x1] =	stream.indirect_vreg.gather [hbm4b:s7+s4], $0x80, v32, vm0, $0xb8;
	[tilespmem:$0x1E180] =	vst v63  }
0xa5: {  	s21 =	simm.s32 $0x9300;
	v63 =	vperm.xlane v29, v10;
	v62 =	vadd.s32 v5, v61  }
0xa6: {  	[tilespmem:s21], [sflag:$0x1] =	stream.indirect_vreg.gather [hbm4b:s7+s4], $0x80, v30, vm0, $0xb8;
	[tilespmem:$0x1E180] =	vst v63  }
0xa7: {  	s22 =	simm.s32 $0x9380;
	v36 =	vperm.xlane v29, v1;
	v30 =	vadd.s32 v5, v63  }
0xa8: {  	[tilespmem:s22], [sflag:$0x1] =	stream.indirect_vreg.gather [hbm4b:s7+s4], $0x80, v31, vm0, $0xb8;
	[tilespmem:$0x1E180] =	vst v63  }
0xa9: {  	s23 =	simm.s32 $0x9400;
	v37 =	vperm.xlane v29, v11;
	v31 =	vadd.s32 v5, v36  }
0xaa: {  	[tilespmem:s23], [sflag:$0x1] =	stream.indirect_vreg.gather [hbm4b:s7+s4], $0x80, v62, vm0, $0xb8;
	[tilespmem:$0x1E180] =	vst v63  }
0xab: {  	s24 =	simm.s32 $0x9480;
	v39 =	vperm.xlane v29, v12;
	v38 =	vadd.s32 v5, v37  }
0xac: {  	[tilespmem:s24], [sflag:$0x1] =	stream.indirect_vreg.gather [hbm4b:s7+s4], $0x80, v30, vm0, $0xb8;
	[tilespmem:$0x1E180] =	vst v63  }
0xad: {  	s9 =	simm.s32 $0x9500;
	v40 =	vperm.xlane v29, v13;
	v30 =	vadd.s32 v5, v39  }
0xae: {  	[tilespmem:s9], [sflag:$0x1] =	stream.indirect_vreg.gather [hbm4b:s7+s4], $0x80, v31, vm0, $0xb8;
	[tilespmem:$0x1E180] =	vst v63  }
0xaf: {  	s14 =	simm.s32 $0x9580;
	v41 =	vperm.xlane v29, v14;
	v31 =	vadd.s32 v5, v40  }
0xb0: {  	[tilespmem:s14], [sflag:$0x1] =	stream.indirect_vreg.gather [hbm4b:s7+s4], $0x80, v38, vm0, $0xb8;
	[tilespmem:$0x1E180] =	vst v63  }
0xb1: {  	s15 =	simm.s32 $0x9600;
	v43 =	vperm.xlane v29, v15;
	v42 =	vadd.s32 v5, v41  }
0xb2: {  	[tilespmem:s15], [sflag:$0x1] =	stream.indirect_vreg.gather [hbm4b:s7+s4], $0x80, v30, vm0, $0xb8;
	[tilespmem:$0x1E180] =	vst v63  }
0xb3: {  	s16 =	simm.s32 $0x9680;
	v44 =	vperm.xlane v29, v16;
	v30 =	vadd.s32 v5, v43  }
0xb4: {  	[tilespmem:s16], [sflag:$0x1] =	stream.indirect_vreg.gather [hbm4b:s7+s4], $0x80, v31, vm0, $0xb8;
	[tilespmem:$0x1E180] =	vst v63  }
0xb5: {  	v45 =	vperm.xlane v29, v17;
	s17 =	simm.s32 $0x9700;
	v31 =	vadd.s32 v5, v44  }
0xb6: {  	[tilespmem:s17], [sflag:$0x1] =	stream.indirect_vreg.gather [hbm4b:s7+s4], $0x80, v42, vm0, $0xb8;
	[tilespmem:$0x1E180] =	vst v63  }
0xb7: {  	v29 =	vperm.xlane v29, v18;
	v46 =	vadd.s32 v5, v45;
	s18 =	simm.s32 $0x9780  }
0xb8: {  	[tilespmem:s18], [sflag:$0x1] =	stream.indirect_vreg.gather [hbm4b:s7+s4], $0x80, v30, vm0, $0xb8;
	[tilespmem:$0x1E180] =	vst v63  }
0xb9: {  	v29 =	vadd.s32 v5, v29;
	s19 =	simm.s32 $0x9800  }
0xba: {  	[tilespmem:s19], [sflag:$0x1] =	stream.indirect_vreg.gather [hbm4b:s7+s4], $0x80, v31, vm0, $0xb8;
	[tilespmem:$0x1E180] =	vst v63  }
0xbb: {  	s21 =	simm.s32 $0x9880  }
0xbc: {  	[tilespmem:s21], [sflag:$0x1] =	stream.indirect_vreg.gather [hbm4b:s7+s4], $0x80, v46, vm0, $0xb8;
	[tilespmem:$0x1E180] =	vst v63  }
0xbd: {  	s22 =	simm.s32 $0x9900  }
0xbe: {  	[tilespmem:s22], [sflag:$0x1] =	stream.indirect_vreg.gather [hbm4b:s7+s4], $0x80, v29, vm0, $0xb8;
	[tilespmem:$0x1E180] =	vst v63  }
0xbf: {  	v29 =	vld [tilespmem:s20+$0xB0];
	_ =	sdelay $0x4  }
0xc0: {  	v30 =	vshll.u32 v29, $0x5  }
0xc1: {  	v29 =	vand.u32 $0x7, v29;
	v30 =	vand.u32 $0xFFFFFF00, v30  }
0xc2: {  	v29 =	vor.u32 v29, v30  }
0xc3: {  	v30 =	vperm.xlane v29, v3;
	_ =	sdelay $0x1  }
0xc4: {  	v31 =	vperm.xlane v29, v6;
	v30 =	vadd.s32 v5, v30;
	_ =	sdelay $0x1  }
0xc5: {  	v47 =	vperm.xlane v29, v7;
	v31 =	vadd.s32 v5, v31;
	_ =	sdelay $0x1  }
0xc6: {  	s23 =	simm.s32 $0x9980;
	v48 =	vperm.xlane v29, v8;
	v32 =	vadd.s32 v5, v47  }
0xc7: {  	[tilespmem:s23], [sflag:$0x1] =	stream.indirect_vreg.gather [hbm4b:s7+s4], $0x80, v30, vm0, $0xb8;
	[tilespmem:$0x1E180] =	vst v63  }
0xc8: {  	s24 =	simm.s32 $0x9A00;
	v49 =	vperm.xlane v29, v9;
	v30 =	vadd.s32 v5, v48  }
0xc9: {  	[tilespmem:s24], [sflag:$0x1] =	stream.indirect_vreg.gather [hbm4b:s7+s4], $0x80, v31, vm0, $0xb8;
	[tilespmem:$0x1E180] =	vst v63  }
0xca: {  	s9 =	simm.s32 $0x9A80;
	v50 =	vperm.xlane v29, v2;
	v31 =	vadd.s32 v5, v49  }
0xcb: {  	[tilespmem:s9], [sflag:$0x1] =	stream.indirect_vreg.gather [hbm4b:s7+s4], $0x80, v32, vm0, $0xb8;
	[tilespmem:$0x1E180] =	vst v63  }
0xcc: {  	s14 =	simm.s32 $0x9B00;
	v52 =	vperm.xlane v29, v10;
	v51 =	vadd.s32 v5, v50  }
0xcd: {  	[tilespmem:s14], [sflag:$0x1] =	stream.indirect_vreg.gather [hbm4b:s7+s4], $0x80, v30, vm0, $0xb8;
	[tilespmem:$0x1E180] =	vst v63  }
0xce: {  	s15 =	simm.s32 $0x9B80;
	v53 =	vperm.xlane v29, v1;
	v30 =	vadd.s32 v5, v52  }
0xcf: {  	[tilespmem:s15], [sflag:$0x1] =	stream.indirect_vreg.gather [hbm4b:s7+s4], $0x80, v31, vm0, $0xb8;
	[tilespmem:$0x1E180] =	vst v63  }
0xd0: {  	s16 =	simm.s32 $0x9C00;
	v54 =	vperm.xlane v29, v11;
	v31 =	vadd.s32 v5, v53  }
0xd1: {  	[tilespmem:s16], [sflag:$0x1] =	stream.indirect_vreg.gather [hbm4b:s7+s4], $0x80, v51, vm0, $0xb8;
	[tilespmem:$0x1E180] =	vst v63  }
0xd2: {  	s17 =	simm.s32 $0x9C80;
	v56 =	vperm.xlane v29, v12;
	v55 =	vadd.s32 v5, v54  }
0xd3: {  	[tilespmem:s17], [sflag:$0x1] =	stream.indirect_vreg.gather [hbm4b:s7+s4], $0x80, v30, vm0, $0xb8;
	[tilespmem:$0x1E180] =	vst v63  }
0xd4: {  	s18 =	simm.s32 $0x9D00;
	v57 =	vperm.xlane v29, v13;
	v30 =	vadd.s32 v5, v56  }
0xd5: {  	[tilespmem:s18], [sflag:$0x1] =	stream.indirect_vreg.gather [hbm4b:s7+s4], $0x80, v31, vm0, $0xb8;
	[tilespmem:$0x1E180] =	vst v63  }
0xd6: {  	s19 =	simm.s32 $0x9D80;
	v58 =	vperm.xlane v29, v14;
	v31 =	vadd.s32 v5, v57  }
0xd7: {  	[tilespmem:s19], [sflag:$0x1] =	stream.indirect_vreg.gather [hbm4b:s7+s4], $0x80, v55, vm0, $0xb8;
	[tilespmem:$0x1E180] =	vst v63  }
0xd8: {  	s21 =	simm.s32 $0x9E00;
	v60 =	vperm.xlane v29, v15;
	v59 =	vadd.s32 v5, v58  }
0xd9: {  	[tilespmem:s21], [sflag:$0x1] =	stream.indirect_vreg.gather [hbm4b:s7+s4], $0x80, v30, vm0, $0xb8;
	[tilespmem:$0x1E180] =	vst v63  }
0xda: {  	s22 =	simm.s32 $0x9E80;
	v61 =	vperm.xlane v29, v16;
	v30 =	vadd.s32 v5, v60  }
0xdb: {  	[tilespmem:s22], [sflag:$0x1] =	stream.indirect_vreg.gather [hbm4b:s7+s4], $0x80, v31, vm0, $0xb8;
	[tilespmem:$0x1E180] =	vst v63  }
0xdc: {  	s23 =	simm.s32 $0x9F00;
	v31 =	vadd.s32 v5, v61  }
0xdd: {  	v62 =	vperm.xlane v29, v17;
	[tilespmem:s23], [sflag:$0x1] =	stream.indirect_vreg.gather [hbm4b:s7+s4], $0x80, v59, vm0, $0xb8;
	[tilespmem:$0x1E180] =	vst v63  }
0xde: {  	s24 =	simm.s32 $0x9F80  }
0xdf: {  	v29 =	vperm.xlane v29, v18;
	v63 =	vadd.s32 v5, v62;
	[tilespmem:s24], [sflag:$0x1] =	stream.indirect_vreg.gather [hbm4b:s7+s4], $0x80, v30, vm0, $0xb8;
	[tilespmem:$0x1E180] =	vst v63  }
0xe0: {  	p1 =	seq.s32 s12, $0x1  }
0xe1: {  	v29 =	vadd.s32 v5, v29;
	[tilespmem:s25], [sflag:$0x1] =	stream.indirect_vreg.gather [hbm4b:s7+s4], $0x80, v31, vm0, $0xb8;
	[tilespmem:$0x1E180] =	vst v63  }
.Ltmp6:
0xe2: {  	_ = 	snop;
	(pc) =	sbr.rel @p1 .LBB2_8-.Ltmp6, $4  }
0xe3: {  	_ = 	snop  }
0xe4: {  	[tilespmem:s26], [sflag:$0x1] =	stream.indirect_vreg.gather [hbm4b:s7+s4], $0x80, v63, vm0, $0xb8;
	[tilespmem:$0x1E180] =	vst v63  }
0xe5: {  	_ = 	snop  }
0xe6: {  	[tilespmem:s28], [sflag:$0x1] =	stream.indirect_vreg.gather [hbm4b:s7+s4], $0x80, v29, vm0, $0xb8;
	[tilespmem:$0x1E180] =	vst v63  }
0xe7: {  	v29 =	vld [tilespmem:s20+$0xC0];
	_ =	sdelay $0x4  }
0xe8: {  	v30 =	vshll.u32 v29, $0x5  }
0xe9: {  	v29 =	vand.u32 $0x7, v29;
	v30 =	vand.u32 $0xFFFFFF00, v30  }
0xea: {  	v29 =	vor.u32 v29, v30  }
0xeb: {  	v30 =	vperm.xlane v29, v3;
	_ =	sdelay $0x1  }
0xec: {  	v31 =	vperm.xlane v29, v6;
	v30 =	vadd.s32 v5, v30;
	_ =	sdelay $0x1  }
0xed: {  	v32 =	vperm.xlane v29, v7;
	v31 =	vadd.s32 v5, v31;
	_ =	sdelay $0x1  }
0xee: {  	s2 =	simm.s32 $0xA180;
	v33 =	vperm.xlane v29, v8;
	v32 =	vadd.s32 v5, v32  }
0xef: {  	[tilespmem:s2], [sflag:$0x2] =	stream.indirect_vreg.gather [hbm4b:s7+s4], $0x80, v30, vm0, $0xb8;
	[tilespmem:$0x1E180] =	vst v63  }
0xf0: {  	s16 =	simm.s32 $0xA200;
	v54 =	vperm.xlane v29, v9;
	v30 =	vadd.s32 v5, v33  }
0xf1: {  	[tilespmem:s16], [sflag:$0x2] =	stream.indirect_vreg.gather [hbm4b:s7+s4], $0x80, v31, vm0, $0xb8;
	[tilespmem:$0x1E180] =	vst v63  }
0xf2: {  	s17 =	simm.s32 $0xA280;
	v55 =	vperm.xlane v29, v2;
	v31 =	vadd.s32 v5, v54  }
0xf3: {  	[tilespmem:s17], [sflag:$0x2] =	stream.indirect_vreg.gather [hbm4b:s7+s4], $0x80, v32, vm0, $0xb8;
	[tilespmem:$0x1E180] =	vst v63  }
0xf4: {  	s18 =	simm.s32 $0xA300;
	v57 =	vperm.xlane v29, v10;
	v56 =	vadd.s32 v5, v55  }
0xf5: {  	[tilespmem:s18], [sflag:$0x2] =	stream.indirect_vreg.gather [hbm4b:s7+s4], $0x80, v30, vm0, $0xb8;
	[tilespmem:$0x1E180] =	vst v63  }
0xf6: {  	s19 =	simm.s32 $0xA380;
	v58 =	vperm.xlane v29, v1;
	v30 =	vadd.s32 v5, v57  }
0xf7: {  	[tilespmem:s19], [sflag:$0x2] =	stream.indirect_vreg.gather [hbm4b:s7+s4], $0x80, v31, vm0, $0xb8;
	[tilespmem:$0x1E180] =	vst v63  }
0xf8: {  	s21 =	simm.s32 $0xA400;
	v59 =	vperm.xlane v29, v11;
	v31 =	vadd.s32 v5, v58  }
0xf9: {  	[tilespmem:s21], [sflag:$0x2] =	stream.indirect_vreg.gather [hbm4b:s7+s4], $0x80, v56, vm0, $0xb8;
	[tilespmem:$0x1E180] =	vst v63  }
0xfa: {  	s22 =	simm.s32 $0xA480;
	v61 =	vperm.xlane v29, v12;
	v60 =	vadd.s32 v5, v59  }
0xfb: {  	[tilespmem:s22], [sflag:$0x2] =	stream.indirect_vreg.gather [hbm4b:s7+s4], $0x80, v30, vm0, $0xb8;
	[tilespmem:$0x1E180] =	vst v63  }
0xfc: {  	s23 =	simm.s32 $0xA500;
	v62 =	vperm.xlane v29, v13;
	v30 =	vadd.s32 v5, v61  }
0xfd: {  	[tilespmem:s23], [sflag:$0x2] =	stream.indirect_vreg.gather [hbm4b:s7+s4], $0x80, v31, vm0, $0xb8;
	[tilespmem:$0x1E180] =	vst v63  }
0xfe: {  	s24 =	simm.s32 $0xA580;
	v63 =	vperm.xlane v29, v14;
	v31 =	vadd.s32 v5, v62  }
0xff: {  	[tilespmem:s24], [sflag:$0x2] =	stream.indirect_vreg.gather [hbm4b:s7+s4], $0x80, v60, vm0, $0xb8;
	[tilespmem:$0x1E180] =	vst v63  }
0x100: {  	s9 =	simm.s32 $0xA600;
	v37 =	vperm.xlane v29, v15;
	v36 =	vadd.s32 v5, v63  }
0x101: {  	[tilespmem:s9], [sflag:$0x2] =	stream.indirect_vreg.gather [hbm4b:s7+s4], $0x80, v30, vm0, $0xb8;
	[tilespmem:$0x1E180] =	vst v63  }
0x102: {  	s14 =	simm.s32 $0xA680;
	v38 =	vperm.xlane v29, v16;
	v30 =	vadd.s32 v5, v37  }
0x103: {  	[tilespmem:s14], [sflag:$0x2] =	stream.indirect_vreg.gather [hbm4b:s7+s4], $0x80, v31, vm0, $0xb8;
	[tilespmem:$0x1E180] =	vst v63  }
0x104: {  	s15 =	simm.s32 $0xA700;
	v39 =	vperm.xlane v29, v17;
	v31 =	vadd.s32 v5, v38  }
0x105: {  	[tilespmem:s15], [sflag:$0x2] =	stream.indirect_vreg.gather [hbm4b:s7+s4], $0x80, v36, vm0, $0xb8;
	[tilespmem:$0x1E180] =	vst v63  }
0x106: {  	v29 =	vperm.xlane v29, v18;
	v40 =	vadd.s32 v5, v39;
	s16 =	simm.s32 $0xA780  }
0x107: {  	[tilespmem:s16], [sflag:$0x2] =	stream.indirect_vreg.gather [hbm4b:s7+s4], $0x80, v30, vm0, $0xb8;
	[tilespmem:$0x1E180] =	vst v63  }
0x108: {  	v29 =	vadd.s32 v5, v29;
	s17 =	simm.s32 $0xA800  }
0x109: {  	[tilespmem:s17], [sflag:$0x2] =	stream.indirect_vreg.gather [hbm4b:s7+s4], $0x80, v31, vm0, $0xb8;
	[tilespmem:$0x1E180] =	vst v63  }
0x10a: {  	s18 =	simm.s32 $0xA880  }
0x10b: {  	[tilespmem:s18], [sflag:$0x2] =	stream.indirect_vreg.gather [hbm4b:s7+s4], $0x80, v40, vm0, $0xb8;
	[tilespmem:$0x1E180] =	vst v63  }
0x10c: {  	s19 =	simm.s32 $0xA900  }
0x10d: {  	[tilespmem:s19], [sflag:$0x2] =	stream.indirect_vreg.gather [hbm4b:s7+s4], $0x80, v29, vm0, $0xb8;
	[tilespmem:$0x1E180] =	vst v63  }
0x10e: {  	v29 =	vld [tilespmem:s20+$0xD0];
	_ =	sdelay $0x4  }
0x10f: {  	v30 =	vshll.u32 v29, $0x5  }
0x110: {  	v29 =	vand.u32 $0x7, v29;
	v30 =	vand.u32 $0xFFFFFF00, v30  }
0x111: {  	v29 =	vor.u32 v29, v30  }
0x112: {  	v30 =	vperm.xlane v29, v3;
	_ =	sdelay $0x1  }
0x113: {  	v31 =	vperm.xlane v29, v6;
	v30 =	vadd.s32 v5, v30;
	_ =	sdelay $0x1  }
0x114: {  	v41 =	vperm.xlane v29, v7;
	v31 =	vadd.s32 v5, v31;
	_ =	sdelay $0x1  }
0x115: {  	s21 =	simm.s32 $0xA980;
	v42 =	vperm.xlane v29, v8;
	v32 =	vadd.s32 v5, v41  }
0x116: {  	[tilespmem:s21], [sflag:$0x2] =	stream.indirect_vreg.gather [hbm4b:s7+s4], $0x80, v30, vm0, $0xb8;
	[tilespmem:$0x1E180] =	vst v63  }
0x117: {  	s22 =	simm.s32 $0xAA00;
	v43 =	vperm.xlane v29, v9;
	v30 =	vadd.s32 v5, v42  }
0x118: {  	[tilespmem:s22], [sflag:$0x2] =	stream.indirect_vreg.gather [hbm4b:s7+s4], $0x80, v31, vm0, $0xb8;
	[tilespmem:$0x1E180] =	vst v63  }
0x119: {  	s23 =	simm.s32 $0xAA80;
	v44 =	vperm.xlane v29, v2;
	v31 =	vadd.s32 v5, v43  }
0x11a: {  	[tilespmem:s23], [sflag:$0x2] =	stream.indirect_vreg.gather [hbm4b:s7+s4], $0x80, v32, vm0, $0xb8;
	[tilespmem:$0x1E180] =	vst v63  }
0x11b: {  	s24 =	simm.s32 $0xAB00;
	v46 =	vperm.xlane v29, v10;
	v45 =	vadd.s32 v5, v44  }
0x11c: {  	[tilespmem:s24], [sflag:$0x2] =	stream.indirect_vreg.gather [hbm4b:s7+s4], $0x80, v30, vm0, $0xb8;
	[tilespmem:$0x1E180] =	vst v63  }
0x11d: {  	s9 =	simm.s32 $0xAB80;
	v47 =	vperm.xlane v29, v1;
	v30 =	vadd.s32 v5, v46  }
0x11e: {  	[tilespmem:s9], [sflag:$0x2] =	stream.indirect_vreg.gather [hbm4b:s7+s4], $0x80, v31, vm0, $0xb8;
	[tilespmem:$0x1E180] =	vst v63  }
0x11f: {  	s14 =	simm.s32 $0xAC00;
	v48 =	vperm.xlane v29, v11;
	v31 =	vadd.s32 v5, v47  }
0x120: {  	[tilespmem:s14], [sflag:$0x2] =	stream.indirect_vreg.gather [hbm4b:s7+s4], $0x80, v45, vm0, $0xb8;
	[tilespmem:$0x1E180] =	vst v63  }
0x121: {  	s15 =	simm.s32 $0xAC80;
	v50 =	vperm.xlane v29, v12;
	v49 =	vadd.s32 v5, v48  }
0x122: {  	[tilespmem:s15], [sflag:$0x2] =	stream.indirect_vreg.gather [hbm4b:s7+s4], $0x80, v30, vm0, $0xb8;
	[tilespmem:$0x1E180] =	vst v63  }
0x123: {  	s16 =	simm.s32 $0xAD00;
	v51 =	vperm.xlane v29, v13;
	v30 =	vadd.s32 v5, v50  }
0x124: {  	[tilespmem:s16], [sflag:$0x2] =	stream.indirect_vreg.gather [hbm4b:s7+s4], $0x80, v31, vm0, $0xb8;
	[tilespmem:$0x1E180] =	vst v63  }
0x125: {  	s17 =	simm.s32 $0xAD80;
	v52 =	vperm.xlane v29, v14;
	v31 =	vadd.s32 v5, v51  }
0x126: {  	[tilespmem:s17], [sflag:$0x2] =	stream.indirect_vreg.gather [hbm4b:s7+s4], $0x80, v49, vm0, $0xb8;
	[tilespmem:$0x1E180] =	vst v63  }
0x127: {  	s18 =	simm.s32 $0xAE00;
	v54 =	vperm.xlane v29, v15;
	v53 =	vadd.s32 v5, v52  }
0x128: {  	[tilespmem:s18], [sflag:$0x2] =	stream.indirect_vreg.gather [hbm4b:s7+s4], $0x80, v30, vm0, $0xb8;
	[tilespmem:$0x1E180] =	vst v63  }
0x129: {  	s19 =	simm.s32 $0xAE80;
	v55 =	vperm.xlane v29, v16;
	v30 =	vadd.s32 v5, v54  }
0x12a: {  	[tilespmem:s19], [sflag:$0x2] =	stream.indirect_vreg.gather [hbm4b:s7+s4], $0x80, v31, vm0, $0xb8;
	[tilespmem:$0x1E180] =	vst v63  }
0x12b: {  	v56 =	vperm.xlane v29, v17;
	s21 =	simm.s32 $0xAF00;
	v31 =	vadd.s32 v5, v55  }
0x12c: {  	[tilespmem:s21], [sflag:$0x2] =	stream.indirect_vreg.gather [hbm4b:s7+s4], $0x80, v53, vm0, $0xb8;
	[tilespmem:$0x1E180] =	vst v63  }
0x12d: {  	v29 =	vperm.xlane v29, v18;
	v57 =	vadd.s32 v5, v56;
	s22 =	simm.s32 $0xAF80  }
0x12e: {  	[tilespmem:s22], [sflag:$0x2] =	stream.indirect_vreg.gather [hbm4b:s7+s4], $0x80, v30, vm0, $0xb8;
	[tilespmem:$0x1E180] =	vst v63  }
0x12f: {  	v29 =	vadd.s32 v5, v29;
	s23 =	simm.s32 $0xB000  }
0x130: {  	[tilespmem:s23], [sflag:$0x2] =	stream.indirect_vreg.gather [hbm4b:s7+s4], $0x80, v31, vm0, $0xb8;
	[tilespmem:$0x1E180] =	vst v63  }
0x131: {  	s24 =	simm.s32 $0xB080  }
0x132: {  	[tilespmem:s24], [sflag:$0x2] =	stream.indirect_vreg.gather [hbm4b:s7+s4], $0x80, v57, vm0, $0xb8;
	[tilespmem:$0x1E180] =	vst v63  }
0x133: {  	s9 =	simm.s32 $0xB100  }
0x134: {  	[tilespmem:s9], [sflag:$0x2] =	stream.indirect_vreg.gather [hbm4b:s7+s4], $0x80, v29, vm0, $0xb8;
	[tilespmem:$0x1E180] =	vst v63  }
0x135: {  	v29 =	vld [tilespmem:s20+$0xE0];
	_ =	sdelay $0x4  }
0x136: {  	v30 =	vshll.u32 v29, $0x5  }
0x137: {  	v29 =	vand.u32 $0x7, v29;
	v30 =	vand.u32 $0xFFFFFF00, v30  }
0x138: {  	v29 =	vor.u32 v29, v30  }
0x139: {  	v30 =	vperm.xlane v29, v3;
	_ =	sdelay $0x1  }
0x13a: {  	v31 =	vperm.xlane v29, v6;
	v30 =	vadd.s32 v5, v30;
	_ =	sdelay $0x1  }
0x13b: {  	v58 =	vperm.xlane v29, v7;
	v31 =	vadd.s32 v5, v31;
	_ =	sdelay $0x1  }
0x13c: {  	s14 =	simm.s32 $0xB180;
	v59 =	vperm.xlane v29, v8;
	v32 =	vadd.s32 v5, v58  }
0x13d: {  	[tilespmem:s14], [sflag:$0x2] =	stream.indirect_vreg.gather [hbm4b:s7+s4], $0x80, v30, vm0, $0xb8;
	[tilespmem:$0x1E180] =	vst v63  }
0x13e: {  	s15 =	simm.s32 $0xB200;
	v60 =	vperm.xlane v29, v9;
	v30 =	vadd.s32 v5, v59  }
0x13f: {  	[tilespmem:s15], [sflag:$0x2] =	stream.indirect_vreg.gather [hbm4b:s7+s4], $0x80, v31, vm0, $0xb8;
	[tilespmem:$0x1E180] =	vst v63  }
0x140: {  	s16 =	simm.s32 $0xB280;
	v61 =	vperm.xlane v29, v2;
	v31 =	vadd.s32 v5, v60  }
0x141: {  	[tilespmem:s16], [sflag:$0x2] =	stream.indirect_vreg.gather [hbm4b:s7+s4], $0x80, v32, vm0, $0xb8;
	[tilespmem:$0x1E180] =	vst v63  }
0x142: {  	s17 =	simm.s32 $0xB300;
	v63 =	vperm.xlane v29, v10;
	v62 =	vadd.s32 v5, v61  }
0x143: {  	[tilespmem:s17], [sflag:$0x2] =	stream.indirect_vreg.gather [hbm4b:s7+s4], $0x80, v30, vm0, $0xb8;
	[tilespmem:$0x1E180] =	vst v63  }
0x144: {  	s18 =	simm.s32 $0xB380;
	v36 =	vperm.xlane v29, v1;
	v30 =	vadd.s32 v5, v63  }
0x145: {  	[tilespmem:s18], [sflag:$0x2] =	stream.indirect_vreg.gather [hbm4b:s7+s4], $0x80, v31, vm0, $0xb8;
	[tilespmem:$0x1E180] =	vst v63  }
0x146: {  	s19 =	simm.s32 $0xB400;
	v37 =	vperm.xlane v29, v11;
	v31 =	vadd.s32 v5, v36  }
0x147: {  	[tilespmem:s19], [sflag:$0x2] =	stream.indirect_vreg.gather [hbm4b:s7+s4], $0x80, v62, vm0, $0xb8;
	[tilespmem:$0x1E180] =	vst v63  }
0x148: {  	s21 =	simm.s32 $0xB480;
	v39 =	vperm.xlane v29, v12;
	v38 =	vadd.s32 v5, v37  }
0x149: {  	[tilespmem:s21], [sflag:$0x2] =	stream.indirect_vreg.gather [hbm4b:s7+s4], $0x80, v30, vm0, $0xb8;
	[tilespmem:$0x1E180] =	vst v63  }
0x14a: {  	s22 =	simm.s32 $0xB500;
	v40 =	vperm.xlane v29, v13;
	v30 =	vadd.s32 v5, v39  }
0x14b: {  	[tilespmem:s22], [sflag:$0x2] =	stream.indirect_vreg.gather [hbm4b:s7+s4], $0x80, v31, vm0, $0xb8;
	[tilespmem:$0x1E180] =	vst v63  }
0x14c: {  	s23 =	simm.s32 $0xB580;
	v41 =	vperm.xlane v29, v14;
	v31 =	vadd.s32 v5, v40  }
0x14d: {  	[tilespmem:s23], [sflag:$0x2] =	stream.indirect_vreg.gather [hbm4b:s7+s4], $0x80, v38, vm0, $0xb8;
	[tilespmem:$0x1E180] =	vst v63  }
0x14e: {  	s24 =	simm.s32 $0xB600;
	v43 =	vperm.xlane v29, v15;
	v42 =	vadd.s32 v5, v41  }
0x14f: {  	[tilespmem:s24], [sflag:$0x2] =	stream.indirect_vreg.gather [hbm4b:s7+s4], $0x80, v30, vm0, $0xb8;
	[tilespmem:$0x1E180] =	vst v63  }
0x150: {  	s9 =	simm.s32 $0xB680;
	v44 =	vperm.xlane v29, v16;
	v30 =	vadd.s32 v5, v43  }
0x151: {  	[tilespmem:s9], [sflag:$0x2] =	stream.indirect_vreg.gather [hbm4b:s7+s4], $0x80, v31, vm0, $0xb8;
	[tilespmem:$0x1E180] =	vst v63  }
0x152: {  	v45 =	vperm.xlane v29, v17;
	s14 =	simm.s32 $0xB700;
	v31 =	vadd.s32 v5, v44  }
0x153: {  	[tilespmem:s14], [sflag:$0x2] =	stream.indirect_vreg.gather [hbm4b:s7+s4], $0x80, v42, vm0, $0xb8;
	[tilespmem:$0x1E180] =	vst v63  }
0x154: {  	v29 =	vperm.xlane v29, v18;
	v46 =	vadd.s32 v5, v45;
	s15 =	simm.s32 $0xB780  }
0x155: {  	[tilespmem:s15], [sflag:$0x2] =	stream.indirect_vreg.gather [hbm4b:s7+s4], $0x80, v30, vm0, $0xb8;
	[tilespmem:$0x1E180] =	vst v63  }
0x156: {  	v29 =	vadd.s32 v5, v29;
	s16 =	simm.s32 $0xB800  }
0x157: {  	[tilespmem:s16], [sflag:$0x2] =	stream.indirect_vreg.gather [hbm4b:s7+s4], $0x80, v31, vm0, $0xb8;
	[tilespmem:$0x1E180] =	vst v63  }
0x158: {  	s17 =	simm.s32 $0xB880  }
0x159: {  	[tilespmem:s17], [sflag:$0x2] =	stream.indirect_vreg.gather [hbm4b:s7+s4], $0x80, v46, vm0, $0xb8;
	[tilespmem:$0x1E180] =	vst v63  }
0x15a: {  	s18 =	simm.s32 $0xB900  }
0x15b: {  	[tilespmem:s18], [sflag:$0x2] =	stream.indirect_vreg.gather [hbm4b:s7+s4], $0x80, v29, vm0, $0xb8;
	[tilespmem:$0x1E180] =	vst v63  }
0x15c: {  	v29 =	vld [tilespmem:s20+$0xF0];
	_ =	sdelay $0x4  }
0x15d: {  	v30 =	vshll.u32 v29, $0x5  }
0x15e: {  	v29 =	vand.u32 $0x7, v29;
	v30 =	vand.u32 $0xFFFFFF00, v30  }
0x15f: {  	v29 =	vor.u32 v29, v30  }
0x160: {  	v30 =	vperm.xlane v29, v3;
	_ =	sdelay $0x1  }
0x161: {  	v31 =	vperm.xlane v29, v6;
	v30 =	vadd.s32 v5, v30;
	_ =	sdelay $0x1  }
0x162: {  	v47 =	vperm.xlane v29, v7;
	v31 =	vadd.s32 v5, v31;
	_ =	sdelay $0x1  }
0x163: {  	s19 =	simm.s32 $0xB980;
	v48 =	vperm.xlane v29, v8;
	v32 =	vadd.s32 v5, v47  }
0x164: {  	[tilespmem:s19], [sflag:$0x2] =	stream.indirect_vreg.gather [hbm4b:s7+s4], $0x80, v30, vm0, $0xb8;
	[tilespmem:$0x1E180] =	vst v63  }
0x165: {  	s21 =	simm.s32 $0xBA00;
	v49 =	vperm.xlane v29, v9;
	v30 =	vadd.s32 v5, v48  }
0x166: {  	[tilespmem:s21], [sflag:$0x2] =	stream.indirect_vreg.gather [hbm4b:s7+s4], $0x80, v31, vm0, $0xb8;
	[tilespmem:$0x1E180] =	vst v63  }
0x167: {  	s22 =	simm.s32 $0xBA80;
	v50 =	vperm.xlane v29, v2;
	v31 =	vadd.s32 v5, v49  }
0x168: {  	[tilespmem:s22], [sflag:$0x2] =	stream.indirect_vreg.gather [hbm4b:s7+s4], $0x80, v32, vm0, $0xb8;
	[tilespmem:$0x1E180] =	vst v63  }
0x169: {  	s23 =	simm.s32 $0xBB00;
	v52 =	vperm.xlane v29, v10;
	v51 =	vadd.s32 v5, v50  }
0x16a: {  	[tilespmem:s23], [sflag:$0x2] =	stream.indirect_vreg.gather [hbm4b:s7+s4], $0x80, v30, vm0, $0xb8;
	[tilespmem:$0x1E180] =	vst v63  }
0x16b: {  	s24 =	simm.s32 $0xBB80;
	v53 =	vperm.xlane v29, v1;
	v30 =	vadd.s32 v5, v52  }
0x16c: {  	[tilespmem:s24], [sflag:$0x2] =	stream.indirect_vreg.gather [hbm4b:s7+s4], $0x80, v31, vm0, $0xb8;
	[tilespmem:$0x1E180] =	vst v63  }
0x16d: {  	s9 =	simm.s32 $0xBC00;
	v54 =	vperm.xlane v29, v11;
	v31 =	vadd.s32 v5, v53  }
0x16e: {  	[tilespmem:s9], [sflag:$0x2] =	stream.indirect_vreg.gather [hbm4b:s7+s4], $0x80, v51, vm0, $0xb8;
	[tilespmem:$0x1E180] =	vst v63  }
0x16f: {  	s14 =	simm.s32 $0xBC80;
	v56 =	vperm.xlane v29, v12;
	v55 =	vadd.s32 v5, v54  }
0x170: {  	[tilespmem:s14], [sflag:$0x2] =	stream.indirect_vreg.gather [hbm4b:s7+s4], $0x80, v30, vm0, $0xb8;
	[tilespmem:$0x1E180] =	vst v63  }
0x171: {  	s15 =	simm.s32 $0xBD00;
	v57 =	vperm.xlane v29, v13;
	v30 =	vadd.s32 v5, v56  }
0x172: {  	[tilespmem:s15], [sflag:$0x2] =	stream.indirect_vreg.gather [hbm4b:s7+s4], $0x80, v31, vm0, $0xb8;
	[tilespmem:$0x1E180] =	vst v63  }
0x173: {  	s16 =	simm.s32 $0xBD80;
	v58 =	vperm.xlane v29, v14;
	v31 =	vadd.s32 v5, v57  }
0x174: {  	[tilespmem:s16], [sflag:$0x2] =	stream.indirect_vreg.gather [hbm4b:s7+s4], $0x80, v55, vm0, $0xb8;
	[tilespmem:$0x1E180] =	vst v63  }
0x175: {  	s17 =	simm.s32 $0xBE00;
	v60 =	vperm.xlane v29, v15;
	v59 =	vadd.s32 v5, v58  }
0x176: {  	[tilespmem:s17], [sflag:$0x2] =	stream.indirect_vreg.gather [hbm4b:s7+s4], $0x80, v30, vm0, $0xb8;
	[tilespmem:$0x1E180] =	vst v63  }
0x177: {  	s18 =	simm.s32 $0xBE80;
	v61 =	vperm.xlane v29, v16;
	v30 =	vadd.s32 v5, v60  }
0x178: {  	[tilespmem:s18], [sflag:$0x2] =	stream.indirect_vreg.gather [hbm4b:s7+s4], $0x80, v31, vm0, $0xb8;
	[tilespmem:$0x1E180] =	vst v63  }
0x179: {  	s19 =	simm.s32 $0xBF00;
	v31 =	vadd.s32 v5, v61  }
0x17a: {  	v62 =	vperm.xlane v29, v17;
	[tilespmem:s19], [sflag:$0x2] =	stream.indirect_vreg.gather [hbm4b:s7+s4], $0x80, v59, vm0, $0xb8;
	[tilespmem:$0x1E180] =	vst v63  }
0x17b: {  	s21 =	simm.s32 $0xBF80  }
0x17c: {  	v29 =	vperm.xlane v29, v18;
	v63 =	vadd.s32 v5, v62;
	[tilespmem:s21], [sflag:$0x2] =	stream.indirect_vreg.gather [hbm4b:s7+s4], $0x80, v30, vm0, $0xb8;
	[tilespmem:$0x1E180] =	vst v63  }
0x17d: {  	p1 =	slt.u32 s12, $0x3;
	s22 =	simm.s32 $0xC000  }
0x17e: {  	v29 =	vadd.s32 v5, v29;
	[tilespmem:s22], [sflag:$0x2] =	stream.indirect_vreg.gather [hbm4b:s7+s4], $0x80, v31, vm0, $0xb8;
	[tilespmem:$0x1E180] =	vst v63  }
.Ltmp7:
0x17f: {  	_ = 	snop;
	(pc) =	sbr.rel @p1 .LBB2_8-.Ltmp7, $4  }
0x180: {  	s23 =	simm.s32 $0xC080  }
0x181: {  	[tilespmem:s23], [sflag:$0x2] =	stream.indirect_vreg.gather [hbm4b:s7+s4], $0x80, v63, vm0, $0xb8;
	[tilespmem:$0x1E180] =	vst v63  }
0x182: {  	s24 =	simm.s32 $0xC100  }
0x183: {  	[tilespmem:s24], [sflag:$0x2] =	stream.indirect_vreg.gather [hbm4b:s7+s4], $0x80, v29, vm0, $0xb8;
	[tilespmem:$0x1E180] =	vst v63  }
0x184: {  	v29 =	vld [tilespmem:s20+$0x100];
	_ =	sdelay $0x4  }
0x185: {  	v30 =	vshll.u32 v29, $0x5  }
0x186: {  	v29 =	vand.u32 $0x7, v29;
	v30 =	vand.u32 $0xFFFFFF00, v30  }
0x187: {  	v29 =	vor.u32 v29, v30  }
0x188: {  	v30 =	vperm.xlane v29, v3;
	_ =	sdelay $0x1  }
0x189: {  	v31 =	vperm.xlane v29, v6;
	v30 =	vadd.s32 v5, v30;
	_ =	sdelay $0x1  }
0x18a: {  	v32 =	vperm.xlane v29, v7;
	v31 =	vadd.s32 v5, v31;
	_ =	sdelay $0x1  }
0x18b: {  	s2 =	simm.s32 $0xC180;
	v33 =	vperm.xlane v29, v8;
	v32 =	vadd.s32 v5, v32  }
0x18c: {  	[tilespmem:s2], [sflag:$0x3] =	stream.indirect_vreg.gather [hbm4b:s7+s4], $0x80, v30, vm0, $0xb8;
	[tilespmem:$0x1E180] =	vst v63  }
0x18d: {  	s16 =	simm.s32 $0xC200;
	v54 =	vperm.xlane v29, v9;
	v30 =	vadd.s32 v5, v33  }
0x18e: {  	[tilespmem:s16], [sflag:$0x3] =	stream.indirect_vreg.gather [hbm4b:s7+s4], $0x80, v31, vm0, $0xb8;
	[tilespmem:$0x1E180] =	vst v63  }
0x18f: {  	s17 =	simm.s32 $0xC280;
	v55 =	vperm.xlane v29, v2;
	v31 =	vadd.s32 v5, v54  }
0x190: {  	[tilespmem:s17], [sflag:$0x3] =	stream.indirect_vreg.gather [hbm4b:s7+s4], $0x80, v32, vm0, $0xb8;
	[tilespmem:$0x1E180] =	vst v63  }
0x191: {  	s18 =	simm.s32 $0xC300;
	v57 =	vperm.xlane v29, v10;
	v56 =	vadd.s32 v5, v55  }
0x192: {  	[tilespmem:s18], [sflag:$0x3] =	stream.indirect_vreg.gather [hbm4b:s7+s4], $0x80, v30, vm0, $0xb8;
	[tilespmem:$0x1E180] =	vst v63  }
0x193: {  	s19 =	simm.s32 $0xC380;
	v58 =	vperm.xlane v29, v1;
	v30 =	vadd.s32 v5, v57  }
0x194: {  	[tilespmem:s19], [sflag:$0x3] =	stream.indirect_vreg.gather [hbm4b:s7+s4], $0x80, v31, vm0, $0xb8;
	[tilespmem:$0x1E180] =	vst v63  }
0x195: {  	s21 =	simm.s32 $0xC400;
	v59 =	vperm.xlane v29, v11;
	v31 =	vadd.s32 v5, v58  }
0x196: {  	[tilespmem:s21], [sflag:$0x3] =	stream.indirect_vreg.gather [hbm4b:s7+s4], $0x80, v56, vm0, $0xb8;
	[tilespmem:$0x1E180] =	vst v63  }
0x197: {  	s22 =	simm.s32 $0xC480;
	v61 =	vperm.xlane v29, v12;
	v60 =	vadd.s32 v5, v59  }
0x198: {  	[tilespmem:s22], [sflag:$0x3] =	stream.indirect_vreg.gather [hbm4b:s7+s4], $0x80, v30, vm0, $0xb8;
	[tilespmem:$0x1E180] =	vst v63  }
0x199: {  	s23 =	simm.s32 $0xC500;
	v62 =	vperm.xlane v29, v13;
	v30 =	vadd.s32 v5, v61  }
0x19a: {  	[tilespmem:s23], [sflag:$0x3] =	stream.indirect_vreg.gather [hbm4b:s7+s4], $0x80, v31, vm0, $0xb8;
	[tilespmem:$0x1E180] =	vst v63  }
0x19b: {  	s24 =	simm.s32 $0xC580;
	v63 =	vperm.xlane v29, v14;
	v31 =	vadd.s32 v5, v62  }
0x19c: {  	[tilespmem:s24], [sflag:$0x3] =	stream.indirect_vreg.gather [hbm4b:s7+s4], $0x80, v60, vm0, $0xb8;
	[tilespmem:$0x1E180] =	vst v63  }
0x19d: {  	s9 =	simm.s32 $0xC600;
	v37 =	vperm.xlane v29, v15;
	v36 =	vadd.s32 v5, v63  }
0x19e: {  	[tilespmem:s9], [sflag:$0x3] =	stream.indirect_vreg.gather [hbm4b:s7+s4], $0x80, v30, vm0, $0xb8;
	[tilespmem:$0x1E180] =	vst v63  }
0x19f: {  	s14 =	simm.s32 $0xC680;
	v38 =	vperm.xlane v29, v16;
	v30 =	vadd.s32 v5, v37  }
0x1a0: {  	[tilespmem:s14], [sflag:$0x3] =	stream.indirect_vreg.gather [hbm4b:s7+s4], $0x80, v31, vm0, $0xb8;
	[tilespmem:$0x1E180] =	vst v63  }
0x1a1: {  	s15 =	simm.s32 $0xC700;
	v39 =	vperm.xlane v29, v17;
	v31 =	vadd.s32 v5, v38  }
0x1a2: {  	[tilespmem:s15], [sflag:$0x3] =	stream.indirect_vreg.gather [hbm4b:s7+s4], $0x80, v36, vm0, $0xb8;
	[tilespmem:$0x1E180] =	vst v63  }
0x1a3: {  	v29 =	vperm.xlane v29, v18;
	v40 =	vadd.s32 v5, v39;
	s16 =	simm.s32 $0xC780  }
0x1a4: {  	[tilespmem:s16], [sflag:$0x3] =	stream.indirect_vreg.gather [hbm4b:s7+s4], $0x80, v30, vm0, $0xb8;
	[tilespmem:$0x1E180] =	vst v63  }
0x1a5: {  	v29 =	vadd.s32 v5, v29;
	s17 =	simm.s32 $0xC800  }
0x1a6: {  	[tilespmem:s17], [sflag:$0x3] =	stream.indirect_vreg.gather [hbm4b:s7+s4], $0x80, v31, vm0, $0xb8;
	[tilespmem:$0x1E180] =	vst v63  }
0x1a7: {  	s18 =	simm.s32 $0xC880  }
0x1a8: {  	[tilespmem:s18], [sflag:$0x3] =	stream.indirect_vreg.gather [hbm4b:s7+s4], $0x80, v40, vm0, $0xb8;
	[tilespmem:$0x1E180] =	vst v63  }
0x1a9: {  	s19 =	simm.s32 $0xC900  }
0x1aa: {  	[tilespmem:s19], [sflag:$0x3] =	stream.indirect_vreg.gather [hbm4b:s7+s4], $0x80, v29, vm0, $0xb8;
	[tilespmem:$0x1E180] =	vst v63  }
0x1ab: {  	v29 =	vld [tilespmem:s20+$0x110];
	_ =	sdelay $0x4  }
0x1ac: {  	v30 =	vshll.u32 v29, $0x5  }
0x1ad: {  	v29 =	vand.u32 $0x7, v29;
	v30 =	vand.u32 $0xFFFFFF00, v30  }
0x1ae: {  	v29 =	vor.u32 v29, v30  }
0x1af: {  	v30 =	vperm.xlane v29, v3;
	_ =	sdelay $0x1  }
0x1b0: {  	v31 =	vperm.xlane v29, v6;
	v30 =	vadd.s32 v5, v30;
	_ =	sdelay $0x1  }
0x1b1: {  	v41 =	vperm.xlane v29, v7;
	v31 =	vadd.s32 v5, v31;
	_ =	sdelay $0x1  }
0x1b2: {  	s21 =	simm.s32 $0xC980;
	v42 =	vperm.xlane v29, v8;
	v32 =	vadd.s32 v5, v41  }
0x1b3: {  	[tilespmem:s21], [sflag:$0x3] =	stream.indirect_vreg.gather [hbm4b:s7+s4], $0x80, v30, vm0, $0xb8;
	[tilespmem:$0x1E180] =	vst v63  }
0x1b4: {  	s22 =	simm.s32 $0xCA00;
	v43 =	vperm.xlane v29, v9;
	v30 =	vadd.s32 v5, v42  }
0x1b5: {  	[tilespmem:s22], [sflag:$0x3] =	stream.indirect_vreg.gather [hbm4b:s7+s4], $0x80, v31, vm0, $0xb8;
	[tilespmem:$0x1E180] =	vst v63  }
0x1b6: {  	s23 =	simm.s32 $0xCA80;
	v44 =	vperm.xlane v29, v2;
	v31 =	vadd.s32 v5, v43  }
0x1b7: {  	[tilespmem:s23], [sflag:$0x3] =	stream.indirect_vreg.gather [hbm4b:s7+s4], $0x80, v32, vm0, $0xb8;
	[tilespmem:$0x1E180] =	vst v63  }
0x1b8: {  	s24 =	simm.s32 $0xCB00;
	v46 =	vperm.xlane v29, v10;
	v45 =	vadd.s32 v5, v44  }
0x1b9: {  	[tilespmem:s24], [sflag:$0x3] =	stream.indirect_vreg.gather [hbm4b:s7+s4], $0x80, v30, vm0, $0xb8;
	[tilespmem:$0x1E180] =	vst v63  }
0x1ba: {  	s9 =	simm.s32 $0xCB80;
	v47 =	vperm.xlane v29, v1;
	v30 =	vadd.s32 v5, v46  }
0x1bb: {  	[tilespmem:s9], [sflag:$0x3] =	stream.indirect_vreg.gather [hbm4b:s7+s4], $0x80, v31, vm0, $0xb8;
	[tilespmem:$0x1E180] =	vst v63  }
0x1bc: {  	s14 =	simm.s32 $0xCC00;
	v48 =	vperm.xlane v29, v11;
	v31 =	vadd.s32 v5, v47  }
0x1bd: {  	[tilespmem:s14], [sflag:$0x3] =	stream.indirect_vreg.gather [hbm4b:s7+s4], $0x80, v45, vm0, $0xb8;
	[tilespmem:$0x1E180] =	vst v63  }
0x1be: {  	s15 =	simm.s32 $0xCC80;
	v50 =	vperm.xlane v29, v12;
	v49 =	vadd.s32 v5, v48  }
0x1bf: {  	[tilespmem:s15], [sflag:$0x3] =	stream.indirect_vreg.gather [hbm4b:s7+s4], $0x80, v30, vm0, $0xb8;
	[tilespmem:$0x1E180] =	vst v63  }
0x1c0: {  	s16 =	simm.s32 $0xCD00;
	v51 =	vperm.xlane v29, v13;
	v30 =	vadd.s32 v5, v50  }
0x1c1: {  	[tilespmem:s16], [sflag:$0x3] =	stream.indirect_vreg.gather [hbm4b:s7+s4], $0x80, v31, vm0, $0xb8;
	[tilespmem:$0x1E180] =	vst v63  }
0x1c2: {  	s17 =	simm.s32 $0xCD80;
	v52 =	vperm.xlane v29, v14;
	v31 =	vadd.s32 v5, v51  }
0x1c3: {  	[tilespmem:s17], [sflag:$0x3] =	stream.indirect_vreg.gather [hbm4b:s7+s4], $0x80, v49, vm0, $0xb8;
	[tilespmem:$0x1E180] =	vst v63  }
0x1c4: {  	s18 =	simm.s32 $0xCE00;
	v54 =	vperm.xlane v29, v15;
	v53 =	vadd.s32 v5, v52  }
0x1c5: {  	[tilespmem:s18], [sflag:$0x3] =	stream.indirect_vreg.gather [hbm4b:s7+s4], $0x80, v30, vm0, $0xb8;
	[tilespmem:$0x1E180] =	vst v63  }
0x1c6: {  	s19 =	simm.s32 $0xCE80;
	v55 =	vperm.xlane v29, v16;
	v30 =	vadd.s32 v5, v54  }
0x1c7: {  	[tilespmem:s19], [sflag:$0x3] =	stream.indirect_vreg.gather [hbm4b:s7+s4], $0x80, v31, vm0, $0xb8;
	[tilespmem:$0x1E180] =	vst v63  }
0x1c8: {  	v56 =	vperm.xlane v29, v17;
	s21 =	simm.s32 $0xCF00;
	v31 =	vadd.s32 v5, v55  }
0x1c9: {  	[tilespmem:s21], [sflag:$0x3] =	stream.indirect_vreg.gather [hbm4b:s7+s4], $0x80, v53, vm0, $0xb8;
	[tilespmem:$0x1E180] =	vst v63  }
0x1ca: {  	v29 =	vperm.xlane v29, v18;
	v57 =	vadd.s32 v5, v56;
	s22 =	simm.s32 $0xCF80  }
0x1cb: {  	[tilespmem:s22], [sflag:$0x3] =	stream.indirect_vreg.gather [hbm4b:s7+s4], $0x80, v30, vm0, $0xb8;
	[tilespmem:$0x1E180] =	vst v63  }
0x1cc: {  	v29 =	vadd.s32 v5, v29;
	s23 =	simm.s32 $0xD000  }
0x1cd: {  	[tilespmem:s23], [sflag:$0x3] =	stream.indirect_vreg.gather [hbm4b:s7+s4], $0x80, v31, vm0, $0xb8;
	[tilespmem:$0x1E180] =	vst v63  }
0x1ce: {  	s24 =	simm.s32 $0xD080  }
0x1cf: {  	[tilespmem:s24], [sflag:$0x3] =	stream.indirect_vreg.gather [hbm4b:s7+s4], $0x80, v57, vm0, $0xb8;
	[tilespmem:$0x1E180] =	vst v63  }
0x1d0: {  	s9 =	simm.s32 $0xD100  }
0x1d1: {  	[tilespmem:s9], [sflag:$0x3] =	stream.indirect_vreg.gather [hbm4b:s7+s4], $0x80, v29, vm0, $0xb8;
	[tilespmem:$0x1E180] =	vst v63  }
0x1d2: {  	v29 =	vld [tilespmem:s20+$0x120];
	_ =	sdelay $0x4  }
0x1d3: {  	v30 =	vshll.u32 v29, $0x5  }
0x1d4: {  	v29 =	vand.u32 $0x7, v29;
	v30 =	vand.u32 $0xFFFFFF00, v30  }
0x1d5: {  	v29 =	vor.u32 v29, v30  }
0x1d6: {  	v30 =	vperm.xlane v29, v3;
	_ =	sdelay $0x1  }
0x1d7: {  	v31 =	vperm.xlane v29, v6;
	v30 =	vadd.s32 v5, v30;
	_ =	sdelay $0x1  }
0x1d8: {  	v58 =	vperm.xlane v29, v7;
	v31 =	vadd.s32 v5, v31;
	_ =	sdelay $0x1  }
0x1d9: {  	s14 =	simm.s32 $0xD180;
	v59 =	vperm.xlane v29, v8;
	v32 =	vadd.s32 v5, v58  }
0x1da: {  	[tilespmem:s14], [sflag:$0x3] =	stream.indirect_vreg.gather [hbm4b:s7+s4], $0x80, v30, vm0, $0xb8;
	[tilespmem:$0x1E180] =	vst v63  }
0x1db: {  	s15 =	simm.s32 $0xD200;
	v60 =	vperm.xlane v29, v9;
	v30 =	vadd.s32 v5, v59  }
0x1dc: {  	[tilespmem:s15], [sflag:$0x3] =	stream.indirect_vreg.gather [hbm4b:s7+s4], $0x80, v31, vm0, $0xb8;
	[tilespmem:$0x1E180] =	vst v63  }
0x1dd: {  	s16 =	simm.s32 $0xD280;
	v61 =	vperm.xlane v29, v2;
	v31 =	vadd.s32 v5, v60  }
0x1de: {  	[tilespmem:s16], [sflag:$0x3] =	stream.indirect_vreg.gather [hbm4b:s7+s4], $0x80, v32, vm0, $0xb8;
	[tilespmem:$0x1E180] =	vst v63  }
0x1df: {  	s17 =	simm.s32 $0xD300;
	v63 =	vperm.xlane v29, v10;
	v62 =	vadd.s32 v5, v61  }
0x1e0: {  	[tilespmem:s17], [sflag:$0x3] =	stream.indirect_vreg.gather [hbm4b:s7+s4], $0x80, v30, vm0, $0xb8;
	[tilespmem:$0x1E180] =	vst v63  }
0x1e1: {  	s18 =	simm.s32 $0xD380;
	v36 =	vperm.xlane v29, v1;
	v30 =	vadd.s32 v5, v63  }
0x1e2: {  	[tilespmem:s18], [sflag:$0x3] =	stream.indirect_vreg.gather [hbm4b:s7+s4], $0x80, v31, vm0, $0xb8;
	[tilespmem:$0x1E180] =	vst v63  }
0x1e3: {  	s19 =	simm.s32 $0xD400;
	v37 =	vperm.xlane v29, v11;
	v31 =	vadd.s32 v5, v36  }
0x1e4: {  	[tilespmem:s19], [sflag:$0x3] =	stream.indirect_vreg.gather [hbm4b:s7+s4], $0x80, v62, vm0, $0xb8;
	[tilespmem:$0x1E180] =	vst v63  }
0x1e5: {  	s21 =	simm.s32 $0xD480;
	v39 =	vperm.xlane v29, v12;
	v38 =	vadd.s32 v5, v37  }
0x1e6: {  	[tilespmem:s21], [sflag:$0x3] =	stream.indirect_vreg.gather [hbm4b:s7+s4], $0x80, v30, vm0, $0xb8;
	[tilespmem:$0x1E180] =	vst v63  }
0x1e7: {  	s22 =	simm.s32 $0xD500;
	v40 =	vperm.xlane v29, v13;
	v30 =	vadd.s32 v5, v39  }
0x1e8: {  	[tilespmem:s22], [sflag:$0x3] =	stream.indirect_vreg.gather [hbm4b:s7+s4], $0x80, v31, vm0, $0xb8;
	[tilespmem:$0x1E180] =	vst v63  }
0x1e9: {  	s23 =	simm.s32 $0xD580;
	v41 =	vperm.xlane v29, v14;
	v31 =	vadd.s32 v5, v40  }
0x1ea: {  	[tilespmem:s23], [sflag:$0x3] =	stream.indirect_vreg.gather [hbm4b:s7+s4], $0x80, v38, vm0, $0xb8;
	[tilespmem:$0x1E180] =	vst v63  }
0x1eb: {  	s24 =	simm.s32 $0xD600;
	v43 =	vperm.xlane v29, v15;
	v42 =	vadd.s32 v5, v41  }
0x1ec: {  	[tilespmem:s24], [sflag:$0x3] =	stream.indirect_vreg.gather [hbm4b:s7+s4], $0x80, v30, vm0, $0xb8;
	[tilespmem:$0x1E180] =	vst v63  }
0x1ed: {  	s9 =	simm.s32 $0xD680;
	v44 =	vperm.xlane v29, v16;
	v30 =	vadd.s32 v5, v43  }
0x1ee: {  	[tilespmem:s9], [sflag:$0x3] =	stream.indirect_vreg.gather [hbm4b:s7+s4], $0x80, v31, vm0, $0xb8;
	[tilespmem:$0x1E180] =	vst v63  }
0x1ef: {  	v45 =	vperm.xlane v29, v17;
	s14 =	simm.s32 $0xD700;
	v31 =	vadd.s32 v5, v44  }
0x1f0: {  	[tilespmem:s14], [sflag:$0x3] =	stream.indirect_vreg.gather [hbm4b:s7+s4], $0x80, v42, vm0, $0xb8;
	[tilespmem:$0x1E180] =	vst v63  }
0x1f1: {  	v29 =	vperm.xlane v29, v18;
	v46 =	vadd.s32 v5, v45;
	s15 =	simm.s32 $0xD780  }
0x1f2: {  	[tilespmem:s15], [sflag:$0x3] =	stream.indirect_vreg.gather [hbm4b:s7+s4], $0x80, v30, vm0, $0xb8;
	[tilespmem:$0x1E180] =	vst v63  }
0x1f3: {  	v29 =	vadd.s32 v5, v29;
	s16 =	simm.s32 $0xD800  }
0x1f4: {  	[tilespmem:s16], [sflag:$0x3] =	stream.indirect_vreg.gather [hbm4b:s7+s4], $0x80, v31, vm0, $0xb8;
	[tilespmem:$0x1E180] =	vst v63  }
0x1f5: {  	s17 =	simm.s32 $0xD880  }
0x1f6: {  	[tilespmem:s17], [sflag:$0x3] =	stream.indirect_vreg.gather [hbm4b:s7+s4], $0x80, v46, vm0, $0xb8;
	[tilespmem:$0x1E180] =	vst v63  }
0x1f7: {  	s18 =	simm.s32 $0xD900  }
0x1f8: {  	[tilespmem:s18], [sflag:$0x3] =	stream.indirect_vreg.gather [hbm4b:s7+s4], $0x80, v29, vm0, $0xb8;
	[tilespmem:$0x1E180] =	vst v63  }
0x1f9: {  	v29 =	vld [tilespmem:s20+$0x130];
	_ =	sdelay $0x4  }
0x1fa: {  	v30 =	vshll.u32 v29, $0x5  }
0x1fb: {  	v29 =	vand.u32 $0x7, v29;
	v30 =	vand.u32 $0xFFFFFF00, v30  }
0x1fc: {  	v29 =	vor.u32 v29, v30  }
0x1fd: {  	v30 =	vperm.xlane v29, v3;
	_ =	sdelay $0x1  }
0x1fe: {  	v31 =	vperm.xlane v29, v6;
	v30 =	vadd.s32 v5, v30;
	_ =	sdelay $0x1  }
0x1ff: {  	v47 =	vperm.xlane v29, v7;
	v31 =	vadd.s32 v5, v31;
	_ =	sdelay $0x1  }
0x200: {  	s19 =	simm.s32 $0xD980;
	v48 =	vperm.xlane v29, v8;
	v32 =	vadd.s32 v5, v47  }
0x201: {  	[tilespmem:s19], [sflag:$0x3] =	stream.indirect_vreg.gather [hbm4b:s7+s4], $0x80, v30, vm0, $0xb8;
	[tilespmem:$0x1E180] =	vst v63  }
0x202: {  	s21 =	simm.s32 $0xDA00;
	v49 =	vperm.xlane v29, v9;
	v30 =	vadd.s32 v5, v48  }
0x203: {  	[tilespmem:s21], [sflag:$0x3] =	stream.indirect_vreg.gather [hbm4b:s7+s4], $0x80, v31, vm0, $0xb8;
	[tilespmem:$0x1E180] =	vst v63  }
0x204: {  	s22 =	simm.s32 $0xDA80;
	v50 =	vperm.xlane v29, v2;
	v31 =	vadd.s32 v5, v49  }
0x205: {  	[tilespmem:s22], [sflag:$0x3] =	stream.indirect_vreg.gather [hbm4b:s7+s4], $0x80, v32, vm0, $0xb8;
	[tilespmem:$0x1E180] =	vst v63  }
0x206: {  	s23 =	simm.s32 $0xDB00;
	v52 =	vperm.xlane v29, v10;
	v51 =	vadd.s32 v5, v50  }
0x207: {  	[tilespmem:s23], [sflag:$0x3] =	stream.indirect_vreg.gather [hbm4b:s7+s4], $0x80, v30, vm0, $0xb8;
	[tilespmem:$0x1E180] =	vst v63  }
0x208: {  	s24 =	simm.s32 $0xDB80;
	v53 =	vperm.xlane v29, v1;
	v30 =	vadd.s32 v5, v52  }
0x209: {  	[tilespmem:s24], [sflag:$0x3] =	stream.indirect_vreg.gather [hbm4b:s7+s4], $0x80, v31, vm0, $0xb8;
	[tilespmem:$0x1E180] =	vst v63  }
0x20a: {  	s9 =	simm.s32 $0xDC00;
	v54 =	vperm.xlane v29, v11;
	v31 =	vadd.s32 v5, v53  }
0x20b: {  	[tilespmem:s9], [sflag:$0x3] =	stream.indirect_vreg.gather [hbm4b:s7+s4], $0x80, v51, vm0, $0xb8;
	[tilespmem:$0x1E180] =	vst v63  }
0x20c: {  	s14 =	simm.s32 $0xDC80;
	v56 =	vperm.xlane v29, v12;
	v55 =	vadd.s32 v5, v54  }
0x20d: {  	[tilespmem:s14], [sflag:$0x3] =	stream.indirect_vreg.gather [hbm4b:s7+s4], $0x80, v30, vm0, $0xb8;
	[tilespmem:$0x1E180] =	vst v63  }
0x20e: {  	s15 =	simm.s32 $0xDD00;
	v57 =	vperm.xlane v29, v13;
	v30 =	vadd.s32 v5, v56  }
0x20f: {  	[tilespmem:s15], [sflag:$0x3] =	stream.indirect_vreg.gather [hbm4b:s7+s4], $0x80, v31, vm0, $0xb8;
	[tilespmem:$0x1E180] =	vst v63  }
0x210: {  	s16 =	simm.s32 $0xDD80;
	v58 =	vperm.xlane v29, v14;
	v31 =	vadd.s32 v5, v57  }
0x211: {  	[tilespmem:s16], [sflag:$0x3] =	stream.indirect_vreg.gather [hbm4b:s7+s4], $0x80, v55, vm0, $0xb8;
	[tilespmem:$0x1E180] =	vst v63  }
0x212: {  	s17 =	simm.s32 $0xDE00;
	v60 =	vperm.xlane v29, v15;
	v59 =	vadd.s32 v5, v58  }
0x213: {  	[tilespmem:s17], [sflag:$0x3] =	stream.indirect_vreg.gather [hbm4b:s7+s4], $0x80, v30, vm0, $0xb8;
	[tilespmem:$0x1E180] =	vst v63  }
0x214: {  	s18 =	simm.s32 $0xDE80;
	v61 =	vperm.xlane v29, v16;
	v30 =	vadd.s32 v5, v60  }
0x215: {  	[tilespmem:s18], [sflag:$0x3] =	stream.indirect_vreg.gather [hbm4b:s7+s4], $0x80, v31, vm0, $0xb8;
	[tilespmem:$0x1E180] =	vst v63  }
0x216: {  	v62 =	vperm.xlane v29, v17;
	s19 =	simm.s32 $0xDF00;
	v31 =	vadd.s32 v5, v61  }
0x217: {  	[tilespmem:s19], [sflag:$0x3] =	stream.indirect_vreg.gather [hbm4b:s7+s4], $0x80, v59, vm0, $0xb8;
	[tilespmem:$0x1E180] =	vst v63  }
0x218: {  	v29 =	vperm.xlane v29, v18;
	v63 =	vadd.s32 v5, v62;
	s21 =	simm.s32 $0xDF80  }
0x219: {  	[tilespmem:s21], [sflag:$0x3] =	stream.indirect_vreg.gather [hbm4b:s7+s4], $0x80, v30, vm0, $0xb8;
	[tilespmem:$0x1E180] =	vst v63  }
0x21a: {  	v29 =	vadd.s32 v5, v29;
	s22 =	simm.s32 $0xE000  }
0x21b: {  	[tilespmem:s22], [sflag:$0x3] =	stream.indirect_vreg.gather [hbm4b:s7+s4], $0x80, v31, vm0, $0xb8;
	[tilespmem:$0x1E180] =	vst v63  }
0x21c: {  	s23 =	simm.s32 $0xE080  }
0x21d: {  	[tilespmem:s23], [sflag:$0x3] =	stream.indirect_vreg.gather [hbm4b:s7+s4], $0x80, v63, vm0, $0xb8;
	[tilespmem:$0x1E180] =	vst v63  }
0x21e: {  	s24 =	simm.s32 $0xE100  }
0x21f: {  	[tilespmem:s24], [sflag:$0x3] =	stream.indirect_vreg.gather [hbm4b:s7+s4], $0x80, v29, vm0, $0xb8;
	[tilespmem:$0x1E180] =	vst v63  }
.LBB2_8:
.Ltmp8:
0x220: {  	(pc) =	sbr.rel .LBB2_9-.Ltmp8, $4  }
0x221: {  	_ = 	snop  }
0x222: {  	s2 =	sshll.u32 s13, $0x8  }
0x223: {  	s14 =	simm.s32 $0x0;
	s2 =	sshra.s32 s2, $0x2  }
0x224: {  	v29 =	vmov s5;
	v30 =	vbroadcast v27, $0x0;
	v31 =	vbroadcast v28, $0x0;
	s15 =	simm.s32 $0x8180;
	s16 =	smov.u32 s20;
	s21 =	sadd.s32 $0x4100, s2  }
.LBB2_13:
0x225: {  	s14 =	sadd.s32 $0x1, s14  }
0x226: {  	p1 =	sne.s32 s14, s12  }
.Ltmp9:
0x227: {  	_ = 	snop;
	(pc) =	sbr.rel @!p1 .LBB2_14-.Ltmp9, $2  }
0x228: {  	_ =	sdelay $0x2  }
0x229: {  	s21 =	sadd.s32 $0x40, s21;
	s16 =	sadd.s32 $0x40, s16;
	s15 =	sadd.s32 $0x2000, s15  }
.LBB2_9:
0x22a: {  	s2 =	smulhi.u32 $0xAAAAAAAB, s14;
	_ =	sdelay $0x1  }
0x22b: {  	s2 =	sshrl.u32 s2, $0x1  }
0x22c: {  	s9 =	smul.u32 $0x3, s2  }
0x22d: {  	s2 =	smul.u32 $0xFFFE8000, s2  }
0x22e: {  	s9 =	ssub.s32 s14, s9  }
0x22f: {  	s2 =	sshra.s32 s2, $0x2;
	s17 =	sadd.s32 $0x1, s9  }
0x230: {  	s22 =	simm.s32 $0x0;
	s2 =	sadd.s32 s2, s15;
	_ =	swait.ge [sflag:s17], $0x2000  }
0x231: {  	s18 =	sshll.u32 s9, $0xD;
	s9 =	smov.u32 s21;
	[sflag:s17] =	ssyncset.done $0x0  }
0x232: {  	s19 =	sor.u32 $0x8180, s18;
	v32 =	vmov s2;
	s2 =	smov.u32 s16;
	[sflag:s17] =	ssyncadd.s32 $0xFFFFE000  }
.LBB2_10:
0x233: {  	v33 =	vld [tilespmem:s9+$0x0];
	_ =	sdelay $0x3  }
0x234: {  	v34 =	vor.u32 s2, v4  }
0x235: {  	vm2 =	vge.s32 v34, v30;
	vm3 =	vlt.s32 v34, v31;
	v33 =	vsub.s32 v33, v29  }
0x236: {  	vm2 =	vmand vm2, vm3;
	vm3 =	vgt.s32 v33, $0x0  }
0x237: {  	v34 =	vsel vm2, $0x1, v3;
	v33 =	vnsel vm3, $0x0, v33  }
0x238: {  	v35 =	vbroadcast v34, $0x0;
	v33 =	vmin.u32 v33, $0x1FF  }
0x239: {  	v33 =	vshll.u32 v33, $0x7  }
0x23a: {  	v35 =	vand.u32 $0x1, v35;
	v36 =	vbroadcast v33, $0x0  }
0x23b: {  	s23 =	sshra.s32 s22, $0x2;
	vm2 =	veq.s32 v35, $0x1  }
0x23c: {  	v54 =	vld.idx.msk [tilespmem:v32+s23+$0x0 ss:$0x1], $0xffff;
	v37 =	vor.u32 v4, v36;
	_ =	sdelay $0x4  }
0x23d: {  	[tilespmem:v37+s29+$0x0] =	vst.idx.add.f32.msk vm2, v54  }
0x23e: {  	v55 =	vor.u32 v19, v36;
	v35 =	vld.idx.msk [tilespmem:v32+s23+$0x10 ss:$0x1], $0xffff;
	_ =	sdelay $0x4  }
0x23f: {  	[tilespmem:v55+s29+$0x0] =	vst.idx.add.f32.msk vm2, v35  }
0x240: {  	v56 =	vor.u32 v20, v36;
	v35 =	vld.idx.msk [tilespmem:v32+s23+$0x20 ss:$0x1], $0xffff;
	_ =	sdelay $0x4  }
0x241: {  	[tilespmem:v56+s29+$0x0] =	vst.idx.add.f32.msk vm2, v35  }
0x242: {  	v57 =	vor.u32 v21, v36;
	v35 =	vld.idx.msk [tilespmem:v32+s23+$0x30 ss:$0x1], $0xffff;
	_ =	sdelay $0x4  }
0x243: {  	[tilespmem:v57+s29+$0x0] =	vst.idx.add.f32.msk vm2, v35  }
0x244: {  	v58 =	vor.u32 v22, v36;
	v35 =	vld.idx.msk [tilespmem:v32+s23+$0x40 ss:$0x1], $0xffff;
	_ =	sdelay $0x4  }
0x245: {  	[tilespmem:v58+s29+$0x0] =	vst.idx.add.f32.msk vm2, v35  }
0x246: {  	v59 =	vor.u32 v23, v36;
	v35 =	vld.idx.msk [tilespmem:v32+s23+$0x50 ss:$0x1], $0xffff;
	_ =	sdelay $0x4  }
0x247: {  	[tilespmem:v59+s29+$0x0] =	vst.idx.add.f32.msk vm2, v35  }
0x248: {  	v60 =	vor.u32 v24, v36;
	v35 =	vld.idx.msk [tilespmem:v32+s23+$0x60 ss:$0x1], $0xffff;
	_ =	sdelay $0x4  }
0x249: {  	[tilespmem:v60+s29+$0x0] =	vst.idx.add.f32.msk vm2, v35  }
0x24a: {  	v36 =	vor.u32 v25, v36;
	v35 =	vld.idx.msk [tilespmem:v32+s23+$0x70 ss:$0x1], $0xffff;
	_ =	sdelay $0x1  }
0x24b: {  	v61 =	vbroadcast v34, $0x1;
	_ =	sdelay $0x1  }
0x24c: {  	v38 =	vbroadcast v33, $0x1;
	v37 =	vand.u32 $0x1, v61  }
0x24d: {  	[tilespmem:v36+s29+$0x0] =	vst.idx.add.f32.msk vm2, v35;
	vm2 =	veq.s32 v37, $0x1  }
0x24e: {  	v62 =	vor.u32 v4, v38;
	v35 =	vld.idx.msk [tilespmem:v32+s23+$0x80 ss:$0x1], $0xffff;
	_ =	sdelay $0x4  }
0x24f: {  	[tilespmem:v62+s29+$0x0] =	vst.idx.add.f32.msk vm2, v35  }
0x250: {  	v63 =	vor.u32 v19, v38;
	v35 =	vld.idx.msk [tilespmem:v32+s23+$0x90 ss:$0x1], $0xffff;
	_ =	sdelay $0x4  }
0x251: {  	[tilespmem:v63+s29+$0x0] =	vst.idx.add.f32.msk vm2, v35  }
0x252: {  	v40 =	vor.u32 v20, v38;
	v35 =	vld.idx.msk [tilespmem:v32+s23+$0xA0 ss:$0x1], $0xffff;
	_ =	sdelay $0x4  }
0x253: {  	[tilespmem:v40+s29+$0x0] =	vst.idx.add.f32.msk vm2, v35  }
0x254: {  	v41 =	vor.u32 v21, v38;
	v35 =	vld.idx.msk [tilespmem:v32+s23+$0xB0 ss:$0x1], $0xffff;
	_ =	sdelay $0x4  }
0x255: {  	[tilespmem:v41+s29+$0x0] =	vst.idx.add.f32.msk vm2, v35  }
0x256: {  	v42 =	vor.u32 v22, v38;
	v35 =	vld.idx.msk [tilespmem:v32+s23+$0xC0 ss:$0x1], $0xffff;
	_ =	sdelay $0x4  }
0x257: {  	[tilespmem:v42+s29+$0x0] =	vst.idx.add.f32.msk vm2, v35  }
0x258: {  	v43 =	vor.u32 v23, v38;
	v35 =	vld.idx.msk [tilespmem:v32+s23+$0xD0 ss:$0x1], $0xffff;
	_ =	sdelay $0x4  }
0x259: {  	[tilespmem:v43+s29+$0x0] =	vst.idx.add.f32.msk vm2, v35  }
0x25a: {  	v44 =	vor.u32 v24, v38;
	v35 =	vld.idx.msk [tilespmem:v32+s23+$0xE0 ss:$0x1], $0xffff;
	_ =	sdelay $0x4  }
0x25b: {  	[tilespmem:v44+s29+$0x0] =	vst.idx.add.f32.msk vm2, v35  }
0x25c: {  	v45 =	vor.u32 v25, v38;
	v35 =	vld.idx.msk [tilespmem:v32+s23+$0xF0 ss:$0x1], $0xffff;
	_ =	sdelay $0x1  }
0x25d: {  	v46 =	vbroadcast v34, $0x2;
	_ =	sdelay $0x1  }
0x25e: {  	v47 =	vbroadcast v33, $0x2;
	v37 =	vand.u32 $0x1, v46  }
0x25f: {  	[tilespmem:v45+s29+$0x0] =	vst.idx.add.f32.msk vm2, v35;
	vm2 =	veq.s32 v37, $0x1  }
0x260: {  	v48 =	vor.u32 v4, v47;
	v35 =	vld.idx.msk [tilespmem:v32+s23+$0x100 ss:$0x1], $0xffff;
	_ =	sdelay $0x4  }
0x261: {  	[tilespmem:v48+s29+$0x0] =	vst.idx.add.f32.msk vm2, v35  }
0x262: {  	v49 =	vor.u32 v19, v47;
	v35 =	vld.idx.msk [tilespmem:v32+s23+$0x110 ss:$0x1], $0xffff;
	_ =	sdelay $0x4  }
0x263: {  	[tilespmem:v49+s29+$0x0] =	vst.idx.add.f32.msk vm2, v35  }
0x264: {  	v50 =	vor.u32 v20, v47;
	v35 =	vld.idx.msk [tilespmem:v32+s23+$0x120 ss:$0x1], $0xffff;
	_ =	sdelay $0x4  }
0x265: {  	[tilespmem:v50+s29+$0x0] =	vst.idx.add.f32.msk vm2, v35  }
0x266: {  	v51 =	vor.u32 v21, v47;
	v35 =	vld.idx.msk [tilespmem:v32+s23+$0x130 ss:$0x1], $0xffff;
	_ =	sdelay $0x4  }
0x267: {  	[tilespmem:v51+s29+$0x0] =	vst.idx.add.f32.msk vm2, v35  }
0x268: {  	v52 =	vor.u32 v22, v47;
	v35 =	vld.idx.msk [tilespmem:v32+s23+$0x140 ss:$0x1], $0xffff;
	_ =	sdelay $0x4  }
0x269: {  	[tilespmem:v52+s29+$0x0] =	vst.idx.add.f32.msk vm2, v35  }
0x26a: {  	v53 =	vor.u32 v23, v47;
	v35 =	vld.idx.msk [tilespmem:v32+s23+$0x150 ss:$0x1], $0xffff;
	_ =	sdelay $0x4  }
0x26b: {  	[tilespmem:v53+s29+$0x0] =	vst.idx.add.f32.msk vm2, v35  }
0x26c: {  	v54 =	vor.u32 v24, v47;
	v35 =	vld.idx.msk [tilespmem:v32+s23+$0x160 ss:$0x1], $0xffff;
	_ =	sdelay $0x4  }
0x26d: {  	[tilespmem:v54+s29+$0x0] =	vst.idx.add.f32.msk vm2, v35  }
0x26e: {  	v55 =	vor.u32 v25, v47;
	v35 =	vld.idx.msk [tilespmem:v32+s23+$0x170 ss:$0x1], $0xffff;
	_ =	sdelay $0x1  }
0x26f: {  	v56 =	vbroadcast v34, $0x3;
	_ =	sdelay $0x1  }
0x270: {  	v57 =	vbroadcast v33, $0x3;
	v37 =	vand.u32 $0x1, v56  }
0x271: {  	[tilespmem:v55+s29+$0x0] =	vst.idx.add.f32.msk vm2, v35;
	vm2 =	veq.s32 v37, $0x1  }
0x272: {  	v58 =	vor.u32 v4, v57;
	v35 =	vld.idx.msk [tilespmem:v32+s23+$0x180 ss:$0x1], $0xffff;
	_ =	sdelay $0x4  }
0x273: {  	[tilespmem:v58+s29+$0x0] =	vst.idx.add.f32.msk vm2, v35  }
0x274: {  	v59 =	vor.u32 v19, v57;
	v35 =	vld.idx.msk [tilespmem:v32+s23+$0x190 ss:$0x1], $0xffff;
	_ =	sdelay $0x4  }
0x275: {  	[tilespmem:v59+s29+$0x0] =	vst.idx.add.f32.msk vm2, v35  }
0x276: {  	v60 =	vor.u32 v20, v57;
	v35 =	vld.idx.msk [tilespmem:v32+s23+$0x1A0 ss:$0x1], $0xffff;
	_ =	sdelay $0x4  }
0x277: {  	[tilespmem:v60+s29+$0x0] =	vst.idx.add.f32.msk vm2, v35  }
0x278: {  	v61 =	vor.u32 v21, v57;
	v35 =	vld.idx.msk [tilespmem:v32+s23+$0x1B0 ss:$0x1], $0xffff;
	_ =	sdelay $0x4  }
0x279: {  	[tilespmem:v61+s29+$0x0] =	vst.idx.add.f32.msk vm2, v35  }
0x27a: {  	v62 =	vor.u32 v22, v57;
	v35 =	vld.idx.msk [tilespmem:v32+s23+$0x1C0 ss:$0x1], $0xffff;
	_ =	sdelay $0x4  }
0x27b: {  	[tilespmem:v62+s29+$0x0] =	vst.idx.add.f32.msk vm2, v35  }
0x27c: {  	v63 =	vor.u32 v23, v57;
	v35 =	vld.idx.msk [tilespmem:v32+s23+$0x1D0 ss:$0x1], $0xffff;
	_ =	sdelay $0x4  }
0x27d: {  	[tilespmem:v63+s29+$0x0] =	vst.idx.add.f32.msk vm2, v35  }
0x27e: {  	v40 =	vor.u32 v24, v57;
	v35 =	vld.idx.msk [tilespmem:v32+s23+$0x1E0 ss:$0x1], $0xffff;
	_ =	sdelay $0x4  }
0x27f: {  	[tilespmem:v40+s29+$0x0] =	vst.idx.add.f32.msk vm2, v35  }
0x280: {  	v41 =	vor.u32 v25, v57;
	v35 =	vld.idx.msk [tilespmem:v32+s23+$0x1F0 ss:$0x1], $0xffff;
	_ =	sdelay $0x1  }
0x281: {  	v42 =	vbroadcast v34, $0x4;
	_ =	sdelay $0x1  }
0x282: {  	v43 =	vbroadcast v33, $0x4;
	v37 =	vand.u32 $0x1, v42  }
0x283: {  	[tilespmem:v41+s29+$0x0] =	vst.idx.add.f32.msk vm2, v35;
	vm2 =	veq.s32 v37, $0x1  }
0x284: {  	v44 =	vor.u32 v4, v43;
	v35 =	vld.idx.msk [tilespmem:v32+s23+$0x200 ss:$0x1], $0xffff;
	_ =	sdelay $0x4  }
0x285: {  	[tilespmem:v44+s29+$0x0] =	vst.idx.add.f32.msk vm2, v35  }
0x286: {  	v45 =	vor.u32 v19, v43;
	v35 =	vld.idx.msk [tilespmem:v32+s23+$0x210 ss:$0x1], $0xffff;
	_ =	sdelay $0x4  }
0x287: {  	[tilespmem:v45+s29+$0x0] =	vst.idx.add.f32.msk vm2, v35  }
0x288: {  	v46 =	vor.u32 v20, v43;
	v35 =	vld.idx.msk [tilespmem:v32+s23+$0x220 ss:$0x1], $0xffff;
	_ =	sdelay $0x4  }
0x289: {  	[tilespmem:v46+s29+$0x0] =	vst.idx.add.f32.msk vm2, v35  }
0x28a: {  	v47 =	vor.u32 v21, v43;
	v35 =	vld.idx.msk [tilespmem:v32+s23+$0x230 ss:$0x1], $0xffff;
	_ =	sdelay $0x4  }
0x28b: {  	[tilespmem:v47+s29+$0x0] =	vst.idx.add.f32.msk vm2, v35  }
0x28c: {  	v48 =	vor.u32 v22, v43;
	v35 =	vld.idx.msk [tilespmem:v32+s23+$0x240 ss:$0x1], $0xffff;
	_ =	sdelay $0x4  }
0x28d: {  	[tilespmem:v48+s29+$0x0] =	vst.idx.add.f32.msk vm2, v35  }
0x28e: {  	v49 =	vor.u32 v23, v43;
	v35 =	vld.idx.msk [tilespmem:v32+s23+$0x250 ss:$0x1], $0xffff;
	_ =	sdelay $0x4  }
0x28f: {  	[tilespmem:v49+s29+$0x0] =	vst.idx.add.f32.msk vm2, v35  }
0x290: {  	v50 =	vor.u32 v24, v43;
	v35 =	vld.idx.msk [tilespmem:v32+s23+$0x260 ss:$0x1], $0xffff;
	_ =	sdelay $0x4  }
0x291: {  	[tilespmem:v50+s29+$0x0] =	vst.idx.add.f32.msk vm2, v35  }
0x292: {  	v51 =	vor.u32 v25, v43;
	v35 =	vld.idx.msk [tilespmem:v32+s23+$0x270 ss:$0x1], $0xffff;
	_ =	sdelay $0x1  }
0x293: {  	v52 =	vbroadcast v34, $0x5;
	_ =	sdelay $0x1  }
0x294: {  	v53 =	vbroadcast v33, $0x5;
	v37 =	vand.u32 $0x1, v52  }
0x295: {  	[tilespmem:v51+s29+$0x0] =	vst.idx.add.f32.msk vm2, v35;
	vm2 =	veq.s32 v37, $0x1  }
0x296: {  	v54 =	vor.u32 v4, v53;
	v35 =	vld.idx.msk [tilespmem:v32+s23+$0x280 ss:$0x1], $0xffff;
	_ =	sdelay $0x4  }
0x297: {  	[tilespmem:v54+s29+$0x0] =	vst.idx.add.f32.msk vm2, v35  }
0x298: {  	v55 =	vor.u32 v19, v53;
	v35 =	vld.idx.msk [tilespmem:v32+s23+$0x290 ss:$0x1], $0xffff;
	_ =	sdelay $0x4  }
0x299: {  	[tilespmem:v55+s29+$0x0] =	vst.idx.add.f32.msk vm2, v35  }
0x29a: {  	v56 =	vor.u32 v20, v53;
	v35 =	vld.idx.msk [tilespmem:v32+s23+$0x2A0 ss:$0x1], $0xffff;
	_ =	sdelay $0x4  }
0x29b: {  	[tilespmem:v56+s29+$0x0] =	vst.idx.add.f32.msk vm2, v35  }
0x29c: {  	v57 =	vor.u32 v21, v53;
	v35 =	vld.idx.msk [tilespmem:v32+s23+$0x2B0 ss:$0x1], $0xffff;
	_ =	sdelay $0x4  }
0x29d: {  	[tilespmem:v57+s29+$0x0] =	vst.idx.add.f32.msk vm2, v35  }
0x29e: {  	v58 =	vor.u32 v22, v53;
	v35 =	vld.idx.msk [tilespmem:v32+s23+$0x2C0 ss:$0x1], $0xffff;
	_ =	sdelay $0x4  }
0x29f: {  	[tilespmem:v58+s29+$0x0] =	vst.idx.add.f32.msk vm2, v35  }
0x2a0: {  	v59 =	vor.u32 v23, v53;
	v35 =	vld.idx.msk [tilespmem:v32+s23+$0x2D0 ss:$0x1], $0xffff;
	_ =	sdelay $0x4  }
0x2a1: {  	[tilespmem:v59+s29+$0x0] =	vst.idx.add.f32.msk vm2, v35  }
0x2a2: {  	v60 =	vor.u32 v24, v53;
	v35 =	vld.idx.msk [tilespmem:v32+s23+$0x2E0 ss:$0x1], $0xffff;
	_ =	sdelay $0x4  }
0x2a3: {  	[tilespmem:v60+s29+$0x0] =	vst.idx.add.f32.msk vm2, v35  }
0x2a4: {  	v61 =	vor.u32 v25, v53;
	v35 =	vld.idx.msk [tilespmem:v32+s23+$0x2F0 ss:$0x1], $0xffff;
	_ =	sdelay $0x1  }
0x2a5: {  	v62 =	vbroadcast v34, $0x6;
	_ =	sdelay $0x1  }
0x2a6: {  	v63 =	vbroadcast v33, $0x6;
	v37 =	vand.u32 $0x1, v62  }
0x2a7: {  	[tilespmem:v61+s29+$0x0] =	vst.idx.add.f32.msk vm2, v35;
	vm2 =	veq.s32 v37, $0x1  }
0x2a8: {  	v40 =	vor.u32 v4, v63;
	v35 =	vld.idx.msk [tilespmem:v32+s23+$0x300 ss:$0x1], $0xffff;
	_ =	sdelay $0x4  }
0x2a9: {  	[tilespmem:v40+s29+$0x0] =	vst.idx.add.f32.msk vm2, v35  }
0x2aa: {  	v41 =	vor.u32 v19, v63;
	v35 =	vld.idx.msk [tilespmem:v32+s23+$0x310 ss:$0x1], $0xffff;
	_ =	sdelay $0x4  }
0x2ab: {  	[tilespmem:v41+s29+$0x0] =	vst.idx.add.f32.msk vm2, v35  }
0x2ac: {  	v42 =	vor.u32 v20, v63;
	v35 =	vld.idx.msk [tilespmem:v32+s23+$0x320 ss:$0x1], $0xffff;
	_ =	sdelay $0x4  }
0x2ad: {  	[tilespmem:v42+s29+$0x0] =	vst.idx.add.f32.msk vm2, v35  }
0x2ae: {  	v43 =	vor.u32 v21, v63;
	v35 =	vld.idx.msk [tilespmem:v32+s23+$0x330 ss:$0x1], $0xffff;
	_ =	sdelay $0x4  }
0x2af: {  	[tilespmem:v43+s29+$0x0] =	vst.idx.add.f32.msk vm2, v35  }
0x2b0: {  	v44 =	vor.u32 v22, v63;
	v35 =	vld.idx.msk [tilespmem:v32+s23+$0x340 ss:$0x1], $0xffff;
	_ =	sdelay $0x4  }
0x2b1: {  	[tilespmem:v44+s29+$0x0] =	vst.idx.add.f32.msk vm2, v35  }
0x2b2: {  	v45 =	vor.u32 v23, v63;
	v35 =	vld.idx.msk [tilespmem:v32+s23+$0x350 ss:$0x1], $0xffff;
	_ =	sdelay $0x4  }
0x2b3: {  	[tilespmem:v45+s29+$0x0] =	vst.idx.add.f32.msk vm2, v35  }
0x2b4: {  	v46 =	vor.u32 v24, v63;
	v35 =	vld.idx.msk [tilespmem:v32+s23+$0x360 ss:$0x1], $0xffff;
	_ =	sdelay $0x4  }
0x2b5: {  	[tilespmem:v46+s29+$0x0] =	vst.idx.add.f32.msk vm2, v35  }
0x2b6: {  	v47 =	vor.u32 v25, v63;
	v35 =	vld.idx.msk [tilespmem:v32+s23+$0x370 ss:$0x1], $0xffff;
	_ =	sdelay $0x1  }
0x2b7: {  	v48 =	vbroadcast v34, $0x7;
	_ =	sdelay $0x1  }
0x2b8: {  	v49 =	vbroadcast v33, $0x7;
	v37 =	vand.u32 $0x1, v48  }
0x2b9: {  	[tilespmem:v47+s29+$0x0] =	vst.idx.add.f32.msk vm2, v35;
	vm2 =	veq.s32 v37, $0x1  }
0x2ba: {  	v50 =	vor.u32 v4, v49;
	v35 =	vld.idx.msk [tilespmem:v32+s23+$0x380 ss:$0x1], $0xffff;
	_ =	sdelay $0x4  }
0x2bb: {  	[tilespmem:v50+s29+$0x0] =	vst.idx.add.f32.msk vm2, v35  }
0x2bc: {  	v51 =	vor.u32 v19, v49;
	v35 =	vld.idx.msk [tilespmem:v32+s23+$0x390 ss:$0x1], $0xffff;
	_ =	sdelay $0x4  }
0x2bd: {  	[tilespmem:v51+s29+$0x0] =	vst.idx.add.f32.msk vm2, v35  }
0x2be: {  	v52 =	vor.u32 v20, v49;
	v35 =	vld.idx.msk [tilespmem:v32+s23+$0x3A0 ss:$0x1], $0xffff;
	_ =	sdelay $0x4  }
0x2bf: {  	[tilespmem:v52+s29+$0x0] =	vst.idx.add.f32.msk vm2, v35  }
0x2c0: {  	v53 =	vor.u32 v21, v49;
	v35 =	vld.idx.msk [tilespmem:v32+s23+$0x3B0 ss:$0x1], $0xffff;
	_ =	sdelay $0x4  }
0x2c1: {  	[tilespmem:v53+s29+$0x0] =	vst.idx.add.f32.msk vm2, v35  }
0x2c2: {  	v54 =	vor.u32 v22, v49;
	v35 =	vld.idx.msk [tilespmem:v32+s23+$0x3C0 ss:$0x1], $0xffff;
	_ =	sdelay $0x4  }
0x2c3: {  	[tilespmem:v54+s29+$0x0] =	vst.idx.add.f32.msk vm2, v35  }
0x2c4: {  	v55 =	vor.u32 v23, v49;
	v35 =	vld.idx.msk [tilespmem:v32+s23+$0x3D0 ss:$0x1], $0xffff;
	_ =	sdelay $0x4  }
0x2c5: {  	[tilespmem:v55+s29+$0x0] =	vst.idx.add.f32.msk vm2, v35  }
0x2c6: {  	v56 =	vor.u32 v24, v49;
	v35 =	vld.idx.msk [tilespmem:v32+s23+$0x3E0 ss:$0x1], $0xffff;
	_ =	sdelay $0x4  }
0x2c7: {  	[tilespmem:v56+s29+$0x0] =	vst.idx.add.f32.msk vm2, v35  }
0x2c8: {  	v57 =	vor.u32 v25, v49;
	v35 =	vld.idx.msk [tilespmem:v32+s23+$0x3F0 ss:$0x1], $0xffff;
	_ =	sdelay $0x1  }
0x2c9: {  	v58 =	vbroadcast v34, $0x8;
	_ =	sdelay $0x1  }
0x2ca: {  	v59 =	vbroadcast v33, $0x8;
	v37 =	vand.u32 $0x1, v58  }
0x2cb: {  	[tilespmem:v57+s29+$0x0] =	vst.idx.add.f32.msk vm2, v35;
	vm2 =	veq.s32 v37, $0x1  }
0x2cc: {  	v60 =	vor.u32 v4, v59;
	v35 =	vld.idx.msk [tilespmem:v32+s23+$0x400 ss:$0x1], $0xffff;
	_ =	sdelay $0x4  }
0x2cd: {  	[tilespmem:v60+s29+$0x0] =	vst.idx.add.f32.msk vm2, v35  }
0x2ce: {  	v61 =	vor.u32 v19, v59;
	v35 =	vld.idx.msk [tilespmem:v32+s23+$0x410 ss:$0x1], $0xffff;
	_ =	sdelay $0x4  }
0x2cf: {  	[tilespmem:v61+s29+$0x0] =	vst.idx.add.f32.msk vm2, v35  }
0x2d0: {  	v62 =	vor.u32 v20, v59;
	v35 =	vld.idx.msk [tilespmem:v32+s23+$0x420 ss:$0x1], $0xffff;
	_ =	sdelay $0x4  }
0x2d1: {  	[tilespmem:v62+s29+$0x0] =	vst.idx.add.f32.msk vm2, v35  }
0x2d2: {  	v63 =	vor.u32 v21, v59;
	v35 =	vld.idx.msk [tilespmem:v32+s23+$0x430 ss:$0x1], $0xffff;
	_ =	sdelay $0x4  }
0x2d3: {  	[tilespmem:v63+s29+$0x0] =	vst.idx.add.f32.msk vm2, v35  }
0x2d4: {  	v40 =	vor.u32 v22, v59;
	v35 =	vld.idx.msk [tilespmem:v32+s23+$0x440 ss:$0x1], $0xffff;
	_ =	sdelay $0x4  }
0x2d5: {  	[tilespmem:v40+s29+$0x0] =	vst.idx.add.f32.msk vm2, v35  }
0x2d6: {  	v41 =	vor.u32 v23, v59;
	v35 =	vld.idx.msk [tilespmem:v32+s23+$0x450 ss:$0x1], $0xffff;
	_ =	sdelay $0x4  }
0x2d7: {  	[tilespmem:v41+s29+$0x0] =	vst.idx.add.f32.msk vm2, v35  }
0x2d8: {  	v42 =	vor.u32 v24, v59;
	v35 =	vld.idx.msk [tilespmem:v32+s23+$0x460 ss:$0x1], $0xffff;
	_ =	sdelay $0x4  }
0x2d9: {  	[tilespmem:v42+s29+$0x0] =	vst.idx.add.f32.msk vm2, v35  }
0x2da: {  	v43 =	vor.u32 v25, v59;
	v35 =	vld.idx.msk [tilespmem:v32+s23+$0x470 ss:$0x1], $0xffff;
	_ =	sdelay $0x1  }
0x2db: {  	v44 =	vbroadcast v34, $0x9;
	_ =	sdelay $0x1  }
0x2dc: {  	v45 =	vbroadcast v33, $0x9;
	v37 =	vand.u32 $0x1, v44  }
0x2dd: {  	[tilespmem:v43+s29+$0x0] =	vst.idx.add.f32.msk vm2, v35;
	vm2 =	veq.s32 v37, $0x1  }
0x2de: {  	v46 =	vor.u32 v4, v45;
	v35 =	vld.idx.msk [tilespmem:v32+s23+$0x480 ss:$0x1], $0xffff;
	_ =	sdelay $0x4  }
0x2df: {  	[tilespmem:v46+s29+$0x0] =	vst.idx.add.f32.msk vm2, v35  }
0x2e0: {  	v47 =	vor.u32 v19, v45;
	v35 =	vld.idx.msk [tilespmem:v32+s23+$0x490 ss:$0x1], $0xffff;
	_ =	sdelay $0x4  }
0x2e1: {  	[tilespmem:v47+s29+$0x0] =	vst.idx.add.f32.msk vm2, v35  }
0x2e2: {  	v48 =	vor.u32 v20, v45;
	v35 =	vld.idx.msk [tilespmem:v32+s23+$0x4A0 ss:$0x1], $0xffff;
	_ =	sdelay $0x4  }
0x2e3: {  	[tilespmem:v48+s29+$0x0] =	vst.idx.add.f32.msk vm2, v35  }
0x2e4: {  	v49 =	vor.u32 v21, v45;
	v35 =	vld.idx.msk [tilespmem:v32+s23+$0x4B0 ss:$0x1], $0xffff;
	_ =	sdelay $0x4  }
0x2e5: {  	[tilespmem:v49+s29+$0x0] =	vst.idx.add.f32.msk vm2, v35  }
0x2e6: {  	v50 =	vor.u32 v22, v45;
	v35 =	vld.idx.msk [tilespmem:v32+s23+$0x4C0 ss:$0x1], $0xffff;
	_ =	sdelay $0x4  }
0x2e7: {  	[tilespmem:v50+s29+$0x0] =	vst.idx.add.f32.msk vm2, v35  }
0x2e8: {  	v51 =	vor.u32 v23, v45;
	v35 =	vld.idx.msk [tilespmem:v32+s23+$0x4D0 ss:$0x1], $0xffff;
	_ =	sdelay $0x4  }
0x2e9: {  	[tilespmem:v51+s29+$0x0] =	vst.idx.add.f32.msk vm2, v35  }
0x2ea: {  	v52 =	vor.u32 v24, v45;
	v35 =	vld.idx.msk [tilespmem:v32+s23+$0x4E0 ss:$0x1], $0xffff;
	_ =	sdelay $0x4  }
0x2eb: {  	[tilespmem:v52+s29+$0x0] =	vst.idx.add.f32.msk vm2, v35  }
0x2ec: {  	v53 =	vor.u32 v25, v45;
	v35 =	vld.idx.msk [tilespmem:v32+s23+$0x4F0 ss:$0x1], $0xffff;
	_ =	sdelay $0x1  }
0x2ed: {  	v54 =	vbroadcast v34, $0xA;
	_ =	sdelay $0x1  }
0x2ee: {  	v55 =	vbroadcast v33, $0xA;
	v37 =	vand.u32 $0x1, v54  }
0x2ef: {  	[tilespmem:v53+s29+$0x0] =	vst.idx.add.f32.msk vm2, v35;
	vm2 =	veq.s32 v37, $0x1  }
0x2f0: {  	v56 =	vor.u32 v4, v55;
	v35 =	vld.idx.msk [tilespmem:v32+s23+$0x500 ss:$0x1], $0xffff;
	_ =	sdelay $0x4  }
0x2f1: {  	[tilespmem:v56+s29+$0x0] =	vst.idx.add.f32.msk vm2, v35  }
0x2f2: {  	v57 =	vor.u32 v19, v55;
	v35 =	vld.idx.msk [tilespmem:v32+s23+$0x510 ss:$0x1], $0xffff;
	_ =	sdelay $0x4  }
0x2f3: {  	[tilespmem:v57+s29+$0x0] =	vst.idx.add.f32.msk vm2, v35  }
0x2f4: {  	v58 =	vor.u32 v20, v55;
	v35 =	vld.idx.msk [tilespmem:v32+s23+$0x520 ss:$0x1], $0xffff;
	_ =	sdelay $0x4  }
0x2f5: {  	[tilespmem:v58+s29+$0x0] =	vst.idx.add.f32.msk vm2, v35  }
0x2f6: {  	v59 =	vor.u32 v21, v55;
	v35 =	vld.idx.msk [tilespmem:v32+s23+$0x530 ss:$0x1], $0xffff;
	_ =	sdelay $0x4  }
0x2f7: {  	[tilespmem:v59+s29+$0x0] =	vst.idx.add.f32.msk vm2, v35  }
0x2f8: {  	v60 =	vor.u32 v22, v55;
	v35 =	vld.idx.msk [tilespmem:v32+s23+$0x540 ss:$0x1], $0xffff;
	_ =	sdelay $0x4  }
0x2f9: {  	[tilespmem:v60+s29+$0x0] =	vst.idx.add.f32.msk vm2, v35  }
0x2fa: {  	v61 =	vor.u32 v23, v55;
	v35 =	vld.idx.msk [tilespmem:v32+s23+$0x550 ss:$0x1], $0xffff;
	_ =	sdelay $0x4  }
0x2fb: {  	[tilespmem:v61+s29+$0x0] =	vst.idx.add.f32.msk vm2, v35  }
0x2fc: {  	v62 =	vor.u32 v24, v55;
	v35 =	vld.idx.msk [tilespmem:v32+s23+$0x560 ss:$0x1], $0xffff;
	_ =	sdelay $0x4  }
0x2fd: {  	[tilespmem:v62+s29+$0x0] =	vst.idx.add.f32.msk vm2, v35  }
0x2fe: {  	v63 =	vor.u32 v25, v55;
	v35 =	vld.idx.msk [tilespmem:v32+s23+$0x570 ss:$0x1], $0xffff;
	_ =	sdelay $0x1  }
0x2ff: {  	v40 =	vbroadcast v34, $0xB;
	_ =	sdelay $0x1  }
0x300: {  	v41 =	vbroadcast v33, $0xB;
	v37 =	vand.u32 $0x1, v40  }
0x301: {  	[tilespmem:v63+s29+$0x0] =	vst.idx.add.f32.msk vm2, v35;
	vm2 =	veq.s32 v37, $0x1  }
0x302: {  	v42 =	vor.u32 v4, v41;
	v35 =	vld.idx.msk [tilespmem:v32+s23+$0x580 ss:$0x1], $0xffff;
	_ =	sdelay $0x4  }
0x303: {  	[tilespmem:v42+s29+$0x0] =	vst.idx.add.f32.msk vm2, v35  }
0x304: {  	v43 =	vor.u32 v19, v41;
	v35 =	vld.idx.msk [tilespmem:v32+s23+$0x590 ss:$0x1], $0xffff;
	_ =	sdelay $0x4  }
0x305: {  	[tilespmem:v43+s29+$0x0] =	vst.idx.add.f32.msk vm2, v35  }
0x306: {  	v44 =	vor.u32 v20, v41;
	v35 =	vld.idx.msk [tilespmem:v32+s23+$0x5A0 ss:$0x1], $0xffff;
	_ =	sdelay $0x4  }
0x307: {  	[tilespmem:v44+s29+$0x0] =	vst.idx.add.f32.msk vm2, v35  }
0x308: {  	v45 =	vor.u32 v21, v41;
	v35 =	vld.idx.msk [tilespmem:v32+s23+$0x5B0 ss:$0x1], $0xffff;
	_ =	sdelay $0x4  }
0x309: {  	[tilespmem:v45+s29+$0x0] =	vst.idx.add.f32.msk vm2, v35  }
0x30a: {  	v46 =	vor.u32 v22, v41;
	v35 =	vld.idx.msk [tilespmem:v32+s23+$0x5C0 ss:$0x1], $0xffff;
	_ =	sdelay $0x4  }
0x30b: {  	[tilespmem:v46+s29+$0x0] =	vst.idx.add.f32.msk vm2, v35  }
0x30c: {  	v47 =	vor.u32 v23, v41;
	v35 =	vld.idx.msk [tilespmem:v32+s23+$0x5D0 ss:$0x1], $0xffff;
	_ =	sdelay $0x4  }
0x30d: {  	[tilespmem:v47+s29+$0x0] =	vst.idx.add.f32.msk vm2, v35  }
0x30e: {  	v48 =	vor.u32 v24, v41;
	v35 =	vld.idx.msk [tilespmem:v32+s23+$0x5E0 ss:$0x1], $0xffff;
	_ =	sdelay $0x4  }
0x30f: {  	[tilespmem:v48+s29+$0x0] =	vst.idx.add.f32.msk vm2, v35  }
0x310: {  	v49 =	vor.u32 v25, v41;
	v35 =	vld.idx.msk [tilespmem:v32+s23+$0x5F0 ss:$0x1], $0xffff;
	_ =	sdelay $0x1  }
0x311: {  	v50 =	vbroadcast v34, $0xC;
	_ =	sdelay $0x1  }
0x312: {  	v51 =	vbroadcast v33, $0xC;
	v37 =	vand.u32 $0x1, v50  }
0x313: {  	[tilespmem:v49+s29+$0x0] =	vst.idx.add.f32.msk vm2, v35;
	vm2 =	veq.s32 v37, $0x1  }
0x314: {  	v52 =	vor.u32 v4, v51;
	v35 =	vld.idx.msk [tilespmem:v32+s23+$0x600 ss:$0x1], $0xffff;
	_ =	sdelay $0x4  }
0x315: {  	[tilespmem:v52+s29+$0x0] =	vst.idx.add.f32.msk vm2, v35  }
0x316: {  	v53 =	vor.u32 v19, v51;
	v35 =	vld.idx.msk [tilespmem:v32+s23+$0x610 ss:$0x1], $0xffff;
	_ =	sdelay $0x4  }
0x317: {  	[tilespmem:v53+s29+$0x0] =	vst.idx.add.f32.msk vm2, v35  }
0x318: {  	v54 =	vor.u32 v20, v51;
	v35 =	vld.idx.msk [tilespmem:v32+s23+$0x620 ss:$0x1], $0xffff;
	_ =	sdelay $0x4  }
0x319: {  	[tilespmem:v54+s29+$0x0] =	vst.idx.add.f32.msk vm2, v35  }
0x31a: {  	v55 =	vor.u32 v21, v51;
	v35 =	vld.idx.msk [tilespmem:v32+s23+$0x630 ss:$0x1], $0xffff;
	_ =	sdelay $0x4  }
0x31b: {  	[tilespmem:v55+s29+$0x0] =	vst.idx.add.f32.msk vm2, v35  }
0x31c: {  	v56 =	vor.u32 v22, v51;
	v35 =	vld.idx.msk [tilespmem:v32+s23+$0x640 ss:$0x1], $0xffff;
	_ =	sdelay $0x4  }
0x31d: {  	[tilespmem:v56+s29+$0x0] =	vst.idx.add.f32.msk vm2, v35  }
0x31e: {  	v57 =	vor.u32 v23, v51;
	v35 =	vld.idx.msk [tilespmem:v32+s23+$0x650 ss:$0x1], $0xffff;
	_ =	sdelay $0x4  }
0x31f: {  	[tilespmem:v57+s29+$0x0] =	vst.idx.add.f32.msk vm2, v35  }
0x320: {  	v58 =	vor.u32 v24, v51;
	v35 =	vld.idx.msk [tilespmem:v32+s23+$0x660 ss:$0x1], $0xffff;
	_ =	sdelay $0x4  }
0x321: {  	[tilespmem:v58+s29+$0x0] =	vst.idx.add.f32.msk vm2, v35  }
0x322: {  	v59 =	vor.u32 v25, v51;
	v35 =	vld.idx.msk [tilespmem:v32+s23+$0x670 ss:$0x1], $0xffff;
	_ =	sdelay $0x1  }
0x323: {  	v60 =	vbroadcast v34, $0xD;
	_ =	sdelay $0x1  }
0x324: {  	v61 =	vbroadcast v33, $0xD;
	v37 =	vand.u32 $0x1, v60  }
0x325: {  	[tilespmem:v59+s29+$0x0] =	vst.idx.add.f32.msk vm2, v35;
	vm2 =	veq.s32 v37, $0x1  }
0x326: {  	v62 =	vor.u32 v4, v61;
	v35 =	vld.idx.msk [tilespmem:v32+s23+$0x680 ss:$0x1], $0xffff;
	_ =	sdelay $0x4  }
0x327: {  	[tilespmem:v62+s29+$0x0] =	vst.idx.add.f32.msk vm2, v35  }
0x328: {  	v63 =	vor.u32 v19, v61;
	v35 =	vld.idx.msk [tilespmem:v32+s23+$0x690 ss:$0x1], $0xffff;
	_ =	sdelay $0x4  }
0x329: {  	[tilespmem:v63+s29+$0x0] =	vst.idx.add.f32.msk vm2, v35  }
0x32a: {  	v40 =	vor.u32 v20, v61;
	v35 =	vld.idx.msk [tilespmem:v32+s23+$0x6A0 ss:$0x1], $0xffff;
	_ =	sdelay $0x4  }
0x32b: {  	[tilespmem:v40+s29+$0x0] =	vst.idx.add.f32.msk vm2, v35  }
0x32c: {  	v41 =	vor.u32 v21, v61;
	v35 =	vld.idx.msk [tilespmem:v32+s23+$0x6B0 ss:$0x1], $0xffff;
	_ =	sdelay $0x4  }
0x32d: {  	[tilespmem:v41+s29+$0x0] =	vst.idx.add.f32.msk vm2, v35  }
0x32e: {  	v42 =	vor.u32 v22, v61;
	v35 =	vld.idx.msk [tilespmem:v32+s23+$0x6C0 ss:$0x1], $0xffff;
	_ =	sdelay $0x4  }
0x32f: {  	[tilespmem:v42+s29+$0x0] =	vst.idx.add.f32.msk vm2, v35  }
0x330: {  	v43 =	vor.u32 v23, v61;
	v35 =	vld.idx.msk [tilespmem:v32+s23+$0x6D0 ss:$0x1], $0xffff;
	_ =	sdelay $0x4  }
0x331: {  	[tilespmem:v43+s29+$0x0] =	vst.idx.add.f32.msk vm2, v35  }
0x332: {  	v44 =	vor.u32 v24, v61;
	v35 =	vld.idx.msk [tilespmem:v32+s23+$0x6E0 ss:$0x1], $0xffff;
	_ =	sdelay $0x4  }
0x333: {  	[tilespmem:v44+s29+$0x0] =	vst.idx.add.f32.msk vm2, v35  }
0x334: {  	v45 =	vor.u32 v25, v61;
	v35 =	vld.idx.msk [tilespmem:v32+s23+$0x6F0 ss:$0x1], $0xffff;
	_ =	sdelay $0x1  }
0x335: {  	v46 =	vbroadcast v34, $0xE;
	_ =	sdelay $0x1  }
0x336: {  	v47 =	vbroadcast v33, $0xE;
	v37 =	vand.u32 $0x1, v46  }
0x337: {  	[tilespmem:v45+s29+$0x0] =	vst.idx.add.f32.msk vm2, v35;
	vm2 =	veq.s32 v37, $0x1  }
0x338: {  	v48 =	vor.u32 v4, v47;
	v35 =	vld.idx.msk [tilespmem:v32+s23+$0x700 ss:$0x1], $0xffff;
	_ =	sdelay $0x4  }
0x339: {  	[tilespmem:v48+s29+$0x0] =	vst.idx.add.f32.msk vm2, v35  }
0x33a: {  	v49 =	vor.u32 v19, v47;
	v35 =	vld.idx.msk [tilespmem:v32+s23+$0x710 ss:$0x1], $0xffff;
	_ =	sdelay $0x4  }
0x33b: {  	[tilespmem:v49+s29+$0x0] =	vst.idx.add.f32.msk vm2, v35  }
0x33c: {  	v50 =	vor.u32 v20, v47;
	v35 =	vld.idx.msk [tilespmem:v32+s23+$0x720 ss:$0x1], $0xffff;
	_ =	sdelay $0x4  }
0x33d: {  	[tilespmem:v50+s29+$0x0] =	vst.idx.add.f32.msk vm2, v35  }
0x33e: {  	v51 =	vor.u32 v21, v47;
	v35 =	vld.idx.msk [tilespmem:v32+s23+$0x730 ss:$0x1], $0xffff;
	_ =	sdelay $0x4  }
0x33f: {  	[tilespmem:v51+s29+$0x0] =	vst.idx.add.f32.msk vm2, v35  }
0x340: {  	v52 =	vor.u32 v22, v47;
	v35 =	vld.idx.msk [tilespmem:v32+s23+$0x740 ss:$0x1], $0xffff;
	_ =	sdelay $0x4  }
0x341: {  	[tilespmem:v52+s29+$0x0] =	vst.idx.add.f32.msk vm2, v35  }
0x342: {  	(v2sf) =	vpush v34, $0xF;
	v53 =	vor.u32 v23, v47;
	v35 =	vld.idx.msk [tilespmem:v32+s23+$0x750 ss:$0x1], $0xffff;
	_ =	sdelay $0x4  }
0x343: {  	[tilespmem:v53+s29+$0x0] =	vst.idx.add.f32.msk vm2, v35  }
0x344: {  	v55 =	vor.u32 v24, v47;
	v54 =	vld.idx.msk [tilespmem:v32+s23+$0x760 ss:$0x1], $0xffff;
	_ =	sdelay $0x4  }
0x345: {  	[tilespmem:v55+s29+$0x0] =	vst.idx.add.f32.msk vm2, v54  }
0x346: {  	v56 =	vor.u32 v25, v47;
	v34 =	vld.idx.msk [tilespmem:v32+s23+$0x770 ss:$0x1], $0xffff;
	_ =	sdelay $0x2  }
0x347: {  	s24 =	spop (v2sf)  }
0x348: {  	vm3 =	vmmov vm1;
	p1 =	sne.s32 s24, $0x0;
	v33 =	vbroadcast v33, $0xF  }
0x349: {  	vm3 =	vmneg @p1 vm3;
	[tilespmem:v56+s29+$0x0] =	vst.idx.add.f32.msk vm2, v34  }
0x34a: {  	v57 =	vor.u32 v4, v33;
	v34 =	vld.idx.msk [tilespmem:v32+s23+$0x780 ss:$0x1], $0xffff;
	_ =	sdelay $0x4  }
0x34b: {  	[tilespmem:v57+s29+$0x0] =	vst.idx.add.f32.msk vm3, v34  }
0x34c: {  	v58 =	vor.u32 v19, v33;
	v34 =	vld.idx.msk [tilespmem:v32+s23+$0x790 ss:$0x1], $0xffff;
	_ =	sdelay $0x4  }
0x34d: {  	[tilespmem:v58+s29+$0x0] =	vst.idx.add.f32.msk vm3, v34  }
0x34e: {  	v59 =	vor.u32 v20, v33;
	v34 =	vld.idx.msk [tilespmem:v32+s23+$0x7A0 ss:$0x1], $0xffff;
	_ =	sdelay $0x4  }
0x34f: {  	[tilespmem:v59+s29+$0x0] =	vst.idx.add.f32.msk vm3, v34  }
0x350: {  	v60 =	vor.u32 v21, v33;
	v34 =	vld.idx.msk [tilespmem:v32+s23+$0x7B0 ss:$0x1], $0xffff;
	_ =	sdelay $0x4  }
0x351: {  	[tilespmem:v60+s29+$0x0] =	vst.idx.add.f32.msk vm3, v34  }
0x352: {  	v61 =	vor.u32 v22, v33;
	v34 =	vld.idx.msk [tilespmem:v32+s23+$0x7C0 ss:$0x1], $0xffff;
	_ =	sdelay $0x4  }
0x353: {  	[tilespmem:v61+s29+$0x0] =	vst.idx.add.f32.msk vm3, v34  }
0x354: {  	v62 =	vor.u32 v23, v33;
	v34 =	vld.idx.msk [tilespmem:v32+s23+$0x7D0 ss:$0x1], $0xffff;
	_ =	sdelay $0x4  }
0x355: {  	[tilespmem:v62+s29+$0x0] =	vst.idx.add.f32.msk vm3, v34  }
0x356: {  	v63 =	vor.u32 v24, v33;
	v34 =	vld.idx.msk [tilespmem:v32+s23+$0x7E0 ss:$0x1], $0xffff;
	_ =	sdelay $0x4  }
0x357: {  	[tilespmem:v63+s29+$0x0] =	vst.idx.add.f32.msk vm3, v34  }
0x358: {  	p1 =	sne.s32 s22, $0x6000;
	v33 =	vor.u32 v25, v33;
	v34 =	vld.idx.msk [tilespmem:v32+s23+$0x7F0 ss:$0x1], $0xffff  }
.Ltmp10:
0x359: {  	_ = 	snop;
	(pc) =	sbr.rel @p1 .LBB2_10-.Ltmp10, $2  }
0x35a: {  	_ =	sdelay $0x2  }
0x35b: {  	s9 =	sadd.s32 $0x10, s9;
	s2 =	sadd.s32 $0x10, s2;
	s22 =	sadd.s32 $0x2000, s22;
	[tilespmem:v33+s29+$0x0] =	vst.idx.add.f32.msk vm3, v34  }
0x35c: {  	s2 =	sadd.s32 $0x3, s14  }
0x35d: {  	p1 =	sge.s32 s2, s12  }
.Ltmp11:
0x35e: {  	_ = 	snop;
	(pc) =	sbr.rel @p1 .LBB2_13-.Ltmp11, $1  }
0x35f: {  	_ =	sdelay $0x3  }
0x360: {  	s2 =	sadd.s32 s13, s2  }
0x361: {  	s2 =	sshll.u32 s2, $0x8  }
0x362: {  	s2 =	sshra.s32 s2, $0x2  }
0x363: {  	v32 =	vld [tilespmem:s2+$0x80];
	_ =	sdelay $0x4  }
0x364: {  	v33 =	vshll.u32 v32, $0x5  }
0x365: {  	v32 =	vand.u32 $0x7, v32;
	v33 =	vand.u32 $0xFFFFFF00, v33  }
0x366: {  	v32 =	vor.u32 v32, v33  }
0x367: {  	v33 =	vperm.xlane v32, v3;
	_ =	sdelay $0x1  }
0x368: {  	v34 =	vperm.xlane v32, v6;
	v33 =	vadd.s32 v5, v33;
	_ =	sdelay $0x1  }
0x369: {  	v35 =	vperm.xlane v32, v7;
	v34 =	vadd.s32 v5, v34;
	_ =	sdelay $0x1  }
0x36a: {  	v36 =	vperm.xlane v32, v8;
	v35 =	vadd.s32 v5, v35  }
0x36b: {  	[tilespmem:s19], [sflag:s17] =	stream.indirect_vreg.gather [hbm4b:s7+s4], $0x80, v33, vm0, $0xb8;
	[tilespmem:$0x1E180] =	vst v63  }
0x36c: {  	s9 =	sadd.s32 $0x8200, s18;
	v43 =	vperm.xlane v32, v9;
	v42 =	vadd.s32 v5, v36  }
0x36d: {  	[tilespmem:s9], [sflag:s17] =	stream.indirect_vreg.gather [hbm4b:s7+s4], $0x80, v34, vm0, $0xb8;
	[tilespmem:$0x1E180] =	vst v63  }
0x36e: {  	s22 =	sadd.s32 $0x8280, s18;
	v45 =	vperm.xlane v32, v2;
	v44 =	vadd.s32 v5, v43  }
0x36f: {  	[tilespmem:s22], [sflag:s17] =	stream.indirect_vreg.gather [hbm4b:s7+s4], $0x80, v35, vm0, $0xb8;
	[tilespmem:$0x1E180] =	vst v63  }
0x370: {  	s23 =	sadd.s32 $0x8300, s18;
	v47 =	vperm.xlane v32, v10;
	v46 =	vadd.s32 v5, v45  }
0x371: {  	[tilespmem:s23], [sflag:s17] =	stream.indirect_vreg.gather [hbm4b:s7+s4], $0x80, v42, vm0, $0xb8;
	[tilespmem:$0x1E180] =	vst v63  }
0x372: {  	s24 =	sadd.s32 $0x8380, s18;
	v49 =	vperm.xlane v32, v1;
	v48 =	vadd.s32 v5, v47  }
0x373: {  	[tilespmem:s24], [sflag:s17] =	stream.indirect_vreg.gather [hbm4b:s7+s4], $0x80, v44, vm0, $0xb8;
	[tilespmem:$0x1E180] =	vst v63  }
0x374: {  	v51 =	vperm.xlane v32, v11;
	v50 =	vadd.s32 v5, v49;
	s19 =	sadd.s32 $0x8400, s18  }
0x375: {  	[tilespmem:s19], [sflag:s17] =	stream.indirect_vreg.gather [hbm4b:s7+s4], $0x80, v46, vm0, $0xb8;
	[tilespmem:$0x1E180] =	vst v63  }
0x376: {  	v53 =	vperm.xlane v32, v12;
	v52 =	vadd.s32 v5, v51;
	s22 =	sadd.s32 $0x8480, s18  }
0x377: {  	[tilespmem:s22], [sflag:s17] =	stream.indirect_vreg.gather [hbm4b:s7+s4], $0x80, v48, vm0, $0xb8;
	[tilespmem:$0x1E180] =	vst v63  }
0x378: {  	v55 =	vperm.xlane v32, v13;
	v54 =	vadd.s32 v5, v53;
	s23 =	sadd.s32 $0x8500, s18  }
0x379: {  	[tilespmem:s23], [sflag:s17] =	stream.indirect_vreg.gather [hbm4b:s7+s4], $0x80, v50, vm0, $0xb8;
	[tilespmem:$0x1E180] =	vst v63  }
0x37a: {  	v57 =	vperm.xlane v32, v14;
	v56 =	vadd.s32 v5, v55;
	s24 =	sadd.s32 $0x8580, s18  }
0x37b: {  	[tilespmem:s24], [sflag:s17] =	stream.indirect_vreg.gather [hbm4b:s7+s4], $0x80, v52, vm0, $0xb8;
	[tilespmem:$0x1E180] =	vst v63  }
0x37c: {  	v59 =	vperm.xlane v32, v15;
	v58 =	vadd.s32 v5, v57;
	s19 =	sadd.s32 $0x8600, s18  }
0x37d: {  	[tilespmem:s19], [sflag:s17] =	stream.indirect_vreg.gather [hbm4b:s7+s4], $0x80, v54, vm0, $0xb8;
	[tilespmem:$0x1E180] =	vst v63  }
0x37e: {  	v61 =	vperm.xlane v32, v16;
	v60 =	vadd.s32 v5, v59;
	s22 =	sadd.s32 $0x8680, s18  }
0x37f: {  	[tilespmem:s22], [sflag:s17] =	stream.indirect_vreg.gather [hbm4b:s7+s4], $0x80, v56, vm0, $0xb8;
	[tilespmem:$0x1E180] =	vst v63  }
0x380: {  	v63 =	vperm.xlane v32, v17;
	v62 =	vadd.s32 v5, v61;
	s23 =	sadd.s32 $0x8700, s18  }
0x381: {  	[tilespmem:s23], [sflag:s17] =	stream.indirect_vreg.gather [hbm4b:s7+s4], $0x80, v58, vm0, $0xb8;
	[tilespmem:$0x1E180] =	vst v63  }
0x382: {  	v32 =	vperm.xlane v32, v18;
	v37 =	vadd.s32 v5, v63;
	s24 =	sadd.s32 $0x8780, s18  }
0x383: {  	[tilespmem:s24], [sflag:s17] =	stream.indirect_vreg.gather [hbm4b:s7+s4], $0x80, v60, vm0, $0xb8;
	[tilespmem:$0x1E180] =	vst v63  }
0x384: {  	v32 =	vadd.s32 v5, v32;
	s19 =	sadd.s32 $0x8800, s18  }
0x385: {  	[tilespmem:s19], [sflag:s17] =	stream.indirect_vreg.gather [hbm4b:s7+s4], $0x80, v62, vm0, $0xb8;
	[tilespmem:$0x1E180] =	vst v63  }
0x386: {  	s22 =	sadd.s32 $0x8880, s18  }
0x387: {  	[tilespmem:s22], [sflag:s17] =	stream.indirect_vreg.gather [hbm4b:s7+s4], $0x80, v37, vm0, $0xb8;
	[tilespmem:$0x1E180] =	vst v63  }
0x388: {  	s23 =	sadd.s32 $0x8900, s18  }
0x389: {  	[tilespmem:s23], [sflag:s17] =	stream.indirect_vreg.gather [hbm4b:s7+s4], $0x80, v32, vm0, $0xb8;
	[tilespmem:$0x1E180] =	vst v63  }
0x38a: {  	v32 =	vld [tilespmem:s2+$0x90];
	_ =	sdelay $0x4  }
0x38b: {  	v38 =	vshll.u32 v32, $0x5  }
0x38c: {  	v32 =	vand.u32 $0x7, v32;
	v33 =	vand.u32 $0xFFFFFF00, v38  }
0x38d: {  	v32 =	vor.u32 v32, v33  }
0x38e: {  	v33 =	vperm.xlane v32, v3;
	_ =	sdelay $0x1  }
0x38f: {  	v39 =	vperm.xlane v32, v6;
	v33 =	vadd.s32 v5, v33;
	_ =	sdelay $0x1  }
0x390: {  	v40 =	vperm.xlane v32, v7;
	v34 =	vadd.s32 v5, v39;
	_ =	sdelay $0x1  }
0x391: {  	s24 =	sadd.s32 $0x8980, s18;
	v41 =	vperm.xlane v32, v8;
	v35 =	vadd.s32 v5, v40  }
0x392: {  	[tilespmem:s24], [sflag:s17] =	stream.indirect_vreg.gather [hbm4b:s7+s4], $0x80, v33, vm0, $0xb8;
	[tilespmem:$0x1E180] =	vst v63  }
0x393: {  	s19 =	sadd.s32 $0x8A00, s18;
	v43 =	vperm.xlane v32, v9;
	v42 =	vadd.s32 v5, v41  }
0x394: {  	[tilespmem:s19], [sflag:s17] =	stream.indirect_vreg.gather [hbm4b:s7+s4], $0x80, v34, vm0, $0xb8;
	[tilespmem:$0x1E180] =	vst v63  }
0x395: {  	s22 =	sadd.s32 $0x8A80, s18;
	v45 =	vperm.xlane v32, v2;
	v44 =	vadd.s32 v5, v43  }
0x396: {  	[tilespmem:s22], [sflag:s17] =	stream.indirect_vreg.gather [hbm4b:s7+s4], $0x80, v35, vm0, $0xb8;
	[tilespmem:$0x1E180] =	vst v63  }
0x397: {  	s23 =	sadd.s32 $0x8B00, s18;
	v47 =	vperm.xlane v32, v10;
	v46 =	vadd.s32 v5, v45  }
0x398: {  	[tilespmem:s23], [sflag:s17] =	stream.indirect_vreg.gather [hbm4b:s7+s4], $0x80, v42, vm0, $0xb8;
	[tilespmem:$0x1E180] =	vst v63  }
0x399: {  	v49 =	vperm.xlane v32, v1;
	v48 =	vadd.s32 v5, v47;
	s24 =	sadd.s32 $0x8B80, s18  }
0x39a: {  	[tilespmem:s24], [sflag:s17] =	stream.indirect_vreg.gather [hbm4b:s7+s4], $0x80, v44, vm0, $0xb8;
	[tilespmem:$0x1E180] =	vst v63  }
0x39b: {  	v51 =	vperm.xlane v32, v11;
	v50 =	vadd.s32 v5, v49;
	s19 =	sadd.s32 $0x8C00, s18  }
0x39c: {  	[tilespmem:s19], [sflag:s17] =	stream.indirect_vreg.gather [hbm4b:s7+s4], $0x80, v46, vm0, $0xb8;
	[tilespmem:$0x1E180] =	vst v63  }
0x39d: {  	v53 =	vperm.xlane v32, v12;
	v52 =	vadd.s32 v5, v51;
	s22 =	sadd.s32 $0x8C80, s18  }
0x39e: {  	[tilespmem:s22], [sflag:s17] =	stream.indirect_vreg.gather [hbm4b:s7+s4], $0x80, v48, vm0, $0xb8;
	[tilespmem:$0x1E180] =	vst v63  }
0x39f: {  	v55 =	vperm.xlane v32, v13;
	v54 =	vadd.s32 v5, v53;
	s23 =	sadd.s32 $0x8D00, s18  }
0x3a0: {  	[tilespmem:s23], [sflag:s17] =	stream.indirect_vreg.gather [hbm4b:s7+s4], $0x80, v50, vm0, $0xb8;
	[tilespmem:$0x1E180] =	vst v63  }
0x3a1: {  	v57 =	vperm.xlane v32, v14;
	v56 =	vadd.s32 v5, v55;
	s24 =	sadd.s32 $0x8D80, s18  }
0x3a2: {  	[tilespmem:s24], [sflag:s17] =	stream.indirect_vreg.gather [hbm4b:s7+s4], $0x80, v52, vm0, $0xb8;
	[tilespmem:$0x1E180] =	vst v63  }
0x3a3: {  	v59 =	vperm.xlane v32, v15;
	v58 =	vadd.s32 v5, v57;
	s19 =	sadd.s32 $0x8E00, s18  }
0x3a4: {  	[tilespmem:s19], [sflag:s17] =	stream.indirect_vreg.gather [hbm4b:s7+s4], $0x80, v54, vm0, $0xb8;
	[tilespmem:$0x1E180] =	vst v63  }
0x3a5: {  	v61 =	vperm.xlane v32, v16;
	v60 =	vadd.s32 v5, v59;
	s22 =	sadd.s32 $0x8E80, s18  }
0x3a6: {  	[tilespmem:s22], [sflag:s17] =	stream.indirect_vreg.gather [hbm4b:s7+s4], $0x80, v56, vm0, $0xb8;
	[tilespmem:$0x1E180] =	vst v63  }
0x3a7: {  	v63 =	vperm.xlane v32, v17;
	v62 =	vadd.s32 v5, v61;
	s23 =	sadd.s32 $0x8F00, s18  }
0x3a8: {  	[tilespmem:s23], [sflag:s17] =	stream.indirect_vreg.gather [hbm4b:s7+s4], $0x80, v58, vm0, $0xb8;
	[tilespmem:$0x1E180] =	vst v63  }
0x3a9: {  	v32 =	vperm.xlane v32, v18;
	v37 =	vadd.s32 v5, v63;
	s24 =	sadd.s32 $0x8F80, s18  }
0x3aa: {  	[tilespmem:s24], [sflag:s17] =	stream.indirect_vreg.gather [hbm4b:s7+s4], $0x80, v60, vm0, $0xb8;
	[tilespmem:$0x1E180] =	vst v63  }
0x3ab: {  	v32 =	vadd.s32 v5, v32;
	s19 =	sadd.s32 $0x9000, s18  }
0x3ac: {  	[tilespmem:s19], [sflag:s17] =	stream.indirect_vreg.gather [hbm4b:s7+s4], $0x80, v62, vm0, $0xb8;
	[tilespmem:$0x1E180] =	vst v63  }
0x3ad: {  	s22 =	sadd.s32 $0x9080, s18  }
0x3ae: {  	[tilespmem:s22], [sflag:s17] =	stream.indirect_vreg.gather [hbm4b:s7+s4], $0x80, v37, vm0, $0xb8;
	[tilespmem:$0x1E180] =	vst v63  }
0x3af: {  	s23 =	sadd.s32 $0x9100, s18  }
0x3b0: {  	[tilespmem:s23], [sflag:s17] =	stream.indirect_vreg.gather [hbm4b:s7+s4], $0x80, v32, vm0, $0xb8;
	[tilespmem:$0x1E180] =	vst v63  }
0x3b1: {  	v32 =	vld [tilespmem:s2+$0xA0];
	_ =	sdelay $0x4  }
0x3b2: {  	v38 =	vshll.u32 v32, $0x5  }
0x3b3: {  	v32 =	vand.u32 $0x7, v32;
	v33 =	vand.u32 $0xFFFFFF00, v38  }
0x3b4: {  	v32 =	vor.u32 v32, v33  }
0x3b5: {  	v33 =	vperm.xlane v32, v3;
	_ =	sdelay $0x1  }
0x3b6: {  	v39 =	vperm.xlane v32, v6;
	v33 =	vadd.s32 v5, v33;
	_ =	sdelay $0x1  }
0x3b7: {  	v40 =	vperm.xlane v32, v7;
	v34 =	vadd.s32 v5, v39;
	_ =	sdelay $0x1  }
0x3b8: {  	s24 =	sadd.s32 $0x9180, s18;
	v41 =	vperm.xlane v32, v8;
	v35 =	vadd.s32 v5, v40  }
0x3b9: {  	[tilespmem:s24], [sflag:s17] =	stream.indirect_vreg.gather [hbm4b:s7+s4], $0x80, v33, vm0, $0xb8;
	[tilespmem:$0x1E180] =	vst v63  }
0x3ba: {  	s19 =	sadd.s32 $0x9200, s18;
	v43 =	vperm.xlane v32, v9;
	v42 =	vadd.s32 v5, v41  }
0x3bb: {  	[tilespmem:s19], [sflag:s17] =	stream.indirect_vreg.gather [hbm4b:s7+s4], $0x80, v34, vm0, $0xb8;
	[tilespmem:$0x1E180] =	vst v63  }
0x3bc: {  	s22 =	sadd.s32 $0x9280, s18;
	v45 =	vperm.xlane v32, v2;
	v44 =	vadd.s32 v5, v43  }
0x3bd: {  	[tilespmem:s22], [sflag:s17] =	stream.indirect_vreg.gather [hbm4b:s7+s4], $0x80, v35, vm0, $0xb8;
	[tilespmem:$0x1E180] =	vst v63  }
0x3be: {  	s23 =	sadd.s32 $0x9300, s18;
	v47 =	vperm.xlane v32, v10;
	v46 =	vadd.s32 v5, v45  }
0x3bf: {  	[tilespmem:s23], [sflag:s17] =	stream.indirect_vreg.gather [hbm4b:s7+s4], $0x80, v42, vm0, $0xb8;
	[tilespmem:$0x1E180] =	vst v63  }
0x3c0: {  	v49 =	vperm.xlane v32, v1;
	v48 =	vadd.s32 v5, v47;
	s24 =	sadd.s32 $0x9380, s18  }
0x3c1: {  	[tilespmem:s24], [sflag:s17] =	stream.indirect_vreg.gather [hbm4b:s7+s4], $0x80, v44, vm0, $0xb8;
	[tilespmem:$0x1E180] =	vst v63  }
0x3c2: {  	v51 =	vperm.xlane v32, v11;
	v50 =	vadd.s32 v5, v49;
	s19 =	sadd.s32 $0x9400, s18  }
0x3c3: {  	[tilespmem:s19], [sflag:s17] =	stream.indirect_vreg.gather [hbm4b:s7+s4], $0x80, v46, vm0, $0xb8;
	[tilespmem:$0x1E180] =	vst v63  }
0x3c4: {  	v53 =	vperm.xlane v32, v12;
	v52 =	vadd.s32 v5, v51;
	s22 =	sadd.s32 $0x9480, s18  }
0x3c5: {  	[tilespmem:s22], [sflag:s17] =	stream.indirect_vreg.gather [hbm4b:s7+s4], $0x80, v48, vm0, $0xb8;
	[tilespmem:$0x1E180] =	vst v63  }
0x3c6: {  	v55 =	vperm.xlane v32, v13;
	v54 =	vadd.s32 v5, v53;
	s23 =	sadd.s32 $0x9500, s18  }
0x3c7: {  	[tilespmem:s23], [sflag:s17] =	stream.indirect_vreg.gather [hbm4b:s7+s4], $0x80, v50, vm0, $0xb8;
	[tilespmem:$0x1E180] =	vst v63  }
0x3c8: {  	v57 =	vperm.xlane v32, v14;
	v56 =	vadd.s32 v5, v55;
	s24 =	sadd.s32 $0x9580, s18  }
0x3c9: {  	[tilespmem:s24], [sflag:s17] =	stream.indirect_vreg.gather [hbm4b:s7+s4], $0x80, v52, vm0, $0xb8;
	[tilespmem:$0x1E180] =	vst v63  }
0x3ca: {  	v59 =	vperm.xlane v32, v15;
	v58 =	vadd.s32 v5, v57;
	s19 =	sadd.s32 $0x9600, s18  }
0x3cb: {  	[tilespmem:s19], [sflag:s17] =	stream.indirect_vreg.gather [hbm4b:s7+s4], $0x80, v54, vm0, $0xb8;
	[tilespmem:$0x1E180] =	vst v63  }
0x3cc: {  	v61 =	vperm.xlane v32, v16;
	v60 =	vadd.s32 v5, v59;
	s22 =	sadd.s32 $0x9680, s18  }
0x3cd: {  	[tilespmem:s22], [sflag:s17] =	stream.indirect_vreg.gather [hbm4b:s7+s4], $0x80, v56, vm0, $0xb8;
	[tilespmem:$0x1E180] =	vst v63  }
0x3ce: {  	v63 =	vperm.xlane v32, v17;
	v62 =	vadd.s32 v5, v61;
	s23 =	sadd.s32 $0x9700, s18  }
0x3cf: {  	[tilespmem:s23], [sflag:s17] =	stream.indirect_vreg.gather [hbm4b:s7+s4], $0x80, v58, vm0, $0xb8;
	[tilespmem:$0x1E180] =	vst v63  }
0x3d0: {  	v32 =	vperm.xlane v32, v18;
	v36 =	vadd.s32 v5, v63;
	s24 =	sadd.s32 $0x9780, s18  }
0x3d1: {  	[tilespmem:s24], [sflag:s17] =	stream.indirect_vreg.gather [hbm4b:s7+s4], $0x80, v60, vm0, $0xb8;
	[tilespmem:$0x1E180] =	vst v63  }
0x3d2: {  	v32 =	vadd.s32 v5, v32;
	s19 =	sadd.s32 $0x9800, s18  }
0x3d3: {  	[tilespmem:s19], [sflag:s17] =	stream.indirect_vreg.gather [hbm4b:s7+s4], $0x80, v62, vm0, $0xb8;
	[tilespmem:$0x1E180] =	vst v63  }
0x3d4: {  	s22 =	sadd.s32 $0x9880, s18  }
0x3d5: {  	[tilespmem:s22], [sflag:s17] =	stream.indirect_vreg.gather [hbm4b:s7+s4], $0x80, v36, vm0, $0xb8;
	[tilespmem:$0x1E180] =	vst v63  }
0x3d6: {  	s23 =	sadd.s32 $0x9900, s18  }
0x3d7: {  	[tilespmem:s23], [sflag:s17] =	stream.indirect_vreg.gather [hbm4b:s7+s4], $0x80, v32, vm0, $0xb8;
	[tilespmem:$0x1E180] =	vst v63  }
0x3d8: {  	v32 =	vld [tilespmem:s2+$0xB0];
	_ =	sdelay $0x4  }
0x3d9: {  	v37 =	vshll.u32 v32, $0x5  }
0x3da: {  	v32 =	vand.u32 $0x7, v32;
	v33 =	vand.u32 $0xFFFFFF00, v37  }
0x3db: {  	v32 =	vor.u32 v32, v33  }
0x3dc: {  	v33 =	vperm.xlane v32, v3;
	_ =	sdelay $0x1  }
0x3dd: {  	v38 =	vperm.xlane v32, v6;
	v33 =	vadd.s32 v5, v33;
	_ =	sdelay $0x1  }
0x3de: {  	v39 =	vperm.xlane v32, v7;
	v34 =	vadd.s32 v5, v38;
	_ =	sdelay $0x1  }
0x3df: {  	s24 =	sadd.s32 $0x9980, s18;
	v40 =	vperm.xlane v32, v8;
	v35 =	vadd.s32 v5, v39  }
0x3e0: {  	[tilespmem:s24], [sflag:s17] =	stream.indirect_vreg.gather [hbm4b:s7+s4], $0x80, v33, vm0, $0xb8;
	[tilespmem:$0x1E180] =	vst v63  }
0x3e1: {  	s9 =	sadd.s32 $0x9A00, s18;
	v42 =	vperm.xlane v32, v9;
	v41 =	vadd.s32 v5, v40  }
0x3e2: {  	[tilespmem:s9], [sflag:s17] =	stream.indirect_vreg.gather [hbm4b:s7+s4], $0x80, v34, vm0, $0xb8;
	[tilespmem:$0x1E180] =	vst v63  }
0x3e3: {  	s19 =	sadd.s32 $0x9A80, s18;
	v44 =	vperm.xlane v32, v2;
	v43 =	vadd.s32 v5, v42  }
0x3e4: {  	[tilespmem:s19], [sflag:s17] =	stream.indirect_vreg.gather [hbm4b:s7+s4], $0x80, v35, vm0, $0xb8;
	[tilespmem:$0x1E180] =	vst v63  }
0x3e5: {  	s22 =	sadd.s32 $0x9B00, s18;
	v46 =	vperm.xlane v32, v10;
	v45 =	vadd.s32 v5, v44  }
0x3e6: {  	[tilespmem:s22], [sflag:s17] =	stream.indirect_vreg.gather [hbm4b:s7+s4], $0x80, v41, vm0, $0xb8;
	[tilespmem:$0x1E180] =	vst v63  }
0x3e7: {  	s23 =	sadd.s32 $0x9B80, s18;
	v48 =	vperm.xlane v32, v1;
	v47 =	vadd.s32 v5, v46  }
0x3e8: {  	[tilespmem:s23], [sflag:s17] =	stream.indirect_vreg.gather [hbm4b:s7+s4], $0x80, v43, vm0, $0xb8;
	[tilespmem:$0x1E180] =	vst v63  }
0x3e9: {  	v50 =	vperm.xlane v32, v11;
	v49 =	vadd.s32 v5, v48;
	s24 =	sadd.s32 $0x9C00, s18  }
0x3ea: {  	[tilespmem:s24], [sflag:s17] =	stream.indirect_vreg.gather [hbm4b:s7+s4], $0x80, v45, vm0, $0xb8;
	[tilespmem:$0x1E180] =	vst v63  }
0x3eb: {  	v52 =	vperm.xlane v32, v12;
	v51 =	vadd.s32 v5, v50;
	s9 =	sadd.s32 $0x9C80, s18  }
0x3ec: {  	[tilespmem:s9], [sflag:s17] =	stream.indirect_vreg.gather [hbm4b:s7+s4], $0x80, v47, vm0, $0xb8;
	[tilespmem:$0x1E180] =	vst v63  }
0x3ed: {  	v54 =	vperm.xlane v32, v13;
	v53 =	vadd.s32 v5, v52;
	s19 =	sadd.s32 $0x9D00, s18  }
0x3ee: {  	[tilespmem:s19], [sflag:s17] =	stream.indirect_vreg.gather [hbm4b:s7+s4], $0x80, v49, vm0, $0xb8;
	[tilespmem:$0x1E180] =	vst v63  }
0x3ef: {  	v56 =	vperm.xlane v32, v14;
	v55 =	vadd.s32 v5, v54;
	s22 =	sadd.s32 $0x9D80, s18  }
0x3f0: {  	[tilespmem:s22], [sflag:s17] =	stream.indirect_vreg.gather [hbm4b:s7+s4], $0x80, v51, vm0, $0xb8;
	[tilespmem:$0x1E180] =	vst v63  }
0x3f1: {  	v58 =	vperm.xlane v32, v15;
	v57 =	vadd.s32 v5, v56;
	s23 =	sadd.s32 $0x9E00, s18  }
0x3f2: {  	[tilespmem:s23], [sflag:s17] =	stream.indirect_vreg.gather [hbm4b:s7+s4], $0x80, v53, vm0, $0xb8;
	[tilespmem:$0x1E180] =	vst v63  }
0x3f3: {  	v60 =	vperm.xlane v32, v16;
	v59 =	vadd.s32 v5, v58;
	s24 =	sadd.s32 $0x9E80, s18  }
0x3f4: {  	[tilespmem:s24], [sflag:s17] =	stream.indirect_vreg.gather [hbm4b:s7+s4], $0x80, v55, vm0, $0xb8;
	[tilespmem:$0x1E180] =	vst v63  }
0x3f5: {  	v61 =	vadd.s32 v5, v60;
	s9 =	sadd.s32 $0x9F00, s18  }
0x3f6: {  	v62 =	vperm.xlane v32, v17;
	[tilespmem:s9], [sflag:s17] =	stream.indirect_vreg.gather [hbm4b:s7+s4], $0x80, v57, vm0, $0xb8;
	[tilespmem:$0x1E180] =	vst v63  }
0x3f7: {  	s19 =	sadd.s32 $0x9F80, s18  }
0x3f8: {  	v32 =	vperm.xlane v32, v18;
	v63 =	vadd.s32 v5, v62;
	[tilespmem:s19], [sflag:s17] =	stream.indirect_vreg.gather [hbm4b:s7+s4], $0x80, v59, vm0, $0xb8;
	[tilespmem:$0x1E180] =	vst v63  }
0x3f9: {  	s22 =	sadd.s32 $0xA000, s18  }
0x3fa: {  	v32 =	vadd.s32 v5, v32;
	[tilespmem:s22], [sflag:s17] =	stream.indirect_vreg.gather [hbm4b:s7+s4], $0x80, v61, vm0, $0xb8;
	[tilespmem:$0x1E180] =	vst v63  }
.Ltmp12:
0x3fb: {  	_ = 	snop;
	(pc) =	sbr.rel .LBB2_13-.Ltmp12, $4  }
0x3fc: {  	s23 =	sadd.s32 $0xA080, s18  }
0x3fd: {  	[tilespmem:s23], [sflag:s17] =	stream.indirect_vreg.gather [hbm4b:s7+s4], $0x80, v63, vm0, $0xb8;
	[tilespmem:$0x1E180] =	vst v63  }
0x3fe: {  	s24 =	sadd.s32 $0xA100, s18  }
0x3ff: {  	[tilespmem:s24], [sflag:s17] =	stream.indirect_vreg.gather [hbm4b:s7+s4], $0x80, v32, vm0, $0xb8;
	[tilespmem:$0x1E180] =	vst v63  }
.LBB2_14:
0x400: {  	s2 =	sshll.u32 s3, $0x12;
	p1 =	seq.s32 s6, s3  }
.Ltmp13:
0x401: {  	s2 =	sadd.s32 s2, s8;
	(pc) =	sbr.rel @!p1 .LBB2_21-.Ltmp13, $4  }
0x402: {  	[hbm4b:s2+s30] =	stream.strided.scatter [tilespmem:s29], [sflag:$0x5], $0x10000, s31, s30, $0x38;
	[tilespmem:$0x1E180] =	vst v63  }
0x403: {  	_ =	swait.ge [sflag:s0], $0x10000  }
0x404: {  	[sflag:s0] =	ssyncset.done $0x0  }
0x405: {  	s3 =	simm.s32 $0x0;
	[sflag:s0] =	ssyncadd.s32 $0xFFFF0000  }
0x406: {  	s2 =	sshra.s32 s3, $0x2;
	s3 =	sadd.s32 $0x200, s3  }
.LBB2_16:
0x407: {  	p1 =	seq.s32 s3, $0x3FE00;
	[tilespmem:s2+$0xE1F0] =	vst v0  }
0x408: {  	[tilespmem:s2+$0xE180] =	vst v0  }
0x409: {  	[tilespmem:s2+$0xE190] =	vst v0  }
.Ltmp14:
0x40a: {  	[tilespmem:s2+$0xE1A0] =	vst v0;
	(pc) =	sbr.rel @!p1 .LBB2_16-.Ltmp14, $4  }
0x40b: {  	[tilespmem:s2+$0xE1B0] =	vst v0  }
0x40c: {  	[tilespmem:s2+$0xE1C0] =	vst v0  }
0x40d: {  	[tilespmem:s2+$0xE1D0] =	vst v0  }
0x40e: {  	[tilespmem:s2+$0xE1E0] =	vst v0;
	s2 =	sshra.s32 s3, $0x2;
	s3 =	sadd.s32 $0x200, s3  }
0x40f: {  	[tilespmem:s2+$0xE1F0] =	vst v0  }
0x410: {  	[tilespmem:s2+$0xE180] =	vst v0  }
0x411: {  	[tilespmem:s2+$0xE190] =	vst v0  }
.Ltmp15:
0x412: {  	[tilespmem:s2+$0xE1A0] =	vst v0;
	(pc) =	sbr.rel @p0 .LBB2_20-.Ltmp15, $4  }
0x413: {  	[tilespmem:s2+$0xE1B0] =	vst v0  }
0x414: {  	[tilespmem:s2+$0xE1C0] =	vst v0  }
0x415: {  	[tilespmem:s2+$0xE1D0] =	vst v0  }
0x416: {  	[tilespmem:s2+$0xE1E0] =	vst v0  }
0x417: {  	s2 =	sshll.u32 s13, $0x8  }
0x418: {  	s2 =	sshra.s32 s2, $0x2  }
0x419: {  	v29 =	vmov s5;
	v27 =	vbroadcast v27, $0x0;
	v28 =	vbroadcast v28, $0x0;
	s2 =	sadd.s32 $0x4120, s2  }
.LBB2_19:
0x41a: {  	v30 =	vld [tilespmem:s2+$0xFFFFFFE0];
	_ =	sdelay $0x4  }
0x41b: {  	v30 =	vsub.s32 v30, v29  }
0x41c: {  	vm2 =	vgt.s32 v30, $0x0  }
0x41d: {  	v31 =	vor.u32 s20, v4;
	v30 =	vnsel vm2, $0x0, v30  }
0x41e: {  	vm3 =	vlt.s32 v31, v28;
	vm2 =	vge.s32 v31, v27;
	v30 =	vmin.u32 v30, $0x1FF  }
0x41f: {  	vm2 =	vmand vm2, vm3;
	v30 =	vshll.u32 v30, $0x7  }
0x420: {  	v30 =	vor.u32 v4, v30;
	_ =	sdelay $0x4  }
0x421: {  	[tilespmem:v30+s29+$0x0] =	vst.idx.add.f32.msk vm2, v26  }
0x422: {  	v30 =	vld [tilespmem:s2+$0xFFFFFFF0];
	_ =	sdelay $0x4  }
0x423: {  	v30 =	vsub.s32 v30, v29  }
0x424: {  	s3 =	sadd.s32 $0x10, s20;
	vm2 =	vgt.s32 v30, $0x0  }
0x425: {  	v31 =	vor.u32 s3, v4;
	v30 =	vnsel vm2, $0x0, v30  }
0x426: {  	vm3 =	vlt.s32 v31, v28;
	vm2 =	vge.s32 v31, v27;
	v30 =	vmin.u32 v30, $0x1FF  }
0x427: {  	vm2 =	vmand vm2, vm3;
	v30 =	vshll.u32 v30, $0x7  }
0x428: {  	v30 =	vor.u32 v4, v30;
	_ =	sdelay $0x4  }
0x429: {  	[tilespmem:v30+s29+$0x0] =	vst.idx.add.f32.msk vm2, v26  }
0x42a: {  	v30 =	vld [tilespmem:s2+$0x0];
	_ =	sdelay $0x4  }
0x42b: {  	v30 =	vsub.s32 v30, v29  }
0x42c: {  	s23 =	sadd.s32 $0x20, s20;
	vm2 =	vgt.s32 v30, $0x0  }
0x42d: {  	v31 =	vor.u32 s23, v4;
	v30 =	vnsel vm2, $0x0, v30  }
0x42e: {  	vm3 =	vlt.s32 v31, v28;
	vm2 =	vge.s32 v31, v27;
	v30 =	vmin.u32 v30, $0x1FF  }
0x42f: {  	vm2 =	vmand vm2, vm3;
	v30 =	vshll.u32 v30, $0x7  }
0x430: {  	v30 =	vor.u32 v4, v30;
	_ =	sdelay $0x4  }
0x431: {  	[tilespmem:v30+s29+$0x0] =	vst.idx.add.f32.msk vm2, v26  }
0x432: {  	v30 =	vld [tilespmem:s2+$0x10];
	_ =	sdelay $0x4  }
0x433: {  	v30 =	vsub.s32 v30, v29  }
0x434: {  	s24 =	sadd.s32 $0x30, s20;
	vm2 =	vgt.s32 v30, $0x0  }
0x435: {  	v31 =	vor.u32 s24, v4;
	v30 =	vnsel vm2, $0x0, v30  }
0x436: {  	vm3 =	vlt.s32 v31, v28;
	vm2 =	vge.s32 v31, v27;
	v30 =	vmin.u32 v30, $0x1FF  }
0x437: {  	vm2 =	vmand vm2, vm3;
	v30 =	vshll.u32 v30, $0x7  }
0x438: {  	p0 =	sne.s32 s12, $0x1;
	v30 =	vor.u32 v4, v30  }
.Ltmp16:
0x439: {  	_ = 	snop;
	(pc) =	sbr.rel @p0 .LBB2_19-.Ltmp16, $2  }
0x43a: {  	_ =	sdelay $0x2  }
0x43b: {  	s20 =	sadd.s32 $0x40, s20;
	s12 =	sadd.s32 $0xFFFFFFFF, s12;
	s2 =	sadd.s32 $0x40, s2;
	[tilespmem:v30+s29+$0x0] =	vst.idx.add.f32.msk vm2, v26  }
.Ltmp17:
0x43c: {  	_ = 	snop;
	(pc) =	sbr.rel .LBB2_20-.Ltmp17, $1  }
0x43d: {  	_ =	sdelay $0x3  }
.LBB2_23:
0x43e: {  	_ =	sfence.sel $0x180000  }
0x43f: {  	[bflag:$0x0] =	sbarrier.arrive $0xFFFF  }
0x440: {  	_ =	strace $0x90000047  }
0x441: {  	s0 =	stileid.u32;
	[bflag:$0x2] =	sbarrier.arrive $0xFFFF  }
0x442: {  	p0 =	sne.s32 s0, $0x0;
	s0 =	rddreg [dreg:$0x3]  }
0x443: {  	s0 =	sadd.s32 @!p0 $0x100000, s0  }
0x444: {  	[sflag:s0] =	ssyncadd.tile.s32 @!p0 $0x1;
	_ =	shalt  }
.Lfunc_end2:
_tile_overlayer_lowered:
.L_overlay_start_2:
0x445: {  	(tag) =	ssettag $0x2  }
0x446: {  	s0 =	rddreg [dreg:$0x0];
	s2 =	stileid.u32  }
0x447: {  	s1 =	rddreg [dreg:$0x1];
	p0 =	sne.s32 s2, $0x0  }
0x448: {  	s3 =	rddreg [dreg:$0x2];
	[bflag:$0x3] =	sbarrier.arrive $0xFFFF;
	s2 =	simm.s32 @!p0 $0x1C04  }
0x449: {  	[timem:s3], [sflag:s2] =	dma.local @!p0 [hbm:s0], s1  }
0x44a: {  	s0 =	simm.s32 @!p0 $0x4  }
0x44b: {  	_ =	swait.ge @!p0 [sflag:s0], s1  }
0x44c: {  	s1 =	ssub.s32 @!p0 $0x0, s1;
	[sflag:s0] =	ssyncset.done @!p0 $0x0  }
0x44d: {  	[sflag:s0] =	ssyncadd.s32 @!p0 s1  }
0x44e: {  	[bflag:$0x3] =	sbarrier.arrive $0xFFFF  }
0x44f: {  	_ =	shalt  }

</sc_bundles>
